<compile_context>
chip_gen: v7x
topology: tpu7x:2x2x1
jax: 0.10.2.dev20260603
libtpu: 0.0.44.dev20260713+nightly
codegen_flags: <defaults>
</compile_context>

<pallas_src>
import functools

import jax
import jax.numpy as jnp
from jax import lax
from jax.experimental import pallas as pl
from jax.experimental.pallas import tpu as pltpu
from jax.experimental.pallas import tpu_sc as plsc

N = 10000
E = 320000
D = 128
NC = 2
NS = 16
NW = NC * NS
EPT = E // NW
K = 80
NBLK = EPT // K
NPAD = 10240
DR = NPAD // D
RPT = NPAD // NS


def _tc_transform(x_ref, w_ref, asv_ref, adv_ref, h_ref, asrc_ref, adst_ref):
    h = jnp.dot(x_ref[...], w_ref[...], preferred_element_type=jnp.float32)
    h_ref[...] = h
    asrc_ref[...] = jnp.sum(h * asv_ref[...], axis=1, keepdims=True)
    adst_ref[...] = jnp.sum(h * adv_ref[...], axis=1, keepdims=True)


def _sc_scores(edges_hbm, asrc_hbm, adst_hbm, ex_hbm, den_hbm,
               asrc_l, adst_l, src_l, dst_l, ex_l, idbuf, den_l, sh_den):
    c = lax.axis_index("c")
    s = lax.axis_index("s")
    w = c * NS + s

    pltpu.sync_copy(asrc_hbm, asrc_l)
    pltpu.sync_copy(adst_hbm, adst_l)
    pltpu.sync_copy(edges_hbm.at[0, w], src_l)
    pltpu.sync_copy(edges_hbm.at[1, w], dst_l)

    lane = lax.iota(jnp.int32, 16)
    zeros16 = jnp.zeros((16,), jnp.float32)

    def _zero(t, carry):
        r = t // (D // 16)
        k = t % (D // 16)
        den_l[r, pl.ds(k * 16, 16)] = zeros16
        return carry

    lax.fori_loop(0, DR * (D // 16), _zero, 0)
    for g in range(K // 16):
        idbuf[0, pl.ds(g * 16, 16)] = lane + (g * 16)

    @pl.when(s == 0)
    def _():
        pltpu.sync_copy(den_l, sh_den)

    def _mx(i, carry):
        ms, md = carry
        ms = jnp.maximum(ms, asrc_l[pl.ds(i * 16, 16)])
        md = jnp.maximum(md, adst_l[pl.ds(i * 16, 16)])
        return ms, md

    init = jnp.full((16,), -3.0e38, jnp.float32)
    ms, md = lax.fori_loop(0, N // 16, _mx, (init, init))

    zi = jnp.zeros((16,), jnp.int32)
    smax = ms
    for off in (8, 4, 2, 1):
        ex_l[0, pl.ds(0, 16)] = smax
        smax = jnp.maximum(smax, plsc.load_gather(ex_l, [zi, lane ^ off]))
    dmax = md
    for off in (8, 4, 2, 1):
        ex_l[0, pl.ds(0, 16)] = dmax
        dmax = jnp.maximum(dmax, plsc.load_gather(ex_l, [zi, lane ^ off]))
    smax = smax + dmax
    cshift = jnp.where(smax >= 0.0, smax, 0.2 * smax)

    plsc.subcore_barrier()

    def _row(j, carry):
        def _exg(g, inner):
            sv = src_l[pl.ds(j * K + g * 16, 16)]
            dv = dst_l[pl.ds(j * K + g * 16, 16)]
            av = plsc.load_gather(asrc_l, [sv]) + plsc.load_gather(adst_l, [dv])
            av = jnp.where(av >= 0.0, av, 0.2 * av)
            ex = jnp.exp(av - cshift)
            ex_l[j, pl.ds(g * 16, 16)] = ex
            plsc.addupdate_scatter(
                den_l, [lax.shift_right_logical(dv, 7), dv & 127], ex)
            return inner

        return lax.fori_loop(0, K // 16, _exg, carry)

    lax.fori_loop(0, NBLK, _row, 0)

    pltpu.sync_copy(ex_l, ex_hbm.at[w])

    pltpu.sync_copy(den_l, sh_den.at[idbuf.at[0]], add=True)
    plsc.subcore_barrier()

    @pl.when(s == 0)
    def _():
        pltpu.sync_copy(sh_den, den_hbm.at[c])


def _sc_aggregate(h_hbm, edges_hbm, ex_hbm, msg_hbm,
                  sb0, sb1, sb2, db0, db1, db2, dc0, dc1, dc2,
                  xb0, xb1, xb2, gb0, gb1, gb2, sh_msg,
                  es0, es1, es2, gs0, gs1, gs2, ss0, ss1, ss2):
    c = lax.axis_index("c")
    s = lax.axis_index("s")
    w = c * NS + s

    sb = (sb0, sb1, sb2)
    db = (db0, db1, db2)
    dc = (dc0, dc1, dc2)
    xb = (xb0, xb1, xb2)
    gb = (gb0, gb1, gb2)
    es = (es0, es1, es2)
    gs = (gs0, gs1, gs2)
    ss = (ss0, ss1, ss2)

    zeros16 = jnp.zeros((16,), jnp.float32)

    def _zero(t, carry):
        r = t // (D // 16)
        k = t % (D // 16)
        gb0[r, pl.ds(k * 16, 16)] = zeros16
        return carry

    lax.fori_loop(0, K * (D // 16), _zero, 0)
    for b in range(RPT // K):
        pltpu.sync_copy(gb0, sh_msg.at[pl.ds(s * RPT + b * K, K)])
    plsc.subcore_barrier()

    def fetch(t, sl):
        pltpu.async_copy(edges_hbm.at[0, w, t], sb[sl], es[sl])
        pltpu.async_copy(edges_hbm.at[1, w, t], db[sl], es[sl])
        pltpu.async_copy(ex_hbm.at[w, t], xb[sl], es[sl])

    def drain_fetch(t, sl):
        pltpu.make_async_copy(edges_hbm.at[0, w, t], sb[sl], es[sl]).wait()
        pltpu.make_async_copy(edges_hbm.at[1, w, t], db[sl], es[sl]).wait()
        pltpu.make_async_copy(ex_hbm.at[w, t], xb[sl], es[sl]).wait()

    def gather(sl):
        pltpu.async_copy(h_hbm.at[sb[sl].at[0]], gb[sl], gs[sl])

    def wait_gather(sl):
        pltpu.make_async_copy(h_hbm.at[sb[sl].at[0]], gb[sl], gs[sl]).wait()

    def scatter(sl):
        for g in range(K // 16):
            dc[sl][0, pl.ds(g * 16, 16)] = db[sl][0, pl.ds(g * 16, 16)]
        pltpu.async_copy(gb[sl], sh_msg.at[dc[sl].at[0]], ss[sl], add=True)

    def wait_scatter(sl):
        pltpu.make_async_copy(gb[sl], sh_msg.at[dc[sl].at[0]], ss[sl]).wait()

    def scale(sl):
        g = gb[sl]
        x = xb[sl]

        def _sc(i, inner):
            e0 = i * 4
            for u in range(4):
                e = e0 + u
                exb = plsc.load_gather(x, [jnp.full((16,), e, jnp.int32)])
                for k in range(D // 16):
                    g[e, pl.ds(k * 16, 16)] = g[e, pl.ds(k * 16, 16)] * exb
            return inner

        lax.fori_loop(0, K // 4, _sc, 0)

    fetch(0, 0)
    fetch(1, 1)
    fetch(2, 2)
    drain_fetch(0, 0)
    gather(0)
    drain_fetch(1, 1)
    gather(1)
    wait_gather(0)
    scale(0)
    scatter(0)
    drain_fetch(2, 2)
    gather(2)
    wait_scatter(0)
    fetch(3, 0)
    wait_gather(1)
    scale(1)
    scatter(1)

    def body(i, carry):
        t0 = 3 * i + 2
        for k, (sl, sln, slf) in enumerate(((2, 0, 1), (0, 1, 2), (1, 2, 0))):
            t = t0 + k

            @pl.when(t + 1 <= NBLK - 1)
            def _():
                drain_fetch(t + 1, sln)
                gather(sln)

            wait_gather(sl)
            scale(sl)
            wait_scatter(slf)
            scatter(sl)

            @pl.when(t + 2 <= NBLK - 1)
            def _():
                fetch(t + 2, slf)
        return carry

    lax.fori_loop(0, (NBLK - 2) // 3, body, 0)
    wait_scatter((NBLK - 1) % 3)
    plsc.subcore_barrier()
    pltpu.sync_copy(sh_msg.at[pl.ds(s * RPT, RPT)],
                    msg_hbm.at[c, pl.ds(s * RPT, RPT)])


def _tc_combine(part_ref, den_ref, x_ref, bias_ref, o_ref):
    p = part_ref[0, :N, :] + part_ref[1, :N, :]
    den = den_ref[0, :N, :] + den_ref[1, :N, :]
    inv = 1.0 / (den + 1e-16)
    o_ref[...] = jnp.maximum(p * inv + bias_ref[...], 0.0) + x_ref[...]


@functools.lru_cache(maxsize=1)
def _sc_scores_call():
    mesh = plsc.VectorSubcoreMesh(core_axis_name="c", subcore_axis_name="s",
                                  num_cores=NC, num_subcores=NS)
    return pl.kernel(
        _sc_scores,
        out_type=[
            jax.ShapeDtypeStruct((NW, NBLK, K), jnp.float32),
            jax.ShapeDtypeStruct((NC, DR, D), jnp.float32),
        ],
        mesh=mesh,
        compiler_params=pltpu.CompilerParams(needs_layout_passes=False),
        scratch_types=[
            pltpu.VMEM((N,), jnp.float32),
            pltpu.VMEM((N,), jnp.float32),
            pltpu.VMEM((EPT,), jnp.int32),
            pltpu.VMEM((EPT,), jnp.int32),
            pltpu.VMEM((NBLK, K), jnp.float32),
            pltpu.VMEM((1, K), jnp.int32),
            pltpu.VMEM((DR, D), jnp.float32),
            pltpu.VMEM_SHARED((DR, D), jnp.float32),
        ],
    )


@functools.lru_cache(maxsize=1)
def _sc_aggregate_call():
    mesh = plsc.VectorSubcoreMesh(core_axis_name="c", subcore_axis_name="s",
                                  num_cores=NC, num_subcores=NS)
    return pl.kernel(
        _sc_aggregate,
        out_type=jax.ShapeDtypeStruct((NC, NPAD, D), jnp.float32),
        mesh=mesh,
        compiler_params=pltpu.CompilerParams(needs_layout_passes=False),
        scratch_types=(
            [pltpu.VMEM((1, K), jnp.int32)] * 9 +
            [pltpu.VMEM((K,), jnp.float32)] * 3 +
            [pltpu.VMEM((K, D), jnp.float32)] * 3 +
            [pltpu.VMEM_SHARED((NPAD, D), jnp.float32)] +
            [pltpu.SemaphoreType.DMA] * 9
        ),
    )


def kernel(x, edge_index, W, att_src, att_dst, bias):
    x = x.astype(jnp.float32)
    ei = edge_index.astype(jnp.int32)
    eib = ei.reshape(2, NW, NBLK, 1, K)

    h, asrc, adst = pl.pallas_call(
        _tc_transform,
        out_shape=[
            jax.ShapeDtypeStruct((N, D), jnp.float32),
            jax.ShapeDtypeStruct((N, 1), jnp.float32),
            jax.ShapeDtypeStruct((N, 1), jnp.float32),
        ],
    )(x, W, att_src.reshape(1, D), att_dst.reshape(1, D))

    ex, den = _sc_scores_call()(ei.reshape(2, NW, EPT),
                                asrc.reshape(N), adst.reshape(N))
    part = _sc_aggregate_call()(h, eib, ex)

    out = pl.pallas_call(
        _tc_combine,
        out_shape=jax.ShapeDtypeStruct((N, D), jnp.float32),
    )(part, den.reshape(NC, NPAD, 1), x, bias.reshape(1, D))
    return out

# --- scband reference (transcript-rebuilt; emitter-appended) ---
"""Pipeline reference for scband-gatconv-layer-12463995093125 (READ-ONLY COPY).

The authoritative reference and input builder live on the scoring server;
editing this copy changes nothing except your own understanding.
"""

import jax, jax.numpy as jnp
import numpy as np

N = 10000
E = 320000
D = 128


def setup_inputs(seed: int = 0) -> dict:
    key = jax.random.key(seed)
    k1, k2, k3, k4, k5 = jax.random.split(key, 5)
    x = jax.random.normal(k1, (N, D), dtype=jnp.float32)
    edge_index = jax.random.randint(k2, (2, E), 0, N)
    # GATConv(dim_in, dim_in) with heads=1: lin weight [D, D], att_src/att_dst [D], bias [D]
    W = jax.random.normal(k3, (D, D), dtype=jnp.float32) * (1.0 / np.sqrt(D))
    att_src = jax.random.normal(k4, (D,), dtype=jnp.float32) * 0.1
    att_dst = jax.random.normal(k5, (D,), dtype=jnp.float32) * 0.1
    bias = jnp.zeros((D,), dtype=jnp.float32)
    return {"x": x, "edge_index": edge_index, "W": W, "att_src": att_src, "att_dst": att_dst, "bias": bias}


def reference(x, edge_index, W, att_src, att_dst, bias):
    # PyG GATConv (heads=1, concat=True) followed by relu, dropout(eval=identity), residual add
    src = edge_index[0]
    dst = edge_index[1]
    h = x @ W                                # [N, D] node transform
    a_src = h @ att_src                      # [N] per-node source attention score
    a_dst = h @ att_dst                      # [N] per-node dest attention score
    alpha = a_src[src] + a_dst[dst]          # [E] gather per edge
    alpha = jax.nn.leaky_relu(alpha, 0.2)
    # segment softmax over incoming edges of each dst node
    amax = jax.ops.segment_max(alpha, dst, num_segments=N)
    amax = jnp.where(jnp.isfinite(amax), amax, 0.0)
    ex = jnp.exp(alpha - amax[dst])
    denom = jax.ops.segment_sum(ex, dst, num_segments=N)
    coef = ex / (denom[dst] + 1e-16)         # [E] normalized attention
    msg = h[src] * coef[:, None]             # [E, D] weighted messages
    out = jax.ops.segment_sum(msg, dst, num_segments=N) + bias
    out = jax.nn.relu(out)
    # dropout: identity in eval mode; residual=True
    out = x + out
    return out

if __name__ == "__main__":
    import jax
    _d = setup_inputs()
    print(jax.jit(kernel)(*tuple(_d.values())))

</pallas_src>

<mosaic_0001>
#map = affine_map<(d0, d1) -> (0, 0, 0)>
#map1 = affine_map<(d0, d1) -> (0)>
module attributes {stable_mosaic.version = 14 : i64} {
  func.func @_sc_scores(%arg0: i32, %arg1: i32, %arg2: memref<2x32x10000xi32, #tpu.memory_space<hbm>>, %arg3: memref<10000xf32, #tpu.memory_space<hbm>>, %arg4: memref<10000xf32, #tpu.memory_space<hbm>>, %arg5: memref<32x125x80xf32, #tpu.memory_space<hbm>>, %arg6: memref<2x80x128xf32, #tpu.memory_space<hbm>>, %arg7: memref<10000xf32, #tpu.memory_space<vmem>>, %arg8: memref<10000xf32, #tpu.memory_space<vmem>>, %arg9: memref<10000xi32, #tpu.memory_space<vmem>>, %arg10: memref<10000xi32, #tpu.memory_space<vmem>>, %arg11: memref<125x80xf32, #tpu.memory_space<vmem>>, %arg12: memref<1x80xi32, #tpu.memory_space<vmem>>, %arg13: memref<80x128xf32, #tpu.memory_space<vmem>>, %arg14: memref<80x128xf32, #tpu.memory_space<vmem_shared>>) attributes {dimension_semantics = [#tpu.dimension_semantics<core_parallel>, #tpu.dimension_semantics<subcore_parallel>], iteration_bounds = array<i64: 2, 16>, scalar_prefetch = 0 : i64, scratch_operands = 8 : i64, tpu.core_type = #tpu.core_type<sc_vector_subcore>, window_params = [{transform_indices = #map}, {transform_indices = #map1}, {transform_indices = #map1}, {transform_indices = #map}, {transform_indices = #map}]} {
    %mul3A = arith.constant 16 : i32
    %mul3A_0 = arith.muli %arg0, %mul3A : i32
    %add3A = arith.addi %mul3A_0, %arg1 : i32
    "tpu.region"() ({
      %run_scoped3A_142 = tpu.sem_alloc : memref<!tpu.dma_semaphore, #tpu.memory_space<semaphore_mem>>
      tpu.enqueue_dma source(%arg3 : memref<10000xf32, #tpu.memory_space<hbm>>) target(%arg7 : memref<10000xf32, #tpu.memory_space<vmem>>) target_semaphore(%run_scoped3A_142 : memref<!tpu.dma_semaphore, #tpu.memory_space<semaphore_mem>>)
      tpu.wait_dma2 semaphore(%run_scoped3A_142 : memref<!tpu.dma_semaphore, #tpu.memory_space<semaphore_mem>>) src(%arg3 : memref<10000xf32, #tpu.memory_space<hbm>>) dst(%arg7 : memref<10000xf32, #tpu.memory_space<vmem>>)
      tpu.yield
    }) : () -> ()
    "tpu.region"() ({
      %run_scoped3A_142 = tpu.sem_alloc : memref<!tpu.dma_semaphore, #tpu.memory_space<semaphore_mem>>
      tpu.enqueue_dma source(%arg4 : memref<10000xf32, #tpu.memory_space<hbm>>) target(%arg8 : memref<10000xf32, #tpu.memory_space<vmem>>) target_semaphore(%run_scoped3A_142 : memref<!tpu.dma_semaphore, #tpu.memory_space<semaphore_mem>>)
      tpu.wait_dma2 semaphore(%run_scoped3A_142 : memref<!tpu.dma_semaphore, #tpu.memory_space<semaphore_mem>>) src(%arg4 : memref<10000xf32, #tpu.memory_space<hbm>>) dst(%arg8 : memref<10000xf32, #tpu.memory_space<vmem>>)
      tpu.yield
    }) : () -> ()
    %run_scoped3A = arith.constant 0 : i32
    "tpu.region"() ({
      %run_scoped3A_142 = tpu.sem_alloc : memref<!tpu.dma_semaphore, #tpu.memory_space<semaphore_mem>>
      %dma_start3A = arith.constant 0 : i32
      %dma_start3A_143 = tpu.memref_slice %arg2[%run_scoped3A, %add3A, %dma_start3A] : memref<2x32x10000xi32, #tpu.memory_space<hbm>> -> memref<1x1x10000xi32, #tpu.memory_space<hbm>>
      %dma_start3A_144 = tpu.memref_squeeze %dma_start3A_143 : memref<1x1x10000xi32, #tpu.memory_space<hbm>> -> memref<10000xi32, #tpu.memory_space<hbm>>
      %dma_start3A_145 = arith.constant 0 : i32
      %dma_start3A_146 = tpu.memref_slice %arg2[%run_scoped3A, %add3A, %dma_start3A_145] : memref<2x32x10000xi32, #tpu.memory_space<hbm>> -> memref<1x1x10000xi32, #tpu.memory_space<hbm>>
      %dma_start3A_147 = tpu.memref_squeeze %dma_start3A_146 : memref<1x1x10000xi32, #tpu.memory_space<hbm>> -> memref<10000xi32, #tpu.memory_space<hbm>>
      tpu.enqueue_dma source(%dma_start3A_147 : memref<10000xi32, #tpu.memory_space<hbm>>) target(%arg9 : memref<10000xi32, #tpu.memory_space<vmem>>) target_semaphore(%run_scoped3A_142 : memref<!tpu.dma_semaphore, #tpu.memory_space<semaphore_mem>>)
      %dma_wait3A = arith.constant 0 : i32
      %dma_wait3A_148 = tpu.memref_slice %arg2[%run_scoped3A, %add3A, %dma_wait3A] : memref<2x32x10000xi32, #tpu.memory_space<hbm>> -> memref<1x1x10000xi32, #tpu.memory_space<hbm>>
      %dma_wait3A_149 = tpu.memref_squeeze %dma_wait3A_148 : memref<1x1x10000xi32, #tpu.memory_space<hbm>> -> memref<10000xi32, #tpu.memory_space<hbm>>
      %dma_wait3A_150 = arith.constant 0 : i32
      %dma_wait3A_151 = tpu.memref_slice %arg2[%run_scoped3A, %add3A, %dma_wait3A_150] : memref<2x32x10000xi32, #tpu.memory_space<hbm>> -> memref<1x1x10000xi32, #tpu.memory_space<hbm>>
      %dma_wait3A_152 = tpu.memref_squeeze %dma_wait3A_151 : memref<1x1x10000xi32, #tpu.memory_space<hbm>> -> memref<10000xi32, #tpu.memory_space<hbm>>
      tpu.wait_dma2 semaphore(%run_scoped3A_142 : memref<!tpu.dma_semaphore, #tpu.memory_space<semaphore_mem>>) src(%dma_wait3A_152 : memref<10000xi32, #tpu.memory_space<hbm>>) dst(%arg9 : memref<10000xi32, #tpu.memory_space<vmem>>)
      tpu.yield
    }) : () -> ()
    %run_scoped3A_1 = arith.constant 1 : i32
    "tpu.region"() ({
      %run_scoped3A_142 = tpu.sem_alloc : memref<!tpu.dma_semaphore, #tpu.memory_space<semaphore_mem>>
      %dma_start3A = arith.constant 0 : i32
      %dma_start3A_143 = tpu.memref_slice %arg2[%run_scoped3A_1, %add3A, %dma_start3A] : memref<2x32x10000xi32, #tpu.memory_space<hbm>> -> memref<1x1x10000xi32, #tpu.memory_space<hbm>>
      %dma_start3A_144 = tpu.memref_squeeze %dma_start3A_143 : memref<1x1x10000xi32, #tpu.memory_space<hbm>> -> memref<10000xi32, #tpu.memory_space<hbm>>
      %dma_start3A_145 = arith.constant 0 : i32
      %dma_start3A_146 = tpu.memref_slice %arg2[%run_scoped3A_1, %add3A, %dma_start3A_145] : memref<2x32x10000xi32, #tpu.memory_space<hbm>> -> memref<1x1x10000xi32, #tpu.memory_space<hbm>>
      %dma_start3A_147 = tpu.memref_squeeze %dma_start3A_146 : memref<1x1x10000xi32, #tpu.memory_space<hbm>> -> memref<10000xi32, #tpu.memory_space<hbm>>
      tpu.enqueue_dma source(%dma_start3A_147 : memref<10000xi32, #tpu.memory_space<hbm>>) target(%arg10 : memref<10000xi32, #tpu.memory_space<vmem>>) target_semaphore(%run_scoped3A_142 : memref<!tpu.dma_semaphore, #tpu.memory_space<semaphore_mem>>)
      %dma_wait3A = arith.constant 0 : i32
      %dma_wait3A_148 = tpu.memref_slice %arg2[%run_scoped3A_1, %add3A, %dma_wait3A] : memref<2x32x10000xi32, #tpu.memory_space<hbm>> -> memref<1x1x10000xi32, #tpu.memory_space<hbm>>
      %dma_wait3A_149 = tpu.memref_squeeze %dma_wait3A_148 : memref<1x1x10000xi32, #tpu.memory_space<hbm>> -> memref<10000xi32, #tpu.memory_space<hbm>>
      %dma_wait3A_150 = arith.constant 0 : i32
      %dma_wait3A_151 = tpu.memref_slice %arg2[%run_scoped3A_1, %add3A, %dma_wait3A_150] : memref<2x32x10000xi32, #tpu.memory_space<hbm>> -> memref<1x1x10000xi32, #tpu.memory_space<hbm>>
      %dma_wait3A_152 = tpu.memref_squeeze %dma_wait3A_151 : memref<1x1x10000xi32, #tpu.memory_space<hbm>> -> memref<10000xi32, #tpu.memory_space<hbm>>
      tpu.wait_dma2 semaphore(%run_scoped3A_142 : memref<!tpu.dma_semaphore, #tpu.memory_space<semaphore_mem>>) src(%dma_wait3A_152 : memref<10000xi32, #tpu.memory_space<hbm>>) dst(%arg10 : memref<10000xi32, #tpu.memory_space<vmem>>)
      tpu.yield
    }) : () -> ()
    %iota3A = tpu.iota {dimensions = array<i32: 0>} : vector<16xi32>
    %broadcast_in_dim3A = arith.constant 0.000000e+00 : f32
    %broadcast_in_dim3A_2 = vector.broadcast %broadcast_in_dim3A : f32 to vector<16xf32>
    %scan3A = arith.constant 0 : i32
    %scan3A_3 = arith.constant 0 : i32
    %scan3A_4 = arith.constant 640 : i32
    %scan3A_5 = arith.addi %scan3A_3, %scan3A_4 : i32
    %scan3A_6 = arith.constant 1 : i32
    scf.for %scan3A_142 = %scan3A_3 to %scan3A_5 step %scan3A_6  : i32 {
      %jit3A = arith.constant 8 : i32
      %div3A = arith.divsi %scan3A_142, %jit3A : i32
      %sign3A = arith.constant 0 : i32
      %sign3A_143 = arith.cmpi sgt, %scan3A_142, %sign3A : i32
      %sign3A_144 = arith.extui %sign3A_143 : i1 to i32
      %sign3A_145 = arith.constant 0 : i32
      %sign3A_146 = arith.cmpi slt, %scan3A_142, %sign3A_145 : i32
      %sign3A_147 = arith.extui %sign3A_146 : i1 to i32
      %sign3A_148 = arith.subi %sign3A_144, %sign3A_147 : i32
      %sign3A_149 = arith.constant 0 : i32
      %sign3A_150 = arith.cmpi sgt, %jit3A, %sign3A_149 : i32
      %sign3A_151 = arith.extui %sign3A_150 : i1 to i32
      %sign3A_152 = arith.constant 0 : i32
      %sign3A_153 = arith.cmpi slt, %jit3A, %sign3A_152 : i32
      %sign3A_154 = arith.extui %sign3A_153 : i1 to i32
      %sign3A_155 = arith.subi %sign3A_151, %sign3A_154 : i32
      %ne3A = arith.cmpi ne, %sign3A_148, %sign3A_155 : i32
      %rem3A = arith.remsi %scan3A_142, %jit3A : i32
      %ne3A_156 = arith.constant 0 : i32
      %ne3A_157 = arith.cmpi ne, %rem3A, %ne3A_156 : i32
      %and3A = arith.andi %ne3A, %ne3A_157 : i1
      %sub3A = arith.constant 1 : i32
      %sub3A_158 = arith.subi %div3A, %sub3A : i32
      %select_n3A_159 = arith.select %and3A, %sub3A_158, %div3A : i32
      %jit3A_160 = arith.constant 8 : i32
      %eq3A_161 = arith.constant 0 : i32
      %eq3A_162 = arith.cmpi eq, %jit3A_160, %eq3A_161 : i32
      %jit3A_163 = arith.constant 1 : i32
      %select_n3A_164 = arith.select %eq3A_162, %jit3A_163, %jit3A_160 : i32
      %rem3A_165 = arith.remsi %scan3A_142, %select_n3A_164 : i32
      %ne3A_166 = arith.constant 0 : i32
      %ne3A_167 = arith.cmpi ne, %rem3A_165, %ne3A_166 : i32
      %lt3A = arith.constant 0 : i32
      %lt3A_168 = arith.cmpi slt, %rem3A_165, %lt3A : i32
      %lt3A_169 = arith.constant 0 : i32
      %lt3A_170 = arith.cmpi slt, %select_n3A_164, %lt3A_169 : i32
      %ne3A_171 = arith.xori %lt3A_168, %lt3A_170 : i1
      %and3A_172 = arith.andi %ne3A_171, %ne3A_167 : i1
      %add3A_173 = arith.addi %rem3A_165, %select_n3A_164 : i32
      %select_n3A_174 = arith.select %and3A_172, %add3A_173, %rem3A_165 : i32
      %mul3A_175 = arith.constant 16 : i32
      %mul3A_176 = arith.muli %select_n3A_174, %mul3A_175 : i32
      %swap3A_177 = arith.index_cast %select_n3A_159 : i32 to index
      %swap3A_178 = arith.index_cast %mul3A_176 : i32 to index
      %swap3A_179 = tpu.vector_load %arg13[%swap3A_177, %swap3A_178] {strides = array<i32>} : memref<80x128xf32, #tpu.memory_space<vmem>>, vector<16xf32>,
      tpu.vector_store %arg13[%swap3A_177, %swap3A_178], %broadcast_in_dim3A_2 {strides = array<i32>} : memref<80x128xf32, #tpu.memory_space<vmem>>, vector<16xf32>,
    }
    %scan3A_7 = arith.constant 640 : i32
    %add3A_8 = arith.constant 0 : i32
    %add3A_9 = vector.broadcast %add3A_8 : i32 to vector<16xi32>
    %add3A_10 = arith.addi %iota3A, %add3A_9 : vector<16xi32>
    %swap3A = arith.constant 0 : i32
    %swap3A_11 = arith.index_cast %swap3A : i32 to index
    %swap3A_12 = arith.constant 0 : index
    %swap3A_13 = tpu.vector_load %arg12[%swap3A_11, %swap3A_12] {strides = array<i32>} : memref<1x80xi32, #tpu.memory_space<vmem>>, vector<16xi32>,
    tpu.vector_store %arg12[%swap3A_11, %swap3A_12], %add3A_10 {strides = array<i32>} : memref<1x80xi32, #tpu.memory_space<vmem>>, vector<16xi32>,
    %add3A_14 = arith.constant 16 : i32
    %add3A_15 = vector.broadcast %add3A_14 : i32 to vector<16xi32>
    %add3A_16 = arith.addi %iota3A, %add3A_15 : vector<16xi32>
    %swap3A_17 = arith.constant 0 : i32
    %swap3A_18 = arith.index_cast %swap3A_17 : i32 to index
    %swap3A_19 = arith.constant 16 : index
    %swap3A_20 = tpu.vector_load %arg12[%swap3A_18, %swap3A_19] {strides = array<i32>} : memref<1x80xi32, #tpu.memory_space<vmem>>, vector<16xi32>,
    tpu.vector_store %arg12[%swap3A_18, %swap3A_19], %add3A_16 {strides = array<i32>} : memref<1x80xi32, #tpu.memory_space<vmem>>, vector<16xi32>,
    %add3A_21 = arith.constant 32 : i32
    %add3A_22 = vector.broadcast %add3A_21 : i32 to vector<16xi32>
    %add3A_23 = arith.addi %iota3A, %add3A_22 : vector<16xi32>
    %swap3A_24 = arith.constant 0 : i32
    %swap3A_25 = arith.index_cast %swap3A_24 : i32 to index
    %swap3A_26 = arith.constant 32 : index
    %swap3A_27 = tpu.vector_load %arg12[%swap3A_25, %swap3A_26] {strides = array<i32>} : memref<1x80xi32, #tpu.memory_space<vmem>>, vector<16xi32>,
    tpu.vector_store %arg12[%swap3A_25, %swap3A_26], %add3A_23 {strides = array<i32>} : memref<1x80xi32, #tpu.memory_space<vmem>>, vector<16xi32>,
    %add3A_28 = arith.constant 48 : i32
    %add3A_29 = vector.broadcast %add3A_28 : i32 to vector<16xi32>
    %add3A_30 = arith.addi %iota3A, %add3A_29 : vector<16xi32>
    %swap3A_31 = arith.constant 0 : i32
    %swap3A_32 = arith.index_cast %swap3A_31 : i32 to index
    %swap3A_33 = arith.constant 48 : index
    %swap3A_34 = tpu.vector_load %arg12[%swap3A_32, %swap3A_33] {strides = array<i32>} : memref<1x80xi32, #tpu.memory_space<vmem>>, vector<16xi32>,
    tpu.vector_store %arg12[%swap3A_32, %swap3A_33], %add3A_30 {strides = array<i32>} : memref<1x80xi32, #tpu.memory_space<vmem>>, vector<16xi32>,
    %add3A_35 = arith.constant 64 : i32
    %add3A_36 = vector.broadcast %add3A_35 : i32 to vector<16xi32>
    %add3A_37 = arith.addi %iota3A, %add3A_36 : vector<16xi32>
    %swap3A_38 = arith.constant 0 : i32
    %swap3A_39 = arith.index_cast %swap3A_38 : i32 to index
    %swap3A_40 = arith.constant 64 : index
    %swap3A_41 = tpu.vector_load %arg12[%swap3A_39, %swap3A_40] {strides = array<i32>} : memref<1x80xi32, #tpu.memory_space<vmem>>, vector<16xi32>,
    tpu.vector_store %arg12[%swap3A_39, %swap3A_40], %add3A_37 {strides = array<i32>} : memref<1x80xi32, #tpu.memory_space<vmem>>, vector<16xi32>,
    %eq3A = arith.constant 0 : i32
    %eq3A_42 = arith.cmpi eq, %arg1, %eq3A : i32
    %convert_element_type3A = arith.extui %eq3A_42 : i1 to i32
    %cond3A = arith.constant 0 : i32
    %cond3A_43 = arith.cmpi ne, %convert_element_type3A, %cond3A : i32
    scf.if %cond3A_43 {
      "tpu.region"() ({
        %run_scoped3A_142 = tpu.sem_alloc : memref<!tpu.dma_semaphore, #tpu.memory_space<semaphore_mem>>
        tpu.enqueue_dma source(%arg13 : memref<80x128xf32, #tpu.memory_space<vmem>>) target(%arg14 : memref<80x128xf32, #tpu.memory_space<vmem_shared>>) target_semaphore(%run_scoped3A_142 : memref<!tpu.dma_semaphore, #tpu.memory_space<semaphore_mem>>)
        tpu.wait_dma2 semaphore(%run_scoped3A_142 : memref<!tpu.dma_semaphore, #tpu.memory_space<semaphore_mem>>) src(%arg13 : memref<80x128xf32, #tpu.memory_space<vmem>>) dst(%arg14 : memref<80x128xf32, #tpu.memory_space<vmem_shared>>)
        tpu.yield
      }) : () -> ()
    } else {
    }
    %broadcast_in_dim3A_44 = arith.constant -3.000000e+38 : f32
    %broadcast_in_dim3A_45 = vector.broadcast %broadcast_in_dim3A_44 : f32 to vector<16xf32>
    %scan3A_46 = arith.constant 0 : i32
    %scan3A_47 = arith.constant 625 : i32
    %scan3A_48 = arith.addi %scan3A_46, %scan3A_47 : i32
    %scan3A_49 = arith.constant 1 : i32
    %scan3A_50:2 = scf.for %scan3A_142 = %scan3A_46 to %scan3A_48 step %scan3A_49 iter_args(%scan3A_143 = %broadcast_in_dim3A_45, %scan3A_144 = %broadcast_in_dim3A_45) -> (vector<16xf32>, vector<16xf32>)  : i32 {
      %mul3A_145 = arith.constant 16 : i32
      %mul3A_146 = arith.muli %scan3A_142, %mul3A_145 : i32
      %get3A = arith.index_cast %mul3A_146 : i32 to index
      %get3A_147 = tpu.vector_load %arg7[%get3A] {strides = array<i32>} : memref<10000xf32, #tpu.memory_space<vmem>>, vector<16xf32>,
      %max3A_148 = arith.maximumf %scan3A_143, %get3A_147 : vector<16xf32>
      %mul3A_149 = arith.constant 16 : i32
      %mul3A_150 = arith.muli %scan3A_142, %mul3A_149 : i32
      %get3A_151 = arith.index_cast %mul3A_150 : i32 to index
      %get3A_152 = tpu.vector_load %arg8[%get3A_151] {strides = array<i32>} : memref<10000xf32, #tpu.memory_space<vmem>>, vector<16xf32>,
      %max3A_153 = arith.maximumf %scan3A_144, %get3A_152 : vector<16xf32>
      scf.yield %max3A_148, %max3A_153 : vector<16xf32>, vector<16xf32>
    }
    %scan3A_51 = arith.constant 625 : i32
    %broadcast_in_dim3A_52 = arith.constant 0 : i32
    %broadcast_in_dim3A_53 = vector.broadcast %broadcast_in_dim3A_52 : i32 to vector<16xi32>
    %swap3A_54 = arith.constant 0 : i32
    %swap3A_55 = arith.index_cast %swap3A_54 : i32 to index
    %swap3A_56 = arith.constant 0 : index
    %swap3A_57 = tpu.vector_load %arg11[%swap3A_55, %swap3A_56] {strides = array<i32>} : memref<125x80xf32, #tpu.memory_space<vmem>>, vector<16xf32>,
    tpu.vector_store %arg11[%swap3A_55, %swap3A_56], %scan3A_50#0 {strides = array<i32>} : memref<125x80xf32, #tpu.memory_space<vmem>>, vector<16xf32>,
    %xor3A = arith.constant 8 : i32
    %xor3A_58 = vector.broadcast %xor3A : i32 to vector<16xi32>
    %xor3A_59 = arith.xori %iota3A, %xor3A_58 : vector<16xi32>
    %gather3A = tpu.vector_load_idx %arg11[%broadcast_in_dim3A_53, %xor3A_59] : memref<125x80xf32, #tpu.memory_space<vmem>>[vector<16xi32>, vector<16xi32>], vector<16xf32>,
    %max3A = arith.maximumf %scan3A_50#0, %gather3A : vector<16xf32>
    %swap3A_60 = arith.constant 0 : i32
    %swap3A_61 = arith.index_cast %swap3A_60 : i32 to index
    %swap3A_62 = arith.constant 0 : index
    %swap3A_63 = tpu.vector_load %arg11[%swap3A_61, %swap3A_62] {strides = array<i32>} : memref<125x80xf32, #tpu.memory_space<vmem>>, vector<16xf32>,
    tpu.vector_store %arg11[%swap3A_61, %swap3A_62], %max3A {strides = array<i32>} : memref<125x80xf32, #tpu.memory_space<vmem>>, vector<16xf32>,
    %xor3A_64 = arith.constant 4 : i32
    %xor3A_65 = vector.broadcast %xor3A_64 : i32 to vector<16xi32>
    %xor3A_66 = arith.xori %iota3A, %xor3A_65 : vector<16xi32>
    %gather3A_67 = tpu.vector_load_idx %arg11[%broadcast_in_dim3A_53, %xor3A_66] : memref<125x80xf32, #tpu.memory_space<vmem>>[vector<16xi32>, vector<16xi32>], vector<16xf32>,
    %max3A_68 = arith.maximumf %max3A, %gather3A_67 : vector<16xf32>
    %swap3A_69 = arith.constant 0 : i32
    %swap3A_70 = arith.index_cast %swap3A_69 : i32 to index
    %swap3A_71 = arith.constant 0 : index
    %swap3A_72 = tpu.vector_load %arg11[%swap3A_70, %swap3A_71] {strides = array<i32>} : memref<125x80xf32, #tpu.memory_space<vmem>>, vector<16xf32>,
    tpu.vector_store %arg11[%swap3A_70, %swap3A_71], %max3A_68 {strides = array<i32>} : memref<125x80xf32, #tpu.memory_space<vmem>>, vector<16xf32>,
    %xor3A_73 = arith.constant 2 : i32
    %xor3A_74 = vector.broadcast %xor3A_73 : i32 to vector<16xi32>
    %xor3A_75 = arith.xori %iota3A, %xor3A_74 : vector<16xi32>
    %gather3A_76 = tpu.vector_load_idx %arg11[%broadcast_in_dim3A_53, %xor3A_75] : memref<125x80xf32, #tpu.memory_space<vmem>>[vector<16xi32>, vector<16xi32>], vector<16xf32>,
    %max3A_77 = arith.maximumf %max3A_68, %gather3A_76 : vector<16xf32>
    %swap3A_78 = arith.constant 0 : i32
    %swap3A_79 = arith.index_cast %swap3A_78 : i32 to index
    %swap3A_80 = arith.constant 0 : index
    %swap3A_81 = tpu.vector_load %arg11[%swap3A_79, %swap3A_80] {strides = array<i32>} : memref<125x80xf32, #tpu.memory_space<vmem>>, vector<16xf32>,
    tpu.vector_store %arg11[%swap3A_79, %swap3A_80], %max3A_77 {strides = array<i32>} : memref<125x80xf32, #tpu.memory_space<vmem>>, vector<16xf32>,
    %xor3A_82 = arith.constant 1 : i32
    %xor3A_83 = vector.broadcast %xor3A_82 : i32 to vector<16xi32>
    %xor3A_84 = arith.xori %iota3A, %xor3A_83 : vector<16xi32>
    %gather3A_85 = tpu.vector_load_idx %arg11[%broadcast_in_dim3A_53, %xor3A_84] : memref<125x80xf32, #tpu.memory_space<vmem>>[vector<16xi32>, vector<16xi32>], vector<16xf32>,
    %max3A_86 = arith.maximumf %max3A_77, %gather3A_85 : vector<16xf32>
    %swap3A_87 = arith.constant 0 : i32
    %swap3A_88 = arith.index_cast %swap3A_87 : i32 to index
    %swap3A_89 = arith.constant 0 : index
    %swap3A_90 = tpu.vector_load %arg11[%swap3A_88, %swap3A_89] {strides = array<i32>} : memref<125x80xf32, #tpu.memory_space<vmem>>, vector<16xf32>,
    tpu.vector_store %arg11[%swap3A_88, %swap3A_89], %scan3A_50#1 {strides = array<i32>} : memref<125x80xf32, #tpu.memory_space<vmem>>, vector<16xf32>,
    %xor3A_91 = arith.constant 8 : i32
    %xor3A_92 = vector.broadcast %xor3A_91 : i32 to vector<16xi32>
    %xor3A_93 = arith.xori %iota3A, %xor3A_92 : vector<16xi32>
    %gather3A_94 = tpu.vector_load_idx %arg11[%broadcast_in_dim3A_53, %xor3A_93] : memref<125x80xf32, #tpu.memory_space<vmem>>[vector<16xi32>, vector<16xi32>], vector<16xf32>,
    %max3A_95 = arith.maximumf %scan3A_50#1, %gather3A_94 : vector<16xf32>
    %swap3A_96 = arith.constant 0 : i32
    %swap3A_97 = arith.index_cast %swap3A_96 : i32 to index
    %swap3A_98 = arith.constant 0 : index
    %swap3A_99 = tpu.vector_load %arg11[%swap3A_97, %swap3A_98] {strides = array<i32>} : memref<125x80xf32, #tpu.memory_space<vmem>>, vector<16xf32>,
    tpu.vector_store %arg11[%swap3A_97, %swap3A_98], %max3A_95 {strides = array<i32>} : memref<125x80xf32, #tpu.memory_space<vmem>>, vector<16xf32>,
    %xor3A_100 = arith.constant 4 : i32
    %xor3A_101 = vector.broadcast %xor3A_100 : i32 to vector<16xi32>
    %xor3A_102 = arith.xori %iota3A, %xor3A_101 : vector<16xi32>
    %gather3A_103 = tpu.vector_load_idx %arg11[%broadcast_in_dim3A_53, %xor3A_102] : memref<125x80xf32, #tpu.memory_space<vmem>>[vector<16xi32>, vector<16xi32>], vector<16xf32>,
    %max3A_104 = arith.maximumf %max3A_95, %gather3A_103 : vector<16xf32>
    %swap3A_105 = arith.constant 0 : i32
    %swap3A_106 = arith.index_cast %swap3A_105 : i32 to index
    %swap3A_107 = arith.constant 0 : index
    %swap3A_108 = tpu.vector_load %arg11[%swap3A_106, %swap3A_107] {strides = array<i32>} : memref<125x80xf32, #tpu.memory_space<vmem>>, vector<16xf32>,
    tpu.vector_store %arg11[%swap3A_106, %swap3A_107], %max3A_104 {strides = array<i32>} : memref<125x80xf32, #tpu.memory_space<vmem>>, vector<16xf32>,
    %xor3A_109 = arith.constant 2 : i32
    %xor3A_110 = vector.broadcast %xor3A_109 : i32 to vector<16xi32>
    %xor3A_111 = arith.xori %iota3A, %xor3A_110 : vector<16xi32>
    %gather3A_112 = tpu.vector_load_idx %arg11[%broadcast_in_dim3A_53, %xor3A_111] : memref<125x80xf32, #tpu.memory_space<vmem>>[vector<16xi32>, vector<16xi32>], vector<16xf32>,
    %max3A_113 = arith.maximumf %max3A_104, %gather3A_112 : vector<16xf32>
    %swap3A_114 = arith.constant 0 : i32
    %swap3A_115 = arith.index_cast %swap3A_114 : i32 to index
    %swap3A_116 = arith.constant 0 : index
    %swap3A_117 = tpu.vector_load %arg11[%swap3A_115, %swap3A_116] {strides = array<i32>} : memref<125x80xf32, #tpu.memory_space<vmem>>, vector<16xf32>,
    tpu.vector_store %arg11[%swap3A_115, %swap3A_116], %max3A_113 {strides = array<i32>} : memref<125x80xf32, #tpu.memory_space<vmem>>, vector<16xf32>,
    %xor3A_118 = arith.constant 1 : i32
    %xor3A_119 = vector.broadcast %xor3A_118 : i32 to vector<16xi32>
    %xor3A_120 = arith.xori %iota3A, %xor3A_119 : vector<16xi32>
    %gather3A_121 = tpu.vector_load_idx %arg11[%broadcast_in_dim3A_53, %xor3A_120] : memref<125x80xf32, #tpu.memory_space<vmem>>[vector<16xi32>, vector<16xi32>], vector<16xf32>,
    %max3A_122 = arith.maximumf %max3A_113, %gather3A_121 : vector<16xf32>
    %add3A_123 = arith.addf %max3A_86, %max3A_122 : vector<16xf32>
    %ge3A = arith.constant 0.000000e+00 : f32
    %ge3A_124 = vector.broadcast %ge3A : f32 to vector<16xf32>
    %ge3A_125 = arith.cmpf oge, %add3A_123, %ge3A_124 : vector<16xf32>
    %mul3A_126 = arith.constant 2.000000e-01 : f32
    %mul3A_127 = vector.broadcast %mul3A_126 : f32 to vector<16xf32>
    %mul3A_128 = arith.mulf %mul3A_127, %add3A_123 : vector<16xf32>
    %select_n3A = arith.select %ge3A_125, %add3A_123, %mul3A_128 : vector<16xi1>, vector<16xf32>
    %barrier3A = arith.constant 0 : index
    tpu.barrier barrier_id(%barrier3A)
    %scan3A_129 = arith.constant 0 : i32
    %scan3A_130 = arith.constant 0 : i32
    %scan3A_131 = arith.constant 125 : i32
    %scan3A_132 = arith.addi %scan3A_130, %scan3A_131 : i32
    %scan3A_133 = arith.constant 1 : i32
    scf.for %scan3A_142 = %scan3A_130 to %scan3A_132 step %scan3A_133  : i32 {
      %scan3A_143 = arith.constant 0 : i32
      %scan3A_144 = arith.constant 5 : i32
      %scan3A_145 = arith.addi %scan3A_143, %scan3A_144 : i32
      %scan3A_146 = arith.constant 1 : i32
      scf.for %scan3A_148 = %scan3A_143 to %scan3A_145 step %scan3A_146  : i32 {
        %mul3A_149 = arith.constant 80 : i32
        %mul3A_150 = arith.muli %scan3A_142, %mul3A_149 : i32
        %mul3A_151 = arith.constant 16 : i32
        %mul3A_152 = arith.muli %scan3A_148, %mul3A_151 : i32
        %add3A_153 = arith.addi %mul3A_150, %mul3A_152 : i32
        %get3A = arith.index_cast %add3A_153 : i32 to index
        %get3A_154 = tpu.vector_load %arg9[%get3A] {strides = array<i32>} : memref<10000xi32, #tpu.memory_space<vmem>>, vector<16xi32>,
        %mul3A_155 = arith.constant 80 : i32
        %mul3A_156 = arith.muli %scan3A_142, %mul3A_155 : i32
        %mul3A_157 = arith.constant 16 : i32
        %mul3A_158 = arith.muli %scan3A_148, %mul3A_157 : i32
        %add3A_159 = arith.addi %mul3A_156, %mul3A_158 : i32
        %get3A_160 = arith.index_cast %add3A_159 : i32 to index
        %get3A_161 = tpu.vector_load %arg10[%get3A_160] {strides = array<i32>} : memref<10000xi32, #tpu.memory_space<vmem>>, vector<16xi32>,
        %gather3A_162 = tpu.vector_load_idx %arg7[%get3A_154] : memref<10000xf32, #tpu.memory_space<vmem>>[vector<16xi32>], vector<16xf32>,
        %gather3A_163 = tpu.vector_load_idx %arg8[%get3A_161] : memref<10000xf32, #tpu.memory_space<vmem>>[vector<16xi32>], vector<16xf32>,
        %add3A_164 = arith.addf %gather3A_162, %gather3A_163 : vector<16xf32>
        %ge3A_165 = arith.constant 0.000000e+00 : f32
        %ge3A_166 = vector.broadcast %ge3A_165 : f32 to vector<16xf32>
        %ge3A_167 = arith.cmpf oge, %add3A_164, %ge3A_166 : vector<16xf32>
        %mul3A_168 = arith.constant 2.000000e-01 : f32
        %mul3A_169 = vector.broadcast %mul3A_168 : f32 to vector<16xf32>
        %mul3A_170 = arith.mulf %mul3A_169, %add3A_164 : vector<16xf32>
        %select_n3A_171 = arith.select %ge3A_167, %add3A_164, %mul3A_170 : vector<16xi1>, vector<16xf32>
        %sub3A = arith.subf %select_n3A_171, %select_n3A : vector<16xf32>
        %exp3A = math.exp %sub3A : vector<16xf32>
        %mul3A_172 = arith.constant 16 : i32
        %mul3A_173 = arith.muli %scan3A_148, %mul3A_172 : i32
        %swap3A_174 = arith.index_cast %scan3A_142 : i32 to index
        %swap3A_175 = arith.index_cast %mul3A_173 : i32 to index
        %swap3A_176 = tpu.vector_load %arg11[%swap3A_174, %swap3A_175] {strides = array<i32>} : memref<125x80xf32, #tpu.memory_space<vmem>>, vector<16xf32>,
        tpu.vector_store %arg11[%swap3A_174, %swap3A_175], %exp3A {strides = array<i32>} : memref<125x80xf32, #tpu.memory_space<vmem>>, vector<16xf32>,
        %shift_right_logical3A = arith.constant 7 : i32
        %shift_right_logical3A_177 = vector.broadcast %shift_right_logical3A : i32 to vector<16xi32>
        %shift_right_logical3A_178 = arith.shrui %get3A_161, %shift_right_logical3A_177 : vector<16xi32>
        %and3A = arith.constant 127 : i32
        %and3A_179 = vector.broadcast %and3A : i32 to vector<16xi32>
        %and3A_180 = arith.andi %get3A_161, %and3A_179 : vector<16xi32>
        tpu.vector_store_idx %arg13[%shift_right_logical3A_178, %and3A_180], %exp3A {add = true} : memref<80x128xf32, #tpu.memory_space<vmem>>[vector<16xi32>, vector<16xi32>], vector<16xf32>,
      }
      %scan3A_147 = arith.constant 5 : i32
    }
    %scan3A_134 = arith.constant 125 : i32
    "tpu.region"() ({
      %run_scoped3A_142 = tpu.sem_alloc : memref<!tpu.dma_semaphore, #tpu.memory_space<semaphore_mem>>
      %dma_start3A = arith.constant 0 : i32
      %dma_start3A_143 = arith.constant 0 : i32
      %dma_start3A_144 = tpu.memref_slice %arg5[%add3A, %dma_start3A, %dma_start3A_143] : memref<32x125x80xf32, #tpu.memory_space<hbm>> -> memref<1x125x80xf32, #tpu.memory_space<hbm>>
      %dma_start3A_145 = tpu.memref_squeeze %dma_start3A_144 : memref<1x125x80xf32, #tpu.memory_space<hbm>> -> memref<125x80xf32, #tpu.memory_space<hbm>>
      %dma_start3A_146 = arith.constant 0 : i32
      %dma_start3A_147 = arith.constant 0 : i32
      %dma_start3A_148 = tpu.memref_slice %arg5[%add3A, %dma_start3A_146, %dma_start3A_147] : memref<32x125x80xf32, #tpu.memory_space<hbm>> -> memref<1x125x80xf32, #tpu.memory_space<hbm>>
      %dma_start3A_149 = tpu.memref_squeeze %dma_start3A_148 : memref<1x125x80xf32, #tpu.memory_space<hbm>> -> memref<125x80xf32, #tpu.memory_space<hbm>>
      tpu.enqueue_dma source(%arg11 : memref<125x80xf32, #tpu.memory_space<vmem>>) target(%dma_start3A_149 : memref<125x80xf32, #tpu.memory_space<hbm>>) target_semaphore(%run_scoped3A_142 : memref<!tpu.dma_semaphore, #tpu.memory_space<semaphore_mem>>)
      %dma_wait3A = arith.constant 0 : i32
      %dma_wait3A_150 = arith.constant 0 : i32
      %dma_wait3A_151 = tpu.memref_slice %arg5[%add3A, %dma_wait3A, %dma_wait3A_150] : memref<32x125x80xf32, #tpu.memory_space<hbm>> -> memref<1x125x80xf32, #tpu.memory_space<hbm>>
      %dma_wait3A_152 = tpu.memref_squeeze %dma_wait3A_151 : memref<1x125x80xf32, #tpu.memory_space<hbm>> -> memref<125x80xf32, #tpu.memory_space<hbm>>
      %dma_wait3A_153 = arith.constant 0 : i32
      %dma_wait3A_154 = arith.constant 0 : i32
      %dma_wait3A_155 = tpu.memref_slice %arg5[%add3A, %dma_wait3A_153, %dma_wait3A_154] : memref<32x125x80xf32, #tpu.memory_space<hbm>> -> memref<1x125x80xf32, #tpu.memory_space<hbm>>
      %dma_wait3A_156 = tpu.memref_squeeze %dma_wait3A_155 : memref<1x125x80xf32, #tpu.memory_space<hbm>> -> memref<125x80xf32, #tpu.memory_space<hbm>>
      tpu.wait_dma2 semaphore(%run_scoped3A_142 : memref<!tpu.dma_semaphore, #tpu.memory_space<semaphore_mem>>) src(%arg11 : memref<125x80xf32, #tpu.memory_space<vmem>>) dst(%dma_wait3A_156 : memref<125x80xf32, #tpu.memory_space<hbm>>)
      tpu.yield
    }) : () -> ()
    %run_scoped3A_135 = arith.constant 0 : i32
    "tpu.region"() ({
      %run_scoped3A_142 = tpu.sem_alloc : memref<!tpu.dma_semaphore, #tpu.memory_space<semaphore_mem>>
      %dma_start3A = arith.constant 0 : i32
      %dma_start3A_143 = tpu.memref_slice %arg12[%run_scoped3A_135, %dma_start3A] : memref<1x80xi32, #tpu.memory_space<vmem>> -> memref<1x80xi32, #tpu.memory_space<vmem>>
      %dma_start3A_144 = tpu.memref_squeeze %dma_start3A_143 : memref<1x80xi32, #tpu.memory_space<vmem>> -> memref<80xi32, #tpu.memory_space<vmem>>
      %dma_start3A_145 = arith.constant 0 : i32
      %dma_start3A_146 = arith.constant 0 : i32
      %dma_start3A_147 = tpu.memref_slice %arg14[%dma_start3A_145, %dma_start3A_146] : memref<80x128xf32, #tpu.memory_space<vmem_shared>> -> memref<80x128xf32, #tpu.memory_space<vmem_shared>>
      tpu.enqueue_indirect_dma source(%arg13 : memref<80x128xf32, #tpu.memory_space<vmem>>) target(%dma_start3A_147 : memref<80x128xf32, #tpu.memory_space<vmem_shared>>) offsets(%dma_start3A_144 : memref<80xi32, #tpu.memory_space<vmem>>) semaphore(%run_scoped3A_142 : memref<!tpu.dma_semaphore, #tpu.memory_space<semaphore_mem>>) {add = true}
      %dma_wait3A = arith.constant 0 : i32
      %dma_wait3A_148 = tpu.memref_slice %arg12[%run_scoped3A_135, %dma_wait3A] : memref<1x80xi32, #tpu.memory_space<vmem>> -> memref<1x80xi32, #tpu.memory_space<vmem>>
      %dma_wait3A_149 = tpu.memref_squeeze %dma_wait3A_148 : memref<1x80xi32, #tpu.memory_space<vmem>> -> memref<80xi32, #tpu.memory_space<vmem>>
      %dma_wait3A_150 = arith.constant 0 : i32
      %dma_wait3A_151 = arith.constant 0 : i32
      %dma_wait3A_152 = tpu.memref_slice %arg14[%dma_wait3A_150, %dma_wait3A_151] : memref<80x128xf32, #tpu.memory_space<vmem_shared>> -> memref<80x128xf32, #tpu.memory_space<vmem_shared>>
      tpu.wait_indirect_dma semaphore(%run_scoped3A_142 : memref<!tpu.dma_semaphore, #tpu.memory_space<semaphore_mem>>) src(%arg13 : memref<80x128xf32, #tpu.memory_space<vmem>>) dst(%dma_wait3A_152 : memref<80x128xf32, #tpu.memory_space<vmem_shared>>)
      tpu.yield
    }) : () -> ()
    %barrier3A_136 = arith.constant 0 : index
    tpu.barrier barrier_id(%barrier3A_136)
    %eq3A_137 = arith.constant 0 : i32
    %eq3A_138 = arith.cmpi eq, %arg1, %eq3A_137 : i32
    %convert_element_type3A_139 = arith.extui %eq3A_138 : i1 to i32
    %cond3A_140 = arith.constant 0 : i32
    %cond3A_141 = arith.cmpi ne, %convert_element_type3A_139, %cond3A_140 : i32
    scf.if %cond3A_141 {
      "tpu.region"() ({
        %run_scoped3A_142 = tpu.sem_alloc : memref<!tpu.dma_semaphore, #tpu.memory_space<semaphore_mem>>
        %dma_start3A = arith.constant 0 : i32
        %dma_start3A_143 = arith.constant 0 : i32
        %dma_start3A_144 = tpu.memref_slice %arg6[%arg0, %dma_start3A, %dma_start3A_143] : memref<2x80x128xf32, #tpu.memory_space<hbm>> -> memref<1x80x128xf32, #tpu.memory_space<hbm>>
        %dma_start3A_145 = tpu.memref_squeeze %dma_start3A_144 : memref<1x80x128xf32, #tpu.memory_space<hbm>> -> memref<80x128xf32, #tpu.memory_space<hbm>>
        tpu.enqueue_dma source(%arg14 : memref<80x128xf32, #tpu.memory_space<vmem_shared>>) target(%dma_start3A_145 : memref<80x128xf32, #tpu.memory_space<hbm>>) target_semaphore(%run_scoped3A_142 : memref<!tpu.dma_semaphore, #tpu.memory_space<semaphore_mem>>)
        %dma_wait3A = arith.constant 0 : i32
        %dma_wait3A_146 = arith.constant 0 : i32
        %dma_wait3A_147 = tpu.memref_slice %arg6[%arg0, %dma_wait3A, %dma_wait3A_146] : memref<2x80x128xf32, #tpu.memory_space<hbm>> -> memref<1x80x128xf32, #tpu.memory_space<hbm>>
        %dma_wait3A_148 = tpu.memref_squeeze %dma_wait3A_147 : memref<1x80x128xf32, #tpu.memory_space<hbm>> -> memref<80x128xf32, #tpu.memory_space<hbm>>
        tpu.wait_dma2 semaphore(%run_scoped3A_142 : memref<!tpu.dma_semaphore, #tpu.memory_space<semaphore_mem>>) src(%arg14 : memref<80x128xf32, #tpu.memory_space<vmem_shared>>) dst(%dma_wait3A_148 : memref<80x128xf32, #tpu.memory_space<hbm>>)
        tpu.yield
      }) : () -> ()
    } else {
    }
    return
  }
}

#map = affine_map<(d0, d1) -> (0, 0)>
#map1 = affine_map<(d0, d1) -> (0, 0, 0, 0, 0)>
#map2 = affine_map<(d0, d1) -> (0, 0, 0)>
module attributes {stable_mosaic.version = 14 : i64} {
  func.func @_sc_aggregate(%arg0: i32, %arg1: i32, %arg2: memref<10000x128xf32, #tpu.memory_space<hbm>>, %arg3: memref<2x32x125x1x80xi32, #tpu.memory_space<hbm>>, %arg4: memref<32x125x80xf32, #tpu.memory_space<hbm>>, %arg5: memref<2x10240x128xf32, #tpu.memory_space<hbm>>, %arg6: memref<1x80xi32, #tpu.memory_space<vmem>>, %arg7: memref<1x80xi32, #tpu.memory_space<vmem>>, %arg8: memref<1x80xi32, #tpu.memory_space<vmem>>, %arg9: memref<1x80xi32, #tpu.memory_space<vmem>>, %arg10: memref<1x80xi32, #tpu.memory_space<vmem>>, %arg11: memref<1x80xi32, #tpu.memory_space<vmem>>, %arg12: memref<1x80xi32, #tpu.memory_space<vmem>>, %arg13: memref<1x80xi32, #tpu.memory_space<vmem>>, %arg14: memref<1x80xi32, #tpu.memory_space<vmem>>, %arg15: memref<80xf32, #tpu.memory_space<vmem>>, %arg16: memref<80xf32, #tpu.memory_space<vmem>>, %arg17: memref<80xf32, #tpu.memory_space<vmem>>, %arg18: memref<80x128xf32, #tpu.memory_space<vmem>>, %arg19: memref<80x128xf32, #tpu.memory_space<vmem>>, %arg20: memref<80x128xf32, #tpu.memory_space<vmem>>, %arg21: memref<10240x128xf32, #tpu.memory_space<vmem_shared>>, %arg22: memref<!tpu.dma_semaphore, #tpu.memory_space<semaphore_mem>>, %arg23: memref<!tpu.dma_semaphore, #tpu.memory_space<semaphore_mem>>, %arg24: memref<!tpu.dma_semaphore, #tpu.memory_space<semaphore_mem>>, %arg25: memref<!tpu.dma_semaphore, #tpu.memory_space<semaphore_mem>>, %arg26: memref<!tpu.dma_semaphore, #tpu.memory_space<semaphore_mem>>, %arg27: memref<!tpu.dma_semaphore, #tpu.memory_space<semaphore_mem>>, %arg28: memref<!tpu.dma_semaphore, #tpu.memory_space<semaphore_mem>>, %arg29: memref<!tpu.dma_semaphore, #tpu.memory_space<semaphore_mem>>, %arg30: memref<!tpu.dma_semaphore, #tpu.memory_space<semaphore_mem>>) attributes {dimension_semantics = [#tpu.dimension_semantics<core_parallel>, #tpu.dimension_semantics<subcore_parallel>], iteration_bounds = array<i64: 2, 16>, scalar_prefetch = 0 : i64, scratch_operands = 25 : i64, tpu.core_type = #tpu.core_type<sc_vector_subcore>, window_params = [{transform_indices = #map}, {transform_indices = #map1}, {transform_indices = #map2}, {transform_indices = #map2}]} {
    %mul3A = arith.constant 16 : i32
    %mul3A_0 = arith.muli %arg0, %mul3A : i32
    %add3A = arith.addi %mul3A_0, %arg1 : i32
    %broadcast_in_dim3A = arith.constant 0.000000e+00 : f32
    %broadcast_in_dim3A_1 = vector.broadcast %broadcast_in_dim3A : f32 to vector<16xf32>
    %scan3A = arith.constant 0 : i32
    %scan3A_2 = arith.constant 0 : i32
    %scan3A_3 = arith.constant 640 : i32
    %scan3A_4 = arith.addi %scan3A_2, %scan3A_3 : i32
    %scan3A_5 = arith.constant 1 : i32
    scf.for %scan3A_390 = %scan3A_2 to %scan3A_4 step %scan3A_5  : i32 {
      %jit3A = arith.constant 8 : i32
      %div3A = arith.divsi %scan3A_390, %jit3A : i32
      %sign3A = arith.constant 0 : i32
      %sign3A_391 = arith.cmpi sgt, %scan3A_390, %sign3A : i32
      %sign3A_392 = arith.extui %sign3A_391 : i1 to i32
      %sign3A_393 = arith.constant 0 : i32
      %sign3A_394 = arith.cmpi slt, %scan3A_390, %sign3A_393 : i32
      %sign3A_395 = arith.extui %sign3A_394 : i1 to i32
      %sign3A_396 = arith.subi %sign3A_392, %sign3A_395 : i32
      %sign3A_397 = arith.constant 0 : i32
      %sign3A_398 = arith.cmpi sgt, %jit3A, %sign3A_397 : i32
      %sign3A_399 = arith.extui %sign3A_398 : i1 to i32
      %sign3A_400 = arith.constant 0 : i32
      %sign3A_401 = arith.cmpi slt, %jit3A, %sign3A_400 : i32
      %sign3A_402 = arith.extui %sign3A_401 : i1 to i32
      %sign3A_403 = arith.subi %sign3A_399, %sign3A_402 : i32
      %ne3A = arith.cmpi ne, %sign3A_396, %sign3A_403 : i32
      %rem3A = arith.remsi %scan3A_390, %jit3A : i32
      %ne3A_404 = arith.constant 0 : i32
      %ne3A_405 = arith.cmpi ne, %rem3A, %ne3A_404 : i32
      %and3A = arith.andi %ne3A, %ne3A_405 : i1
      %sub3A = arith.constant 1 : i32
      %sub3A_406 = arith.subi %div3A, %sub3A : i32
      %select_n3A = arith.select %and3A, %sub3A_406, %div3A : i32
      %jit3A_407 = arith.constant 8 : i32
      %eq3A = arith.constant 0 : i32
      %eq3A_408 = arith.cmpi eq, %jit3A_407, %eq3A : i32
      %jit3A_409 = arith.constant 1 : i32
      %select_n3A_410 = arith.select %eq3A_408, %jit3A_409, %jit3A_407 : i32
      %rem3A_411 = arith.remsi %scan3A_390, %select_n3A_410 : i32
      %ne3A_412 = arith.constant 0 : i32
      %ne3A_413 = arith.cmpi ne, %rem3A_411, %ne3A_412 : i32
      %lt3A = arith.constant 0 : i32
      %lt3A_414 = arith.cmpi slt, %rem3A_411, %lt3A : i32
      %lt3A_415 = arith.constant 0 : i32
      %lt3A_416 = arith.cmpi slt, %select_n3A_410, %lt3A_415 : i32
      %ne3A_417 = arith.xori %lt3A_414, %lt3A_416 : i1
      %and3A_418 = arith.andi %ne3A_417, %ne3A_413 : i1
      %add3A_419 = arith.addi %rem3A_411, %select_n3A_410 : i32
      %select_n3A_420 = arith.select %and3A_418, %add3A_419, %rem3A_411 : i32
      %mul3A_421 = arith.constant 16 : i32
      %mul3A_422 = arith.muli %select_n3A_420, %mul3A_421 : i32
      %swap3A_423 = arith.index_cast %select_n3A : i32 to index
      %swap3A_424 = arith.index_cast %mul3A_422 : i32 to index
      %swap3A_425 = tpu.vector_load %arg18[%swap3A_423, %swap3A_424] {strides = array<i32>} : memref<80x128xf32, #tpu.memory_space<vmem>>, vector<16xf32>,
      tpu.vector_store %arg18[%swap3A_423, %swap3A_424], %broadcast_in_dim3A_1 {strides = array<i32>} : memref<80x128xf32, #tpu.memory_space<vmem>>, vector<16xf32>,
    }
    %scan3A_6 = arith.constant 640 : i32
    %mul3A_7 = arith.constant 640 : i32
    %mul3A_8 = arith.muli %arg1, %mul3A_7 : i32
    %add3A_9 = arith.constant 0 : i32
    %add3A_10 = arith.addi %mul3A_8, %add3A_9 : i32
    "tpu.region"() ({
      %run_scoped3A = tpu.sem_alloc : memref<!tpu.dma_semaphore, #tpu.memory_space<semaphore_mem>>
      %dma_start3A_390 = arith.constant 0 : i32
      %dma_start3A_391 = tpu.memref_slice %arg21[%add3A_10, %dma_start3A_390] : memref<10240x128xf32, #tpu.memory_space<vmem_shared>> -> memref<80x128xf32, #tpu.memory_space<vmem_shared>>
      %dma_start3A_392 = arith.constant 0 : i32
      %dma_start3A_393 = tpu.memref_slice %arg21[%add3A_10, %dma_start3A_392] : memref<10240x128xf32, #tpu.memory_space<vmem_shared>> -> memref<80x128xf32, #tpu.memory_space<vmem_shared>>
      tpu.enqueue_dma source(%arg18 : memref<80x128xf32, #tpu.memory_space<vmem>>) target(%dma_start3A_393 : memref<80x128xf32, #tpu.memory_space<vmem_shared>>) target_semaphore(%run_scoped3A : memref<!tpu.dma_semaphore, #tpu.memory_space<semaphore_mem>>)
      %dma_wait3A_394 = arith.constant 0 : i32
      %dma_wait3A_395 = tpu.memref_slice %arg21[%add3A_10, %dma_wait3A_394] : memref<10240x128xf32, #tpu.memory_space<vmem_shared>> -> memref<80x128xf32, #tpu.memory_space<vmem_shared>>
      %dma_wait3A_396 = arith.constant 0 : i32
      %dma_wait3A_397 = tpu.memref_slice %arg21[%add3A_10, %dma_wait3A_396] : memref<10240x128xf32, #tpu.memory_space<vmem_shared>> -> memref<80x128xf32, #tpu.memory_space<vmem_shared>>
      tpu.wait_dma2 semaphore(%run_scoped3A : memref<!tpu.dma_semaphore, #tpu.memory_space<semaphore_mem>>) src(%arg18 : memref<80x128xf32, #tpu.memory_space<vmem>>) dst(%dma_wait3A_397 : memref<80x128xf32, #tpu.memory_space<vmem_shared>>)
      tpu.yield
    }) : () -> ()
    %mul3A_11 = arith.constant 640 : i32
    %mul3A_12 = arith.muli %arg1, %mul3A_11 : i32
    %add3A_13 = arith.constant 80 : i32
    %add3A_14 = arith.addi %mul3A_12, %add3A_13 : i32
    "tpu.region"() ({
      %run_scoped3A = tpu.sem_alloc : memref<!tpu.dma_semaphore, #tpu.memory_space<semaphore_mem>>
      %dma_start3A_390 = arith.constant 0 : i32
      %dma_start3A_391 = tpu.memref_slice %arg21[%add3A_14, %dma_start3A_390] : memref<10240x128xf32, #tpu.memory_space<vmem_shared>> -> memref<80x128xf32, #tpu.memory_space<vmem_shared>>
      %dma_start3A_392 = arith.constant 0 : i32
      %dma_start3A_393 = tpu.memref_slice %arg21[%add3A_14, %dma_start3A_392] : memref<10240x128xf32, #tpu.memory_space<vmem_shared>> -> memref<80x128xf32, #tpu.memory_space<vmem_shared>>
      tpu.enqueue_dma source(%arg18 : memref<80x128xf32, #tpu.memory_space<vmem>>) target(%dma_start3A_393 : memref<80x128xf32, #tpu.memory_space<vmem_shared>>) target_semaphore(%run_scoped3A : memref<!tpu.dma_semaphore, #tpu.memory_space<semaphore_mem>>)
      %dma_wait3A_394 = arith.constant 0 : i32
      %dma_wait3A_395 = tpu.memref_slice %arg21[%add3A_14, %dma_wait3A_394] : memref<10240x128xf32, #tpu.memory_space<vmem_shared>> -> memref<80x128xf32, #tpu.memory_space<vmem_shared>>
      %dma_wait3A_396 = arith.constant 0 : i32
      %dma_wait3A_397 = tpu.memref_slice %arg21[%add3A_14, %dma_wait3A_396] : memref<10240x128xf32, #tpu.memory_space<vmem_shared>> -> memref<80x128xf32, #tpu.memory_space<vmem_shared>>
      tpu.wait_dma2 semaphore(%run_scoped3A : memref<!tpu.dma_semaphore, #tpu.memory_space<semaphore_mem>>) src(%arg18 : memref<80x128xf32, #tpu.memory_space<vmem>>) dst(%dma_wait3A_397 : memref<80x128xf32, #tpu.memory_space<vmem_shared>>)
      tpu.yield
    }) : () -> ()
    %mul3A_15 = arith.constant 640 : i32
    %mul3A_16 = arith.muli %arg1, %mul3A_15 : i32
    %add3A_17 = arith.constant 160 : i32
    %add3A_18 = arith.addi %mul3A_16, %add3A_17 : i32
    "tpu.region"() ({
      %run_scoped3A = tpu.sem_alloc : memref<!tpu.dma_semaphore, #tpu.memory_space<semaphore_mem>>
      %dma_start3A_390 = arith.constant 0 : i32
      %dma_start3A_391 = tpu.memref_slice %arg21[%add3A_18, %dma_start3A_390] : memref<10240x128xf32, #tpu.memory_space<vmem_shared>> -> memref<80x128xf32, #tpu.memory_space<vmem_shared>>
      %dma_start3A_392 = arith.constant 0 : i32
      %dma_start3A_393 = tpu.memref_slice %arg21[%add3A_18, %dma_start3A_392] : memref<10240x128xf32, #tpu.memory_space<vmem_shared>> -> memref<80x128xf32, #tpu.memory_space<vmem_shared>>
      tpu.enqueue_dma source(%arg18 : memref<80x128xf32, #tpu.memory_space<vmem>>) target(%dma_start3A_393 : memref<80x128xf32, #tpu.memory_space<vmem_shared>>) target_semaphore(%run_scoped3A : memref<!tpu.dma_semaphore, #tpu.memory_space<semaphore_mem>>)
      %dma_wait3A_394 = arith.constant 0 : i32
      %dma_wait3A_395 = tpu.memref_slice %arg21[%add3A_18, %dma_wait3A_394] : memref<10240x128xf32, #tpu.memory_space<vmem_shared>> -> memref<80x128xf32, #tpu.memory_space<vmem_shared>>
      %dma_wait3A_396 = arith.constant 0 : i32
      %dma_wait3A_397 = tpu.memref_slice %arg21[%add3A_18, %dma_wait3A_396] : memref<10240x128xf32, #tpu.memory_space<vmem_shared>> -> memref<80x128xf32, #tpu.memory_space<vmem_shared>>
      tpu.wait_dma2 semaphore(%run_scoped3A : memref<!tpu.dma_semaphore, #tpu.memory_space<semaphore_mem>>) src(%arg18 : memref<80x128xf32, #tpu.memory_space<vmem>>) dst(%dma_wait3A_397 : memref<80x128xf32, #tpu.memory_space<vmem_shared>>)
      tpu.yield
    }) : () -> ()
    %mul3A_19 = arith.constant 640 : i32
    %mul3A_20 = arith.muli %arg1, %mul3A_19 : i32
    %add3A_21 = arith.constant 240 : i32
    %add3A_22 = arith.addi %mul3A_20, %add3A_21 : i32
    "tpu.region"() ({
      %run_scoped3A = tpu.sem_alloc : memref<!tpu.dma_semaphore, #tpu.memory_space<semaphore_mem>>
      %dma_start3A_390 = arith.constant 0 : i32
      %dma_start3A_391 = tpu.memref_slice %arg21[%add3A_22, %dma_start3A_390] : memref<10240x128xf32, #tpu.memory_space<vmem_shared>> -> memref<80x128xf32, #tpu.memory_space<vmem_shared>>
      %dma_start3A_392 = arith.constant 0 : i32
      %dma_start3A_393 = tpu.memref_slice %arg21[%add3A_22, %dma_start3A_392] : memref<10240x128xf32, #tpu.memory_space<vmem_shared>> -> memref<80x128xf32, #tpu.memory_space<vmem_shared>>
      tpu.enqueue_dma source(%arg18 : memref<80x128xf32, #tpu.memory_space<vmem>>) target(%dma_start3A_393 : memref<80x128xf32, #tpu.memory_space<vmem_shared>>) target_semaphore(%run_scoped3A : memref<!tpu.dma_semaphore, #tpu.memory_space<semaphore_mem>>)
      %dma_wait3A_394 = arith.constant 0 : i32
      %dma_wait3A_395 = tpu.memref_slice %arg21[%add3A_22, %dma_wait3A_394] : memref<10240x128xf32, #tpu.memory_space<vmem_shared>> -> memref<80x128xf32, #tpu.memory_space<vmem_shared>>
      %dma_wait3A_396 = arith.constant 0 : i32
      %dma_wait3A_397 = tpu.memref_slice %arg21[%add3A_22, %dma_wait3A_396] : memref<10240x128xf32, #tpu.memory_space<vmem_shared>> -> memref<80x128xf32, #tpu.memory_space<vmem_shared>>
      tpu.wait_dma2 semaphore(%run_scoped3A : memref<!tpu.dma_semaphore, #tpu.memory_space<semaphore_mem>>) src(%arg18 : memref<80x128xf32, #tpu.memory_space<vmem>>) dst(%dma_wait3A_397 : memref<80x128xf32, #tpu.memory_space<vmem_shared>>)
      tpu.yield
    }) : () -> ()
    %mul3A_23 = arith.constant 640 : i32
    %mul3A_24 = arith.muli %arg1, %mul3A_23 : i32
    %add3A_25 = arith.constant 320 : i32
    %add3A_26 = arith.addi %mul3A_24, %add3A_25 : i32
    "tpu.region"() ({
      %run_scoped3A = tpu.sem_alloc : memref<!tpu.dma_semaphore, #tpu.memory_space<semaphore_mem>>
      %dma_start3A_390 = arith.constant 0 : i32
      %dma_start3A_391 = tpu.memref_slice %arg21[%add3A_26, %dma_start3A_390] : memref<10240x128xf32, #tpu.memory_space<vmem_shared>> -> memref<80x128xf32, #tpu.memory_space<vmem_shared>>
      %dma_start3A_392 = arith.constant 0 : i32
      %dma_start3A_393 = tpu.memref_slice %arg21[%add3A_26, %dma_start3A_392] : memref<10240x128xf32, #tpu.memory_space<vmem_shared>> -> memref<80x128xf32, #tpu.memory_space<vmem_shared>>
      tpu.enqueue_dma source(%arg18 : memref<80x128xf32, #tpu.memory_space<vmem>>) target(%dma_start3A_393 : memref<80x128xf32, #tpu.memory_space<vmem_shared>>) target_semaphore(%run_scoped3A : memref<!tpu.dma_semaphore, #tpu.memory_space<semaphore_mem>>)
      %dma_wait3A_394 = arith.constant 0 : i32
      %dma_wait3A_395 = tpu.memref_slice %arg21[%add3A_26, %dma_wait3A_394] : memref<10240x128xf32, #tpu.memory_space<vmem_shared>> -> memref<80x128xf32, #tpu.memory_space<vmem_shared>>
      %dma_wait3A_396 = arith.constant 0 : i32
      %dma_wait3A_397 = tpu.memref_slice %arg21[%add3A_26, %dma_wait3A_396] : memref<10240x128xf32, #tpu.memory_space<vmem_shared>> -> memref<80x128xf32, #tpu.memory_space<vmem_shared>>
      tpu.wait_dma2 semaphore(%run_scoped3A : memref<!tpu.dma_semaphore, #tpu.memory_space<semaphore_mem>>) src(%arg18 : memref<80x128xf32, #tpu.memory_space<vmem>>) dst(%dma_wait3A_397 : memref<80x128xf32, #tpu.memory_space<vmem_shared>>)
      tpu.yield
    }) : () -> ()
    %mul3A_27 = arith.constant 640 : i32
    %mul3A_28 = arith.muli %arg1, %mul3A_27 : i32
    %add3A_29 = arith.constant 400 : i32
    %add3A_30 = arith.addi %mul3A_28, %add3A_29 : i32
    "tpu.region"() ({
      %run_scoped3A = tpu.sem_alloc : memref<!tpu.dma_semaphore, #tpu.memory_space<semaphore_mem>>
      %dma_start3A_390 = arith.constant 0 : i32
      %dma_start3A_391 = tpu.memref_slice %arg21[%add3A_30, %dma_start3A_390] : memref<10240x128xf32, #tpu.memory_space<vmem_shared>> -> memref<80x128xf32, #tpu.memory_space<vmem_shared>>
      %dma_start3A_392 = arith.constant 0 : i32
      %dma_start3A_393 = tpu.memref_slice %arg21[%add3A_30, %dma_start3A_392] : memref<10240x128xf32, #tpu.memory_space<vmem_shared>> -> memref<80x128xf32, #tpu.memory_space<vmem_shared>>
      tpu.enqueue_dma source(%arg18 : memref<80x128xf32, #tpu.memory_space<vmem>>) target(%dma_start3A_393 : memref<80x128xf32, #tpu.memory_space<vmem_shared>>) target_semaphore(%run_scoped3A : memref<!tpu.dma_semaphore, #tpu.memory_space<semaphore_mem>>)
      %dma_wait3A_394 = arith.constant 0 : i32
      %dma_wait3A_395 = tpu.memref_slice %arg21[%add3A_30, %dma_wait3A_394] : memref<10240x128xf32, #tpu.memory_space<vmem_shared>> -> memref<80x128xf32, #tpu.memory_space<vmem_shared>>
      %dma_wait3A_396 = arith.constant 0 : i32
      %dma_wait3A_397 = tpu.memref_slice %arg21[%add3A_30, %dma_wait3A_396] : memref<10240x128xf32, #tpu.memory_space<vmem_shared>> -> memref<80x128xf32, #tpu.memory_space<vmem_shared>>
      tpu.wait_dma2 semaphore(%run_scoped3A : memref<!tpu.dma_semaphore, #tpu.memory_space<semaphore_mem>>) src(%arg18 : memref<80x128xf32, #tpu.memory_space<vmem>>) dst(%dma_wait3A_397 : memref<80x128xf32, #tpu.memory_space<vmem_shared>>)
      tpu.yield
    }) : () -> ()
    %mul3A_31 = arith.constant 640 : i32
    %mul3A_32 = arith.muli %arg1, %mul3A_31 : i32
    %add3A_33 = arith.constant 480 : i32
    %add3A_34 = arith.addi %mul3A_32, %add3A_33 : i32
    "tpu.region"() ({
      %run_scoped3A = tpu.sem_alloc : memref<!tpu.dma_semaphore, #tpu.memory_space<semaphore_mem>>
      %dma_start3A_390 = arith.constant 0 : i32
      %dma_start3A_391 = tpu.memref_slice %arg21[%add3A_34, %dma_start3A_390] : memref<10240x128xf32, #tpu.memory_space<vmem_shared>> -> memref<80x128xf32, #tpu.memory_space<vmem_shared>>
      %dma_start3A_392 = arith.constant 0 : i32
      %dma_start3A_393 = tpu.memref_slice %arg21[%add3A_34, %dma_start3A_392] : memref<10240x128xf32, #tpu.memory_space<vmem_shared>> -> memref<80x128xf32, #tpu.memory_space<vmem_shared>>
      tpu.enqueue_dma source(%arg18 : memref<80x128xf32, #tpu.memory_space<vmem>>) target(%dma_start3A_393 : memref<80x128xf32, #tpu.memory_space<vmem_shared>>) target_semaphore(%run_scoped3A : memref<!tpu.dma_semaphore, #tpu.memory_space<semaphore_mem>>)
      %dma_wait3A_394 = arith.constant 0 : i32
      %dma_wait3A_395 = tpu.memref_slice %arg21[%add3A_34, %dma_wait3A_394] : memref<10240x128xf32, #tpu.memory_space<vmem_shared>> -> memref<80x128xf32, #tpu.memory_space<vmem_shared>>
      %dma_wait3A_396 = arith.constant 0 : i32
      %dma_wait3A_397 = tpu.memref_slice %arg21[%add3A_34, %dma_wait3A_396] : memref<10240x128xf32, #tpu.memory_space<vmem_shared>> -> memref<80x128xf32, #tpu.memory_space<vmem_shared>>
      tpu.wait_dma2 semaphore(%run_scoped3A : memref<!tpu.dma_semaphore, #tpu.memory_space<semaphore_mem>>) src(%arg18 : memref<80x128xf32, #tpu.memory_space<vmem>>) dst(%dma_wait3A_397 : memref<80x128xf32, #tpu.memory_space<vmem_shared>>)
      tpu.yield
    }) : () -> ()
    %mul3A_35 = arith.constant 640 : i32
    %mul3A_36 = arith.muli %arg1, %mul3A_35 : i32
    %add3A_37 = arith.constant 560 : i32
    %add3A_38 = arith.addi %mul3A_36, %add3A_37 : i32
    "tpu.region"() ({
      %run_scoped3A = tpu.sem_alloc : memref<!tpu.dma_semaphore, #tpu.memory_space<semaphore_mem>>
      %dma_start3A_390 = arith.constant 0 : i32
      %dma_start3A_391 = tpu.memref_slice %arg21[%add3A_38, %dma_start3A_390] : memref<10240x128xf32, #tpu.memory_space<vmem_shared>> -> memref<80x128xf32, #tpu.memory_space<vmem_shared>>
      %dma_start3A_392 = arith.constant 0 : i32
      %dma_start3A_393 = tpu.memref_slice %arg21[%add3A_38, %dma_start3A_392] : memref<10240x128xf32, #tpu.memory_space<vmem_shared>> -> memref<80x128xf32, #tpu.memory_space<vmem_shared>>
      tpu.enqueue_dma source(%arg18 : memref<80x128xf32, #tpu.memory_space<vmem>>) target(%dma_start3A_393 : memref<80x128xf32, #tpu.memory_space<vmem_shared>>) target_semaphore(%run_scoped3A : memref<!tpu.dma_semaphore, #tpu.memory_space<semaphore_mem>>)
      %dma_wait3A_394 = arith.constant 0 : i32
      %dma_wait3A_395 = tpu.memref_slice %arg21[%add3A_38, %dma_wait3A_394] : memref<10240x128xf32, #tpu.memory_space<vmem_shared>> -> memref<80x128xf32, #tpu.memory_space<vmem_shared>>
      %dma_wait3A_396 = arith.constant 0 : i32
      %dma_wait3A_397 = tpu.memref_slice %arg21[%add3A_38, %dma_wait3A_396] : memref<10240x128xf32, #tpu.memory_space<vmem_shared>> -> memref<80x128xf32, #tpu.memory_space<vmem_shared>>
      tpu.wait_dma2 semaphore(%run_scoped3A : memref<!tpu.dma_semaphore, #tpu.memory_space<semaphore_mem>>) src(%arg18 : memref<80x128xf32, #tpu.memory_space<vmem>>) dst(%dma_wait3A_397 : memref<80x128xf32, #tpu.memory_space<vmem_shared>>)
      tpu.yield
    }) : () -> ()
    %barrier3A = arith.constant 0 : index
    tpu.barrier barrier_id(%barrier3A)
    %dma_start3A = arith.constant 0 : i32
    %dma_start3A_39 = arith.constant 0 : i32
    %dma_start3A_40 = arith.constant 0 : i32
    %dma_start3A_41 = arith.constant 0 : i32
    %dma_start3A_42 = tpu.memref_slice %arg3[%dma_start3A, %add3A, %dma_start3A_39, %dma_start3A_40, %dma_start3A_41] : memref<2x32x125x1x80xi32, #tpu.memory_space<hbm>> -> memref<1x1x1x1x80xi32, #tpu.memory_space<hbm>>
    %dma_start3A_43 = tpu.memref_squeeze %dma_start3A_42 : memref<1x1x1x1x80xi32, #tpu.memory_space<hbm>> -> memref<1x80xi32, #tpu.memory_space<hbm>>
    %dma_start3A_44 = arith.constant 0 : i32
    %dma_start3A_45 = arith.constant 0 : i32
    %dma_start3A_46 = tpu.memref_slice %arg3[%dma_start3A, %add3A, %dma_start3A_39, %dma_start3A_44, %dma_start3A_45] : memref<2x32x125x1x80xi32, #tpu.memory_space<hbm>> -> memref<1x1x1x1x80xi32, #tpu.memory_space<hbm>>
    %dma_start3A_47 = tpu.memref_squeeze %dma_start3A_46 : memref<1x1x1x1x80xi32, #tpu.memory_space<hbm>> -> memref<1x80xi32, #tpu.memory_space<hbm>>
    tpu.enqueue_dma source(%dma_start3A_47 : memref<1x80xi32, #tpu.memory_space<hbm>>) target(%arg6 : memref<1x80xi32, #tpu.memory_space<vmem>>) target_semaphore(%arg22 : memref<!tpu.dma_semaphore, #tpu.memory_space<semaphore_mem>>)
    %dma_start3A_48 = arith.constant 1 : i32
    %dma_start3A_49 = arith.constant 0 : i32
    %dma_start3A_50 = arith.constant 0 : i32
    %dma_start3A_51 = arith.constant 0 : i32
    %dma_start3A_52 = tpu.memref_slice %arg3[%dma_start3A_48, %add3A, %dma_start3A_49, %dma_start3A_50, %dma_start3A_51] : memref<2x32x125x1x80xi32, #tpu.memory_space<hbm>> -> memref<1x1x1x1x80xi32, #tpu.memory_space<hbm>>
    %dma_start3A_53 = tpu.memref_squeeze %dma_start3A_52 : memref<1x1x1x1x80xi32, #tpu.memory_space<hbm>> -> memref<1x80xi32, #tpu.memory_space<hbm>>
    %dma_start3A_54 = arith.constant 0 : i32
    %dma_start3A_55 = arith.constant 0 : i32
    %dma_start3A_56 = tpu.memref_slice %arg3[%dma_start3A_48, %add3A, %dma_start3A_49, %dma_start3A_54, %dma_start3A_55] : memref<2x32x125x1x80xi32, #tpu.memory_space<hbm>> -> memref<1x1x1x1x80xi32, #tpu.memory_space<hbm>>
    %dma_start3A_57 = tpu.memref_squeeze %dma_start3A_56 : memref<1x1x1x1x80xi32, #tpu.memory_space<hbm>> -> memref<1x80xi32, #tpu.memory_space<hbm>>
    tpu.enqueue_dma source(%dma_start3A_57 : memref<1x80xi32, #tpu.memory_space<hbm>>) target(%arg9 : memref<1x80xi32, #tpu.memory_space<vmem>>) target_semaphore(%arg22 : memref<!tpu.dma_semaphore, #tpu.memory_space<semaphore_mem>>)
    %dma_start3A_58 = arith.constant 0 : i32
    %dma_start3A_59 = arith.constant 0 : i32
    %dma_start3A_60 = tpu.memref_slice %arg4[%add3A, %dma_start3A_58, %dma_start3A_59] : memref<32x125x80xf32, #tpu.memory_space<hbm>> -> memref<1x1x80xf32, #tpu.memory_space<hbm>>
    %dma_start3A_61 = tpu.memref_squeeze %dma_start3A_60 : memref<1x1x80xf32, #tpu.memory_space<hbm>> -> memref<80xf32, #tpu.memory_space<hbm>>
    %dma_start3A_62 = arith.constant 0 : i32
    %dma_start3A_63 = tpu.memref_slice %arg4[%add3A, %dma_start3A_58, %dma_start3A_62] : memref<32x125x80xf32, #tpu.memory_space<hbm>> -> memref<1x1x80xf32, #tpu.memory_space<hbm>>
    %dma_start3A_64 = tpu.memref_squeeze %dma_start3A_63 : memref<1x1x80xf32, #tpu.memory_space<hbm>> -> memref<80xf32, #tpu.memory_space<hbm>>
    tpu.enqueue_dma source(%dma_start3A_64 : memref<80xf32, #tpu.memory_space<hbm>>) target(%arg15 : memref<80xf32, #tpu.memory_space<vmem>>) target_semaphore(%arg22 : memref<!tpu.dma_semaphore, #tpu.memory_space<semaphore_mem>>)
    %dma_start3A_65 = arith.constant 0 : i32
    %dma_start3A_66 = arith.constant 1 : i32
    %dma_start3A_67 = arith.constant 0 : i32
    %dma_start3A_68 = arith.constant 0 : i32
    %dma_start3A_69 = tpu.memref_slice %arg3[%dma_start3A_65, %add3A, %dma_start3A_66, %dma_start3A_67, %dma_start3A_68] : memref<2x32x125x1x80xi32, #tpu.memory_space<hbm>> -> memref<1x1x1x1x80xi32, #tpu.memory_space<hbm>>
    %dma_start3A_70 = tpu.memref_squeeze %dma_start3A_69 : memref<1x1x1x1x80xi32, #tpu.memory_space<hbm>> -> memref<1x80xi32, #tpu.memory_space<hbm>>
    %dma_start3A_71 = arith.constant 0 : i32
    %dma_start3A_72 = arith.constant 0 : i32
    %dma_start3A_73 = tpu.memref_slice %arg3[%dma_start3A_65, %add3A, %dma_start3A_66, %dma_start3A_71, %dma_start3A_72] : memref<2x32x125x1x80xi32, #tpu.memory_space<hbm>> -> memref<1x1x1x1x80xi32, #tpu.memory_space<hbm>>
    %dma_start3A_74 = tpu.memref_squeeze %dma_start3A_73 : memref<1x1x1x1x80xi32, #tpu.memory_space<hbm>> -> memref<1x80xi32, #tpu.memory_space<hbm>>
    tpu.enqueue_dma source(%dma_start3A_74 : memref<1x80xi32, #tpu.memory_space<hbm>>) target(%arg7 : memref<1x80xi32, #tpu.memory_space<vmem>>) target_semaphore(%arg23 : memref<!tpu.dma_semaphore, #tpu.memory_space<semaphore_mem>>)
    %dma_start3A_75 = arith.constant 1 : i32
    %dma_start3A_76 = arith.constant 1 : i32
    %dma_start3A_77 = arith.constant 0 : i32
    %dma_start3A_78 = arith.constant 0 : i32
    %dma_start3A_79 = tpu.memref_slice %arg3[%dma_start3A_75, %add3A, %dma_start3A_76, %dma_start3A_77, %dma_start3A_78] : memref<2x32x125x1x80xi32, #tpu.memory_space<hbm>> -> memref<1x1x1x1x80xi32, #tpu.memory_space<hbm>>
    %dma_start3A_80 = tpu.memref_squeeze %dma_start3A_79 : memref<1x1x1x1x80xi32, #tpu.memory_space<hbm>> -> memref<1x80xi32, #tpu.memory_space<hbm>>
    %dma_start3A_81 = arith.constant 0 : i32
    %dma_start3A_82 = arith.constant 0 : i32
    %dma_start3A_83 = tpu.memref_slice %arg3[%dma_start3A_75, %add3A, %dma_start3A_76, %dma_start3A_81, %dma_start3A_82] : memref<2x32x125x1x80xi32, #tpu.memory_space<hbm>> -> memref<1x1x1x1x80xi32, #tpu.memory_space<hbm>>
    %dma_start3A_84 = tpu.memref_squeeze %dma_start3A_83 : memref<1x1x1x1x80xi32, #tpu.memory_space<hbm>> -> memref<1x80xi32, #tpu.memory_space<hbm>>
    tpu.enqueue_dma source(%dma_start3A_84 : memref<1x80xi32, #tpu.memory_space<hbm>>) target(%arg10 : memref<1x80xi32, #tpu.memory_space<vmem>>) target_semaphore(%arg23 : memref<!tpu.dma_semaphore, #tpu.memory_space<semaphore_mem>>)
    %dma_start3A_85 = arith.constant 1 : i32
    %dma_start3A_86 = arith.constant 0 : i32
    %dma_start3A_87 = tpu.memref_slice %arg4[%add3A, %dma_start3A_85, %dma_start3A_86] : memref<32x125x80xf32, #tpu.memory_space<hbm>> -> memref<1x1x80xf32, #tpu.memory_space<hbm>>
    %dma_start3A_88 = tpu.memref_squeeze %dma_start3A_87 : memref<1x1x80xf32, #tpu.memory_space<hbm>> -> memref<80xf32, #tpu.memory_space<hbm>>
    %dma_start3A_89 = arith.constant 0 : i32
    %dma_start3A_90 = tpu.memref_slice %arg4[%add3A, %dma_start3A_85, %dma_start3A_89] : memref<32x125x80xf32, #tpu.memory_space<hbm>> -> memref<1x1x80xf32, #tpu.memory_space<hbm>>
    %dma_start3A_91 = tpu.memref_squeeze %dma_start3A_90 : memref<1x1x80xf32, #tpu.memory_space<hbm>> -> memref<80xf32, #tpu.memory_space<hbm>>
    tpu.enqueue_dma source(%dma_start3A_91 : memref<80xf32, #tpu.memory_space<hbm>>) target(%arg16 : memref<80xf32, #tpu.memory_space<vmem>>) target_semaphore(%arg23 : memref<!tpu.dma_semaphore, #tpu.memory_space<semaphore_mem>>)
    %dma_start3A_92 = arith.constant 0 : i32
    %dma_start3A_93 = arith.constant 2 : i32
    %dma_start3A_94 = arith.constant 0 : i32
    %dma_start3A_95 = arith.constant 0 : i32
    %dma_start3A_96 = tpu.memref_slice %arg3[%dma_start3A_92, %add3A, %dma_start3A_93, %dma_start3A_94, %dma_start3A_95] : memref<2x32x125x1x80xi32, #tpu.memory_space<hbm>> -> memref<1x1x1x1x80xi32, #tpu.memory_space<hbm>>
    %dma_start3A_97 = tpu.memref_squeeze %dma_start3A_96 : memref<1x1x1x1x80xi32, #tpu.memory_space<hbm>> -> memref<1x80xi32, #tpu.memory_space<hbm>>
    %dma_start3A_98 = arith.constant 0 : i32
    %dma_start3A_99 = arith.constant 0 : i32
    %dma_start3A_100 = tpu.memref_slice %arg3[%dma_start3A_92, %add3A, %dma_start3A_93, %dma_start3A_98, %dma_start3A_99] : memref<2x32x125x1x80xi32, #tpu.memory_space<hbm>> -> memref<1x1x1x1x80xi32, #tpu.memory_space<hbm>>
    %dma_start3A_101 = tpu.memref_squeeze %dma_start3A_100 : memref<1x1x1x1x80xi32, #tpu.memory_space<hbm>> -> memref<1x80xi32, #tpu.memory_space<hbm>>
    tpu.enqueue_dma source(%dma_start3A_101 : memref<1x80xi32, #tpu.memory_space<hbm>>) target(%arg8 : memref<1x80xi32, #tpu.memory_space<vmem>>) target_semaphore(%arg24 : memref<!tpu.dma_semaphore, #tpu.memory_space<semaphore_mem>>)
    %dma_start3A_102 = arith.constant 1 : i32
    %dma_start3A_103 = arith.constant 2 : i32
    %dma_start3A_104 = arith.constant 0 : i32
    %dma_start3A_105 = arith.constant 0 : i32
    %dma_start3A_106 = tpu.memref_slice %arg3[%dma_start3A_102, %add3A, %dma_start3A_103, %dma_start3A_104, %dma_start3A_105] : memref<2x32x125x1x80xi32, #tpu.memory_space<hbm>> -> memref<1x1x1x1x80xi32, #tpu.memory_space<hbm>>
    %dma_start3A_107 = tpu.memref_squeeze %dma_start3A_106 : memref<1x1x1x1x80xi32, #tpu.memory_space<hbm>> -> memref<1x80xi32, #tpu.memory_space<hbm>>
    %dma_start3A_108 = arith.constant 0 : i32
    %dma_start3A_109 = arith.constant 0 : i32
    %dma_start3A_110 = tpu.memref_slice %arg3[%dma_start3A_102, %add3A, %dma_start3A_103, %dma_start3A_108, %dma_start3A_109] : memref<2x32x125x1x80xi32, #tpu.memory_space<hbm>> -> memref<1x1x1x1x80xi32, #tpu.memory_space<hbm>>
    %dma_start3A_111 = tpu.memref_squeeze %dma_start3A_110 : memref<1x1x1x1x80xi32, #tpu.memory_space<hbm>> -> memref<1x80xi32, #tpu.memory_space<hbm>>
    tpu.enqueue_dma source(%dma_start3A_111 : memref<1x80xi32, #tpu.memory_space<hbm>>) target(%arg11 : memref<1x80xi32, #tpu.memory_space<vmem>>) target_semaphore(%arg24 : memref<!tpu.dma_semaphore, #tpu.memory_space<semaphore_mem>>)
    %dma_start3A_112 = arith.constant 2 : i32
    %dma_start3A_113 = arith.constant 0 : i32
    %dma_start3A_114 = tpu.memref_slice %arg4[%add3A, %dma_start3A_112, %dma_start3A_113] : memref<32x125x80xf32, #tpu.memory_space<hbm>> -> memref<1x1x80xf32, #tpu.memory_space<hbm>>
    %dma_start3A_115 = tpu.memref_squeeze %dma_start3A_114 : memref<1x1x80xf32, #tpu.memory_space<hbm>> -> memref<80xf32, #tpu.memory_space<hbm>>
    %dma_start3A_116 = arith.constant 0 : i32
    %dma_start3A_117 = tpu.memref_slice %arg4[%add3A, %dma_start3A_112, %dma_start3A_116] : memref<32x125x80xf32, #tpu.memory_space<hbm>> -> memref<1x1x80xf32, #tpu.memory_space<hbm>>
    %dma_start3A_118 = tpu.memref_squeeze %dma_start3A_117 : memref<1x1x80xf32, #tpu.memory_space<hbm>> -> memref<80xf32, #tpu.memory_space<hbm>>
    tpu.enqueue_dma source(%dma_start3A_118 : memref<80xf32, #tpu.memory_space<hbm>>) target(%arg17 : memref<80xf32, #tpu.memory_space<vmem>>) target_semaphore(%arg24 : memref<!tpu.dma_semaphore, #tpu.memory_space<semaphore_mem>>)
    %dma_wait3A = arith.constant 0 : i32
    %dma_wait3A_119 = arith.constant 0 : i32
    %dma_wait3A_120 = arith.constant 0 : i32
    %dma_wait3A_121 = arith.constant 0 : i32
    %dma_wait3A_122 = tpu.memref_slice %arg3[%dma_wait3A, %add3A, %dma_wait3A_119, %dma_wait3A_120, %dma_wait3A_121] : memref<2x32x125x1x80xi32, #tpu.memory_space<hbm>> -> memref<1x1x1x1x80xi32, #tpu.memory_space<hbm>>
    %dma_wait3A_123 = tpu.memref_squeeze %dma_wait3A_122 : memref<1x1x1x1x80xi32, #tpu.memory_space<hbm>> -> memref<1x80xi32, #tpu.memory_space<hbm>>
    %dma_wait3A_124 = arith.constant 0 : i32
    %dma_wait3A_125 = arith.constant 0 : i32
    %dma_wait3A_126 = tpu.memref_slice %arg3[%dma_wait3A, %add3A, %dma_wait3A_119, %dma_wait3A_124, %dma_wait3A_125] : memref<2x32x125x1x80xi32, #tpu.memory_space<hbm>> -> memref<1x1x1x1x80xi32, #tpu.memory_space<hbm>>
    %dma_wait3A_127 = tpu.memref_squeeze %dma_wait3A_126 : memref<1x1x1x1x80xi32, #tpu.memory_space<hbm>> -> memref<1x80xi32, #tpu.memory_space<hbm>>
    tpu.wait_dma2 semaphore(%arg22 : memref<!tpu.dma_semaphore, #tpu.memory_space<semaphore_mem>>) src(%dma_wait3A_127 : memref<1x80xi32, #tpu.memory_space<hbm>>) dst(%arg6 : memref<1x80xi32, #tpu.memory_space<vmem>>)
    %dma_wait3A_128 = arith.constant 1 : i32
    %dma_wait3A_129 = arith.constant 0 : i32
    %dma_wait3A_130 = arith.constant 0 : i32
    %dma_wait3A_131 = arith.constant 0 : i32
    %dma_wait3A_132 = tpu.memref_slice %arg3[%dma_wait3A_128, %add3A, %dma_wait3A_129, %dma_wait3A_130, %dma_wait3A_131] : memref<2x32x125x1x80xi32, #tpu.memory_space<hbm>> -> memref<1x1x1x1x80xi32, #tpu.memory_space<hbm>>
    %dma_wait3A_133 = tpu.memref_squeeze %dma_wait3A_132 : memref<1x1x1x1x80xi32, #tpu.memory_space<hbm>> -> memref<1x80xi32, #tpu.memory_space<hbm>>
    %dma_wait3A_134 = arith.constant 0 : i32
    %dma_wait3A_135 = arith.constant 0 : i32
    %dma_wait3A_136 = tpu.memref_slice %arg3[%dma_wait3A_128, %add3A, %dma_wait3A_129, %dma_wait3A_134, %dma_wait3A_135] : memref<2x32x125x1x80xi32, #tpu.memory_space<hbm>> -> memref<1x1x1x1x80xi32, #tpu.memory_space<hbm>>
    %dma_wait3A_137 = tpu.memref_squeeze %dma_wait3A_136 : memref<1x1x1x1x80xi32, #tpu.memory_space<hbm>> -> memref<1x80xi32, #tpu.memory_space<hbm>>
    tpu.wait_dma2 semaphore(%arg22 : memref<!tpu.dma_semaphore, #tpu.memory_space<semaphore_mem>>) src(%dma_wait3A_137 : memref<1x80xi32, #tpu.memory_space<hbm>>) dst(%arg9 : memref<1x80xi32, #tpu.memory_space<vmem>>)
    %dma_wait3A_138 = arith.constant 0 : i32
    %dma_wait3A_139 = arith.constant 0 : i32
    %dma_wait3A_140 = tpu.memref_slice %arg4[%add3A, %dma_wait3A_138, %dma_wait3A_139] : memref<32x125x80xf32, #tpu.memory_space<hbm>> -> memref<1x1x80xf32, #tpu.memory_space<hbm>>
    %dma_wait3A_141 = tpu.memref_squeeze %dma_wait3A_140 : memref<1x1x80xf32, #tpu.memory_space<hbm>> -> memref<80xf32, #tpu.memory_space<hbm>>
    %dma_wait3A_142 = arith.constant 0 : i32
    %dma_wait3A_143 = tpu.memref_slice %arg4[%add3A, %dma_wait3A_138, %dma_wait3A_142] : memref<32x125x80xf32, #tpu.memory_space<hbm>> -> memref<1x1x80xf32, #tpu.memory_space<hbm>>
    %dma_wait3A_144 = tpu.memref_squeeze %dma_wait3A_143 : memref<1x1x80xf32, #tpu.memory_space<hbm>> -> memref<80xf32, #tpu.memory_space<hbm>>
    tpu.wait_dma2 semaphore(%arg22 : memref<!tpu.dma_semaphore, #tpu.memory_space<semaphore_mem>>) src(%dma_wait3A_144 : memref<80xf32, #tpu.memory_space<hbm>>) dst(%arg15 : memref<80xf32, #tpu.memory_space<vmem>>)
    %dma_start3A_145 = arith.constant 0 : i32
    %dma_start3A_146 = arith.constant 0 : i32
    %dma_start3A_147 = tpu.memref_slice %arg6[%dma_start3A_145, %dma_start3A_146] : memref<1x80xi32, #tpu.memory_space<vmem>> -> memref<1x80xi32, #tpu.memory_space<vmem>>
    %dma_start3A_148 = tpu.memref_squeeze %dma_start3A_147 : memref<1x80xi32, #tpu.memory_space<vmem>> -> memref<80xi32, #tpu.memory_space<vmem>>
    %dma_start3A_149 = arith.constant 0 : i32
    %dma_start3A_150 = arith.constant 0 : i32
    %dma_start3A_151 = tpu.memref_slice %arg2[%dma_start3A_149, %dma_start3A_150] : memref<10000x128xf32, #tpu.memory_space<hbm>> -> memref<10000x128xf32, #tpu.memory_space<hbm>>
    tpu.enqueue_indirect_dma source(%dma_start3A_151 : memref<10000x128xf32, #tpu.memory_space<hbm>>) target(%arg18 : memref<80x128xf32, #tpu.memory_space<vmem>>) offsets(%dma_start3A_148 : memref<80xi32, #tpu.memory_space<vmem>>) semaphore(%arg25 : memref<!tpu.dma_semaphore, #tpu.memory_space<semaphore_mem>>)
    %dma_wait3A_152 = arith.constant 0 : i32
    %dma_wait3A_153 = arith.constant 1 : i32
    %dma_wait3A_154 = arith.constant 0 : i32
    %dma_wait3A_155 = arith.constant 0 : i32
    %dma_wait3A_156 = tpu.memref_slice %arg3[%dma_wait3A_152, %add3A, %dma_wait3A_153, %dma_wait3A_154, %dma_wait3A_155] : memref<2x32x125x1x80xi32, #tpu.memory_space<hbm>> -> memref<1x1x1x1x80xi32, #tpu.memory_space<hbm>>
    %dma_wait3A_157 = tpu.memref_squeeze %dma_wait3A_156 : memref<1x1x1x1x80xi32, #tpu.memory_space<hbm>> -> memref<1x80xi32, #tpu.memory_space<hbm>>
    %dma_wait3A_158 = arith.constant 0 : i32
    %dma_wait3A_159 = arith.constant 0 : i32
    %dma_wait3A_160 = tpu.memref_slice %arg3[%dma_wait3A_152, %add3A, %dma_wait3A_153, %dma_wait3A_158, %dma_wait3A_159] : memref<2x32x125x1x80xi32, #tpu.memory_space<hbm>> -> memref<1x1x1x1x80xi32, #tpu.memory_space<hbm>>
    %dma_wait3A_161 = tpu.memref_squeeze %dma_wait3A_160 : memref<1x1x1x1x80xi32, #tpu.memory_space<hbm>> -> memref<1x80xi32, #tpu.memory_space<hbm>>
    tpu.wait_dma2 semaphore(%arg23 : memref<!tpu.dma_semaphore, #tpu.memory_space<semaphore_mem>>) src(%dma_wait3A_161 : memref<1x80xi32, #tpu.memory_space<hbm>>) dst(%arg7 : memref<1x80xi32, #tpu.memory_space<vmem>>)
    %dma_wait3A_162 = arith.constant 1 : i32
    %dma_wait3A_163 = arith.constant 1 : i32
    %dma_wait3A_164 = arith.constant 0 : i32
    %dma_wait3A_165 = arith.constant 0 : i32
    %dma_wait3A_166 = tpu.memref_slice %arg3[%dma_wait3A_162, %add3A, %dma_wait3A_163, %dma_wait3A_164, %dma_wait3A_165] : memref<2x32x125x1x80xi32, #tpu.memory_space<hbm>> -> memref<1x1x1x1x80xi32, #tpu.memory_space<hbm>>
    %dma_wait3A_167 = tpu.memref_squeeze %dma_wait3A_166 : memref<1x1x1x1x80xi32, #tpu.memory_space<hbm>> -> memref<1x80xi32, #tpu.memory_space<hbm>>
    %dma_wait3A_168 = arith.constant 0 : i32
    %dma_wait3A_169 = arith.constant 0 : i32
    %dma_wait3A_170 = tpu.memref_slice %arg3[%dma_wait3A_162, %add3A, %dma_wait3A_163, %dma_wait3A_168, %dma_wait3A_169] : memref<2x32x125x1x80xi32, #tpu.memory_space<hbm>> -> memref<1x1x1x1x80xi32, #tpu.memory_space<hbm>>
    %dma_wait3A_171 = tpu.memref_squeeze %dma_wait3A_170 : memref<1x1x1x1x80xi32, #tpu.memory_space<hbm>> -> memref<1x80xi32, #tpu.memory_space<hbm>>
    tpu.wait_dma2 semaphore(%arg23 : memref<!tpu.dma_semaphore, #tpu.memory_space<semaphore_mem>>) src(%dma_wait3A_171 : memref<1x80xi32, #tpu.memory_space<hbm>>) dst(%arg10 : memref<1x80xi32, #tpu.memory_space<vmem>>)
    %dma_wait3A_172 = arith.constant 1 : i32
    %dma_wait3A_173 = arith.constant 0 : i32
    %dma_wait3A_174 = tpu.memref_slice %arg4[%add3A, %dma_wait3A_172, %dma_wait3A_173] : memref<32x125x80xf32, #tpu.memory_space<hbm>> -> memref<1x1x80xf32, #tpu.memory_space<hbm>>
    %dma_wait3A_175 = tpu.memref_squeeze %dma_wait3A_174 : memref<1x1x80xf32, #tpu.memory_space<hbm>> -> memref<80xf32, #tpu.memory_space<hbm>>
    %dma_wait3A_176 = arith.constant 0 : i32
    %dma_wait3A_177 = tpu.memref_slice %arg4[%add3A, %dma_wait3A_172, %dma_wait3A_176] : memref<32x125x80xf32, #tpu.memory_space<hbm>> -> memref<1x1x80xf32, #tpu.memory_space<hbm>>
    %dma_wait3A_178 = tpu.memref_squeeze %dma_wait3A_177 : memref<1x1x80xf32, #tpu.memory_space<hbm>> -> memref<80xf32, #tpu.memory_space<hbm>>
    tpu.wait_dma2 semaphore(%arg23 : memref<!tpu.dma_semaphore, #tpu.memory_space<semaphore_mem>>) src(%dma_wait3A_178 : memref<80xf32, #tpu.memory_space<hbm>>) dst(%arg16 : memref<80xf32, #tpu.memory_space<vmem>>)
    %dma_start3A_179 = arith.constant 0 : i32
    %dma_start3A_180 = arith.constant 0 : i32
    %dma_start3A_181 = tpu.memref_slice %arg7[%dma_start3A_179, %dma_start3A_180] : memref<1x80xi32, #tpu.memory_space<vmem>> -> memref<1x80xi32, #tpu.memory_space<vmem>>
    %dma_start3A_182 = tpu.memref_squeeze %dma_start3A_181 : memref<1x80xi32, #tpu.memory_space<vmem>> -> memref<80xi32, #tpu.memory_space<vmem>>
    %dma_start3A_183 = arith.constant 0 : i32
    %dma_start3A_184 = arith.constant 0 : i32
    %dma_start3A_185 = tpu.memref_slice %arg2[%dma_start3A_183, %dma_start3A_184] : memref<10000x128xf32, #tpu.memory_space<hbm>> -> memref<10000x128xf32, #tpu.memory_space<hbm>>
    tpu.enqueue_indirect_dma source(%dma_start3A_185 : memref<10000x128xf32, #tpu.memory_space<hbm>>) target(%arg19 : memref<80x128xf32, #tpu.memory_space<vmem>>) offsets(%dma_start3A_182 : memref<80xi32, #tpu.memory_space<vmem>>) semaphore(%arg26 : memref<!tpu.dma_semaphore, #tpu.memory_space<semaphore_mem>>)
    %dma_wait3A_186 = arith.constant 0 : i32
    %dma_wait3A_187 = arith.constant 0 : i32
    %dma_wait3A_188 = tpu.memref_slice %arg6[%dma_wait3A_186, %dma_wait3A_187] : memref<1x80xi32, #tpu.memory_space<vmem>> -> memref<1x80xi32, #tpu.memory_space<vmem>>
    %dma_wait3A_189 = tpu.memref_squeeze %dma_wait3A_188 : memref<1x80xi32, #tpu.memory_space<vmem>> -> memref<80xi32, #tpu.memory_space<vmem>>
    %dma_wait3A_190 = arith.constant 0 : i32
    %dma_wait3A_191 = arith.constant 0 : i32
    %dma_wait3A_192 = tpu.memref_slice %arg2[%dma_wait3A_190, %dma_wait3A_191] : memref<10000x128xf32, #tpu.memory_space<hbm>> -> memref<10000x128xf32, #tpu.memory_space<hbm>>
    tpu.wait_indirect_dma semaphore(%arg25 : memref<!tpu.dma_semaphore, #tpu.memory_space<semaphore_mem>>) src(%dma_wait3A_192 : memref<10000x128xf32, #tpu.memory_space<hbm>>) dst(%arg18 : memref<80x128xf32, #tpu.memory_space<vmem>>)
    %scan3A_193 = arith.constant 0 : i32
    %scan3A_194 = arith.constant 0 : i32
    %scan3A_195 = arith.constant 20 : i32
    %scan3A_196 = arith.addi %scan3A_194, %scan3A_195 : i32
    %scan3A_197 = arith.constant 1 : i32
    scf.for %scan3A_390 = %scan3A_194 to %scan3A_196 step %scan3A_197  : i32 {
      %mul3A_391 = arith.constant 4 : i32
      %mul3A_392 = arith.muli %scan3A_390, %mul3A_391 : i32
      %add3A_393 = arith.constant 0 : i32
      %add3A_394 = arith.addi %mul3A_392, %add3A_393 : i32
      %broadcast_in_dim3A_395 = vector.broadcast %add3A_394 : i32 to vector<16xi32>
      %gather3A = tpu.vector_load_idx %arg15[%broadcast_in_dim3A_395] : memref<80xf32, #tpu.memory_space<vmem>>[vector<16xi32>], vector<16xf32>,
      %get3A_396 = arith.index_cast %add3A_394 : i32 to index
      %get3A_397 = arith.constant 0 : index
      %get3A_398 = tpu.vector_load %arg18[%get3A_396, %get3A_397] {strides = array<i32>} : memref<80x128xf32, #tpu.memory_space<vmem>>, vector<16xf32>,
      %mul3A_399 = arith.mulf %get3A_398, %gather3A : vector<16xf32>
      %swap3A_400 = arith.index_cast %add3A_394 : i32 to index
      %swap3A_401 = arith.constant 0 : index
      %swap3A_402 = tpu.vector_load %arg18[%swap3A_400, %swap3A_401] {strides = array<i32>} : memref<80x128xf32, #tpu.memory_space<vmem>>, vector<16xf32>,
      tpu.vector_store %arg18[%swap3A_400, %swap3A_401], %mul3A_399 {strides = array<i32>} : memref<80x128xf32, #tpu.memory_space<vmem>>, vector<16xf32>,
      %get3A_403 = arith.index_cast %add3A_394 : i32 to index
      %get3A_404 = arith.constant 16 : index
      %get3A_405 = tpu.vector_load %arg18[%get3A_403, %get3A_404] {strides = array<i32>} : memref<80x128xf32, #tpu.memory_space<vmem>>, vector<16xf32>,
      %mul3A_406 = arith.mulf %get3A_405, %gather3A : vector<16xf32>
      %swap3A_407 = arith.index_cast %add3A_394 : i32 to index
      %swap3A_408 = arith.constant 16 : index
      %swap3A_409 = tpu.vector_load %arg18[%swap3A_407, %swap3A_408] {strides = array<i32>} : memref<80x128xf32, #tpu.memory_space<vmem>>, vector<16xf32>,
      tpu.vector_store %arg18[%swap3A_407, %swap3A_408], %mul3A_406 {strides = array<i32>} : memref<80x128xf32, #tpu.memory_space<vmem>>, vector<16xf32>,
      %get3A_410 = arith.index_cast %add3A_394 : i32 to index
      %get3A_411 = arith.constant 32 : index
      %get3A_412 = tpu.vector_load %arg18[%get3A_410, %get3A_411] {strides = array<i32>} : memref<80x128xf32, #tpu.memory_space<vmem>>, vector<16xf32>,
      %mul3A_413 = arith.mulf %get3A_412, %gather3A : vector<16xf32>
      %swap3A_414 = arith.index_cast %add3A_394 : i32 to index
      %swap3A_415 = arith.constant 32 : index
      %swap3A_416 = tpu.vector_load %arg18[%swap3A_414, %swap3A_415] {strides = array<i32>} : memref<80x128xf32, #tpu.memory_space<vmem>>, vector<16xf32>,
      tpu.vector_store %arg18[%swap3A_414, %swap3A_415], %mul3A_413 {strides = array<i32>} : memref<80x128xf32, #tpu.memory_space<vmem>>, vector<16xf32>,
      %get3A_417 = arith.index_cast %add3A_394 : i32 to index
      %get3A_418 = arith.constant 48 : index
      %get3A_419 = tpu.vector_load %arg18[%get3A_417, %get3A_418] {strides = array<i32>} : memref<80x128xf32, #tpu.memory_space<vmem>>, vector<16xf32>,
      %mul3A_420 = arith.mulf %get3A_419, %gather3A : vector<16xf32>
      %swap3A_421 = arith.index_cast %add3A_394 : i32 to index
      %swap3A_422 = arith.constant 48 : index
      %swap3A_423 = tpu.vector_load %arg18[%swap3A_421, %swap3A_422] {strides = array<i32>} : memref<80x128xf32, #tpu.memory_space<vmem>>, vector<16xf32>,
      tpu.vector_store %arg18[%swap3A_421, %swap3A_422], %mul3A_420 {strides = array<i32>} : memref<80x128xf32, #tpu.memory_space<vmem>>, vector<16xf32>,
      %get3A_424 = arith.index_cast %add3A_394 : i32 to index
      %get3A_425 = arith.constant 64 : index
      %get3A_426 = tpu.vector_load %arg18[%get3A_424, %get3A_425] {strides = array<i32>} : memref<80x128xf32, #tpu.memory_space<vmem>>, vector<16xf32>,
      %mul3A_427 = arith.mulf %get3A_426, %gather3A : vector<16xf32>
      %swap3A_428 = arith.index_cast %add3A_394 : i32 to index
      %swap3A_429 = arith.constant 64 : index
      %swap3A_430 = tpu.vector_load %arg18[%swap3A_428, %swap3A_429] {strides = array<i32>} : memref<80x128xf32, #tpu.memory_space<vmem>>, vector<16xf32>,
      tpu.vector_store %arg18[%swap3A_428, %swap3A_429], %mul3A_427 {strides = array<i32>} : memref<80x128xf32, #tpu.memory_space<vmem>>, vector<16xf32>,
      %get3A_431 = arith.index_cast %add3A_394 : i32 to index
      %get3A_432 = arith.constant 80 : index
      %get3A_433 = tpu.vector_load %arg18[%get3A_431, %get3A_432] {strides = array<i32>} : memref<80x128xf32, #tpu.memory_space<vmem>>, vector<16xf32>,
      %mul3A_434 = arith.mulf %get3A_433, %gather3A : vector<16xf32>
      %swap3A_435 = arith.index_cast %add3A_394 : i32 to index
      %swap3A_436 = arith.constant 80 : index
      %swap3A_437 = tpu.vector_load %arg18[%swap3A_435, %swap3A_436] {strides = array<i32>} : memref<80x128xf32, #tpu.memory_space<vmem>>, vector<16xf32>,
      tpu.vector_store %arg18[%swap3A_435, %swap3A_436], %mul3A_434 {strides = array<i32>} : memref<80x128xf32, #tpu.memory_space<vmem>>, vector<16xf32>,
      %get3A_438 = arith.index_cast %add3A_394 : i32 to index
      %get3A_439 = arith.constant 96 : index
      %get3A_440 = tpu.vector_load %arg18[%get3A_438, %get3A_439] {strides = array<i32>} : memref<80x128xf32, #tpu.memory_space<vmem>>, vector<16xf32>,
      %mul3A_441 = arith.mulf %get3A_440, %gather3A : vector<16xf32>
      %swap3A_442 = arith.index_cast %add3A_394 : i32 to index
      %swap3A_443 = arith.constant 96 : index
      %swap3A_444 = tpu.vector_load %arg18[%swap3A_442, %swap3A_443] {strides = array<i32>} : memref<80x128xf32, #tpu.memory_space<vmem>>, vector<16xf32>,
      tpu.vector_store %arg18[%swap3A_442, %swap3A_443], %mul3A_441 {strides = array<i32>} : memref<80x128xf32, #tpu.memory_space<vmem>>, vector<16xf32>,
      %get3A_445 = arith.index_cast %add3A_394 : i32 to index
      %get3A_446 = arith.constant 112 : index
      %get3A_447 = tpu.vector_load %arg18[%get3A_445, %get3A_446] {strides = array<i32>} : memref<80x128xf32, #tpu.memory_space<vmem>>, vector<16xf32>,
      %mul3A_448 = arith.mulf %get3A_447, %gather3A : vector<16xf32>
      %swap3A_449 = arith.index_cast %add3A_394 : i32 to index
      %swap3A_450 = arith.constant 112 : index
      %swap3A_451 = tpu.vector_load %arg18[%swap3A_449, %swap3A_450] {strides = array<i32>} : memref<80x128xf32, #tpu.memory_space<vmem>>, vector<16xf32>,
      tpu.vector_store %arg18[%swap3A_449, %swap3A_450], %mul3A_448 {strides = array<i32>} : memref<80x128xf32, #tpu.memory_space<vmem>>, vector<16xf32>,
      %add3A_452 = arith.constant 1 : i32
      %add3A_453 = arith.addi %mul3A_392, %add3A_452 : i32
      %broadcast_in_dim3A_454 = vector.broadcast %add3A_453 : i32 to vector<16xi32>
      %gather3A_455 = tpu.vector_load_idx %arg15[%broadcast_in_dim3A_454] : memref<80xf32, #tpu.memory_space<vmem>>[vector<16xi32>], vector<16xf32>,
      %get3A_456 = arith.index_cast %add3A_453 : i32 to index
      %get3A_457 = arith.constant 0 : index
      %get3A_458 = tpu.vector_load %arg18[%get3A_456, %get3A_457] {strides = array<i32>} : memref<80x128xf32, #tpu.memory_space<vmem>>, vector<16xf32>,
      %mul3A_459 = arith.mulf %get3A_458, %gather3A_455 : vector<16xf32>
      %swap3A_460 = arith.index_cast %add3A_453 : i32 to index
      %swap3A_461 = arith.constant 0 : index
      %swap3A_462 = tpu.vector_load %arg18[%swap3A_460, %swap3A_461] {strides = array<i32>} : memref<80x128xf32, #tpu.memory_space<vmem>>, vector<16xf32>,
      tpu.vector_store %arg18[%swap3A_460, %swap3A_461], %mul3A_459 {strides = array<i32>} : memref<80x128xf32, #tpu.memory_space<vmem>>, vector<16xf32>,
      %get3A_463 = arith.index_cast %add3A_453 : i32 to index
      %get3A_464 = arith.constant 16 : index
      %get3A_465 = tpu.vector_load %arg18[%get3A_463, %get3A_464] {strides = array<i32>} : memref<80x128xf32, #tpu.memory_space<vmem>>, vector<16xf32>,
      %mul3A_466 = arith.mulf %get3A_465, %gather3A_455 : vector<16xf32>
      %swap3A_467 = arith.index_cast %add3A_453 : i32 to index
      %swap3A_468 = arith.constant 16 : index
      %swap3A_469 = tpu.vector_load %arg18[%swap3A_467, %swap3A_468] {strides = array<i32>} : memref<80x128xf32, #tpu.memory_space<vmem>>, vector<16xf32>,
      tpu.vector_store %arg18[%swap3A_467, %swap3A_468], %mul3A_466 {strides = array<i32>} : memref<80x128xf32, #tpu.memory_space<vmem>>, vector<16xf32>,
      %get3A_470 = arith.index_cast %add3A_453 : i32 to index
      %get3A_471 = arith.constant 32 : index
      %get3A_472 = tpu.vector_load %arg18[%get3A_470, %get3A_471] {strides = array<i32>} : memref<80x128xf32, #tpu.memory_space<vmem>>, vector<16xf32>,
      %mul3A_473 = arith.mulf %get3A_472, %gather3A_455 : vector<16xf32>
      %swap3A_474 = arith.index_cast %add3A_453 : i32 to index
      %swap3A_475 = arith.constant 32 : index
      %swap3A_476 = tpu.vector_load %arg18[%swap3A_474, %swap3A_475] {strides = array<i32>} : memref<80x128xf32, #tpu.memory_space<vmem>>, vector<16xf32>,
      tpu.vector_store %arg18[%swap3A_474, %swap3A_475], %mul3A_473 {strides = array<i32>} : memref<80x128xf32, #tpu.memory_space<vmem>>, vector<16xf32>,
      %get3A_477 = arith.index_cast %add3A_453 : i32 to index
      %get3A_478 = arith.constant 48 : index
      %get3A_479 = tpu.vector_load %arg18[%get3A_477, %get3A_478] {strides = array<i32>} : memref<80x128xf32, #tpu.memory_space<vmem>>, vector<16xf32>,
      %mul3A_480 = arith.mulf %get3A_479, %gather3A_455 : vector<16xf32>
      %swap3A_481 = arith.index_cast %add3A_453 : i32 to index
      %swap3A_482 = arith.constant 48 : index
      %swap3A_483 = tpu.vector_load %arg18[%swap3A_481, %swap3A_482] {strides = array<i32>} : memref<80x128xf32, #tpu.memory_space<vmem>>, vector<16xf32>,
      tpu.vector_store %arg18[%swap3A_481, %swap3A_482], %mul3A_480 {strides = array<i32>} : memref<80x128xf32, #tpu.memory_space<vmem>>, vector<16xf32>,
      %get3A_484 = arith.index_cast %add3A_453 : i32 to index
      %get3A_485 = arith.constant 64 : index
      %get3A_486 = tpu.vector_load %arg18[%get3A_484, %get3A_485] {strides = array<i32>} : memref<80x128xf32, #tpu.memory_space<vmem>>, vector<16xf32>,
      %mul3A_487 = arith.mulf %get3A_486, %gather3A_455 : vector<16xf32>
      %swap3A_488 = arith.index_cast %add3A_453 : i32 to index
      %swap3A_489 = arith.constant 64 : index
      %swap3A_490 = tpu.vector_load %arg18[%swap3A_488, %swap3A_489] {strides = array<i32>} : memref<80x128xf32, #tpu.memory_space<vmem>>, vector<16xf32>,
      tpu.vector_store %arg18[%swap3A_488, %swap3A_489], %mul3A_487 {strides = array<i32>} : memref<80x128xf32, #tpu.memory_space<vmem>>, vector<16xf32>,
      %get3A_491 = arith.index_cast %add3A_453 : i32 to index
      %get3A_492 = arith.constant 80 : index
      %get3A_493 = tpu.vector_load %arg18[%get3A_491, %get3A_492] {strides = array<i32>} : memref<80x128xf32, #tpu.memory_space<vmem>>, vector<16xf32>,
      %mul3A_494 = arith.mulf %get3A_493, %gather3A_455 : vector<16xf32>
      %swap3A_495 = arith.index_cast %add3A_453 : i32 to index
      %swap3A_496 = arith.constant 80 : index
      %swap3A_497 = tpu.vector_load %arg18[%swap3A_495, %swap3A_496] {strides = array<i32>} : memref<80x128xf32, #tpu.memory_space<vmem>>, vector<16xf32>,
      tpu.vector_store %arg18[%swap3A_495, %swap3A_496], %mul3A_494 {strides = array<i32>} : memref<80x128xf32, #tpu.memory_space<vmem>>, vector<16xf32>,
      %get3A_498 = arith.index_cast %add3A_453 : i32 to index
      %get3A_499 = arith.constant 96 : index
      %get3A_500 = tpu.vector_load %arg18[%get3A_498, %get3A_499] {strides = array<i32>} : memref<80x128xf32, #tpu.memory_space<vmem>>, vector<16xf32>,
      %mul3A_501 = arith.mulf %get3A_500, %gather3A_455 : vector<16xf32>
      %swap3A_502 = arith.index_cast %add3A_453 : i32 to index
      %swap3A_503 = arith.constant 96 : index
      %swap3A_504 = tpu.vector_load %arg18[%swap3A_502, %swap3A_503] {strides = array<i32>} : memref<80x128xf32, #tpu.memory_space<vmem>>, vector<16xf32>,
      tpu.vector_store %arg18[%swap3A_502, %swap3A_503], %mul3A_501 {strides = array<i32>} : memref<80x128xf32, #tpu.memory_space<vmem>>, vector<16xf32>,
      %get3A_505 = arith.index_cast %add3A_453 : i32 to index
      %get3A_506 = arith.constant 112 : index
      %get3A_507 = tpu.vector_load %arg18[%get3A_505, %get3A_506] {strides = array<i32>} : memref<80x128xf32, #tpu.memory_space<vmem>>, vector<16xf32>,
      %mul3A_508 = arith.mulf %get3A_507, %gather3A_455 : vector<16xf32>
      %swap3A_509 = arith.index_cast %add3A_453 : i32 to index
      %swap3A_510 = arith.constant 112 : index
      %swap3A_511 = tpu.vector_load %arg18[%swap3A_509, %swap3A_510] {strides = array<i32>} : memref<80x128xf32, #tpu.memory_space<vmem>>, vector<16xf32>,
      tpu.vector_store %arg18[%swap3A_509, %swap3A_510], %mul3A_508 {strides = array<i32>} : memref<80x128xf32, #tpu.memory_space<vmem>>, vector<16xf32>,
      %add3A_512 = arith.constant 2 : i32
      %add3A_513 = arith.addi %mul3A_392, %add3A_512 : i32
      %broadcast_in_dim3A_514 = vector.broadcast %add3A_513 : i32 to vector<16xi32>
      %gather3A_515 = tpu.vector_load_idx %arg15[%broadcast_in_dim3A_514] : memref<80xf32, #tpu.memory_space<vmem>>[vector<16xi32>], vector<16xf32>,
      %get3A_516 = arith.index_cast %add3A_513 : i32 to index
      %get3A_517 = arith.constant 0 : index
      %get3A_518 = tpu.vector_load %arg18[%get3A_516, %get3A_517] {strides = array<i32>} : memref<80x128xf32, #tpu.memory_space<vmem>>, vector<16xf32>,
      %mul3A_519 = arith.mulf %get3A_518, %gather3A_515 : vector<16xf32>
      %swap3A_520 = arith.index_cast %add3A_513 : i32 to index
      %swap3A_521 = arith.constant 0 : index
      %swap3A_522 = tpu.vector_load %arg18[%swap3A_520, %swap3A_521] {strides = array<i32>} : memref<80x128xf32, #tpu.memory_space<vmem>>, vector<16xf32>,
      tpu.vector_store %arg18[%swap3A_520, %swap3A_521], %mul3A_519 {strides = array<i32>} : memref<80x128xf32, #tpu.memory_space<vmem>>, vector<16xf32>,
      %get3A_523 = arith.index_cast %add3A_513 : i32 to index
      %get3A_524 = arith.constant 16 : index
      %get3A_525 = tpu.vector_load %arg18[%get3A_523, %get3A_524] {strides = array<i32>} : memref<80x128xf32, #tpu.memory_space<vmem>>, vector<16xf32>,
      %mul3A_526 = arith.mulf %get3A_525, %gather3A_515 : vector<16xf32>
      %swap3A_527 = arith.index_cast %add3A_513 : i32 to index
      %swap3A_528 = arith.constant 16 : index
      %swap3A_529 = tpu.vector_load %arg18[%swap3A_527, %swap3A_528] {strides = array<i32>} : memref<80x128xf32, #tpu.memory_space<vmem>>, vector<16xf32>,
      tpu.vector_store %arg18[%swap3A_527, %swap3A_528], %mul3A_526 {strides = array<i32>} : memref<80x128xf32, #tpu.memory_space<vmem>>, vector<16xf32>,
      %get3A_530 = arith.index_cast %add3A_513 : i32 to index
      %get3A_531 = arith.constant 32 : index
      %get3A_532 = tpu.vector_load %arg18[%get3A_530, %get3A_531] {strides = array<i32>} : memref<80x128xf32, #tpu.memory_space<vmem>>, vector<16xf32>,
      %mul3A_533 = arith.mulf %get3A_532, %gather3A_515 : vector<16xf32>
      %swap3A_534 = arith.index_cast %add3A_513 : i32 to index
      %swap3A_535 = arith.constant 32 : index
      %swap3A_536 = tpu.vector_load %arg18[%swap3A_534, %swap3A_535] {strides = array<i32>} : memref<80x128xf32, #tpu.memory_space<vmem>>, vector<16xf32>,
      tpu.vector_store %arg18[%swap3A_534, %swap3A_535], %mul3A_533 {strides = array<i32>} : memref<80x128xf32, #tpu.memory_space<vmem>>, vector<16xf32>,
      %get3A_537 = arith.index_cast %add3A_513 : i32 to index
      %get3A_538 = arith.constant 48 : index
      %get3A_539 = tpu.vector_load %arg18[%get3A_537, %get3A_538] {strides = array<i32>} : memref<80x128xf32, #tpu.memory_space<vmem>>, vector<16xf32>,
      %mul3A_540 = arith.mulf %get3A_539, %gather3A_515 : vector<16xf32>
      %swap3A_541 = arith.index_cast %add3A_513 : i32 to index
      %swap3A_542 = arith.constant 48 : index
      %swap3A_543 = tpu.vector_load %arg18[%swap3A_541, %swap3A_542] {strides = array<i32>} : memref<80x128xf32, #tpu.memory_space<vmem>>, vector<16xf32>,
      tpu.vector_store %arg18[%swap3A_541, %swap3A_542], %mul3A_540 {strides = array<i32>} : memref<80x128xf32, #tpu.memory_space<vmem>>, vector<16xf32>,
      %get3A_544 = arith.index_cast %add3A_513 : i32 to index
      %get3A_545 = arith.constant 64 : index
      %get3A_546 = tpu.vector_load %arg18[%get3A_544, %get3A_545] {strides = array<i32>} : memref<80x128xf32, #tpu.memory_space<vmem>>, vector<16xf32>,
      %mul3A_547 = arith.mulf %get3A_546, %gather3A_515 : vector<16xf32>
      %swap3A_548 = arith.index_cast %add3A_513 : i32 to index
      %swap3A_549 = arith.constant 64 : index
      %swap3A_550 = tpu.vector_load %arg18[%swap3A_548, %swap3A_549] {strides = array<i32>} : memref<80x128xf32, #tpu.memory_space<vmem>>, vector<16xf32>,
      tpu.vector_store %arg18[%swap3A_548, %swap3A_549], %mul3A_547 {strides = array<i32>} : memref<80x128xf32, #tpu.memory_space<vmem>>, vector<16xf32>,
      %get3A_551 = arith.index_cast %add3A_513 : i32 to index
      %get3A_552 = arith.constant 80 : index
      %get3A_553 = tpu.vector_load %arg18[%get3A_551, %get3A_552] {strides = array<i32>} : memref<80x128xf32, #tpu.memory_space<vmem>>, vector<16xf32>,
      %mul3A_554 = arith.mulf %get3A_553, %gather3A_515 : vector<16xf32>
      %swap3A_555 = arith.index_cast %add3A_513 : i32 to index
      %swap3A_556 = arith.constant 80 : index
      %swap3A_557 = tpu.vector_load %arg18[%swap3A_555, %swap3A_556] {strides = array<i32>} : memref<80x128xf32, #tpu.memory_space<vmem>>, vector<16xf32>,
      tpu.vector_store %arg18[%swap3A_555, %swap3A_556], %mul3A_554 {strides = array<i32>} : memref<80x128xf32, #tpu.memory_space<vmem>>, vector<16xf32>,
      %get3A_558 = arith.index_cast %add3A_513 : i32 to index
      %get3A_559 = arith.constant 96 : index
      %get3A_560 = tpu.vector_load %arg18[%get3A_558, %get3A_559] {strides = array<i32>} : memref<80x128xf32, #tpu.memory_space<vmem>>, vector<16xf32>,
      %mul3A_561 = arith.mulf %get3A_560, %gather3A_515 : vector<16xf32>
      %swap3A_562 = arith.index_cast %add3A_513 : i32 to index
      %swap3A_563 = arith.constant 96 : index
      %swap3A_564 = tpu.vector_load %arg18[%swap3A_562, %swap3A_563] {strides = array<i32>} : memref<80x128xf32, #tpu.memory_space<vmem>>, vector<16xf32>,
      tpu.vector_store %arg18[%swap3A_562, %swap3A_563], %mul3A_561 {strides = array<i32>} : memref<80x128xf32, #tpu.memory_space<vmem>>, vector<16xf32>,
      %get3A_565 = arith.index_cast %add3A_513 : i32 to index
      %get3A_566 = arith.constant 112 : index
      %get3A_567 = tpu.vector_load %arg18[%get3A_565, %get3A_566] {strides = array<i32>} : memref<80x128xf32, #tpu.memory_space<vmem>>, vector<16xf32>,
      %mul3A_568 = arith.mulf %get3A_567, %gather3A_515 : vector<16xf32>
      %swap3A_569 = arith.index_cast %add3A_513 : i32 to index
      %swap3A_570 = arith.constant 112 : index
      %swap3A_571 = tpu.vector_load %arg18[%swap3A_569, %swap3A_570] {strides = array<i32>} : memref<80x128xf32, #tpu.memory_space<vmem>>, vector<16xf32>,
      tpu.vector_store %arg18[%swap3A_569, %swap3A_570], %mul3A_568 {strides = array<i32>} : memref<80x128xf32, #tpu.memory_space<vmem>>, vector<16xf32>,
      %add3A_572 = arith.constant 3 : i32
      %add3A_573 = arith.addi %mul3A_392, %add3A_572 : i32
      %broadcast_in_dim3A_574 = vector.broadcast %add3A_573 : i32 to vector<16xi32>
      %gather3A_575 = tpu.vector_load_idx %arg15[%broadcast_in_dim3A_574] : memref<80xf32, #tpu.memory_space<vmem>>[vector<16xi32>], vector<16xf32>,
      %get3A_576 = arith.index_cast %add3A_573 : i32 to index
      %get3A_577 = arith.constant 0 : index
      %get3A_578 = tpu.vector_load %arg18[%get3A_576, %get3A_577] {strides = array<i32>} : memref<80x128xf32, #tpu.memory_space<vmem>>, vector<16xf32>,
      %mul3A_579 = arith.mulf %get3A_578, %gather3A_575 : vector<16xf32>
      %swap3A_580 = arith.index_cast %add3A_573 : i32 to index
      %swap3A_581 = arith.constant 0 : index
      %swap3A_582 = tpu.vector_load %arg18[%swap3A_580, %swap3A_581] {strides = array<i32>} : memref<80x128xf32, #tpu.memory_space<vmem>>, vector<16xf32>,
      tpu.vector_store %arg18[%swap3A_580, %swap3A_581], %mul3A_579 {strides = array<i32>} : memref<80x128xf32, #tpu.memory_space<vmem>>, vector<16xf32>,
      %get3A_583 = arith.index_cast %add3A_573 : i32 to index
      %get3A_584 = arith.constant 16 : index
      %get3A_585 = tpu.vector_load %arg18[%get3A_583, %get3A_584] {strides = array<i32>} : memref<80x128xf32, #tpu.memory_space<vmem>>, vector<16xf32>,
      %mul3A_586 = arith.mulf %get3A_585, %gather3A_575 : vector<16xf32>
      %swap3A_587 = arith.index_cast %add3A_573 : i32 to index
      %swap3A_588 = arith.constant 16 : index
      %swap3A_589 = tpu.vector_load %arg18[%swap3A_587, %swap3A_588] {strides = array<i32>} : memref<80x128xf32, #tpu.memory_space<vmem>>, vector<16xf32>,
      tpu.vector_store %arg18[%swap3A_587, %swap3A_588], %mul3A_586 {strides = array<i32>} : memref<80x128xf32, #tpu.memory_space<vmem>>, vector<16xf32>,
      %get3A_590 = arith.index_cast %add3A_573 : i32 to index
      %get3A_591 = arith.constant 32 : index
      %get3A_592 = tpu.vector_load %arg18[%get3A_590, %get3A_591] {strides = array<i32>} : memref<80x128xf32, #tpu.memory_space<vmem>>, vector<16xf32>,
      %mul3A_593 = arith.mulf %get3A_592, %gather3A_575 : vector<16xf32>
      %swap3A_594 = arith.index_cast %add3A_573 : i32 to index
      %swap3A_595 = arith.constant 32 : index
      %swap3A_596 = tpu.vector_load %arg18[%swap3A_594, %swap3A_595] {strides = array<i32>} : memref<80x128xf32, #tpu.memory_space<vmem>>, vector<16xf32>,
      tpu.vector_store %arg18[%swap3A_594, %swap3A_595], %mul3A_593 {strides = array<i32>} : memref<80x128xf32, #tpu.memory_space<vmem>>, vector<16xf32>,
      %get3A_597 = arith.index_cast %add3A_573 : i32 to index
      %get3A_598 = arith.constant 48 : index
      %get3A_599 = tpu.vector_load %arg18[%get3A_597, %get3A_598] {strides = array<i32>} : memref<80x128xf32, #tpu.memory_space<vmem>>, vector<16xf32>,
      %mul3A_600 = arith.mulf %get3A_599, %gather3A_575 : vector<16xf32>
      %swap3A_601 = arith.index_cast %add3A_573 : i32 to index
      %swap3A_602 = arith.constant 48 : index
      %swap3A_603 = tpu.vector_load %arg18[%swap3A_601, %swap3A_602] {strides = array<i32>} : memref<80x128xf32, #tpu.memory_space<vmem>>, vector<16xf32>,
      tpu.vector_store %arg18[%swap3A_601, %swap3A_602], %mul3A_600 {strides = array<i32>} : memref<80x128xf32, #tpu.memory_space<vmem>>, vector<16xf32>,
      %get3A_604 = arith.index_cast %add3A_573 : i32 to index
      %get3A_605 = arith.constant 64 : index
      %get3A_606 = tpu.vector_load %arg18[%get3A_604, %get3A_605] {strides = array<i32>} : memref<80x128xf32, #tpu.memory_space<vmem>>, vector<16xf32>,
      %mul3A_607 = arith.mulf %get3A_606, %gather3A_575 : vector<16xf32>
      %swap3A_608 = arith.index_cast %add3A_573 : i32 to index
      %swap3A_609 = arith.constant 64 : index
      %swap3A_610 = tpu.vector_load %arg18[%swap3A_608, %swap3A_609] {strides = array<i32>} : memref<80x128xf32, #tpu.memory_space<vmem>>, vector<16xf32>,
      tpu.vector_store %arg18[%swap3A_608, %swap3A_609], %mul3A_607 {strides = array<i32>} : memref<80x128xf32, #tpu.memory_space<vmem>>, vector<16xf32>,
      %get3A_611 = arith.index_cast %add3A_573 : i32 to index
      %get3A_612 = arith.constant 80 : index
      %get3A_613 = tpu.vector_load %arg18[%get3A_611, %get3A_612] {strides = array<i32>} : memref<80x128xf32, #tpu.memory_space<vmem>>, vector<16xf32>,
      %mul3A_614 = arith.mulf %get3A_613, %gather3A_575 : vector<16xf32>
      %swap3A_615 = arith.index_cast %add3A_573 : i32 to index
      %swap3A_616 = arith.constant 80 : index
      %swap3A_617 = tpu.vector_load %arg18[%swap3A_615, %swap3A_616] {strides = array<i32>} : memref<80x128xf32, #tpu.memory_space<vmem>>, vector<16xf32>,
      tpu.vector_store %arg18[%swap3A_615, %swap3A_616], %mul3A_614 {strides = array<i32>} : memref<80x128xf32, #tpu.memory_space<vmem>>, vector<16xf32>,
      %get3A_618 = arith.index_cast %add3A_573 : i32 to index
      %get3A_619 = arith.constant 96 : index
      %get3A_620 = tpu.vector_load %arg18[%get3A_618, %get3A_619] {strides = array<i32>} : memref<80x128xf32, #tpu.memory_space<vmem>>, vector<16xf32>,
      %mul3A_621 = arith.mulf %get3A_620, %gather3A_575 : vector<16xf32>
      %swap3A_622 = arith.index_cast %add3A_573 : i32 to index
      %swap3A_623 = arith.constant 96 : index
      %swap3A_624 = tpu.vector_load %arg18[%swap3A_622, %swap3A_623] {strides = array<i32>} : memref<80x128xf32, #tpu.memory_space<vmem>>, vector<16xf32>,
      tpu.vector_store %arg18[%swap3A_622, %swap3A_623], %mul3A_621 {strides = array<i32>} : memref<80x128xf32, #tpu.memory_space<vmem>>, vector<16xf32>,
      %get3A_625 = arith.index_cast %add3A_573 : i32 to index
      %get3A_626 = arith.constant 112 : index
      %get3A_627 = tpu.vector_load %arg18[%get3A_625, %get3A_626] {strides = array<i32>} : memref<80x128xf32, #tpu.memory_space<vmem>>, vector<16xf32>,
      %mul3A_628 = arith.mulf %get3A_627, %gather3A_575 : vector<16xf32>
      %swap3A_629 = arith.index_cast %add3A_573 : i32 to index
      %swap3A_630 = arith.constant 112 : index
      %swap3A_631 = tpu.vector_load %arg18[%swap3A_629, %swap3A_630] {strides = array<i32>} : memref<80x128xf32, #tpu.memory_space<vmem>>, vector<16xf32>,
      tpu.vector_store %arg18[%swap3A_629, %swap3A_630], %mul3A_628 {strides = array<i32>} : memref<80x128xf32, #tpu.memory_space<vmem>>, vector<16xf32>,
    }
    %scan3A_198 = arith.constant 20 : i32
    %get3A = arith.constant 0 : i32
    %get3A_199 = arith.index_cast %get3A : i32 to index
    %get3A_200 = arith.constant 0 : index
    %get3A_201 = tpu.vector_load %arg9[%get3A_199, %get3A_200] {strides = array<i32>} : memref<1x80xi32, #tpu.memory_space<vmem>>, vector<16xi32>,
    %swap3A = arith.constant 0 : i32
    %swap3A_202 = arith.index_cast %swap3A : i32 to index
    %swap3A_203 = arith.constant 0 : index
    %swap3A_204 = tpu.vector_load %arg12[%swap3A_202, %swap3A_203] {strides = array<i32>} : memref<1x80xi32, #tpu.memory_space<vmem>>, vector<16xi32>,
    tpu.vector_store %arg12[%swap3A_202, %swap3A_203], %get3A_201 {strides = array<i32>} : memref<1x80xi32, #tpu.memory_space<vmem>>, vector<16xi32>,
    %get3A_205 = arith.constant 0 : i32
    %get3A_206 = arith.index_cast %get3A_205 : i32 to index
    %get3A_207 = arith.constant 16 : index
    %get3A_208 = tpu.vector_load %arg9[%get3A_206, %get3A_207] {strides = array<i32>} : memref<1x80xi32, #tpu.memory_space<vmem>>, vector<16xi32>,
    %swap3A_209 = arith.constant 0 : i32
    %swap3A_210 = arith.index_cast %swap3A_209 : i32 to index
    %swap3A_211 = arith.constant 16 : index
    %swap3A_212 = tpu.vector_load %arg12[%swap3A_210, %swap3A_211] {strides = array<i32>} : memref<1x80xi32, #tpu.memory_space<vmem>>, vector<16xi32>,
    tpu.vector_store %arg12[%swap3A_210, %swap3A_211], %get3A_208 {strides = array<i32>} : memref<1x80xi32, #tpu.memory_space<vmem>>, vector<16xi32>,
    %get3A_213 = arith.constant 0 : i32
    %get3A_214 = arith.index_cast %get3A_213 : i32 to index
    %get3A_215 = arith.constant 32 : index
    %get3A_216 = tpu.vector_load %arg9[%get3A_214, %get3A_215] {strides = array<i32>} : memref<1x80xi32, #tpu.memory_space<vmem>>, vector<16xi32>,
    %swap3A_217 = arith.constant 0 : i32
    %swap3A_218 = arith.index_cast %swap3A_217 : i32 to index
    %swap3A_219 = arith.constant 32 : index
    %swap3A_220 = tpu.vector_load %arg12[%swap3A_218, %swap3A_219] {strides = array<i32>} : memref<1x80xi32, #tpu.memory_space<vmem>>, vector<16xi32>,
    tpu.vector_store %arg12[%swap3A_218, %swap3A_219], %get3A_216 {strides = array<i32>} : memref<1x80xi32, #tpu.memory_space<vmem>>, vector<16xi32>,
    %get3A_221 = arith.constant 0 : i32
    %get3A_222 = arith.index_cast %get3A_221 : i32 to index
    %get3A_223 = arith.constant 48 : index
    %get3A_224 = tpu.vector_load %arg9[%get3A_222, %get3A_223] {strides = array<i32>} : memref<1x80xi32, #tpu.memory_space<vmem>>, vector<16xi32>,
    %swap3A_225 = arith.constant 0 : i32
    %swap3A_226 = arith.index_cast %swap3A_225 : i32 to index
    %swap3A_227 = arith.constant 48 : index
    %swap3A_228 = tpu.vector_load %arg12[%swap3A_226, %swap3A_227] {strides = array<i32>} : memref<1x80xi32, #tpu.memory_space<vmem>>, vector<16xi32>,
    tpu.vector_store %arg12[%swap3A_226, %swap3A_227], %get3A_224 {strides = array<i32>} : memref<1x80xi32, #tpu.memory_space<vmem>>, vector<16xi32>,
    %get3A_229 = arith.constant 0 : i32
    %get3A_230 = arith.index_cast %get3A_229 : i32 to index
    %get3A_231 = arith.constant 64 : index
    %get3A_232 = tpu.vector_load %arg9[%get3A_230, %get3A_231] {strides = array<i32>} : memref<1x80xi32, #tpu.memory_space<vmem>>, vector<16xi32>,
    %swap3A_233 = arith.constant 0 : i32
    %swap3A_234 = arith.index_cast %swap3A_233 : i32 to index
    %swap3A_235 = arith.constant 64 : index
    %swap3A_236 = tpu.vector_load %arg12[%swap3A_234, %swap3A_235] {strides = array<i32>} : memref<1x80xi32, #tpu.memory_space<vmem>>, vector<16xi32>,
    tpu.vector_store %arg12[%swap3A_234, %swap3A_235], %get3A_232 {strides = array<i32>} : memref<1x80xi32, #tpu.memory_space<vmem>>, vector<16xi32>,
    %dma_start3A_237 = arith.constant 0 : i32
    %dma_start3A_238 = arith.constant 0 : i32
    %dma_start3A_239 = tpu.memref_slice %arg12[%dma_start3A_237, %dma_start3A_238] : memref<1x80xi32, #tpu.memory_space<vmem>> -> memref<1x80xi32, #tpu.memory_space<vmem>>
    %dma_start3A_240 = tpu.memref_squeeze %dma_start3A_239 : memref<1x80xi32, #tpu.memory_space<vmem>> -> memref<80xi32, #tpu.memory_space<vmem>>
    %dma_start3A_241 = arith.constant 0 : i32
    %dma_start3A_242 = arith.constant 0 : i32
    %dma_start3A_243 = tpu.memref_slice %arg21[%dma_start3A_241, %dma_start3A_242] : memref<10240x128xf32, #tpu.memory_space<vmem_shared>> -> memref<10240x128xf32, #tpu.memory_space<vmem_shared>>
    tpu.enqueue_indirect_dma source(%arg18 : memref<80x128xf32, #tpu.memory_space<vmem>>) target(%dma_start3A_243 : memref<10240x128xf32, #tpu.memory_space<vmem_shared>>) offsets(%dma_start3A_240 : memref<80xi32, #tpu.memory_space<vmem>>) semaphore(%arg28 : memref<!tpu.dma_semaphore, #tpu.memory_space<semaphore_mem>>) {add = true}
    %dma_wait3A_244 = arith.constant 0 : i32
    %dma_wait3A_245 = arith.constant 2 : i32
    %dma_wait3A_246 = arith.constant 0 : i32
    %dma_wait3A_247 = arith.constant 0 : i32
    %dma_wait3A_248 = tpu.memref_slice %arg3[%dma_wait3A_244, %add3A, %dma_wait3A_245, %dma_wait3A_246, %dma_wait3A_247] : memref<2x32x125x1x80xi32, #tpu.memory_space<hbm>> -> memref<1x1x1x1x80xi32, #tpu.memory_space<hbm>>
    %dma_wait3A_249 = tpu.memref_squeeze %dma_wait3A_248 : memref<1x1x1x1x80xi32, #tpu.memory_space<hbm>> -> memref<1x80xi32, #tpu.memory_space<hbm>>
    %dma_wait3A_250 = arith.constant 0 : i32
    %dma_wait3A_251 = arith.constant 0 : i32
    %dma_wait3A_252 = tpu.memref_slice %arg3[%dma_wait3A_244, %add3A, %dma_wait3A_245, %dma_wait3A_250, %dma_wait3A_251] : memref<2x32x125x1x80xi32, #tpu.memory_space<hbm>> -> memref<1x1x1x1x80xi32, #tpu.memory_space<hbm>>
    %dma_wait3A_253 = tpu.memref_squeeze %dma_wait3A_252 : memref<1x1x1x1x80xi32, #tpu.memory_space<hbm>> -> memref<1x80xi32, #tpu.memory_space<hbm>>
    tpu.wait_dma2 semaphore(%arg24 : memref<!tpu.dma_semaphore, #tpu.memory_space<semaphore_mem>>) src(%dma_wait3A_253 : memref<1x80xi32, #tpu.memory_space<hbm>>) dst(%arg8 : memref<1x80xi32, #tpu.memory_space<vmem>>)
    %dma_wait3A_254 = arith.constant 1 : i32
    %dma_wait3A_255 = arith.constant 2 : i32
    %dma_wait3A_256 = arith.constant 0 : i32
    %dma_wait3A_257 = arith.constant 0 : i32
    %dma_wait3A_258 = tpu.memref_slice %arg3[%dma_wait3A_254, %add3A, %dma_wait3A_255, %dma_wait3A_256, %dma_wait3A_257] : memref<2x32x125x1x80xi32, #tpu.memory_space<hbm>> -> memref<1x1x1x1x80xi32, #tpu.memory_space<hbm>>
    %dma_wait3A_259 = tpu.memref_squeeze %dma_wait3A_258 : memref<1x1x1x1x80xi32, #tpu.memory_space<hbm>> -> memref<1x80xi32, #tpu.memory_space<hbm>>
    %dma_wait3A_260 = arith.constant 0 : i32
    %dma_wait3A_261 = arith.constant 0 : i32
    %dma_wait3A_262 = tpu.memref_slice %arg3[%dma_wait3A_254, %add3A, %dma_wait3A_255, %dma_wait3A_260, %dma_wait3A_261] : memref<2x32x125x1x80xi32, #tpu.memory_space<hbm>> -> memref<1x1x1x1x80xi32, #tpu.memory_space<hbm>>
    %dma_wait3A_263 = tpu.memref_squeeze %dma_wait3A_262 : memref<1x1x1x1x80xi32, #tpu.memory_space<hbm>> -> memref<1x80xi32, #tpu.memory_space<hbm>>
    tpu.wait_dma2 semaphore(%arg24 : memref<!tpu.dma_semaphore, #tpu.memory_space<semaphore_mem>>) src(%dma_wait3A_263 : memref<1x80xi32, #tpu.memory_space<hbm>>) dst(%arg11 : memref<1x80xi32, #tpu.memory_space<vmem>>)
    %dma_wait3A_264 = arith.constant 2 : i32
    %dma_wait3A_265 = arith.constant 0 : i32
    %dma_wait3A_266 = tpu.memref_slice %arg4[%add3A, %dma_wait3A_264, %dma_wait3A_265] : memref<32x125x80xf32, #tpu.memory_space<hbm>> -> memref<1x1x80xf32, #tpu.memory_space<hbm>>
    %dma_wait3A_267 = tpu.memref_squeeze %dma_wait3A_266 : memref<1x1x80xf32, #tpu.memory_space<hbm>> -> memref<80xf32, #tpu.memory_space<hbm>>
    %dma_wait3A_268 = arith.constant 0 : i32
    %dma_wait3A_269 = tpu.memref_slice %arg4[%add3A, %dma_wait3A_264, %dma_wait3A_268] : memref<32x125x80xf32, #tpu.memory_space<hbm>> -> memref<1x1x80xf32, #tpu.memory_space<hbm>>
    %dma_wait3A_270 = tpu.memref_squeeze %dma_wait3A_269 : memref<1x1x80xf32, #tpu.memory_space<hbm>> -> memref<80xf32, #tpu.memory_space<hbm>>
    tpu.wait_dma2 semaphore(%arg24 : memref<!tpu.dma_semaphore, #tpu.memory_space<semaphore_mem>>) src(%dma_wait3A_270 : memref<80xf32, #tpu.memory_space<hbm>>) dst(%arg17 : memref<80xf32, #tpu.memory_space<vmem>>)
    %dma_start3A_271 = arith.constant 0 : i32
    %dma_start3A_272 = arith.constant 0 : i32
    %dma_start3A_273 = tpu.memref_slice %arg8[%dma_start3A_271, %dma_start3A_272] : memref<1x80xi32, #tpu.memory_space<vmem>> -> memref<1x80xi32, #tpu.memory_space<vmem>>
    %dma_start3A_274 = tpu.memref_squeeze %dma_start3A_273 : memref<1x80xi32, #tpu.memory_space<vmem>> -> memref<80xi32, #tpu.memory_space<vmem>>
    %dma_start3A_275 = arith.constant 0 : i32
    %dma_start3A_276 = arith.constant 0 : i32
    %dma_start3A_277 = tpu.memref_slice %arg2[%dma_start3A_275, %dma_start3A_276] : memref<10000x128xf32, #tpu.memory_space<hbm>> -> memref<10000x128xf32, #tpu.memory_space<hbm>>
    tpu.enqueue_indirect_dma source(%dma_start3A_277 : memref<10000x128xf32, #tpu.memory_space<hbm>>) target(%arg20 : memref<80x128xf32, #tpu.memory_space<vmem>>) offsets(%dma_start3A_274 : memref<80xi32, #tpu.memory_space<vmem>>) semaphore(%arg27 : memref<!tpu.dma_semaphore, #tpu.memory_space<semaphore_mem>>)
    %dma_wait3A_278 = arith.constant 0 : i32
    %dma_wait3A_279 = arith.constant 0 : i32
    %dma_wait3A_280 = tpu.memref_slice %arg12[%dma_wait3A_278, %dma_wait3A_279] : memref<1x80xi32, #tpu.memory_space<vmem>> -> memref<1x80xi32, #tpu.memory_space<vmem>>
    %dma_wait3A_281 = tpu.memref_squeeze %dma_wait3A_280 : memref<1x80xi32, #tpu.memory_space<vmem>> -> memref<80xi32, #tpu.memory_space<vmem>>
    %dma_wait3A_282 = arith.constant 0 : i32
    %dma_wait3A_283 = arith.constant 0 : i32
    %dma_wait3A_284 = tpu.memref_slice %arg21[%dma_wait3A_282, %dma_wait3A_283] : memref<10240x128xf32, #tpu.memory_space<vmem_shared>> -> memref<10240x128xf32, #tpu.memory_space<vmem_shared>>
    tpu.wait_indirect_dma semaphore(%arg28 : memref<!tpu.dma_semaphore, #tpu.memory_space<semaphore_mem>>) src(%arg18 : memref<80x128xf32, #tpu.memory_space<vmem>>) dst(%dma_wait3A_284 : memref<10240x128xf32, #tpu.memory_space<vmem_shared>>)
    %dma_start3A_285 = arith.constant 0 : i32
    %dma_start3A_286 = arith.constant 3 : i32
    %dma_start3A_287 = arith.constant 0 : i32
    %dma_start3A_288 = arith.constant 0 : i32
    %dma_start3A_289 = tpu.memref_slice %arg3[%dma_start3A_285, %add3A, %dma_start3A_286, %dma_start3A_287, %dma_start3A_288] : memref<2x32x125x1x80xi32, #tpu.memory_space<hbm>> -> memref<1x1x1x1x80xi32, #tpu.memory_space<hbm>>
    %dma_start3A_290 = tpu.memref_squeeze %dma_start3A_289 : memref<1x1x1x1x80xi32, #tpu.memory_space<hbm>> -> memref<1x80xi32, #tpu.memory_space<hbm>>
    %dma_start3A_291 = arith.constant 0 : i32
    %dma_start3A_292 = arith.constant 0 : i32
    %dma_start3A_293 = tpu.memref_slice %arg3[%dma_start3A_285, %add3A, %dma_start3A_286, %dma_start3A_291, %dma_start3A_292] : memref<2x32x125x1x80xi32, #tpu.memory_space<hbm>> -> memref<1x1x1x1x80xi32, #tpu.memory_space<hbm>>
    %dma_start3A_294 = tpu.memref_squeeze %dma_start3A_293 : memref<1x1x1x1x80xi32, #tpu.memory_space<hbm>> -> memref<1x80xi32, #tpu.memory_space<hbm>>
    tpu.enqueue_dma source(%dma_start3A_294 : memref<1x80xi32, #tpu.memory_space<hbm>>) target(%arg6 : memref<1x80xi32, #tpu.memory_space<vmem>>) target_semaphore(%arg22 : memref<!tpu.dma_semaphore, #tpu.memory_space<semaphore_mem>>)
    %dma_start3A_295 = arith.constant 1 : i32
    %dma_start3A_296 = arith.constant 3 : i32
    %dma_start3A_297 = arith.constant 0 : i32
    %dma_start3A_298 = arith.constant 0 : i32
    %dma_start3A_299 = tpu.memref_slice %arg3[%dma_start3A_295, %add3A, %dma_start3A_296, %dma_start3A_297, %dma_start3A_298] : memref<2x32x125x1x80xi32, #tpu.memory_space<hbm>> -> memref<1x1x1x1x80xi32, #tpu.memory_space<hbm>>
    %dma_start3A_300 = tpu.memref_squeeze %dma_start3A_299 : memref<1x1x1x1x80xi32, #tpu.memory_space<hbm>> -> memref<1x80xi32, #tpu.memory_space<hbm>>
    %dma_start3A_301 = arith.constant 0 : i32
    %dma_start3A_302 = arith.constant 0 : i32
    %dma_start3A_303 = tpu.memref_slice %arg3[%dma_start3A_295, %add3A, %dma_start3A_296, %dma_start3A_301, %dma_start3A_302] : memref<2x32x125x1x80xi32, #tpu.memory_space<hbm>> -> memref<1x1x1x1x80xi32, #tpu.memory_space<hbm>>
    %dma_start3A_304 = tpu.memref_squeeze %dma_start3A_303 : memref<1x1x1x1x80xi32, #tpu.memory_space<hbm>> -> memref<1x80xi32, #tpu.memory_space<hbm>>
    tpu.enqueue_dma source(%dma_start3A_304 : memref<1x80xi32, #tpu.memory_space<hbm>>) target(%arg9 : memref<1x80xi32, #tpu.memory_space<vmem>>) target_semaphore(%arg22 : memref<!tpu.dma_semaphore, #tpu.memory_space<semaphore_mem>>)
    %dma_start3A_305 = arith.constant 3 : i32
    %dma_start3A_306 = arith.constant 0 : i32
    %dma_start3A_307 = tpu.memref_slice %arg4[%add3A, %dma_start3A_305, %dma_start3A_306] : memref<32x125x80xf32, #tpu.memory_space<hbm>> -> memref<1x1x80xf32, #tpu.memory_space<hbm>>
    %dma_start3A_308 = tpu.memref_squeeze %dma_start3A_307 : memref<1x1x80xf32, #tpu.memory_space<hbm>> -> memref<80xf32, #tpu.memory_space<hbm>>
    %dma_start3A_309 = arith.constant 0 : i32
    %dma_start3A_310 = tpu.memref_slice %arg4[%add3A, %dma_start3A_305, %dma_start3A_309] : memref<32x125x80xf32, #tpu.memory_space<hbm>> -> memref<1x1x80xf32, #tpu.memory_space<hbm>>
    %dma_start3A_311 = tpu.memref_squeeze %dma_start3A_310 : memref<1x1x80xf32, #tpu.memory_space<hbm>> -> memref<80xf32, #tpu.memory_space<hbm>>
    tpu.enqueue_dma source(%dma_start3A_311 : memref<80xf32, #tpu.memory_space<hbm>>) target(%arg15 : memref<80xf32, #tpu.memory_space<vmem>>) target_semaphore(%arg22 : memref<!tpu.dma_semaphore, #tpu.memory_space<semaphore_mem>>)
    %dma_wait3A_312 = arith.constant 0 : i32
    %dma_wait3A_313 = arith.constant 0 : i32
    %dma_wait3A_314 = tpu.memref_slice %arg7[%dma_wait3A_312, %dma_wait3A_313] : memref<1x80xi32, #tpu.memory_space<vmem>> -> memref<1x80xi32, #tpu.memory_space<vmem>>
    %dma_wait3A_315 = tpu.memref_squeeze %dma_wait3A_314 : memref<1x80xi32, #tpu.memory_space<vmem>> -> memref<80xi32, #tpu.memory_space<vmem>>
    %dma_wait3A_316 = arith.constant 0 : i32
    %dma_wait3A_317 = arith.constant 0 : i32
    %dma_wait3A_318 = tpu.memref_slice %arg2[%dma_wait3A_316, %dma_wait3A_317] : memref<10000x128xf32, #tpu.memory_space<hbm>> -> memref<10000x128xf32, #tpu.memory_space<hbm>>
    tpu.wait_indirect_dma semaphore(%arg26 : memref<!tpu.dma_semaphore, #tpu.memory_space<semaphore_mem>>) src(%dma_wait3A_318 : memref<10000x128xf32, #tpu.memory_space<hbm>>) dst(%arg19 : memref<80x128xf32, #tpu.memory_space<vmem>>)
    %scan3A_319 = arith.constant 0 : i32
    %scan3A_320 = arith.constant 0 : i32
    %scan3A_321 = arith.constant 20 : i32
    %scan3A_322 = arith.addi %scan3A_320, %scan3A_321 : i32
    %scan3A_323 = arith.constant 1 : i32
    scf.for %scan3A_390 = %scan3A_320 to %scan3A_322 step %scan3A_323  : i32 {
      %mul3A_391 = arith.constant 4 : i32
      %mul3A_392 = arith.muli %scan3A_390, %mul3A_391 : i32
      %add3A_393 = arith.constant 0 : i32
      %add3A_394 = arith.addi %mul3A_392, %add3A_393 : i32
      %broadcast_in_dim3A_395 = vector.broadcast %add3A_394 : i32 to vector<16xi32>
      %gather3A = tpu.vector_load_idx %arg16[%broadcast_in_dim3A_395] : memref<80xf32, #tpu.memory_space<vmem>>[vector<16xi32>], vector<16xf32>,
      %get3A_396 = arith.index_cast %add3A_394 : i32 to index
      %get3A_397 = arith.constant 0 : index
      %get3A_398 = tpu.vector_load %arg19[%get3A_396, %get3A_397] {strides = array<i32>} : memref<80x128xf32, #tpu.memory_space<vmem>>, vector<16xf32>,
      %mul3A_399 = arith.mulf %get3A_398, %gather3A : vector<16xf32>
      %swap3A_400 = arith.index_cast %add3A_394 : i32 to index
      %swap3A_401 = arith.constant 0 : index
      %swap3A_402 = tpu.vector_load %arg19[%swap3A_400, %swap3A_401] {strides = array<i32>} : memref<80x128xf32, #tpu.memory_space<vmem>>, vector<16xf32>,
      tpu.vector_store %arg19[%swap3A_400, %swap3A_401], %mul3A_399 {strides = array<i32>} : memref<80x128xf32, #tpu.memory_space<vmem>>, vector<16xf32>,
      %get3A_403 = arith.index_cast %add3A_394 : i32 to index
      %get3A_404 = arith.constant 16 : index
      %get3A_405 = tpu.vector_load %arg19[%get3A_403, %get3A_404] {strides = array<i32>} : memref<80x128xf32, #tpu.memory_space<vmem>>, vector<16xf32>,
      %mul3A_406 = arith.mulf %get3A_405, %gather3A : vector<16xf32>
      %swap3A_407 = arith.index_cast %add3A_394 : i32 to index
      %swap3A_408 = arith.constant 16 : index
      %swap3A_409 = tpu.vector_load %arg19[%swap3A_407, %swap3A_408] {strides = array<i32>} : memref<80x128xf32, #tpu.memory_space<vmem>>, vector<16xf32>,
      tpu.vector_store %arg19[%swap3A_407, %swap3A_408], %mul3A_406 {strides = array<i32>} : memref<80x128xf32, #tpu.memory_space<vmem>>, vector<16xf32>,
      %get3A_410 = arith.index_cast %add3A_394 : i32 to index
      %get3A_411 = arith.constant 32 : index
      %get3A_412 = tpu.vector_load %arg19[%get3A_410, %get3A_411] {strides = array<i32>} : memref<80x128xf32, #tpu.memory_space<vmem>>, vector<16xf32>,
      %mul3A_413 = arith.mulf %get3A_412, %gather3A : vector<16xf32>
      %swap3A_414 = arith.index_cast %add3A_394 : i32 to index
      %swap3A_415 = arith.constant 32 : index
      %swap3A_416 = tpu.vector_load %arg19[%swap3A_414, %swap3A_415] {strides = array<i32>} : memref<80x128xf32, #tpu.memory_space<vmem>>, vector<16xf32>,
      tpu.vector_store %arg19[%swap3A_414, %swap3A_415], %mul3A_413 {strides = array<i32>} : memref<80x128xf32, #tpu.memory_space<vmem>>, vector<16xf32>,
      %get3A_417 = arith.index_cast %add3A_394 : i32 to index
      %get3A_418 = arith.constant 48 : index
      %get3A_419 = tpu.vector_load %arg19[%get3A_417, %get3A_418] {strides = array<i32>} : memref<80x128xf32, #tpu.memory_space<vmem>>, vector<16xf32>,
      %mul3A_420 = arith.mulf %get3A_419, %gather3A : vector<16xf32>
      %swap3A_421 = arith.index_cast %add3A_394 : i32 to index
      %swap3A_422 = arith.constant 48 : index
      %swap3A_423 = tpu.vector_load %arg19[%swap3A_421, %swap3A_422] {strides = array<i32>} : memref<80x128xf32, #tpu.memory_space<vmem>>, vector<16xf32>,
      tpu.vector_store %arg19[%swap3A_421, %swap3A_422], %mul3A_420 {strides = array<i32>} : memref<80x128xf32, #tpu.memory_space<vmem>>, vector<16xf32>,
      %get3A_424 = arith.index_cast %add3A_394 : i32 to index
      %get3A_425 = arith.constant 64 : index
      %get3A_426 = tpu.vector_load %arg19[%get3A_424, %get3A_425] {strides = array<i32>} : memref<80x128xf32, #tpu.memory_space<vmem>>, vector<16xf32>,
      %mul3A_427 = arith.mulf %get3A_426, %gather3A : vector<16xf32>
      %swap3A_428 = arith.index_cast %add3A_394 : i32 to index
      %swap3A_429 = arith.constant 64 : index
      %swap3A_430 = tpu.vector_load %arg19[%swap3A_428, %swap3A_429] {strides = array<i32>} : memref<80x128xf32, #tpu.memory_space<vmem>>, vector<16xf32>,
      tpu.vector_store %arg19[%swap3A_428, %swap3A_429], %mul3A_427 {strides = array<i32>} : memref<80x128xf32, #tpu.memory_space<vmem>>, vector<16xf32>,
      %get3A_431 = arith.index_cast %add3A_394 : i32 to index
      %get3A_432 = arith.constant 80 : index
      %get3A_433 = tpu.vector_load %arg19[%get3A_431, %get3A_432] {strides = array<i32>} : memref<80x128xf32, #tpu.memory_space<vmem>>, vector<16xf32>,
      %mul3A_434 = arith.mulf %get3A_433, %gather3A : vector<16xf32>
      %swap3A_435 = arith.index_cast %add3A_394 : i32 to index
      %swap3A_436 = arith.constant 80 : index
      %swap3A_437 = tpu.vector_load %arg19[%swap3A_435, %swap3A_436] {strides = array<i32>} : memref<80x128xf32, #tpu.memory_space<vmem>>, vector<16xf32>,
      tpu.vector_store %arg19[%swap3A_435, %swap3A_436], %mul3A_434 {strides = array<i32>} : memref<80x128xf32, #tpu.memory_space<vmem>>, vector<16xf32>,
      %get3A_438 = arith.index_cast %add3A_394 : i32 to index
      %get3A_439 = arith.constant 96 : index
      %get3A_440 = tpu.vector_load %arg19[%get3A_438, %get3A_439] {strides = array<i32>} : memref<80x128xf32, #tpu.memory_space<vmem>>, vector<16xf32>,
      %mul3A_441 = arith.mulf %get3A_440, %gather3A : vector<16xf32>
      %swap3A_442 = arith.index_cast %add3A_394 : i32 to index
      %swap3A_443 = arith.constant 96 : index
      %swap3A_444 = tpu.vector_load %arg19[%swap3A_442, %swap3A_443] {strides = array<i32>} : memref<80x128xf32, #tpu.memory_space<vmem>>, vector<16xf32>,
      tpu.vector_store %arg19[%swap3A_442, %swap3A_443], %mul3A_441 {strides = array<i32>} : memref<80x128xf32, #tpu.memory_space<vmem>>, vector<16xf32>,
      %get3A_445 = arith.index_cast %add3A_394 : i32 to index
      %get3A_446 = arith.constant 112 : index
      %get3A_447 = tpu.vector_load %arg19[%get3A_445, %get3A_446] {strides = array<i32>} : memref<80x128xf32, #tpu.memory_space<vmem>>, vector<16xf32>,
      %mul3A_448 = arith.mulf %get3A_447, %gather3A : vector<16xf32>
      %swap3A_449 = arith.index_cast %add3A_394 : i32 to index
      %swap3A_450 = arith.constant 112 : index
      %swap3A_451 = tpu.vector_load %arg19[%swap3A_449, %swap3A_450] {strides = array<i32>} : memref<80x128xf32, #tpu.memory_space<vmem>>, vector<16xf32>,
      tpu.vector_store %arg19[%swap3A_449, %swap3A_450], %mul3A_448 {strides = array<i32>} : memref<80x128xf32, #tpu.memory_space<vmem>>, vector<16xf32>,
      %add3A_452 = arith.constant 1 : i32
      %add3A_453 = arith.addi %mul3A_392, %add3A_452 : i32
      %broadcast_in_dim3A_454 = vector.broadcast %add3A_453 : i32 to vector<16xi32>
      %gather3A_455 = tpu.vector_load_idx %arg16[%broadcast_in_dim3A_454] : memref<80xf32, #tpu.memory_space<vmem>>[vector<16xi32>], vector<16xf32>,
      %get3A_456 = arith.index_cast %add3A_453 : i32 to index
      %get3A_457 = arith.constant 0 : index
      %get3A_458 = tpu.vector_load %arg19[%get3A_456, %get3A_457] {strides = array<i32>} : memref<80x128xf32, #tpu.memory_space<vmem>>, vector<16xf32>,
      %mul3A_459 = arith.mulf %get3A_458, %gather3A_455 : vector<16xf32>
      %swap3A_460 = arith.index_cast %add3A_453 : i32 to index
      %swap3A_461 = arith.constant 0 : index
      %swap3A_462 = tpu.vector_load %arg19[%swap3A_460, %swap3A_461] {strides = array<i32>} : memref<80x128xf32, #tpu.memory_space<vmem>>, vector<16xf32>,
      tpu.vector_store %arg19[%swap3A_460, %swap3A_461], %mul3A_459 {strides = array<i32>} : memref<80x128xf32, #tpu.memory_space<vmem>>, vector<16xf32>,
      %get3A_463 = arith.index_cast %add3A_453 : i32 to index
      %get3A_464 = arith.constant 16 : index
      %get3A_465 = tpu.vector_load %arg19[%get3A_463, %get3A_464] {strides = array<i32>} : memref<80x128xf32, #tpu.memory_space<vmem>>, vector<16xf32>,
      %mul3A_466 = arith.mulf %get3A_465, %gather3A_455 : vector<16xf32>
      %swap3A_467 = arith.index_cast %add3A_453 : i32 to index
      %swap3A_468 = arith.constant 16 : index
      %swap3A_469 = tpu.vector_load %arg19[%swap3A_467, %swap3A_468] {strides = array<i32>} : memref<80x128xf32, #tpu.memory_space<vmem>>, vector<16xf32>,
      tpu.vector_store %arg19[%swap3A_467, %swap3A_468], %mul3A_466 {strides = array<i32>} : memref<80x128xf32, #tpu.memory_space<vmem>>, vector<16xf32>,
      %get3A_470 = arith.index_cast %add3A_453 : i32 to index
      %get3A_471 = arith.constant 32 : index
      %get3A_472 = tpu.vector_load %arg19[%get3A_470, %get3A_471] {strides = array<i32>} : memref<80x128xf32, #tpu.memory_space<vmem>>, vector<16xf32>,
      %mul3A_473 = arith.mulf %get3A_472, %gather3A_455 : vector<16xf32>
      %swap3A_474 = arith.index_cast %add3A_453 : i32 to index
      %swap3A_475 = arith.constant 32 : index
      %swap3A_476 = tpu.vector_load %arg19[%swap3A_474, %swap3A_475] {strides = array<i32>} : memref<80x128xf32, #tpu.memory_space<vmem>>, vector<16xf32>,
      tpu.vector_store %arg19[%swap3A_474, %swap3A_475], %mul3A_473 {strides = array<i32>} : memref<80x128xf32, #tpu.memory_space<vmem>>, vector<16xf32>,
      %get3A_477 = arith.index_cast %add3A_453 : i32 to index
      %get3A_478 = arith.constant 48 : index
      %get3A_479 = tpu.vector_load %arg19[%get3A_477, %get3A_478] {strides = array<i32>} : memref<80x128xf32, #tpu.memory_space<vmem>>, vector<16xf32>,
      %mul3A_480 = arith.mulf %get3A_479, %gather3A_455 : vector<16xf32>
      %swap3A_481 = arith.index_cast %add3A_453 : i32 to index
      %swap3A_482 = arith.constant 48 : index
      %swap3A_483 = tpu.vector_load %arg19[%swap3A_481, %swap3A_482] {strides = array<i32>} : memref<80x128xf32, #tpu.memory_space<vmem>>, vector<16xf32>,
      tpu.vector_store %arg19[%swap3A_481, %swap3A_482], %mul3A_480 {strides = array<i32>} : memref<80x128xf32, #tpu.memory_space<vmem>>, vector<16xf32>,
      %get3A_484 = arith.index_cast %add3A_453 : i32 to index
      %get3A_485 = arith.constant 64 : index
      %get3A_486 = tpu.vector_load %arg19[%get3A_484, %get3A_485] {strides = array<i32>} : memref<80x128xf32, #tpu.memory_space<vmem>>, vector<16xf32>,
      %mul3A_487 = arith.mulf %get3A_486, %gather3A_455 : vector<16xf32>
      %swap3A_488 = arith.index_cast %add3A_453 : i32 to index
      %swap3A_489 = arith.constant 64 : index
      %swap3A_490 = tpu.vector_load %arg19[%swap3A_488, %swap3A_489] {strides = array<i32>} : memref<80x128xf32, #tpu.memory_space<vmem>>, vector<16xf32>,
      tpu.vector_store %arg19[%swap3A_488, %swap3A_489], %mul3A_487 {strides = array<i32>} : memref<80x128xf32, #tpu.memory_space<vmem>>, vector<16xf32>,
      %get3A_491 = arith.index_cast %add3A_453 : i32 to index
      %get3A_492 = arith.constant 80 : index
      %get3A_493 = tpu.vector_load %arg19[%get3A_491, %get3A_492] {strides = array<i32>} : memref<80x128xf32, #tpu.memory_space<vmem>>, vector<16xf32>,
      %mul3A_494 = arith.mulf %get3A_493, %gather3A_455 : vector<16xf32>
      %swap3A_495 = arith.index_cast %add3A_453 : i32 to index
      %swap3A_496 = arith.constant 80 : index
      %swap3A_497 = tpu.vector_load %arg19[%swap3A_495, %swap3A_496] {strides = array<i32>} : memref<80x128xf32, #tpu.memory_space<vmem>>, vector<16xf32>,
      tpu.vector_store %arg19[%swap3A_495, %swap3A_496], %mul3A_494 {strides = array<i32>} : memref<80x128xf32, #tpu.memory_space<vmem>>, vector<16xf32>,
      %get3A_498 = arith.index_cast %add3A_453 : i32 to index
      %get3A_499 = arith.constant 96 : index
      %get3A_500 = tpu.vector_load %arg19[%get3A_498, %get3A_499] {strides = array<i32>} : memref<80x128xf32, #tpu.memory_space<vmem>>, vector<16xf32>,
      %mul3A_501 = arith.mulf %get3A_500, %gather3A_455 : vector<16xf32>
      %swap3A_502 = arith.index_cast %add3A_453 : i32 to index
      %swap3A_503 = arith.constant 96 : index
      %swap3A_504 = tpu.vector_load %arg19[%swap3A_502, %swap3A_503] {strides = array<i32>} : memref<80x128xf32, #tpu.memory_space<vmem>>, vector<16xf32>,
      tpu.vector_store %arg19[%swap3A_502, %swap3A_503], %mul3A_501 {strides = array<i32>} : memref<80x128xf32, #tpu.memory_space<vmem>>, vector<16xf32>,
      %get3A_505 = arith.index_cast %add3A_453 : i32 to index
      %get3A_506 = arith.constant 112 : index
      %get3A_507 = tpu.vector_load %arg19[%get3A_505, %get3A_506] {strides = array<i32>} : memref<80x128xf32, #tpu.memory_space<vmem>>, vector<16xf32>,
      %mul3A_508 = arith.mulf %get3A_507, %gather3A_455 : vector<16xf32>
      %swap3A_509 = arith.index_cast %add3A_453 : i32 to index
      %swap3A_510 = arith.constant 112 : index
      %swap3A_511 = tpu.vector_load %arg19[%swap3A_509, %swap3A_510] {strides = array<i32>} : memref<80x128xf32, #tpu.memory_space<vmem>>, vector<16xf32>,
      tpu.vector_store %arg19[%swap3A_509, %swap3A_510], %mul3A_508 {strides = array<i32>} : memref<80x128xf32, #tpu.memory_space<vmem>>, vector<16xf32>,
      %add3A_512 = arith.constant 2 : i32
      %add3A_513 = arith.addi %mul3A_392, %add3A_512 : i32
      %broadcast_in_dim3A_514 = vector.broadcast %add3A_513 : i32 to vector<16xi32>
      %gather3A_515 = tpu.vector_load_idx %arg16[%broadcast_in_dim3A_514] : memref<80xf32, #tpu.memory_space<vmem>>[vector<16xi32>], vector<16xf32>,
      %get3A_516 = arith.index_cast %add3A_513 : i32 to index
      %get3A_517 = arith.constant 0 : index
      %get3A_518 = tpu.vector_load %arg19[%get3A_516, %get3A_517] {strides = array<i32>} : memref<80x128xf32, #tpu.memory_space<vmem>>, vector<16xf32>,
      %mul3A_519 = arith.mulf %get3A_518, %gather3A_515 : vector<16xf32>
      %swap3A_520 = arith.index_cast %add3A_513 : i32 to index
      %swap3A_521 = arith.constant 0 : index
      %swap3A_522 = tpu.vector_load %arg19[%swap3A_520, %swap3A_521] {strides = array<i32>} : memref<80x128xf32, #tpu.memory_space<vmem>>, vector<16xf32>,
      tpu.vector_store %arg19[%swap3A_520, %swap3A_521], %mul3A_519 {strides = array<i32>} : memref<80x128xf32, #tpu.memory_space<vmem>>, vector<16xf32>,
      %get3A_523 = arith.index_cast %add3A_513 : i32 to index
      %get3A_524 = arith.constant 16 : index
      %get3A_525 = tpu.vector_load %arg19[%get3A_523, %get3A_524] {strides = array<i32>} : memref<80x128xf32, #tpu.memory_space<vmem>>, vector<16xf32>,
      %mul3A_526 = arith.mulf %get3A_525, %gather3A_515 : vector<16xf32>
      %swap3A_527 = arith.index_cast %add3A_513 : i32 to index
      %swap3A_528 = arith.constant 16 : index
      %swap3A_529 = tpu.vector_load %arg19[%swap3A_527, %swap3A_528] {strides = array<i32>} : memref<80x128xf32, #tpu.memory_space<vmem>>, vector<16xf32>,
      tpu.vector_store %arg19[%swap3A_527, %swap3A_528], %mul3A_526 {strides = array<i32>} : memref<80x128xf32, #tpu.memory_space<vmem>>, vector<16xf32>,
      %get3A_530 = arith.index_cast %add3A_513 : i32 to index
      %get3A_531 = arith.constant 32 : index
      %get3A_532 = tpu.vector_load %arg19[%get3A_530, %get3A_531] {strides = array<i32>} : memref<80x128xf32, #tpu.memory_space<vmem>>, vector<16xf32>,
      %mul3A_533 = arith.mulf %get3A_532, %gather3A_515 : vector<16xf32>
      %swap3A_534 = arith.index_cast %add3A_513 : i32 to index
      %swap3A_535 = arith.constant 32 : index
      %swap3A_536 = tpu.vector_load %arg19[%swap3A_534, %swap3A_535] {strides = array<i32>} : memref<80x128xf32, #tpu.memory_space<vmem>>, vector<16xf32>,
      tpu.vector_store %arg19[%swap3A_534, %swap3A_535], %mul3A_533 {strides = array<i32>} : memref<80x128xf32, #tpu.memory_space<vmem>>, vector<16xf32>,
      %get3A_537 = arith.index_cast %add3A_513 : i32 to index
      %get3A_538 = arith.constant 48 : index
      %get3A_539 = tpu.vector_load %arg19[%get3A_537, %get3A_538] {strides = array<i32>} : memref<80x128xf32, #tpu.memory_space<vmem>>, vector<16xf32>,
      %mul3A_540 = arith.mulf %get3A_539, %gather3A_515 : vector<16xf32>
      %swap3A_541 = arith.index_cast %add3A_513 : i32 to index
      %swap3A_542 = arith.constant 48 : index
      %swap3A_543 = tpu.vector_load %arg19[%swap3A_541, %swap3A_542] {strides = array<i32>} : memref<80x128xf32, #tpu.memory_space<vmem>>, vector<16xf32>,
      tpu.vector_store %arg19[%swap3A_541, %swap3A_542], %mul3A_540 {strides = array<i32>} : memref<80x128xf32, #tpu.memory_space<vmem>>, vector<16xf32>,
      %get3A_544 = arith.index_cast %add3A_513 : i32 to index
      %get3A_545 = arith.constant 64 : index
      %get3A_546 = tpu.vector_load %arg19[%get3A_544, %get3A_545] {strides = array<i32>} : memref<80x128xf32, #tpu.memory_space<vmem>>, vector<16xf32>,
      %mul3A_547 = arith.mulf %get3A_546, %gather3A_515 : vector<16xf32>
      %swap3A_548 = arith.index_cast %add3A_513 : i32 to index
      %swap3A_549 = arith.constant 64 : index
      %swap3A_550 = tpu.vector_load %arg19[%swap3A_548, %swap3A_549] {strides = array<i32>} : memref<80x128xf32, #tpu.memory_space<vmem>>, vector<16xf32>,
      tpu.vector_store %arg19[%swap3A_548, %swap3A_549], %mul3A_547 {strides = array<i32>} : memref<80x128xf32, #tpu.memory_space<vmem>>, vector<16xf32>,
      %get3A_551 = arith.index_cast %add3A_513 : i32 to index
      %get3A_552 = arith.constant 80 : index
      %get3A_553 = tpu.vector_load %arg19[%get3A_551, %get3A_552] {strides = array<i32>} : memref<80x128xf32, #tpu.memory_space<vmem>>, vector<16xf32>,
      %mul3A_554 = arith.mulf %get3A_553, %gather3A_515 : vector<16xf32>
      %swap3A_555 = arith.index_cast %add3A_513 : i32 to index
      %swap3A_556 = arith.constant 80 : index
      %swap3A_557 = tpu.vector_load %arg19[%swap3A_555, %swap3A_556] {strides = array<i32>} : memref<80x128xf32, #tpu.memory_space<vmem>>, vector<16xf32>,
      tpu.vector_store %arg19[%swap3A_555, %swap3A_556], %mul3A_554 {strides = array<i32>} : memref<80x128xf32, #tpu.memory_space<vmem>>, vector<16xf32>,
      %get3A_558 = arith.index_cast %add3A_513 : i32 to index
      %get3A_559 = arith.constant 96 : index
      %get3A_560 = tpu.vector_load %arg19[%get3A_558, %get3A_559] {strides = array<i32>} : memref<80x128xf32, #tpu.memory_space<vmem>>, vector<16xf32>,
      %mul3A_561 = arith.mulf %get3A_560, %gather3A_515 : vector<16xf32>
      %swap3A_562 = arith.index_cast %add3A_513 : i32 to index
      %swap3A_563 = arith.constant 96 : index
      %swap3A_564 = tpu.vector_load %arg19[%swap3A_562, %swap3A_563] {strides = array<i32>} : memref<80x128xf32, #tpu.memory_space<vmem>>, vector<16xf32>,
      tpu.vector_store %arg19[%swap3A_562, %swap3A_563], %mul3A_561 {strides = array<i32>} : memref<80x128xf32, #tpu.memory_space<vmem>>, vector<16xf32>,
      %get3A_565 = arith.index_cast %add3A_513 : i32 to index
      %get3A_566 = arith.constant 112 : index
      %get3A_567 = tpu.vector_load %arg19[%get3A_565, %get3A_566] {strides = array<i32>} : memref<80x128xf32, #tpu.memory_space<vmem>>, vector<16xf32>,
      %mul3A_568 = arith.mulf %get3A_567, %gather3A_515 : vector<16xf32>
      %swap3A_569 = arith.index_cast %add3A_513 : i32 to index
      %swap3A_570 = arith.constant 112 : index
      %swap3A_571 = tpu.vector_load %arg19[%swap3A_569, %swap3A_570] {strides = array<i32>} : memref<80x128xf32, #tpu.memory_space<vmem>>, vector<16xf32>,
      tpu.vector_store %arg19[%swap3A_569, %swap3A_570], %mul3A_568 {strides = array<i32>} : memref<80x128xf32, #tpu.memory_space<vmem>>, vector<16xf32>,
      %add3A_572 = arith.constant 3 : i32
      %add3A_573 = arith.addi %mul3A_392, %add3A_572 : i32
      %broadcast_in_dim3A_574 = vector.broadcast %add3A_573 : i32 to vector<16xi32>
      %gather3A_575 = tpu.vector_load_idx %arg16[%broadcast_in_dim3A_574] : memref<80xf32, #tpu.memory_space<vmem>>[vector<16xi32>], vector<16xf32>,
      %get3A_576 = arith.index_cast %add3A_573 : i32 to index
      %get3A_577 = arith.constant 0 : index
      %get3A_578 = tpu.vector_load %arg19[%get3A_576, %get3A_577] {strides = array<i32>} : memref<80x128xf32, #tpu.memory_space<vmem>>, vector<16xf32>,
      %mul3A_579 = arith.mulf %get3A_578, %gather3A_575 : vector<16xf32>
      %swap3A_580 = arith.index_cast %add3A_573 : i32 to index
      %swap3A_581 = arith.constant 0 : index
      %swap3A_582 = tpu.vector_load %arg19[%swap3A_580, %swap3A_581] {strides = array<i32>} : memref<80x128xf32, #tpu.memory_space<vmem>>, vector<16xf32>,
      tpu.vector_store %arg19[%swap3A_580, %swap3A_581], %mul3A_579 {strides = array<i32>} : memref<80x128xf32, #tpu.memory_space<vmem>>, vector<16xf32>,
      %get3A_583 = arith.index_cast %add3A_573 : i32 to index
      %get3A_584 = arith.constant 16 : index
      %get3A_585 = tpu.vector_load %arg19[%get3A_583, %get3A_584] {strides = array<i32>} : memref<80x128xf32, #tpu.memory_space<vmem>>, vector<16xf32>,
      %mul3A_586 = arith.mulf %get3A_585, %gather3A_575 : vector<16xf32>
      %swap3A_587 = arith.index_cast %add3A_573 : i32 to index
      %swap3A_588 = arith.constant 16 : index
      %swap3A_589 = tpu.vector_load %arg19[%swap3A_587, %swap3A_588] {strides = array<i32>} : memref<80x128xf32, #tpu.memory_space<vmem>>, vector<16xf32>,
      tpu.vector_store %arg19[%swap3A_587, %swap3A_588], %mul3A_586 {strides = array<i32>} : memref<80x128xf32, #tpu.memory_space<vmem>>, vector<16xf32>,
      %get3A_590 = arith.index_cast %add3A_573 : i32 to index
      %get3A_591 = arith.constant 32 : index
      %get3A_592 = tpu.vector_load %arg19[%get3A_590, %get3A_591] {strides = array<i32>} : memref<80x128xf32, #tpu.memory_space<vmem>>, vector<16xf32>,
      %mul3A_593 = arith.mulf %get3A_592, %gather3A_575 : vector<16xf32>
      %swap3A_594 = arith.index_cast %add3A_573 : i32 to index
      %swap3A_595 = arith.constant 32 : index
      %swap3A_596 = tpu.vector_load %arg19[%swap3A_594, %swap3A_595] {strides = array<i32>} : memref<80x128xf32, #tpu.memory_space<vmem>>, vector<16xf32>,
      tpu.vector_store %arg19[%swap3A_594, %swap3A_595], %mul3A_593 {strides = array<i32>} : memref<80x128xf32, #tpu.memory_space<vmem>>, vector<16xf32>,
      %get3A_597 = arith.index_cast %add3A_573 : i32 to index
      %get3A_598 = arith.constant 48 : index
      %get3A_599 = tpu.vector_load %arg19[%get3A_597, %get3A_598] {strides = array<i32>} : memref<80x128xf32, #tpu.memory_space<vmem>>, vector<16xf32>,
      %mul3A_600 = arith.mulf %get3A_599, %gather3A_575 : vector<16xf32>
      %swap3A_601 = arith.index_cast %add3A_573 : i32 to index
      %swap3A_602 = arith.constant 48 : index
      %swap3A_603 = tpu.vector_load %arg19[%swap3A_601, %swap3A_602] {strides = array<i32>} : memref<80x128xf32, #tpu.memory_space<vmem>>, vector<16xf32>,
      tpu.vector_store %arg19[%swap3A_601, %swap3A_602], %mul3A_600 {strides = array<i32>} : memref<80x128xf32, #tpu.memory_space<vmem>>, vector<16xf32>,
      %get3A_604 = arith.index_cast %add3A_573 : i32 to index
      %get3A_605 = arith.constant 64 : index
      %get3A_606 = tpu.vector_load %arg19[%get3A_604, %get3A_605] {strides = array<i32>} : memref<80x128xf32, #tpu.memory_space<vmem>>, vector<16xf32>,
      %mul3A_607 = arith.mulf %get3A_606, %gather3A_575 : vector<16xf32>
      %swap3A_608 = arith.index_cast %add3A_573 : i32 to index
      %swap3A_609 = arith.constant 64 : index
      %swap3A_610 = tpu.vector_load %arg19[%swap3A_608, %swap3A_609] {strides = array<i32>} : memref<80x128xf32, #tpu.memory_space<vmem>>, vector<16xf32>,
      tpu.vector_store %arg19[%swap3A_608, %swap3A_609], %mul3A_607 {strides = array<i32>} : memref<80x128xf32, #tpu.memory_space<vmem>>, vector<16xf32>,
      %get3A_611 = arith.index_cast %add3A_573 : i32 to index
      %get3A_612 = arith.constant 80 : index
      %get3A_613 = tpu.vector_load %arg19[%get3A_611, %get3A_612] {strides = array<i32>} : memref<80x128xf32, #tpu.memory_space<vmem>>, vector<16xf32>,
      %mul3A_614 = arith.mulf %get3A_613, %gather3A_575 : vector<16xf32>
      %swap3A_615 = arith.index_cast %add3A_573 : i32 to index
      %swap3A_616 = arith.constant 80 : index
      %swap3A_617 = tpu.vector_load %arg19[%swap3A_615, %swap3A_616] {strides = array<i32>} : memref<80x128xf32, #tpu.memory_space<vmem>>, vector<16xf32>,
      tpu.vector_store %arg19[%swap3A_615, %swap3A_616], %mul3A_614 {strides = array<i32>} : memref<80x128xf32, #tpu.memory_space<vmem>>, vector<16xf32>,
      %get3A_618 = arith.index_cast %add3A_573 : i32 to index
      %get3A_619 = arith.constant 96 : index
      %get3A_620 = tpu.vector_load %arg19[%get3A_618, %get3A_619] {strides = array<i32>} : memref<80x128xf32, #tpu.memory_space<vmem>>, vector<16xf32>,
      %mul3A_621 = arith.mulf %get3A_620, %gather3A_575 : vector<16xf32>
      %swap3A_622 = arith.index_cast %add3A_573 : i32 to index
      %swap3A_623 = arith.constant 96 : index
      %swap3A_624 = tpu.vector_load %arg19[%swap3A_622, %swap3A_623] {strides = array<i32>} : memref<80x128xf32, #tpu.memory_space<vmem>>, vector<16xf32>,
      tpu.vector_store %arg19[%swap3A_622, %swap3A_623], %mul3A_621 {strides = array<i32>} : memref<80x128xf32, #tpu.memory_space<vmem>>, vector<16xf32>,
      %get3A_625 = arith.index_cast %add3A_573 : i32 to index
      %get3A_626 = arith.constant 112 : index
      %get3A_627 = tpu.vector_load %arg19[%get3A_625, %get3A_626] {strides = array<i32>} : memref<80x128xf32, #tpu.memory_space<vmem>>, vector<16xf32>,
      %mul3A_628 = arith.mulf %get3A_627, %gather3A_575 : vector<16xf32>
      %swap3A_629 = arith.index_cast %add3A_573 : i32 to index
      %swap3A_630 = arith.constant 112 : index
      %swap3A_631 = tpu.vector_load %arg19[%swap3A_629, %swap3A_630] {strides = array<i32>} : memref<80x128xf32, #tpu.memory_space<vmem>>, vector<16xf32>,
      tpu.vector_store %arg19[%swap3A_629, %swap3A_630], %mul3A_628 {strides = array<i32>} : memref<80x128xf32, #tpu.memory_space<vmem>>, vector<16xf32>,
    }
    %scan3A_324 = arith.constant 20 : i32
    %get3A_325 = arith.constant 0 : i32
    %get3A_326 = arith.index_cast %get3A_325 : i32 to index
    %get3A_327 = arith.constant 0 : index
    %get3A_328 = tpu.vector_load %arg10[%get3A_326, %get3A_327] {strides = array<i32>} : memref<1x80xi32, #tpu.memory_space<vmem>>, vector<16xi32>,
    %swap3A_329 = arith.constant 0 : i32
    %swap3A_330 = arith.index_cast %swap3A_329 : i32 to index
    %swap3A_331 = arith.constant 0 : index
    %swap3A_332 = tpu.vector_load %arg13[%swap3A_330, %swap3A_331] {strides = array<i32>} : memref<1x80xi32, #tpu.memory_space<vmem>>, vector<16xi32>,
    tpu.vector_store %arg13[%swap3A_330, %swap3A_331], %get3A_328 {strides = array<i32>} : memref<1x80xi32, #tpu.memory_space<vmem>>, vector<16xi32>,
    %get3A_333 = arith.constant 0 : i32
    %get3A_334 = arith.index_cast %get3A_333 : i32 to index
    %get3A_335 = arith.constant 16 : index
    %get3A_336 = tpu.vector_load %arg10[%get3A_334, %get3A_335] {strides = array<i32>} : memref<1x80xi32, #tpu.memory_space<vmem>>, vector<16xi32>,
    %swap3A_337 = arith.constant 0 : i32
    %swap3A_338 = arith.index_cast %swap3A_337 : i32 to index
    %swap3A_339 = arith.constant 16 : index
    %swap3A_340 = tpu.vector_load %arg13[%swap3A_338, %swap3A_339] {strides = array<i32>} : memref<1x80xi32, #tpu.memory_space<vmem>>, vector<16xi32>,
    tpu.vector_store %arg13[%swap3A_338, %swap3A_339], %get3A_336 {strides = array<i32>} : memref<1x80xi32, #tpu.memory_space<vmem>>, vector<16xi32>,
    %get3A_341 = arith.constant 0 : i32
    %get3A_342 = arith.index_cast %get3A_341 : i32 to index
    %get3A_343 = arith.constant 32 : index
    %get3A_344 = tpu.vector_load %arg10[%get3A_342, %get3A_343] {strides = array<i32>} : memref<1x80xi32, #tpu.memory_space<vmem>>, vector<16xi32>,
    %swap3A_345 = arith.constant 0 : i32
    %swap3A_346 = arith.index_cast %swap3A_345 : i32 to index
    %swap3A_347 = arith.constant 32 : index
    %swap3A_348 = tpu.vector_load %arg13[%swap3A_346, %swap3A_347] {strides = array<i32>} : memref<1x80xi32, #tpu.memory_space<vmem>>, vector<16xi32>,
    tpu.vector_store %arg13[%swap3A_346, %swap3A_347], %get3A_344 {strides = array<i32>} : memref<1x80xi32, #tpu.memory_space<vmem>>, vector<16xi32>,
    %get3A_349 = arith.constant 0 : i32
    %get3A_350 = arith.index_cast %get3A_349 : i32 to index
    %get3A_351 = arith.constant 48 : index
    %get3A_352 = tpu.vector_load %arg10[%get3A_350, %get3A_351] {strides = array<i32>} : memref<1x80xi32, #tpu.memory_space<vmem>>, vector<16xi32>,
    %swap3A_353 = arith.constant 0 : i32
    %swap3A_354 = arith.index_cast %swap3A_353 : i32 to index
    %swap3A_355 = arith.constant 48 : index
    %swap3A_356 = tpu.vector_load %arg13[%swap3A_354, %swap3A_355] {strides = array<i32>} : memref<1x80xi32, #tpu.memory_space<vmem>>, vector<16xi32>,
    tpu.vector_store %arg13[%swap3A_354, %swap3A_355], %get3A_352 {strides = array<i32>} : memref<1x80xi32, #tpu.memory_space<vmem>>, vector<16xi32>,
    %get3A_357 = arith.constant 0 : i32
    %get3A_358 = arith.index_cast %get3A_357 : i32 to index
    %get3A_359 = arith.constant 64 : index
    %get3A_360 = tpu.vector_load %arg10[%get3A_358, %get3A_359] {strides = array<i32>} : memref<1x80xi32, #tpu.memory_space<vmem>>, vector<16xi32>,
    %swap3A_361 = arith.constant 0 : i32
    %swap3A_362 = arith.index_cast %swap3A_361 : i32 to index
    %swap3A_363 = arith.constant 64 : index
    %swap3A_364 = tpu.vector_load %arg13[%swap3A_362, %swap3A_363] {strides = array<i32>} : memref<1x80xi32, #tpu.memory_space<vmem>>, vector<16xi32>,
    tpu.vector_store %arg13[%swap3A_362, %swap3A_363], %get3A_360 {strides = array<i32>} : memref<1x80xi32, #tpu.memory_space<vmem>>, vector<16xi32>,
    %dma_start3A_365 = arith.constant 0 : i32
    %dma_start3A_366 = arith.constant 0 : i32
    %dma_start3A_367 = tpu.memref_slice %arg13[%dma_start3A_365, %dma_start3A_366] : memref<1x80xi32, #tpu.memory_space<vmem>> -> memref<1x80xi32, #tpu.memory_space<vmem>>
    %dma_start3A_368 = tpu.memref_squeeze %dma_start3A_367 : memref<1x80xi32, #tpu.memory_space<vmem>> -> memref<80xi32, #tpu.memory_space<vmem>>
    %dma_start3A_369 = arith.constant 0 : i32
    %dma_start3A_370 = arith.constant 0 : i32
    %dma_start3A_371 = tpu.memref_slice %arg21[%dma_start3A_369, %dma_start3A_370] : memref<10240x128xf32, #tpu.memory_space<vmem_shared>> -> memref<10240x128xf32, #tpu.memory_space<vmem_shared>>
    tpu.enqueue_indirect_dma source(%arg19 : memref<80x128xf32, #tpu.memory_space<vmem>>) target(%dma_start3A_371 : memref<10240x128xf32, #tpu.memory_space<vmem_shared>>) offsets(%dma_start3A_368 : memref<80xi32, #tpu.memory_space<vmem>>) semaphore(%arg29 : memref<!tpu.dma_semaphore, #tpu.memory_space<semaphore_mem>>) {add = true}
    %scan3A_372 = arith.constant 0 : i32
    %scan3A_373 = arith.constant 0 : i32
    %scan3A_374 = arith.constant 41 : i32
    %scan3A_375 = arith.addi %scan3A_373, %scan3A_374 : i32
    %scan3A_376 = arith.constant 1 : i32
    scf.for %scan3A_390 = %scan3A_373 to %scan3A_375 step %scan3A_376  : i32 {
      %mul3A_391 = arith.constant 3 : i32
      %mul3A_392 = arith.muli %mul3A_391, %scan3A_390 : i32
      %add3A_393 = arith.constant 2 : i32
      %add3A_394 = arith.addi %mul3A_392, %add3A_393 : i32
      %add3A_395 = arith.constant 0 : i32
      %add3A_396 = arith.addi %add3A_394, %add3A_395 : i32
      %add3A_397 = arith.constant 1 : i32
      %add3A_398 = arith.addi %add3A_396, %add3A_397 : i32
      %le3A = arith.constant 124 : i32
      %le3A_399 = arith.cmpi sle, %add3A_398, %le3A : i32
      %convert_element_type3A = arith.extui %le3A_399 : i1 to i32
      %cond3A = arith.constant 0 : i32
      %cond3A_400 = arith.cmpi ne, %convert_element_type3A, %cond3A : i32
      scf.if %cond3A_400 {
        %add3A_641 = arith.constant 1 : i32
        %add3A_642 = arith.addi %add3A_396, %add3A_641 : i32
        %dma_wait3A_643 = arith.constant 0 : i32
        %dma_wait3A_644 = arith.constant 0 : i32
        %dma_wait3A_645 = arith.constant 0 : i32
        %dma_wait3A_646 = tpu.memref_slice %arg3[%dma_wait3A_643, %add3A, %add3A_642, %dma_wait3A_644, %dma_wait3A_645] : memref<2x32x125x1x80xi32, #tpu.memory_space<hbm>> -> memref<1x1x1x1x80xi32, #tpu.memory_space<hbm>>
        %dma_wait3A_647 = tpu.memref_squeeze %dma_wait3A_646 : memref<1x1x1x1x80xi32, #tpu.memory_space<hbm>> -> memref<1x80xi32, #tpu.memory_space<hbm>>
        %dma_wait3A_648 = arith.constant 0 : i32
        %dma_wait3A_649 = arith.constant 0 : i32
        %dma_wait3A_650 = tpu.memref_slice %arg3[%dma_wait3A_643, %add3A, %add3A_642, %dma_wait3A_648, %dma_wait3A_649] : memref<2x32x125x1x80xi32, #tpu.memory_space<hbm>> -> memref<1x1x1x1x80xi32, #tpu.memory_space<hbm>>
        %dma_wait3A_651 = tpu.memref_squeeze %dma_wait3A_650 : memref<1x1x1x1x80xi32, #tpu.memory_space<hbm>> -> memref<1x80xi32, #tpu.memory_space<hbm>>
        tpu.wait_dma2 semaphore(%arg22 : memref<!tpu.dma_semaphore, #tpu.memory_space<semaphore_mem>>) src(%dma_wait3A_651 : memref<1x80xi32, #tpu.memory_space<hbm>>) dst(%arg6 : memref<1x80xi32, #tpu.memory_space<vmem>>)
        %dma_wait3A_652 = arith.constant 1 : i32
        %dma_wait3A_653 = arith.constant 0 : i32
        %dma_wait3A_654 = arith.constant 0 : i32
        %dma_wait3A_655 = tpu.memref_slice %arg3[%dma_wait3A_652, %add3A, %add3A_642, %dma_wait3A_653, %dma_wait3A_654] : memref<2x32x125x1x80xi32, #tpu.memory_space<hbm>> -> memref<1x1x1x1x80xi32, #tpu.memory_space<hbm>>
        %dma_wait3A_656 = tpu.memref_squeeze %dma_wait3A_655 : memref<1x1x1x1x80xi32, #tpu.memory_space<hbm>> -> memref<1x80xi32, #tpu.memory_space<hbm>>
        %dma_wait3A_657 = arith.constant 0 : i32
        %dma_wait3A_658 = arith.constant 0 : i32
        %dma_wait3A_659 = tpu.memref_slice %arg3[%dma_wait3A_652, %add3A, %add3A_642, %dma_wait3A_657, %dma_wait3A_658] : memref<2x32x125x1x80xi32, #tpu.memory_space<hbm>> -> memref<1x1x1x1x80xi32, #tpu.memory_space<hbm>>
        %dma_wait3A_660 = tpu.memref_squeeze %dma_wait3A_659 : memref<1x1x1x1x80xi32, #tpu.memory_space<hbm>> -> memref<1x80xi32, #tpu.memory_space<hbm>>
        tpu.wait_dma2 semaphore(%arg22 : memref<!tpu.dma_semaphore, #tpu.memory_space<semaphore_mem>>) src(%dma_wait3A_660 : memref<1x80xi32, #tpu.memory_space<hbm>>) dst(%arg9 : memref<1x80xi32, #tpu.memory_space<vmem>>)
        %dma_wait3A_661 = arith.constant 0 : i32
        %dma_wait3A_662 = tpu.memref_slice %arg4[%add3A, %add3A_642, %dma_wait3A_661] : memref<32x125x80xf32, #tpu.memory_space<hbm>> -> memref<1x1x80xf32, #tpu.memory_space<hbm>>
        %dma_wait3A_663 = tpu.memref_squeeze %dma_wait3A_662 : memref<1x1x80xf32, #tpu.memory_space<hbm>> -> memref<80xf32, #tpu.memory_space<hbm>>
        %dma_wait3A_664 = arith.constant 0 : i32
        %dma_wait3A_665 = tpu.memref_slice %arg4[%add3A, %add3A_642, %dma_wait3A_664] : memref<32x125x80xf32, #tpu.memory_space<hbm>> -> memref<1x1x80xf32, #tpu.memory_space<hbm>>
        %dma_wait3A_666 = tpu.memref_squeeze %dma_wait3A_665 : memref<1x1x80xf32, #tpu.memory_space<hbm>> -> memref<80xf32, #tpu.memory_space<hbm>>
        tpu.wait_dma2 semaphore(%arg22 : memref<!tpu.dma_semaphore, #tpu.memory_space<semaphore_mem>>) src(%dma_wait3A_666 : memref<80xf32, #tpu.memory_space<hbm>>) dst(%arg15 : memref<80xf32, #tpu.memory_space<vmem>>)
        %dma_start3A_667 = arith.constant 0 : i32
        %dma_start3A_668 = arith.constant 0 : i32
        %dma_start3A_669 = tpu.memref_slice %arg6[%dma_start3A_667, %dma_start3A_668] : memref<1x80xi32, #tpu.memory_space<vmem>> -> memref<1x80xi32, #tpu.memory_space<vmem>>
        %dma_start3A_670 = tpu.memref_squeeze %dma_start3A_669 : memref<1x80xi32, #tpu.memory_space<vmem>> -> memref<80xi32, #tpu.memory_space<vmem>>
        %dma_start3A_671 = arith.constant 0 : i32
        %dma_start3A_672 = arith.constant 0 : i32
        %dma_start3A_673 = tpu.memref_slice %arg2[%dma_start3A_671, %dma_start3A_672] : memref<10000x128xf32, #tpu.memory_space<hbm>> -> memref<10000x128xf32, #tpu.memory_space<hbm>>
        tpu.enqueue_indirect_dma source(%dma_start3A_673 : memref<10000x128xf32, #tpu.memory_space<hbm>>) target(%arg18 : memref<80x128xf32, #tpu.memory_space<vmem>>) offsets(%dma_start3A_670 : memref<80xi32, #tpu.memory_space<vmem>>) semaphore(%arg25 : memref<!tpu.dma_semaphore, #tpu.memory_space<semaphore_mem>>)
      } else {
      }
      %dma_wait3A_401 = arith.constant 0 : i32
      %dma_wait3A_402 = arith.constant 0 : i32
      %dma_wait3A_403 = tpu.memref_slice %arg8[%dma_wait3A_401, %dma_wait3A_402] : memref<1x80xi32, #tpu.memory_space<vmem>> -> memref<1x80xi32, #tpu.memory_space<vmem>>
      %dma_wait3A_404 = tpu.memref_squeeze %dma_wait3A_403 : memref<1x80xi32, #tpu.memory_space<vmem>> -> memref<80xi32, #tpu.memory_space<vmem>>
      %dma_wait3A_405 = arith.constant 0 : i32
      %dma_wait3A_406 = arith.constant 0 : i32
      %dma_wait3A_407 = tpu.memref_slice %arg2[%dma_wait3A_405, %dma_wait3A_406] : memref<10000x128xf32, #tpu.memory_space<hbm>> -> memref<10000x128xf32, #tpu.memory_space<hbm>>
      tpu.wait_indirect_dma semaphore(%arg27 : memref<!tpu.dma_semaphore, #tpu.memory_space<semaphore_mem>>) src(%dma_wait3A_407 : memref<10000x128xf32, #tpu.memory_space<hbm>>) dst(%arg20 : memref<80x128xf32, #tpu.memory_space<vmem>>)
      %scan3A_408 = arith.constant 0 : i32
      %scan3A_409 = arith.constant 0 : i32
      %scan3A_410 = arith.constant 20 : i32
      %scan3A_411 = arith.addi %scan3A_409, %scan3A_410 : i32
      %scan3A_412 = arith.constant 1 : i32
      scf.for %scan3A_641 = %scan3A_409 to %scan3A_411 step %scan3A_412  : i32 {
        %mul3A_642 = arith.constant 4 : i32
        %mul3A_643 = arith.muli %scan3A_641, %mul3A_642 : i32
        %add3A_644 = arith.constant 0 : i32
        %add3A_645 = arith.addi %mul3A_643, %add3A_644 : i32
        %broadcast_in_dim3A_646 = vector.broadcast %add3A_645 : i32 to vector<16xi32>
        %gather3A = tpu.vector_load_idx %arg17[%broadcast_in_dim3A_646] : memref<80xf32, #tpu.memory_space<vmem>>[vector<16xi32>], vector<16xf32>,
        %get3A_647 = arith.index_cast %add3A_645 : i32 to index
        %get3A_648 = arith.constant 0 : index
        %get3A_649 = tpu.vector_load %arg20[%get3A_647, %get3A_648] {strides = array<i32>} : memref<80x128xf32, #tpu.memory_space<vmem>>, vector<16xf32>,
        %mul3A_650 = arith.mulf %get3A_649, %gather3A : vector<16xf32>
        %swap3A_651 = arith.index_cast %add3A_645 : i32 to index
        %swap3A_652 = arith.constant 0 : index
        %swap3A_653 = tpu.vector_load %arg20[%swap3A_651, %swap3A_652] {strides = array<i32>} : memref<80x128xf32, #tpu.memory_space<vmem>>, vector<16xf32>,
        tpu.vector_store %arg20[%swap3A_651, %swap3A_652], %mul3A_650 {strides = array<i32>} : memref<80x128xf32, #tpu.memory_space<vmem>>, vector<16xf32>,
        %get3A_654 = arith.index_cast %add3A_645 : i32 to index
        %get3A_655 = arith.constant 16 : index
        %get3A_656 = tpu.vector_load %arg20[%get3A_654, %get3A_655] {strides = array<i32>} : memref<80x128xf32, #tpu.memory_space<vmem>>, vector<16xf32>,
        %mul3A_657 = arith.mulf %get3A_656, %gather3A : vector<16xf32>
        %swap3A_658 = arith.index_cast %add3A_645 : i32 to index
        %swap3A_659 = arith.constant 16 : index
        %swap3A_660 = tpu.vector_load %arg20[%swap3A_658, %swap3A_659] {strides = array<i32>} : memref<80x128xf32, #tpu.memory_space<vmem>>, vector<16xf32>,
        tpu.vector_store %arg20[%swap3A_658, %swap3A_659], %mul3A_657 {strides = array<i32>} : memref<80x128xf32, #tpu.memory_space<vmem>>, vector<16xf32>,
        %get3A_661 = arith.index_cast %add3A_645 : i32 to index
        %get3A_662 = arith.constant 32 : index
        %get3A_663 = tpu.vector_load %arg20[%get3A_661, %get3A_662] {strides = array<i32>} : memref<80x128xf32, #tpu.memory_space<vmem>>, vector<16xf32>,
        %mul3A_664 = arith.mulf %get3A_663, %gather3A : vector<16xf32>
        %swap3A_665 = arith.index_cast %add3A_645 : i32 to index
        %swap3A_666 = arith.constant 32 : index
        %swap3A_667 = tpu.vector_load %arg20[%swap3A_665, %swap3A_666] {strides = array<i32>} : memref<80x128xf32, #tpu.memory_space<vmem>>, vector<16xf32>,
        tpu.vector_store %arg20[%swap3A_665, %swap3A_666], %mul3A_664 {strides = array<i32>} : memref<80x128xf32, #tpu.memory_space<vmem>>, vector<16xf32>,
        %get3A_668 = arith.index_cast %add3A_645 : i32 to index
        %get3A_669 = arith.constant 48 : index
        %get3A_670 = tpu.vector_load %arg20[%get3A_668, %get3A_669] {strides = array<i32>} : memref<80x128xf32, #tpu.memory_space<vmem>>, vector<16xf32>,
        %mul3A_671 = arith.mulf %get3A_670, %gather3A : vector<16xf32>
        %swap3A_672 = arith.index_cast %add3A_645 : i32 to index
        %swap3A_673 = arith.constant 48 : index
        %swap3A_674 = tpu.vector_load %arg20[%swap3A_672, %swap3A_673] {strides = array<i32>} : memref<80x128xf32, #tpu.memory_space<vmem>>, vector<16xf32>,
        tpu.vector_store %arg20[%swap3A_672, %swap3A_673], %mul3A_671 {strides = array<i32>} : memref<80x128xf32, #tpu.memory_space<vmem>>, vector<16xf32>,
        %get3A_675 = arith.index_cast %add3A_645 : i32 to index
        %get3A_676 = arith.constant 64 : index
        %get3A_677 = tpu.vector_load %arg20[%get3A_675, %get3A_676] {strides = array<i32>} : memref<80x128xf32, #tpu.memory_space<vmem>>, vector<16xf32>,
        %mul3A_678 = arith.mulf %get3A_677, %gather3A : vector<16xf32>
        %swap3A_679 = arith.index_cast %add3A_645 : i32 to index
        %swap3A_680 = arith.constant 64 : index
        %swap3A_681 = tpu.vector_load %arg20[%swap3A_679, %swap3A_680] {strides = array<i32>} : memref<80x128xf32, #tpu.memory_space<vmem>>, vector<16xf32>,
        tpu.vector_store %arg20[%swap3A_679, %swap3A_680], %mul3A_678 {strides = array<i32>} : memref<80x128xf32, #tpu.memory_space<vmem>>, vector<16xf32>,
        %get3A_682 = arith.index_cast %add3A_645 : i32 to index
        %get3A_683 = arith.constant 80 : index
        %get3A_684 = tpu.vector_load %arg20[%get3A_682, %get3A_683] {strides = array<i32>} : memref<80x128xf32, #tpu.memory_space<vmem>>, vector<16xf32>,
        %mul3A_685 = arith.mulf %get3A_684, %gather3A : vector<16xf32>
        %swap3A_686 = arith.index_cast %add3A_645 : i32 to index
        %swap3A_687 = arith.constant 80 : index
        %swap3A_688 = tpu.vector_load %arg20[%swap3A_686, %swap3A_687] {strides = array<i32>} : memref<80x128xf32, #tpu.memory_space<vmem>>, vector<16xf32>,
        tpu.vector_store %arg20[%swap3A_686, %swap3A_687], %mul3A_685 {strides = array<i32>} : memref<80x128xf32, #tpu.memory_space<vmem>>, vector<16xf32>,
        %get3A_689 = arith.index_cast %add3A_645 : i32 to index
        %get3A_690 = arith.constant 96 : index
        %get3A_691 = tpu.vector_load %arg20[%get3A_689, %get3A_690] {strides = array<i32>} : memref<80x128xf32, #tpu.memory_space<vmem>>, vector<16xf32>,
        %mul3A_692 = arith.mulf %get3A_691, %gather3A : vector<16xf32>
        %swap3A_693 = arith.index_cast %add3A_645 : i32 to index
        %swap3A_694 = arith.constant 96 : index
        %swap3A_695 = tpu.vector_load %arg20[%swap3A_693, %swap3A_694] {strides = array<i32>} : memref<80x128xf32, #tpu.memory_space<vmem>>, vector<16xf32>,
        tpu.vector_store %arg20[%swap3A_693, %swap3A_694], %mul3A_692 {strides = array<i32>} : memref<80x128xf32, #tpu.memory_space<vmem>>, vector<16xf32>,
        %get3A_696 = arith.index_cast %add3A_645 : i32 to index
        %get3A_697 = arith.constant 112 : index
        %get3A_698 = tpu.vector_load %arg20[%get3A_696, %get3A_697] {strides = array<i32>} : memref<80x128xf32, #tpu.memory_space<vmem>>, vector<16xf32>,
        %mul3A_699 = arith.mulf %get3A_698, %gather3A : vector<16xf32>
        %swap3A_700 = arith.index_cast %add3A_645 : i32 to index
        %swap3A_701 = arith.constant 112 : index
        %swap3A_702 = tpu.vector_load %arg20[%swap3A_700, %swap3A_701] {strides = array<i32>} : memref<80x128xf32, #tpu.memory_space<vmem>>, vector<16xf32>,
        tpu.vector_store %arg20[%swap3A_700, %swap3A_701], %mul3A_699 {strides = array<i32>} : memref<80x128xf32, #tpu.memory_space<vmem>>, vector<16xf32>,
        %add3A_703 = arith.constant 1 : i32
        %add3A_704 = arith.addi %mul3A_643, %add3A_703 : i32
        %broadcast_in_dim3A_705 = vector.broadcast %add3A_704 : i32 to vector<16xi32>
        %gather3A_706 = tpu.vector_load_idx %arg17[%broadcast_in_dim3A_705] : memref<80xf32, #tpu.memory_space<vmem>>[vector<16xi32>], vector<16xf32>,
        %get3A_707 = arith.index_cast %add3A_704 : i32 to index
        %get3A_708 = arith.constant 0 : index
        %get3A_709 = tpu.vector_load %arg20[%get3A_707, %get3A_708] {strides = array<i32>} : memref<80x128xf32, #tpu.memory_space<vmem>>, vector<16xf32>,
        %mul3A_710 = arith.mulf %get3A_709, %gather3A_706 : vector<16xf32>
        %swap3A_711 = arith.index_cast %add3A_704 : i32 to index
        %swap3A_712 = arith.constant 0 : index
        %swap3A_713 = tpu.vector_load %arg20[%swap3A_711, %swap3A_712] {strides = array<i32>} : memref<80x128xf32, #tpu.memory_space<vmem>>, vector<16xf32>,
        tpu.vector_store %arg20[%swap3A_711, %swap3A_712], %mul3A_710 {strides = array<i32>} : memref<80x128xf32, #tpu.memory_space<vmem>>, vector<16xf32>,
        %get3A_714 = arith.index_cast %add3A_704 : i32 to index
        %get3A_715 = arith.constant 16 : index
        %get3A_716 = tpu.vector_load %arg20[%get3A_714, %get3A_715] {strides = array<i32>} : memref<80x128xf32, #tpu.memory_space<vmem>>, vector<16xf32>,
        %mul3A_717 = arith.mulf %get3A_716, %gather3A_706 : vector<16xf32>
        %swap3A_718 = arith.index_cast %add3A_704 : i32 to index
        %swap3A_719 = arith.constant 16 : index
        %swap3A_720 = tpu.vector_load %arg20[%swap3A_718, %swap3A_719] {strides = array<i32>} : memref<80x128xf32, #tpu.memory_space<vmem>>, vector<16xf32>,
        tpu.vector_store %arg20[%swap3A_718, %swap3A_719], %mul3A_717 {strides = array<i32>} : memref<80x128xf32, #tpu.memory_space<vmem>>, vector<16xf32>,
        %get3A_721 = arith.index_cast %add3A_704 : i32 to index
        %get3A_722 = arith.constant 32 : index
        %get3A_723 = tpu.vector_load %arg20[%get3A_721, %get3A_722] {strides = array<i32>} : memref<80x128xf32, #tpu.memory_space<vmem>>, vector<16xf32>,
        %mul3A_724 = arith.mulf %get3A_723, %gather3A_706 : vector<16xf32>
        %swap3A_725 = arith.index_cast %add3A_704 : i32 to index
        %swap3A_726 = arith.constant 32 : index
        %swap3A_727 = tpu.vector_load %arg20[%swap3A_725, %swap3A_726] {strides = array<i32>} : memref<80x128xf32, #tpu.memory_space<vmem>>, vector<16xf32>,
        tpu.vector_store %arg20[%swap3A_725, %swap3A_726], %mul3A_724 {strides = array<i32>} : memref<80x128xf32, #tpu.memory_space<vmem>>, vector<16xf32>,
        %get3A_728 = arith.index_cast %add3A_704 : i32 to index
        %get3A_729 = arith.constant 48 : index
        %get3A_730 = tpu.vector_load %arg20[%get3A_728, %get3A_729] {strides = array<i32>} : memref<80x128xf32, #tpu.memory_space<vmem>>, vector<16xf32>,
        %mul3A_731 = arith.mulf %get3A_730, %gather3A_706 : vector<16xf32>
        %swap3A_732 = arith.index_cast %add3A_704 : i32 to index
        %swap3A_733 = arith.constant 48 : index
        %swap3A_734 = tpu.vector_load %arg20[%swap3A_732, %swap3A_733] {strides = array<i32>} : memref<80x128xf32, #tpu.memory_space<vmem>>, vector<16xf32>,
        tpu.vector_store %arg20[%swap3A_732, %swap3A_733], %mul3A_731 {strides = array<i32>} : memref<80x128xf32, #tpu.memory_space<vmem>>, vector<16xf32>,
        %get3A_735 = arith.index_cast %add3A_704 : i32 to index
        %get3A_736 = arith.constant 64 : index
        %get3A_737 = tpu.vector_load %arg20[%get3A_735, %get3A_736] {strides = array<i32>} : memref<80x128xf32, #tpu.memory_space<vmem>>, vector<16xf32>,
        %mul3A_738 = arith.mulf %get3A_737, %gather3A_706 : vector<16xf32>
        %swap3A_739 = arith.index_cast %add3A_704 : i32 to index
        %swap3A_740 = arith.constant 64 : index
        %swap3A_741 = tpu.vector_load %arg20[%swap3A_739, %swap3A_740] {strides = array<i32>} : memref<80x128xf32, #tpu.memory_space<vmem>>, vector<16xf32>,
        tpu.vector_store %arg20[%swap3A_739, %swap3A_740], %mul3A_738 {strides = array<i32>} : memref<80x128xf32, #tpu.memory_space<vmem>>, vector<16xf32>,
        %get3A_742 = arith.index_cast %add3A_704 : i32 to index
        %get3A_743 = arith.constant 80 : index
        %get3A_744 = tpu.vector_load %arg20[%get3A_742, %get3A_743] {strides = array<i32>} : memref<80x128xf32, #tpu.memory_space<vmem>>, vector<16xf32>,
        %mul3A_745 = arith.mulf %get3A_744, %gather3A_706 : vector<16xf32>
        %swap3A_746 = arith.index_cast %add3A_704 : i32 to index
        %swap3A_747 = arith.constant 80 : index
        %swap3A_748 = tpu.vector_load %arg20[%swap3A_746, %swap3A_747] {strides = array<i32>} : memref<80x128xf32, #tpu.memory_space<vmem>>, vector<16xf32>,
        tpu.vector_store %arg20[%swap3A_746, %swap3A_747], %mul3A_745 {strides = array<i32>} : memref<80x128xf32, #tpu.memory_space<vmem>>, vector<16xf32>,
        %get3A_749 = arith.index_cast %add3A_704 : i32 to index
        %get3A_750 = arith.constant 96 : index
        %get3A_751 = tpu.vector_load %arg20[%get3A_749, %get3A_750] {strides = array<i32>} : memref<80x128xf32, #tpu.memory_space<vmem>>, vector<16xf32>,
        %mul3A_752 = arith.mulf %get3A_751, %gather3A_706 : vector<16xf32>
        %swap3A_753 = arith.index_cast %add3A_704 : i32 to index
        %swap3A_754 = arith.constant 96 : index
        %swap3A_755 = tpu.vector_load %arg20[%swap3A_753, %swap3A_754] {strides = array<i32>} : memref<80x128xf32, #tpu.memory_space<vmem>>, vector<16xf32>,
        tpu.vector_store %arg20[%swap3A_753, %swap3A_754], %mul3A_752 {strides = array<i32>} : memref<80x128xf32, #tpu.memory_space<vmem>>, vector<16xf32>,
        %get3A_756 = arith.index_cast %add3A_704 : i32 to index
        %get3A_757 = arith.constant 112 : index
        %get3A_758 = tpu.vector_load %arg20[%get3A_756, %get3A_757] {strides = array<i32>} : memref<80x128xf32, #tpu.memory_space<vmem>>, vector<16xf32>,
        %mul3A_759 = arith.mulf %get3A_758, %gather3A_706 : vector<16xf32>
        %swap3A_760 = arith.index_cast %add3A_704 : i32 to index
        %swap3A_761 = arith.constant 112 : index
        %swap3A_762 = tpu.vector_load %arg20[%swap3A_760, %swap3A_761] {strides = array<i32>} : memref<80x128xf32, #tpu.memory_space<vmem>>, vector<16xf32>,
        tpu.vector_store %arg20[%swap3A_760, %swap3A_761], %mul3A_759 {strides = array<i32>} : memref<80x128xf32, #tpu.memory_space<vmem>>, vector<16xf32>,
        %add3A_763 = arith.constant 2 : i32
        %add3A_764 = arith.addi %mul3A_643, %add3A_763 : i32
        %broadcast_in_dim3A_765 = vector.broadcast %add3A_764 : i32 to vector<16xi32>
        %gather3A_766 = tpu.vector_load_idx %arg17[%broadcast_in_dim3A_765] : memref<80xf32, #tpu.memory_space<vmem>>[vector<16xi32>], vector<16xf32>,
        %get3A_767 = arith.index_cast %add3A_764 : i32 to index
        %get3A_768 = arith.constant 0 : index
        %get3A_769 = tpu.vector_load %arg20[%get3A_767, %get3A_768] {strides = array<i32>} : memref<80x128xf32, #tpu.memory_space<vmem>>, vector<16xf32>,
        %mul3A_770 = arith.mulf %get3A_769, %gather3A_766 : vector<16xf32>
        %swap3A_771 = arith.index_cast %add3A_764 : i32 to index
        %swap3A_772 = arith.constant 0 : index
        %swap3A_773 = tpu.vector_load %arg20[%swap3A_771, %swap3A_772] {strides = array<i32>} : memref<80x128xf32, #tpu.memory_space<vmem>>, vector<16xf32>,
        tpu.vector_store %arg20[%swap3A_771, %swap3A_772], %mul3A_770 {strides = array<i32>} : memref<80x128xf32, #tpu.memory_space<vmem>>, vector<16xf32>,
        %get3A_774 = arith.index_cast %add3A_764 : i32 to index
        %get3A_775 = arith.constant 16 : index
        %get3A_776 = tpu.vector_load %arg20[%get3A_774, %get3A_775] {strides = array<i32>} : memref<80x128xf32, #tpu.memory_space<vmem>>, vector<16xf32>,
        %mul3A_777 = arith.mulf %get3A_776, %gather3A_766 : vector<16xf32>
        %swap3A_778 = arith.index_cast %add3A_764 : i32 to index
        %swap3A_779 = arith.constant 16 : index
        %swap3A_780 = tpu.vector_load %arg20[%swap3A_778, %swap3A_779] {strides = array<i32>} : memref<80x128xf32, #tpu.memory_space<vmem>>, vector<16xf32>,
        tpu.vector_store %arg20[%swap3A_778, %swap3A_779], %mul3A_777 {strides = array<i32>} : memref<80x128xf32, #tpu.memory_space<vmem>>, vector<16xf32>,
        %get3A_781 = arith.index_cast %add3A_764 : i32 to index
        %get3A_782 = arith.constant 32 : index
        %get3A_783 = tpu.vector_load %arg20[%get3A_781, %get3A_782] {strides = array<i32>} : memref<80x128xf32, #tpu.memory_space<vmem>>, vector<16xf32>,
        %mul3A_784 = arith.mulf %get3A_783, %gather3A_766 : vector<16xf32>
        %swap3A_785 = arith.index_cast %add3A_764 : i32 to index
        %swap3A_786 = arith.constant 32 : index
        %swap3A_787 = tpu.vector_load %arg20[%swap3A_785, %swap3A_786] {strides = array<i32>} : memref<80x128xf32, #tpu.memory_space<vmem>>, vector<16xf32>,
        tpu.vector_store %arg20[%swap3A_785, %swap3A_786], %mul3A_784 {strides = array<i32>} : memref<80x128xf32, #tpu.memory_space<vmem>>, vector<16xf32>,
        %get3A_788 = arith.index_cast %add3A_764 : i32 to index
        %get3A_789 = arith.constant 48 : index
        %get3A_790 = tpu.vector_load %arg20[%get3A_788, %get3A_789] {strides = array<i32>} : memref<80x128xf32, #tpu.memory_space<vmem>>, vector<16xf32>,
        %mul3A_791 = arith.mulf %get3A_790, %gather3A_766 : vector<16xf32>
        %swap3A_792 = arith.index_cast %add3A_764 : i32 to index
        %swap3A_793 = arith.constant 48 : index
        %swap3A_794 = tpu.vector_load %arg20[%swap3A_792, %swap3A_793] {strides = array<i32>} : memref<80x128xf32, #tpu.memory_space<vmem>>, vector<16xf32>,
        tpu.vector_store %arg20[%swap3A_792, %swap3A_793], %mul3A_791 {strides = array<i32>} : memref<80x128xf32, #tpu.memory_space<vmem>>, vector<16xf32>,
        %get3A_795 = arith.index_cast %add3A_764 : i32 to index
        %get3A_796 = arith.constant 64 : index
        %get3A_797 = tpu.vector_load %arg20[%get3A_795, %get3A_796] {strides = array<i32>} : memref<80x128xf32, #tpu.memory_space<vmem>>, vector<16xf32>,
        %mul3A_798 = arith.mulf %get3A_797, %gather3A_766 : vector<16xf32>
        %swap3A_799 = arith.index_cast %add3A_764 : i32 to index
        %swap3A_800 = arith.constant 64 : index
        %swap3A_801 = tpu.vector_load %arg20[%swap3A_799, %swap3A_800] {strides = array<i32>} : memref<80x128xf32, #tpu.memory_space<vmem>>, vector<16xf32>,
        tpu.vector_store %arg20[%swap3A_799, %swap3A_800], %mul3A_798 {strides = array<i32>} : memref<80x128xf32, #tpu.memory_space<vmem>>, vector<16xf32>,
        %get3A_802 = arith.index_cast %add3A_764 : i32 to index
        %get3A_803 = arith.constant 80 : index
        %get3A_804 = tpu.vector_load %arg20[%get3A_802, %get3A_803] {strides = array<i32>} : memref<80x128xf32, #tpu.memory_space<vmem>>, vector<16xf32>,
        %mul3A_805 = arith.mulf %get3A_804, %gather3A_766 : vector<16xf32>
        %swap3A_806 = arith.index_cast %add3A_764 : i32 to index
        %swap3A_807 = arith.constant 80 : index
        %swap3A_808 = tpu.vector_load %arg20[%swap3A_806, %swap3A_807] {strides = array<i32>} : memref<80x128xf32, #tpu.memory_space<vmem>>, vector<16xf32>,
        tpu.vector_store %arg20[%swap3A_806, %swap3A_807], %mul3A_805 {strides = array<i32>} : memref<80x128xf32, #tpu.memory_space<vmem>>, vector<16xf32>,
        %get3A_809 = arith.index_cast %add3A_764 : i32 to index
        %get3A_810 = arith.constant 96 : index
        %get3A_811 = tpu.vector_load %arg20[%get3A_809, %get3A_810] {strides = array<i32>} : memref<80x128xf32, #tpu.memory_space<vmem>>, vector<16xf32>,
        %mul3A_812 = arith.mulf %get3A_811, %gather3A_766 : vector<16xf32>
        %swap3A_813 = arith.index_cast %add3A_764 : i32 to index
        %swap3A_814 = arith.constant 96 : index
        %swap3A_815 = tpu.vector_load %arg20[%swap3A_813, %swap3A_814] {strides = array<i32>} : memref<80x128xf32, #tpu.memory_space<vmem>>, vector<16xf32>,
        tpu.vector_store %arg20[%swap3A_813, %swap3A_814], %mul3A_812 {strides = array<i32>} : memref<80x128xf32, #tpu.memory_space<vmem>>, vector<16xf32>,
        %get3A_816 = arith.index_cast %add3A_764 : i32 to index
        %get3A_817 = arith.constant 112 : index
        %get3A_818 = tpu.vector_load %arg20[%get3A_816, %get3A_817] {strides = array<i32>} : memref<80x128xf32, #tpu.memory_space<vmem>>, vector<16xf32>,
        %mul3A_819 = arith.mulf %get3A_818, %gather3A_766 : vector<16xf32>
        %swap3A_820 = arith.index_cast %add3A_764 : i32 to index
        %swap3A_821 = arith.constant 112 : index
        %swap3A_822 = tpu.vector_load %arg20[%swap3A_820, %swap3A_821] {strides = array<i32>} : memref<80x128xf32, #tpu.memory_space<vmem>>, vector<16xf32>,
        tpu.vector_store %arg20[%swap3A_820, %swap3A_821], %mul3A_819 {strides = array<i32>} : memref<80x128xf32, #tpu.memory_space<vmem>>, vector<16xf32>,
        %add3A_823 = arith.constant 3 : i32
        %add3A_824 = arith.addi %mul3A_643, %add3A_823 : i32
        %broadcast_in_dim3A_825 = vector.broadcast %add3A_824 : i32 to vector<16xi32>
        %gather3A_826 = tpu.vector_load_idx %arg17[%broadcast_in_dim3A_825] : memref<80xf32, #tpu.memory_space<vmem>>[vector<16xi32>], vector<16xf32>,
        %get3A_827 = arith.index_cast %add3A_824 : i32 to index
        %get3A_828 = arith.constant 0 : index
        %get3A_829 = tpu.vector_load %arg20[%get3A_827, %get3A_828] {strides = array<i32>} : memref<80x128xf32, #tpu.memory_space<vmem>>, vector<16xf32>,
        %mul3A_830 = arith.mulf %get3A_829, %gather3A_826 : vector<16xf32>
        %swap3A_831 = arith.index_cast %add3A_824 : i32 to index
        %swap3A_832 = arith.constant 0 : index
        %swap3A_833 = tpu.vector_load %arg20[%swap3A_831, %swap3A_832] {strides = array<i32>} : memref<80x128xf32, #tpu.memory_space<vmem>>, vector<16xf32>,
        tpu.vector_store %arg20[%swap3A_831, %swap3A_832], %mul3A_830 {strides = array<i32>} : memref<80x128xf32, #tpu.memory_space<vmem>>, vector<16xf32>,
        %get3A_834 = arith.index_cast %add3A_824 : i32 to index
        %get3A_835 = arith.constant 16 : index
        %get3A_836 = tpu.vector_load %arg20[%get3A_834, %get3A_835] {strides = array<i32>} : memref<80x128xf32, #tpu.memory_space<vmem>>, vector<16xf32>,
        %mul3A_837 = arith.mulf %get3A_836, %gather3A_826 : vector<16xf32>
        %swap3A_838 = arith.index_cast %add3A_824 : i32 to index
        %swap3A_839 = arith.constant 16 : index
        %swap3A_840 = tpu.vector_load %arg20[%swap3A_838, %swap3A_839] {strides = array<i32>} : memref<80x128xf32, #tpu.memory_space<vmem>>, vector<16xf32>,
        tpu.vector_store %arg20[%swap3A_838, %swap3A_839], %mul3A_837 {strides = array<i32>} : memref<80x128xf32, #tpu.memory_space<vmem>>, vector<16xf32>,
        %get3A_841 = arith.index_cast %add3A_824 : i32 to index
        %get3A_842 = arith.constant 32 : index
        %get3A_843 = tpu.vector_load %arg20[%get3A_841, %get3A_842] {strides = array<i32>} : memref<80x128xf32, #tpu.memory_space<vmem>>, vector<16xf32>,
        %mul3A_844 = arith.mulf %get3A_843, %gather3A_826 : vector<16xf32>
        %swap3A_845 = arith.index_cast %add3A_824 : i32 to index
        %swap3A_846 = arith.constant 32 : index
        %swap3A_847 = tpu.vector_load %arg20[%swap3A_845, %swap3A_846] {strides = array<i32>} : memref<80x128xf32, #tpu.memory_space<vmem>>, vector<16xf32>,
        tpu.vector_store %arg20[%swap3A_845, %swap3A_846], %mul3A_844 {strides = array<i32>} : memref<80x128xf32, #tpu.memory_space<vmem>>, vector<16xf32>,
        %get3A_848 = arith.index_cast %add3A_824 : i32 to index
        %get3A_849 = arith.constant 48 : index
        %get3A_850 = tpu.vector_load %arg20[%get3A_848, %get3A_849] {strides = array<i32>} : memref<80x128xf32, #tpu.memory_space<vmem>>, vector<16xf32>,
        %mul3A_851 = arith.mulf %get3A_850, %gather3A_826 : vector<16xf32>
        %swap3A_852 = arith.index_cast %add3A_824 : i32 to index
        %swap3A_853 = arith.constant 48 : index
        %swap3A_854 = tpu.vector_load %arg20[%swap3A_852, %swap3A_853] {strides = array<i32>} : memref<80x128xf32, #tpu.memory_space<vmem>>, vector<16xf32>,
        tpu.vector_store %arg20[%swap3A_852, %swap3A_853], %mul3A_851 {strides = array<i32>} : memref<80x128xf32, #tpu.memory_space<vmem>>, vector<16xf32>,
        %get3A_855 = arith.index_cast %add3A_824 : i32 to index
        %get3A_856 = arith.constant 64 : index
        %get3A_857 = tpu.vector_load %arg20[%get3A_855, %get3A_856] {strides = array<i32>} : memref<80x128xf32, #tpu.memory_space<vmem>>, vector<16xf32>,
        %mul3A_858 = arith.mulf %get3A_857, %gather3A_826 : vector<16xf32>
        %swap3A_859 = arith.index_cast %add3A_824 : i32 to index
        %swap3A_860 = arith.constant 64 : index
        %swap3A_861 = tpu.vector_load %arg20[%swap3A_859, %swap3A_860] {strides = array<i32>} : memref<80x128xf32, #tpu.memory_space<vmem>>, vector<16xf32>,
        tpu.vector_store %arg20[%swap3A_859, %swap3A_860], %mul3A_858 {strides = array<i32>} : memref<80x128xf32, #tpu.memory_space<vmem>>, vector<16xf32>,
        %get3A_862 = arith.index_cast %add3A_824 : i32 to index
        %get3A_863 = arith.constant 80 : index
        %get3A_864 = tpu.vector_load %arg20[%get3A_862, %get3A_863] {strides = array<i32>} : memref<80x128xf32, #tpu.memory_space<vmem>>, vector<16xf32>,
        %mul3A_865 = arith.mulf %get3A_864, %gather3A_826 : vector<16xf32>
        %swap3A_866 = arith.index_cast %add3A_824 : i32 to index
        %swap3A_867 = arith.constant 80 : index
        %swap3A_868 = tpu.vector_load %arg20[%swap3A_866, %swap3A_867] {strides = array<i32>} : memref<80x128xf32, #tpu.memory_space<vmem>>, vector<16xf32>,
        tpu.vector_store %arg20[%swap3A_866, %swap3A_867], %mul3A_865 {strides = array<i32>} : memref<80x128xf32, #tpu.memory_space<vmem>>, vector<16xf32>,
        %get3A_869 = arith.index_cast %add3A_824 : i32 to index
        %get3A_870 = arith.constant 96 : index
        %get3A_871 = tpu.vector_load %arg20[%get3A_869, %get3A_870] {strides = array<i32>} : memref<80x128xf32, #tpu.memory_space<vmem>>, vector<16xf32>,
        %mul3A_872 = arith.mulf %get3A_871, %gather3A_826 : vector<16xf32>
        %swap3A_873 = arith.index_cast %add3A_824 : i32 to index
        %swap3A_874 = arith.constant 96 : index
        %swap3A_875 = tpu.vector_load %arg20[%swap3A_873, %swap3A_874] {strides = array<i32>} : memref<80x128xf32, #tpu.memory_space<vmem>>, vector<16xf32>,
        tpu.vector_store %arg20[%swap3A_873, %swap3A_874], %mul3A_872 {strides = array<i32>} : memref<80x128xf32, #tpu.memory_space<vmem>>, vector<16xf32>,
        %get3A_876 = arith.index_cast %add3A_824 : i32 to index
        %get3A_877 = arith.constant 112 : index
        %get3A_878 = tpu.vector_load %arg20[%get3A_876, %get3A_877] {strides = array<i32>} : memref<80x128xf32, #tpu.memory_space<vmem>>, vector<16xf32>,
        %mul3A_879 = arith.mulf %get3A_878, %gather3A_826 : vector<16xf32>
        %swap3A_880 = arith.index_cast %add3A_824 : i32 to index
        %swap3A_881 = arith.constant 112 : index
        %swap3A_882 = tpu.vector_load %arg20[%swap3A_880, %swap3A_881] {strides = array<i32>} : memref<80x128xf32, #tpu.memory_space<vmem>>, vector<16xf32>,
        tpu.vector_store %arg20[%swap3A_880, %swap3A_881], %mul3A_879 {strides = array<i32>} : memref<80x128xf32, #tpu.memory_space<vmem>>, vector<16xf32>,
      }
      %scan3A_413 = arith.constant 20 : i32
      %dma_wait3A_414 = arith.constant 0 : i32
      %dma_wait3A_415 = arith.constant 0 : i32
      %dma_wait3A_416 = tpu.memref_slice %arg13[%dma_wait3A_414, %dma_wait3A_415] : memref<1x80xi32, #tpu.memory_space<vmem>> -> memref<1x80xi32, #tpu.memory_space<vmem>>
      %dma_wait3A_417 = tpu.memref_squeeze %dma_wait3A_416 : memref<1x80xi32, #tpu.memory_space<vmem>> -> memref<80xi32, #tpu.memory_space<vmem>>
      %dma_wait3A_418 = arith.constant 0 : i32
      %dma_wait3A_419 = arith.constant 0 : i32
      %dma_wait3A_420 = tpu.memref_slice %arg21[%dma_wait3A_418, %dma_wait3A_419] : memref<10240x128xf32, #tpu.memory_space<vmem_shared>> -> memref<10240x128xf32, #tpu.memory_space<vmem_shared>>
      tpu.wait_indirect_dma semaphore(%arg29 : memref<!tpu.dma_semaphore, #tpu.memory_space<semaphore_mem>>) src(%arg19 : memref<80x128xf32, #tpu.memory_space<vmem>>) dst(%dma_wait3A_420 : memref<10240x128xf32, #tpu.memory_space<vmem_shared>>)
      %get3A_421 = arith.constant 0 : i32
      %get3A_422 = arith.index_cast %get3A_421 : i32 to index
      %get3A_423 = arith.constant 0 : index
      %get3A_424 = tpu.vector_load %arg11[%get3A_422, %get3A_423] {strides = array<i32>} : memref<1x80xi32, #tpu.memory_space<vmem>>, vector<16xi32>,
      %swap3A_425 = arith.constant 0 : i32
      %swap3A_426 = arith.index_cast %swap3A_425 : i32 to index
      %swap3A_427 = arith.constant 0 : index
      %swap3A_428 = tpu.vector_load %arg14[%swap3A_426, %swap3A_427] {strides = array<i32>} : memref<1x80xi32, #tpu.memory_space<vmem>>, vector<16xi32>,
      tpu.vector_store %arg14[%swap3A_426, %swap3A_427], %get3A_424 {strides = array<i32>} : memref<1x80xi32, #tpu.memory_space<vmem>>, vector<16xi32>,
      %get3A_429 = arith.constant 0 : i32
      %get3A_430 = arith.index_cast %get3A_429 : i32 to index
      %get3A_431 = arith.constant 16 : index
      %get3A_432 = tpu.vector_load %arg11[%get3A_430, %get3A_431] {strides = array<i32>} : memref<1x80xi32, #tpu.memory_space<vmem>>, vector<16xi32>,
      %swap3A_433 = arith.constant 0 : i32
      %swap3A_434 = arith.index_cast %swap3A_433 : i32 to index
      %swap3A_435 = arith.constant 16 : index
      %swap3A_436 = tpu.vector_load %arg14[%swap3A_434, %swap3A_435] {strides = array<i32>} : memref<1x80xi32, #tpu.memory_space<vmem>>, vector<16xi32>,
      tpu.vector_store %arg14[%swap3A_434, %swap3A_435], %get3A_432 {strides = array<i32>} : memref<1x80xi32, #tpu.memory_space<vmem>>, vector<16xi32>,
      %get3A_437 = arith.constant 0 : i32
      %get3A_438 = arith.index_cast %get3A_437 : i32 to index
      %get3A_439 = arith.constant 32 : index
      %get3A_440 = tpu.vector_load %arg11[%get3A_438, %get3A_439] {strides = array<i32>} : memref<1x80xi32, #tpu.memory_space<vmem>>, vector<16xi32>,
      %swap3A_441 = arith.constant 0 : i32
      %swap3A_442 = arith.index_cast %swap3A_441 : i32 to index
      %swap3A_443 = arith.constant 32 : index
      %swap3A_444 = tpu.vector_load %arg14[%swap3A_442, %swap3A_443] {strides = array<i32>} : memref<1x80xi32, #tpu.memory_space<vmem>>, vector<16xi32>,
      tpu.vector_store %arg14[%swap3A_442, %swap3A_443], %get3A_440 {strides = array<i32>} : memref<1x80xi32, #tpu.memory_space<vmem>>, vector<16xi32>,
      %get3A_445 = arith.constant 0 : i32
      %get3A_446 = arith.index_cast %get3A_445 : i32 to index
      %get3A_447 = arith.constant 48 : index
      %get3A_448 = tpu.vector_load %arg11[%get3A_446, %get3A_447] {strides = array<i32>} : memref<1x80xi32, #tpu.memory_space<vmem>>, vector<16xi32>,
      %swap3A_449 = arith.constant 0 : i32
      %swap3A_450 = arith.index_cast %swap3A_449 : i32 to index
      %swap3A_451 = arith.constant 48 : index
      %swap3A_452 = tpu.vector_load %arg14[%swap3A_450, %swap3A_451] {strides = array<i32>} : memref<1x80xi32, #tpu.memory_space<vmem>>, vector<16xi32>,
      tpu.vector_store %arg14[%swap3A_450, %swap3A_451], %get3A_448 {strides = array<i32>} : memref<1x80xi32, #tpu.memory_space<vmem>>, vector<16xi32>,
      %get3A_453 = arith.constant 0 : i32
      %get3A_454 = arith.index_cast %get3A_453 : i32 to index
      %get3A_455 = arith.constant 64 : index
      %get3A_456 = tpu.vector_load %arg11[%get3A_454, %get3A_455] {strides = array<i32>} : memref<1x80xi32, #tpu.memory_space<vmem>>, vector<16xi32>,
      %swap3A_457 = arith.constant 0 : i32
      %swap3A_458 = arith.index_cast %swap3A_457 : i32 to index
      %swap3A_459 = arith.constant 64 : index
      %swap3A_460 = tpu.vector_load %arg14[%swap3A_458, %swap3A_459] {strides = array<i32>} : memref<1x80xi32, #tpu.memory_space<vmem>>, vector<16xi32>,
      tpu.vector_store %arg14[%swap3A_458, %swap3A_459], %get3A_456 {strides = array<i32>} : memref<1x80xi32, #tpu.memory_space<vmem>>, vector<16xi32>,
      %dma_start3A_461 = arith.constant 0 : i32
      %dma_start3A_462 = arith.constant 0 : i32
      %dma_start3A_463 = tpu.memref_slice %arg14[%dma_start3A_461, %dma_start3A_462] : memref<1x80xi32, #tpu.memory_space<vmem>> -> memref<1x80xi32, #tpu.memory_space<vmem>>
      %dma_start3A_464 = tpu.memref_squeeze %dma_start3A_463 : memref<1x80xi32, #tpu.memory_space<vmem>> -> memref<80xi32, #tpu.memory_space<vmem>>
      %dma_start3A_465 = arith.constant 0 : i32
      %dma_start3A_466 = arith.constant 0 : i32
      %dma_start3A_467 = tpu.memref_slice %arg21[%dma_start3A_465, %dma_start3A_466] : memref<10240x128xf32, #tpu.memory_space<vmem_shared>> -> memref<10240x128xf32, #tpu.memory_space<vmem_shared>>
      tpu.enqueue_indirect_dma source(%arg20 : memref<80x128xf32, #tpu.memory_space<vmem>>) target(%dma_start3A_467 : memref<10240x128xf32, #tpu.memory_space<vmem_shared>>) offsets(%dma_start3A_464 : memref<80xi32, #tpu.memory_space<vmem>>) semaphore(%arg30 : memref<!tpu.dma_semaphore, #tpu.memory_space<semaphore_mem>>) {add = true}
      %add3A_468 = arith.constant 2 : i32
      %add3A_469 = arith.addi %add3A_396, %add3A_468 : i32
      %le3A_470 = arith.constant 124 : i32
      %le3A_471 = arith.cmpi sle, %add3A_469, %le3A_470 : i32
      %convert_element_type3A_472 = arith.extui %le3A_471 : i1 to i32
      %cond3A_473 = arith.constant 0 : i32
      %cond3A_474 = arith.cmpi ne, %convert_element_type3A_472, %cond3A_473 : i32
      scf.if %cond3A_474 {
        %add3A_641 = arith.constant 2 : i32
        %add3A_642 = arith.addi %add3A_396, %add3A_641 : i32
        %dma_start3A_643 = arith.constant 0 : i32
        %dma_start3A_644 = arith.constant 0 : i32
        %dma_start3A_645 = arith.constant 0 : i32
        %dma_start3A_646 = tpu.memref_slice %arg3[%dma_start3A_643, %add3A, %add3A_642, %dma_start3A_644, %dma_start3A_645] : memref<2x32x125x1x80xi32, #tpu.memory_space<hbm>> -> memref<1x1x1x1x80xi32, #tpu.memory_space<hbm>>
        %dma_start3A_647 = tpu.memref_squeeze %dma_start3A_646 : memref<1x1x1x1x80xi32, #tpu.memory_space<hbm>> -> memref<1x80xi32, #tpu.memory_space<hbm>>
        %dma_start3A_648 = arith.constant 0 : i32
        %dma_start3A_649 = arith.constant 0 : i32
        %dma_start3A_650 = tpu.memref_slice %arg3[%dma_start3A_643, %add3A, %add3A_642, %dma_start3A_648, %dma_start3A_649] : memref<2x32x125x1x80xi32, #tpu.memory_space<hbm>> -> memref<1x1x1x1x80xi32, #tpu.memory_space<hbm>>
        %dma_start3A_651 = tpu.memref_squeeze %dma_start3A_650 : memref<1x1x1x1x80xi32, #tpu.memory_space<hbm>> -> memref<1x80xi32, #tpu.memory_space<hbm>>
        tpu.enqueue_dma source(%dma_start3A_651 : memref<1x80xi32, #tpu.memory_space<hbm>>) target(%arg7 : memref<1x80xi32, #tpu.memory_space<vmem>>) target_semaphore(%arg23 : memref<!tpu.dma_semaphore, #tpu.memory_space<semaphore_mem>>)
        %dma_start3A_652 = arith.constant 1 : i32
        %dma_start3A_653 = arith.constant 0 : i32
        %dma_start3A_654 = arith.constant 0 : i32
        %dma_start3A_655 = tpu.memref_slice %arg3[%dma_start3A_652, %add3A, %add3A_642, %dma_start3A_653, %dma_start3A_654] : memref<2x32x125x1x80xi32, #tpu.memory_space<hbm>> -> memref<1x1x1x1x80xi32, #tpu.memory_space<hbm>>
        %dma_start3A_656 = tpu.memref_squeeze %dma_start3A_655 : memref<1x1x1x1x80xi32, #tpu.memory_space<hbm>> -> memref<1x80xi32, #tpu.memory_space<hbm>>
        %dma_start3A_657 = arith.constant 0 : i32
        %dma_start3A_658 = arith.constant 0 : i32
        %dma_start3A_659 = tpu.memref_slice %arg3[%dma_start3A_652, %add3A, %add3A_642, %dma_start3A_657, %dma_start3A_658] : memref<2x32x125x1x80xi32, #tpu.memory_space<hbm>> -> memref<1x1x1x1x80xi32, #tpu.memory_space<hbm>>
        %dma_start3A_660 = tpu.memref_squeeze %dma_start3A_659 : memref<1x1x1x1x80xi32, #tpu.memory_space<hbm>> -> memref<1x80xi32, #tpu.memory_space<hbm>>
        tpu.enqueue_dma source(%dma_start3A_660 : memref<1x80xi32, #tpu.memory_space<hbm>>) target(%arg10 : memref<1x80xi32, #tpu.memory_space<vmem>>) target_semaphore(%arg23 : memref<!tpu.dma_semaphore, #tpu.memory_space<semaphore_mem>>)
        %dma_start3A_661 = arith.constant 0 : i32
        %dma_start3A_662 = tpu.memref_slice %arg4[%add3A, %add3A_642, %dma_start3A_661] : memref<32x125x80xf32, #tpu.memory_space<hbm>> -> memref<1x1x80xf32, #tpu.memory_space<hbm>>
        %dma_start3A_663 = tpu.memref_squeeze %dma_start3A_662 : memref<1x1x80xf32, #tpu.memory_space<hbm>> -> memref<80xf32, #tpu.memory_space<hbm>>
        %dma_start3A_664 = arith.constant 0 : i32
        %dma_start3A_665 = tpu.memref_slice %arg4[%add3A, %add3A_642, %dma_start3A_664] : memref<32x125x80xf32, #tpu.memory_space<hbm>> -> memref<1x1x80xf32, #tpu.memory_space<hbm>>
        %dma_start3A_666 = tpu.memref_squeeze %dma_start3A_665 : memref<1x1x80xf32, #tpu.memory_space<hbm>> -> memref<80xf32, #tpu.memory_space<hbm>>
        tpu.enqueue_dma source(%dma_start3A_666 : memref<80xf32, #tpu.memory_space<hbm>>) target(%arg16 : memref<80xf32, #tpu.memory_space<vmem>>) target_semaphore(%arg23 : memref<!tpu.dma_semaphore, #tpu.memory_space<semaphore_mem>>)
      } else {
      }
      %add3A_475 = arith.constant 1 : i32
      %add3A_476 = arith.addi %add3A_394, %add3A_475 : i32
      %add3A_477 = arith.constant 1 : i32
      %add3A_478 = arith.addi %add3A_476, %add3A_477 : i32
      %le3A_479 = arith.constant 124 : i32
      %le3A_480 = arith.cmpi sle, %add3A_478, %le3A_479 : i32
      %convert_element_type3A_481 = arith.extui %le3A_480 : i1 to i32
      %cond3A_482 = arith.constant 0 : i32
      %cond3A_483 = arith.cmpi ne, %convert_element_type3A_481, %cond3A_482 : i32
      scf.if %cond3A_483 {
        %add3A_641 = arith.constant 1 : i32
        %add3A_642 = arith.addi %add3A_476, %add3A_641 : i32
        %dma_wait3A_643 = arith.constant 0 : i32
        %dma_wait3A_644 = arith.constant 0 : i32
        %dma_wait3A_645 = arith.constant 0 : i32
        %dma_wait3A_646 = tpu.memref_slice %arg3[%dma_wait3A_643, %add3A, %add3A_642, %dma_wait3A_644, %dma_wait3A_645] : memref<2x32x125x1x80xi32, #tpu.memory_space<hbm>> -> memref<1x1x1x1x80xi32, #tpu.memory_space<hbm>>
        %dma_wait3A_647 = tpu.memref_squeeze %dma_wait3A_646 : memref<1x1x1x1x80xi32, #tpu.memory_space<hbm>> -> memref<1x80xi32, #tpu.memory_space<hbm>>
        %dma_wait3A_648 = arith.constant 0 : i32
        %dma_wait3A_649 = arith.constant 0 : i32
        %dma_wait3A_650 = tpu.memref_slice %arg3[%dma_wait3A_643, %add3A, %add3A_642, %dma_wait3A_648, %dma_wait3A_649] : memref<2x32x125x1x80xi32, #tpu.memory_space<hbm>> -> memref<1x1x1x1x80xi32, #tpu.memory_space<hbm>>
        %dma_wait3A_651 = tpu.memref_squeeze %dma_wait3A_650 : memref<1x1x1x1x80xi32, #tpu.memory_space<hbm>> -> memref<1x80xi32, #tpu.memory_space<hbm>>
        tpu.wait_dma2 semaphore(%arg23 : memref<!tpu.dma_semaphore, #tpu.memory_space<semaphore_mem>>) src(%dma_wait3A_651 : memref<1x80xi32, #tpu.memory_space<hbm>>) dst(%arg7 : memref<1x80xi32, #tpu.memory_space<vmem>>)
        %dma_wait3A_652 = arith.constant 1 : i32
        %dma_wait3A_653 = arith.constant 0 : i32
        %dma_wait3A_654 = arith.constant 0 : i32
        %dma_wait3A_655 = tpu.memref_slice %arg3[%dma_wait3A_652, %add3A, %add3A_642, %dma_wait3A_653, %dma_wait3A_654] : memref<2x32x125x1x80xi32, #tpu.memory_space<hbm>> -> memref<1x1x1x1x80xi32, #tpu.memory_space<hbm>>
        %dma_wait3A_656 = tpu.memref_squeeze %dma_wait3A_655 : memref<1x1x1x1x80xi32, #tpu.memory_space<hbm>> -> memref<1x80xi32, #tpu.memory_space<hbm>>
        %dma_wait3A_657 = arith.constant 0 : i32
        %dma_wait3A_658 = arith.constant 0 : i32
        %dma_wait3A_659 = tpu.memref_slice %arg3[%dma_wait3A_652, %add3A, %add3A_642, %dma_wait3A_657, %dma_wait3A_658] : memref<2x32x125x1x80xi32, #tpu.memory_space<hbm>> -> memref<1x1x1x1x80xi32, #tpu.memory_space<hbm>>
        %dma_wait3A_660 = tpu.memref_squeeze %dma_wait3A_659 : memref<1x1x1x1x80xi32, #tpu.memory_space<hbm>> -> memref<1x80xi32, #tpu.memory_space<hbm>>
        tpu.wait_dma2 semaphore(%arg23 : memref<!tpu.dma_semaphore, #tpu.memory_space<semaphore_mem>>) src(%dma_wait3A_660 : memref<1x80xi32, #tpu.memory_space<hbm>>) dst(%arg10 : memref<1x80xi32, #tpu.memory_space<vmem>>)
        %dma_wait3A_661 = arith.constant 0 : i32
        %dma_wait3A_662 = tpu.memref_slice %arg4[%add3A, %add3A_642, %dma_wait3A_661] : memref<32x125x80xf32, #tpu.memory_space<hbm>> -> memref<1x1x80xf32, #tpu.memory_space<hbm>>
        %dma_wait3A_663 = tpu.memref_squeeze %dma_wait3A_662 : memref<1x1x80xf32, #tpu.memory_space<hbm>> -> memref<80xf32, #tpu.memory_space<hbm>>
        %dma_wait3A_664 = arith.constant 0 : i32
        %dma_wait3A_665 = tpu.memref_slice %arg4[%add3A, %add3A_642, %dma_wait3A_664] : memref<32x125x80xf32, #tpu.memory_space<hbm>> -> memref<1x1x80xf32, #tpu.memory_space<hbm>>
        %dma_wait3A_666 = tpu.memref_squeeze %dma_wait3A_665 : memref<1x1x80xf32, #tpu.memory_space<hbm>> -> memref<80xf32, #tpu.memory_space<hbm>>
        tpu.wait_dma2 semaphore(%arg23 : memref<!tpu.dma_semaphore, #tpu.memory_space<semaphore_mem>>) src(%dma_wait3A_666 : memref<80xf32, #tpu.memory_space<hbm>>) dst(%arg16 : memref<80xf32, #tpu.memory_space<vmem>>)
        %dma_start3A_667 = arith.constant 0 : i32
        %dma_start3A_668 = arith.constant 0 : i32
        %dma_start3A_669 = tpu.memref_slice %arg7[%dma_start3A_667, %dma_start3A_668] : memref<1x80xi32, #tpu.memory_space<vmem>> -> memref<1x80xi32, #tpu.memory_space<vmem>>
        %dma_start3A_670 = tpu.memref_squeeze %dma_start3A_669 : memref<1x80xi32, #tpu.memory_space<vmem>> -> memref<80xi32, #tpu.memory_space<vmem>>
        %dma_start3A_671 = arith.constant 0 : i32
        %dma_start3A_672 = arith.constant 0 : i32
        %dma_start3A_673 = tpu.memref_slice %arg2[%dma_start3A_671, %dma_start3A_672] : memref<10000x128xf32, #tpu.memory_space<hbm>> -> memref<10000x128xf32, #tpu.memory_space<hbm>>
        tpu.enqueue_indirect_dma source(%dma_start3A_673 : memref<10000x128xf32, #tpu.memory_space<hbm>>) target(%arg19 : memref<80x128xf32, #tpu.memory_space<vmem>>) offsets(%dma_start3A_670 : memref<80xi32, #tpu.memory_space<vmem>>) semaphore(%arg26 : memref<!tpu.dma_semaphore, #tpu.memory_space<semaphore_mem>>)
      } else {
      }
      %dma_wait3A_484 = arith.constant 0 : i32
      %dma_wait3A_485 = arith.constant 0 : i32
      %dma_wait3A_486 = tpu.memref_slice %arg6[%dma_wait3A_484, %dma_wait3A_485] : memref<1x80xi32, #tpu.memory_space<vmem>> -> memref<1x80xi32, #tpu.memory_space<vmem>>
      %dma_wait3A_487 = tpu.memref_squeeze %dma_wait3A_486 : memref<1x80xi32, #tpu.memory_space<vmem>> -> memref<80xi32, #tpu.memory_space<vmem>>
      %dma_wait3A_488 = arith.constant 0 : i32
      %dma_wait3A_489 = arith.constant 0 : i32
      %dma_wait3A_490 = tpu.memref_slice %arg2[%dma_wait3A_488, %dma_wait3A_489] : memref<10000x128xf32, #tpu.memory_space<hbm>> -> memref<10000x128xf32, #tpu.memory_space<hbm>>
      tpu.wait_indirect_dma semaphore(%arg25 : memref<!tpu.dma_semaphore, #tpu.memory_space<semaphore_mem>>) src(%dma_wait3A_490 : memref<10000x128xf32, #tpu.memory_space<hbm>>) dst(%arg18 : memref<80x128xf32, #tpu.memory_space<vmem>>)
      %scan3A_491 = arith.constant 0 : i32
      %scan3A_492 = arith.constant 0 : i32
      %scan3A_493 = arith.constant 20 : i32
      %scan3A_494 = arith.addi %scan3A_492, %scan3A_493 : i32
      %scan3A_495 = arith.constant 1 : i32
      scf.for %scan3A_641 = %scan3A_492 to %scan3A_494 step %scan3A_495  : i32 {
        %mul3A_642 = arith.constant 4 : i32
        %mul3A_643 = arith.muli %scan3A_641, %mul3A_642 : i32
        %add3A_644 = arith.constant 0 : i32
        %add3A_645 = arith.addi %mul3A_643, %add3A_644 : i32
        %broadcast_in_dim3A_646 = vector.broadcast %add3A_645 : i32 to vector<16xi32>
        %gather3A = tpu.vector_load_idx %arg15[%broadcast_in_dim3A_646] : memref<80xf32, #tpu.memory_space<vmem>>[vector<16xi32>], vector<16xf32>,
        %get3A_647 = arith.index_cast %add3A_645 : i32 to index
        %get3A_648 = arith.constant 0 : index
        %get3A_649 = tpu.vector_load %arg18[%get3A_647, %get3A_648] {strides = array<i32>} : memref<80x128xf32, #tpu.memory_space<vmem>>, vector<16xf32>,
        %mul3A_650 = arith.mulf %get3A_649, %gather3A : vector<16xf32>
        %swap3A_651 = arith.index_cast %add3A_645 : i32 to index
        %swap3A_652 = arith.constant 0 : index
        %swap3A_653 = tpu.vector_load %arg18[%swap3A_651, %swap3A_652] {strides = array<i32>} : memref<80x128xf32, #tpu.memory_space<vmem>>, vector<16xf32>,
        tpu.vector_store %arg18[%swap3A_651, %swap3A_652], %mul3A_650 {strides = array<i32>} : memref<80x128xf32, #tpu.memory_space<vmem>>, vector<16xf32>,
        %get3A_654 = arith.index_cast %add3A_645 : i32 to index
        %get3A_655 = arith.constant 16 : index
        %get3A_656 = tpu.vector_load %arg18[%get3A_654, %get3A_655] {strides = array<i32>} : memref<80x128xf32, #tpu.memory_space<vmem>>, vector<16xf32>,
        %mul3A_657 = arith.mulf %get3A_656, %gather3A : vector<16xf32>
        %swap3A_658 = arith.index_cast %add3A_645 : i32 to index
        %swap3A_659 = arith.constant 16 : index
        %swap3A_660 = tpu.vector_load %arg18[%swap3A_658, %swap3A_659] {strides = array<i32>} : memref<80x128xf32, #tpu.memory_space<vmem>>, vector<16xf32>,
        tpu.vector_store %arg18[%swap3A_658, %swap3A_659], %mul3A_657 {strides = array<i32>} : memref<80x128xf32, #tpu.memory_space<vmem>>, vector<16xf32>,
        %get3A_661 = arith.index_cast %add3A_645 : i32 to index
        %get3A_662 = arith.constant 32 : index
        %get3A_663 = tpu.vector_load %arg18[%get3A_661, %get3A_662] {strides = array<i32>} : memref<80x128xf32, #tpu.memory_space<vmem>>, vector<16xf32>,
        %mul3A_664 = arith.mulf %get3A_663, %gather3A : vector<16xf32>
        %swap3A_665 = arith.index_cast %add3A_645 : i32 to index
        %swap3A_666 = arith.constant 32 : index
        %swap3A_667 = tpu.vector_load %arg18[%swap3A_665, %swap3A_666] {strides = array<i32>} : memref<80x128xf32, #tpu.memory_space<vmem>>, vector<16xf32>,
        tpu.vector_store %arg18[%swap3A_665, %swap3A_666], %mul3A_664 {strides = array<i32>} : memref<80x128xf32, #tpu.memory_space<vmem>>, vector<16xf32>,
        %get3A_668 = arith.index_cast %add3A_645 : i32 to index
        %get3A_669 = arith.constant 48 : index
        %get3A_670 = tpu.vector_load %arg18[%get3A_668, %get3A_669] {strides = array<i32>} : memref<80x128xf32, #tpu.memory_space<vmem>>, vector<16xf32>,
        %mul3A_671 = arith.mulf %get3A_670, %gather3A : vector<16xf32>
        %swap3A_672 = arith.index_cast %add3A_645 : i32 to index
        %swap3A_673 = arith.constant 48 : index
        %swap3A_674 = tpu.vector_load %arg18[%swap3A_672, %swap3A_673] {strides = array<i32>} : memref<80x128xf32, #tpu.memory_space<vmem>>, vector<16xf32>,
        tpu.vector_store %arg18[%swap3A_672, %swap3A_673], %mul3A_671 {strides = array<i32>} : memref<80x128xf32, #tpu.memory_space<vmem>>, vector<16xf32>,
        %get3A_675 = arith.index_cast %add3A_645 : i32 to index
        %get3A_676 = arith.constant 64 : index
        %get3A_677 = tpu.vector_load %arg18[%get3A_675, %get3A_676] {strides = array<i32>} : memref<80x128xf32, #tpu.memory_space<vmem>>, vector<16xf32>,
        %mul3A_678 = arith.mulf %get3A_677, %gather3A : vector<16xf32>
        %swap3A_679 = arith.index_cast %add3A_645 : i32 to index
        %swap3A_680 = arith.constant 64 : index
        %swap3A_681 = tpu.vector_load %arg18[%swap3A_679, %swap3A_680] {strides = array<i32>} : memref<80x128xf32, #tpu.memory_space<vmem>>, vector<16xf32>,
        tpu.vector_store %arg18[%swap3A_679, %swap3A_680], %mul3A_678 {strides = array<i32>} : memref<80x128xf32, #tpu.memory_space<vmem>>, vector<16xf32>,
        %get3A_682 = arith.index_cast %add3A_645 : i32 to index
        %get3A_683 = arith.constant 80 : index
        %get3A_684 = tpu.vector_load %arg18[%get3A_682, %get3A_683] {strides = array<i32>} : memref<80x128xf32, #tpu.memory_space<vmem>>, vector<16xf32>,
        %mul3A_685 = arith.mulf %get3A_684, %gather3A : vector<16xf32>
        %swap3A_686 = arith.index_cast %add3A_645 : i32 to index
        %swap3A_687 = arith.constant 80 : index
        %swap3A_688 = tpu.vector_load %arg18[%swap3A_686, %swap3A_687] {strides = array<i32>} : memref<80x128xf32, #tpu.memory_space<vmem>>, vector<16xf32>,
        tpu.vector_store %arg18[%swap3A_686, %swap3A_687], %mul3A_685 {strides = array<i32>} : memref<80x128xf32, #tpu.memory_space<vmem>>, vector<16xf32>,
        %get3A_689 = arith.index_cast %add3A_645 : i32 to index
        %get3A_690 = arith.constant 96 : index
        %get3A_691 = tpu.vector_load %arg18[%get3A_689, %get3A_690] {strides = array<i32>} : memref<80x128xf32, #tpu.memory_space<vmem>>, vector<16xf32>,
        %mul3A_692 = arith.mulf %get3A_691, %gather3A : vector<16xf32>
        %swap3A_693 = arith.index_cast %add3A_645 : i32 to index
        %swap3A_694 = arith.constant 96 : index
        %swap3A_695 = tpu.vector_load %arg18[%swap3A_693, %swap3A_694] {strides = array<i32>} : memref<80x128xf32, #tpu.memory_space<vmem>>, vector<16xf32>,
        tpu.vector_store %arg18[%swap3A_693, %swap3A_694], %mul3A_692 {strides = array<i32>} : memref<80x128xf32, #tpu.memory_space<vmem>>, vector<16xf32>,
        %get3A_696 = arith.index_cast %add3A_645 : i32 to index
        %get3A_697 = arith.constant 112 : index
        %get3A_698 = tpu.vector_load %arg18[%get3A_696, %get3A_697] {strides = array<i32>} : memref<80x128xf32, #tpu.memory_space<vmem>>, vector<16xf32>,
        %mul3A_699 = arith.mulf %get3A_698, %gather3A : vector<16xf32>
        %swap3A_700 = arith.index_cast %add3A_645 : i32 to index
        %swap3A_701 = arith.constant 112 : index
        %swap3A_702 = tpu.vector_load %arg18[%swap3A_700, %swap3A_701] {strides = array<i32>} : memref<80x128xf32, #tpu.memory_space<vmem>>, vector<16xf32>,
        tpu.vector_store %arg18[%swap3A_700, %swap3A_701], %mul3A_699 {strides = array<i32>} : memref<80x128xf32, #tpu.memory_space<vmem>>, vector<16xf32>,
        %add3A_703 = arith.constant 1 : i32
        %add3A_704 = arith.addi %mul3A_643, %add3A_703 : i32
        %broadcast_in_dim3A_705 = vector.broadcast %add3A_704 : i32 to vector<16xi32>
        %gather3A_706 = tpu.vector_load_idx %arg15[%broadcast_in_dim3A_705] : memref<80xf32, #tpu.memory_space<vmem>>[vector<16xi32>], vector<16xf32>,
        %get3A_707 = arith.index_cast %add3A_704 : i32 to index
        %get3A_708 = arith.constant 0 : index
        %get3A_709 = tpu.vector_load %arg18[%get3A_707, %get3A_708] {strides = array<i32>} : memref<80x128xf32, #tpu.memory_space<vmem>>, vector<16xf32>,
        %mul3A_710 = arith.mulf %get3A_709, %gather3A_706 : vector<16xf32>
        %swap3A_711 = arith.index_cast %add3A_704 : i32 to index
        %swap3A_712 = arith.constant 0 : index
        %swap3A_713 = tpu.vector_load %arg18[%swap3A_711, %swap3A_712] {strides = array<i32>} : memref<80x128xf32, #tpu.memory_space<vmem>>, vector<16xf32>,
        tpu.vector_store %arg18[%swap3A_711, %swap3A_712], %mul3A_710 {strides = array<i32>} : memref<80x128xf32, #tpu.memory_space<vmem>>, vector<16xf32>,
        %get3A_714 = arith.index_cast %add3A_704 : i32 to index
        %get3A_715 = arith.constant 16 : index
        %get3A_716 = tpu.vector_load %arg18[%get3A_714, %get3A_715] {strides = array<i32>} : memref<80x128xf32, #tpu.memory_space<vmem>>, vector<16xf32>,
        %mul3A_717 = arith.mulf %get3A_716, %gather3A_706 : vector<16xf32>
        %swap3A_718 = arith.index_cast %add3A_704 : i32 to index
        %swap3A_719 = arith.constant 16 : index
        %swap3A_720 = tpu.vector_load %arg18[%swap3A_718, %swap3A_719] {strides = array<i32>} : memref<80x128xf32, #tpu.memory_space<vmem>>, vector<16xf32>,
        tpu.vector_store %arg18[%swap3A_718, %swap3A_719], %mul3A_717 {strides = array<i32>} : memref<80x128xf32, #tpu.memory_space<vmem>>, vector<16xf32>,
        %get3A_721 = arith.index_cast %add3A_704 : i32 to index
        %get3A_722 = arith.constant 32 : index
        %get3A_723 = tpu.vector_load %arg18[%get3A_721, %get3A_722] {strides = array<i32>} : memref<80x128xf32, #tpu.memory_space<vmem>>, vector<16xf32>,
        %mul3A_724 = arith.mulf %get3A_723, %gather3A_706 : vector<16xf32>
        %swap3A_725 = arith.index_cast %add3A_704 : i32 to index
        %swap3A_726 = arith.constant 32 : index
        %swap3A_727 = tpu.vector_load %arg18[%swap3A_725, %swap3A_726] {strides = array<i32>} : memref<80x128xf32, #tpu.memory_space<vmem>>, vector<16xf32>,
        tpu.vector_store %arg18[%swap3A_725, %swap3A_726], %mul3A_724 {strides = array<i32>} : memref<80x128xf32, #tpu.memory_space<vmem>>, vector<16xf32>,
        %get3A_728 = arith.index_cast %add3A_704 : i32 to index
        %get3A_729 = arith.constant 48 : index
        %get3A_730 = tpu.vector_load %arg18[%get3A_728, %get3A_729] {strides = array<i32>} : memref<80x128xf32, #tpu.memory_space<vmem>>, vector<16xf32>,
        %mul3A_731 = arith.mulf %get3A_730, %gather3A_706 : vector<16xf32>
        %swap3A_732 = arith.index_cast %add3A_704 : i32 to index
        %swap3A_733 = arith.constant 48 : index
        %swap3A_734 = tpu.vector_load %arg18[%swap3A_732, %swap3A_733] {strides = array<i32>} : memref<80x128xf32, #tpu.memory_space<vmem>>, vector<16xf32>,
        tpu.vector_store %arg18[%swap3A_732, %swap3A_733], %mul3A_731 {strides = array<i32>} : memref<80x128xf32, #tpu.memory_space<vmem>>, vector<16xf32>,
        %get3A_735 = arith.index_cast %add3A_704 : i32 to index
        %get3A_736 = arith.constant 64 : index
        %get3A_737 = tpu.vector_load %arg18[%get3A_735, %get3A_736] {strides = array<i32>} : memref<80x128xf32, #tpu.memory_space<vmem>>, vector<16xf32>,
        %mul3A_738 = arith.mulf %get3A_737, %gather3A_706 : vector<16xf32>
        %swap3A_739 = arith.index_cast %add3A_704 : i32 to index
        %swap3A_740 = arith.constant 64 : index
        %swap3A_741 = tpu.vector_load %arg18[%swap3A_739, %swap3A_740] {strides = array<i32>} : memref<80x128xf32, #tpu.memory_space<vmem>>, vector<16xf32>,
        tpu.vector_store %arg18[%swap3A_739, %swap3A_740], %mul3A_738 {strides = array<i32>} : memref<80x128xf32, #tpu.memory_space<vmem>>, vector<16xf32>,
        %get3A_742 = arith.index_cast %add3A_704 : i32 to index
        %get3A_743 = arith.constant 80 : index
        %get3A_744 = tpu.vector_load %arg18[%get3A_742, %get3A_743] {strides = array<i32>} : memref<80x128xf32, #tpu.memory_space<vmem>>, vector<16xf32>,
        %mul3A_745 = arith.mulf %get3A_744, %gather3A_706 : vector<16xf32>
        %swap3A_746 = arith.index_cast %add3A_704 : i32 to index
        %swap3A_747 = arith.constant 80 : index
        %swap3A_748 = tpu.vector_load %arg18[%swap3A_746, %swap3A_747] {strides = array<i32>} : memref<80x128xf32, #tpu.memory_space<vmem>>, vector<16xf32>,
        tpu.vector_store %arg18[%swap3A_746, %swap3A_747], %mul3A_745 {strides = array<i32>} : memref<80x128xf32, #tpu.memory_space<vmem>>, vector<16xf32>,
        %get3A_749 = arith.index_cast %add3A_704 : i32 to index
        %get3A_750 = arith.constant 96 : index
        %get3A_751 = tpu.vector_load %arg18[%get3A_749, %get3A_750] {strides = array<i32>} : memref<80x128xf32, #tpu.memory_space<vmem>>, vector<16xf32>,
        %mul3A_752 = arith.mulf %get3A_751, %gather3A_706 : vector<16xf32>
        %swap3A_753 = arith.index_cast %add3A_704 : i32 to index
        %swap3A_754 = arith.constant 96 : index
        %swap3A_755 = tpu.vector_load %arg18[%swap3A_753, %swap3A_754] {strides = array<i32>} : memref<80x128xf32, #tpu.memory_space<vmem>>, vector<16xf32>,
        tpu.vector_store %arg18[%swap3A_753, %swap3A_754], %mul3A_752 {strides = array<i32>} : memref<80x128xf32, #tpu.memory_space<vmem>>, vector<16xf32>,
        %get3A_756 = arith.index_cast %add3A_704 : i32 to index
        %get3A_757 = arith.constant 112 : index
        %get3A_758 = tpu.vector_load %arg18[%get3A_756, %get3A_757] {strides = array<i32>} : memref<80x128xf32, #tpu.memory_space<vmem>>, vector<16xf32>,
        %mul3A_759 = arith.mulf %get3A_758, %gather3A_706 : vector<16xf32>
        %swap3A_760 = arith.index_cast %add3A_704 : i32 to index
        %swap3A_761 = arith.constant 112 : index
        %swap3A_762 = tpu.vector_load %arg18[%swap3A_760, %swap3A_761] {strides = array<i32>} : memref<80x128xf32, #tpu.memory_space<vmem>>, vector<16xf32>,
        tpu.vector_store %arg18[%swap3A_760, %swap3A_761], %mul3A_759 {strides = array<i32>} : memref<80x128xf32, #tpu.memory_space<vmem>>, vector<16xf32>,
        %add3A_763 = arith.constant 2 : i32
        %add3A_764 = arith.addi %mul3A_643, %add3A_763 : i32
        %broadcast_in_dim3A_765 = vector.broadcast %add3A_764 : i32 to vector<16xi32>
        %gather3A_766 = tpu.vector_load_idx %arg15[%broadcast_in_dim3A_765] : memref<80xf32, #tpu.memory_space<vmem>>[vector<16xi32>], vector<16xf32>,
        %get3A_767 = arith.index_cast %add3A_764 : i32 to index
        %get3A_768 = arith.constant 0 : index
        %get3A_769 = tpu.vector_load %arg18[%get3A_767, %get3A_768] {strides = array<i32>} : memref<80x128xf32, #tpu.memory_space<vmem>>, vector<16xf32>,
        %mul3A_770 = arith.mulf %get3A_769, %gather3A_766 : vector<16xf32>
        %swap3A_771 = arith.index_cast %add3A_764 : i32 to index
        %swap3A_772 = arith.constant 0 : index
        %swap3A_773 = tpu.vector_load %arg18[%swap3A_771, %swap3A_772] {strides = array<i32>} : memref<80x128xf32, #tpu.memory_space<vmem>>, vector<16xf32>,
        tpu.vector_store %arg18[%swap3A_771, %swap3A_772], %mul3A_770 {strides = array<i32>} : memref<80x128xf32, #tpu.memory_space<vmem>>, vector<16xf32>,
        %get3A_774 = arith.index_cast %add3A_764 : i32 to index
        %get3A_775 = arith.constant 16 : index
        %get3A_776 = tpu.vector_load %arg18[%get3A_774, %get3A_775] {strides = array<i32>} : memref<80x128xf32, #tpu.memory_space<vmem>>, vector<16xf32>,
        %mul3A_777 = arith.mulf %get3A_776, %gather3A_766 : vector<16xf32>
        %swap3A_778 = arith.index_cast %add3A_764 : i32 to index
        %swap3A_779 = arith.constant 16 : index
        %swap3A_780 = tpu.vector_load %arg18[%swap3A_778, %swap3A_779] {strides = array<i32>} : memref<80x128xf32, #tpu.memory_space<vmem>>, vector<16xf32>,
        tpu.vector_store %arg18[%swap3A_778, %swap3A_779], %mul3A_777 {strides = array<i32>} : memref<80x128xf32, #tpu.memory_space<vmem>>, vector<16xf32>,
        %get3A_781 = arith.index_cast %add3A_764 : i32 to index
        %get3A_782 = arith.constant 32 : index
        %get3A_783 = tpu.vector_load %arg18[%get3A_781, %get3A_782] {strides = array<i32>} : memref<80x128xf32, #tpu.memory_space<vmem>>, vector<16xf32>,
        %mul3A_784 = arith.mulf %get3A_783, %gather3A_766 : vector<16xf32>
        %swap3A_785 = arith.index_cast %add3A_764 : i32 to index
        %swap3A_786 = arith.constant 32 : index
        %swap3A_787 = tpu.vector_load %arg18[%swap3A_785, %swap3A_786] {strides = array<i32>} : memref<80x128xf32, #tpu.memory_space<vmem>>, vector<16xf32>,
        tpu.vector_store %arg18[%swap3A_785, %swap3A_786], %mul3A_784 {strides = array<i32>} : memref<80x128xf32, #tpu.memory_space<vmem>>, vector<16xf32>,
        %get3A_788 = arith.index_cast %add3A_764 : i32 to index
        %get3A_789 = arith.constant 48 : index
        %get3A_790 = tpu.vector_load %arg18[%get3A_788, %get3A_789] {strides = array<i32>} : memref<80x128xf32, #tpu.memory_space<vmem>>, vector<16xf32>,
        %mul3A_791 = arith.mulf %get3A_790, %gather3A_766 : vector<16xf32>
        %swap3A_792 = arith.index_cast %add3A_764 : i32 to index
        %swap3A_793 = arith.constant 48 : index
        %swap3A_794 = tpu.vector_load %arg18[%swap3A_792, %swap3A_793] {strides = array<i32>} : memref<80x128xf32, #tpu.memory_space<vmem>>, vector<16xf32>,
        tpu.vector_store %arg18[%swap3A_792, %swap3A_793], %mul3A_791 {strides = array<i32>} : memref<80x128xf32, #tpu.memory_space<vmem>>, vector<16xf32>,
        %get3A_795 = arith.index_cast %add3A_764 : i32 to index
        %get3A_796 = arith.constant 64 : index
        %get3A_797 = tpu.vector_load %arg18[%get3A_795, %get3A_796] {strides = array<i32>} : memref<80x128xf32, #tpu.memory_space<vmem>>, vector<16xf32>,
        %mul3A_798 = arith.mulf %get3A_797, %gather3A_766 : vector<16xf32>
        %swap3A_799 = arith.index_cast %add3A_764 : i32 to index
        %swap3A_800 = arith.constant 64 : index
        %swap3A_801 = tpu.vector_load %arg18[%swap3A_799, %swap3A_800] {strides = array<i32>} : memref<80x128xf32, #tpu.memory_space<vmem>>, vector<16xf32>,
        tpu.vector_store %arg18[%swap3A_799, %swap3A_800], %mul3A_798 {strides = array<i32>} : memref<80x128xf32, #tpu.memory_space<vmem>>, vector<16xf32>,
        %get3A_802 = arith.index_cast %add3A_764 : i32 to index
        %get3A_803 = arith.constant 80 : index
        %get3A_804 = tpu.vector_load %arg18[%get3A_802, %get3A_803] {strides = array<i32>} : memref<80x128xf32, #tpu.memory_space<vmem>>, vector<16xf32>,
        %mul3A_805 = arith.mulf %get3A_804, %gather3A_766 : vector<16xf32>
        %swap3A_806 = arith.index_cast %add3A_764 : i32 to index
        %swap3A_807 = arith.constant 80 : index
        %swap3A_808 = tpu.vector_load %arg18[%swap3A_806, %swap3A_807] {strides = array<i32>} : memref<80x128xf32, #tpu.memory_space<vmem>>, vector<16xf32>,
        tpu.vector_store %arg18[%swap3A_806, %swap3A_807], %mul3A_805 {strides = array<i32>} : memref<80x128xf32, #tpu.memory_space<vmem>>, vector<16xf32>,
        %get3A_809 = arith.index_cast %add3A_764 : i32 to index
        %get3A_810 = arith.constant 96 : index
        %get3A_811 = tpu.vector_load %arg18[%get3A_809, %get3A_810] {strides = array<i32>} : memref<80x128xf32, #tpu.memory_space<vmem>>, vector<16xf32>,
        %mul3A_812 = arith.mulf %get3A_811, %gather3A_766 : vector<16xf32>
        %swap3A_813 = arith.index_cast %add3A_764 : i32 to index
        %swap3A_814 = arith.constant 96 : index
        %swap3A_815 = tpu.vector_load %arg18[%swap3A_813, %swap3A_814] {strides = array<i32>} : memref<80x128xf32, #tpu.memory_space<vmem>>, vector<16xf32>,
        tpu.vector_store %arg18[%swap3A_813, %swap3A_814], %mul3A_812 {strides = array<i32>} : memref<80x128xf32, #tpu.memory_space<vmem>>, vector<16xf32>,
        %get3A_816 = arith.index_cast %add3A_764 : i32 to index
        %get3A_817 = arith.constant 112 : index
        %get3A_818 = tpu.vector_load %arg18[%get3A_816, %get3A_817] {strides = array<i32>} : memref<80x128xf32, #tpu.memory_space<vmem>>, vector<16xf32>,
        %mul3A_819 = arith.mulf %get3A_818, %gather3A_766 : vector<16xf32>
        %swap3A_820 = arith.index_cast %add3A_764 : i32 to index
        %swap3A_821 = arith.constant 112 : index
        %swap3A_822 = tpu.vector_load %arg18[%swap3A_820, %swap3A_821] {strides = array<i32>} : memref<80x128xf32, #tpu.memory_space<vmem>>, vector<16xf32>,
        tpu.vector_store %arg18[%swap3A_820, %swap3A_821], %mul3A_819 {strides = array<i32>} : memref<80x128xf32, #tpu.memory_space<vmem>>, vector<16xf32>,
        %add3A_823 = arith.constant 3 : i32
        %add3A_824 = arith.addi %mul3A_643, %add3A_823 : i32
        %broadcast_in_dim3A_825 = vector.broadcast %add3A_824 : i32 to vector<16xi32>
        %gather3A_826 = tpu.vector_load_idx %arg15[%broadcast_in_dim3A_825] : memref<80xf32, #tpu.memory_space<vmem>>[vector<16xi32>], vector<16xf32>,
        %get3A_827 = arith.index_cast %add3A_824 : i32 to index
        %get3A_828 = arith.constant 0 : index
        %get3A_829 = tpu.vector_load %arg18[%get3A_827, %get3A_828] {strides = array<i32>} : memref<80x128xf32, #tpu.memory_space<vmem>>, vector<16xf32>,
        %mul3A_830 = arith.mulf %get3A_829, %gather3A_826 : vector<16xf32>
        %swap3A_831 = arith.index_cast %add3A_824 : i32 to index
        %swap3A_832 = arith.constant 0 : index
        %swap3A_833 = tpu.vector_load %arg18[%swap3A_831, %swap3A_832] {strides = array<i32>} : memref<80x128xf32, #tpu.memory_space<vmem>>, vector<16xf32>,
        tpu.vector_store %arg18[%swap3A_831, %swap3A_832], %mul3A_830 {strides = array<i32>} : memref<80x128xf32, #tpu.memory_space<vmem>>, vector<16xf32>,
        %get3A_834 = arith.index_cast %add3A_824 : i32 to index
        %get3A_835 = arith.constant 16 : index
        %get3A_836 = tpu.vector_load %arg18[%get3A_834, %get3A_835] {strides = array<i32>} : memref<80x128xf32, #tpu.memory_space<vmem>>, vector<16xf32>,
        %mul3A_837 = arith.mulf %get3A_836, %gather3A_826 : vector<16xf32>
        %swap3A_838 = arith.index_cast %add3A_824 : i32 to index
        %swap3A_839 = arith.constant 16 : index
        %swap3A_840 = tpu.vector_load %arg18[%swap3A_838, %swap3A_839] {strides = array<i32>} : memref<80x128xf32, #tpu.memory_space<vmem>>, vector<16xf32>,
        tpu.vector_store %arg18[%swap3A_838, %swap3A_839], %mul3A_837 {strides = array<i32>} : memref<80x128xf32, #tpu.memory_space<vmem>>, vector<16xf32>,
        %get3A_841 = arith.index_cast %add3A_824 : i32 to index
        %get3A_842 = arith.constant 32 : index
        %get3A_843 = tpu.vector_load %arg18[%get3A_841, %get3A_842] {strides = array<i32>} : memref<80x128xf32, #tpu.memory_space<vmem>>, vector<16xf32>,
        %mul3A_844 = arith.mulf %get3A_843, %gather3A_826 : vector<16xf32>
        %swap3A_845 = arith.index_cast %add3A_824 : i32 to index
        %swap3A_846 = arith.constant 32 : index
        %swap3A_847 = tpu.vector_load %arg18[%swap3A_845, %swap3A_846] {strides = array<i32>} : memref<80x128xf32, #tpu.memory_space<vmem>>, vector<16xf32>,
        tpu.vector_store %arg18[%swap3A_845, %swap3A_846], %mul3A_844 {strides = array<i32>} : memref<80x128xf32, #tpu.memory_space<vmem>>, vector<16xf32>,
        %get3A_848 = arith.index_cast %add3A_824 : i32 to index
        %get3A_849 = arith.constant 48 : index
        %get3A_850 = tpu.vector_load %arg18[%get3A_848, %get3A_849] {strides = array<i32>} : memref<80x128xf32, #tpu.memory_space<vmem>>, vector<16xf32>,
        %mul3A_851 = arith.mulf %get3A_850, %gather3A_826 : vector<16xf32>
        %swap3A_852 = arith.index_cast %add3A_824 : i32 to index
        %swap3A_853 = arith.constant 48 : index
        %swap3A_854 = tpu.vector_load %arg18[%swap3A_852, %swap3A_853] {strides = array<i32>} : memref<80x128xf32, #tpu.memory_space<vmem>>, vector<16xf32>,
        tpu.vector_store %arg18[%swap3A_852, %swap3A_853], %mul3A_851 {strides = array<i32>} : memref<80x128xf32, #tpu.memory_space<vmem>>, vector<16xf32>,
        %get3A_855 = arith.index_cast %add3A_824 : i32 to index
        %get3A_856 = arith.constant 64 : index
        %get3A_857 = tpu.vector_load %arg18[%get3A_855, %get3A_856] {strides = array<i32>} : memref<80x128xf32, #tpu.memory_space<vmem>>, vector<16xf32>,
        %mul3A_858 = arith.mulf %get3A_857, %gather3A_826 : vector<16xf32>
        %swap3A_859 = arith.index_cast %add3A_824 : i32 to index
        %swap3A_860 = arith.constant 64 : index
        %swap3A_861 = tpu.vector_load %arg18[%swap3A_859, %swap3A_860] {strides = array<i32>} : memref<80x128xf32, #tpu.memory_space<vmem>>, vector<16xf32>,
        tpu.vector_store %arg18[%swap3A_859, %swap3A_860], %mul3A_858 {strides = array<i32>} : memref<80x128xf32, #tpu.memory_space<vmem>>, vector<16xf32>,
        %get3A_862 = arith.index_cast %add3A_824 : i32 to index
        %get3A_863 = arith.constant 80 : index
        %get3A_864 = tpu.vector_load %arg18[%get3A_862, %get3A_863] {strides = array<i32>} : memref<80x128xf32, #tpu.memory_space<vmem>>, vector<16xf32>,
        %mul3A_865 = arith.mulf %get3A_864, %gather3A_826 : vector<16xf32>
        %swap3A_866 = arith.index_cast %add3A_824 : i32 to index
        %swap3A_867 = arith.constant 80 : index
        %swap3A_868 = tpu.vector_load %arg18[%swap3A_866, %swap3A_867] {strides = array<i32>} : memref<80x128xf32, #tpu.memory_space<vmem>>, vector<16xf32>,
        tpu.vector_store %arg18[%swap3A_866, %swap3A_867], %mul3A_865 {strides = array<i32>} : memref<80x128xf32, #tpu.memory_space<vmem>>, vector<16xf32>,
        %get3A_869 = arith.index_cast %add3A_824 : i32 to index
        %get3A_870 = arith.constant 96 : index
        %get3A_871 = tpu.vector_load %arg18[%get3A_869, %get3A_870] {strides = array<i32>} : memref<80x128xf32, #tpu.memory_space<vmem>>, vector<16xf32>,
        %mul3A_872 = arith.mulf %get3A_871, %gather3A_826 : vector<16xf32>
        %swap3A_873 = arith.index_cast %add3A_824 : i32 to index
        %swap3A_874 = arith.constant 96 : index
        %swap3A_875 = tpu.vector_load %arg18[%swap3A_873, %swap3A_874] {strides = array<i32>} : memref<80x128xf32, #tpu.memory_space<vmem>>, vector<16xf32>,
        tpu.vector_store %arg18[%swap3A_873, %swap3A_874], %mul3A_872 {strides = array<i32>} : memref<80x128xf32, #tpu.memory_space<vmem>>, vector<16xf32>,
        %get3A_876 = arith.index_cast %add3A_824 : i32 to index
        %get3A_877 = arith.constant 112 : index
        %get3A_878 = tpu.vector_load %arg18[%get3A_876, %get3A_877] {strides = array<i32>} : memref<80x128xf32, #tpu.memory_space<vmem>>, vector<16xf32>,
        %mul3A_879 = arith.mulf %get3A_878, %gather3A_826 : vector<16xf32>
        %swap3A_880 = arith.index_cast %add3A_824 : i32 to index
        %swap3A_881 = arith.constant 112 : index
        %swap3A_882 = tpu.vector_load %arg18[%swap3A_880, %swap3A_881] {strides = array<i32>} : memref<80x128xf32, #tpu.memory_space<vmem>>, vector<16xf32>,
        tpu.vector_store %arg18[%swap3A_880, %swap3A_881], %mul3A_879 {strides = array<i32>} : memref<80x128xf32, #tpu.memory_space<vmem>>, vector<16xf32>,
      }
      %scan3A_496 = arith.constant 20 : i32
      %dma_wait3A_497 = arith.constant 0 : i32
      %dma_wait3A_498 = arith.constant 0 : i32
      %dma_wait3A_499 = tpu.memref_slice %arg14[%dma_wait3A_497, %dma_wait3A_498] : memref<1x80xi32, #tpu.memory_space<vmem>> -> memref<1x80xi32, #tpu.memory_space<vmem>>
      %dma_wait3A_500 = tpu.memref_squeeze %dma_wait3A_499 : memref<1x80xi32, #tpu.memory_space<vmem>> -> memref<80xi32, #tpu.memory_space<vmem>>
      %dma_wait3A_501 = arith.constant 0 : i32
      %dma_wait3A_502 = arith.constant 0 : i32
      %dma_wait3A_503 = tpu.memref_slice %arg21[%dma_wait3A_501, %dma_wait3A_502] : memref<10240x128xf32, #tpu.memory_space<vmem_shared>> -> memref<10240x128xf32, #tpu.memory_space<vmem_shared>>
      tpu.wait_indirect_dma semaphore(%arg30 : memref<!tpu.dma_semaphore, #tpu.memory_space<semaphore_mem>>) src(%arg20 : memref<80x128xf32, #tpu.memory_space<vmem>>) dst(%dma_wait3A_503 : memref<10240x128xf32, #tpu.memory_space<vmem_shared>>)
      %get3A_504 = arith.constant 0 : i32
      %get3A_505 = arith.index_cast %get3A_504 : i32 to index
      %get3A_506 = arith.constant 0 : index
      %get3A_507 = tpu.vector_load %arg9[%get3A_505, %get3A_506] {strides = array<i32>} : memref<1x80xi32, #tpu.memory_space<vmem>>, vector<16xi32>,
      %swap3A_508 = arith.constant 0 : i32
      %swap3A_509 = arith.index_cast %swap3A_508 : i32 to index
      %swap3A_510 = arith.constant 0 : index
      %swap3A_511 = tpu.vector_load %arg12[%swap3A_509, %swap3A_510] {strides = array<i32>} : memref<1x80xi32, #tpu.memory_space<vmem>>, vector<16xi32>,
      tpu.vector_store %arg12[%swap3A_509, %swap3A_510], %get3A_507 {strides = array<i32>} : memref<1x80xi32, #tpu.memory_space<vmem>>, vector<16xi32>,
      %get3A_512 = arith.constant 0 : i32
      %get3A_513 = arith.index_cast %get3A_512 : i32 to index
      %get3A_514 = arith.constant 16 : index
      %get3A_515 = tpu.vector_load %arg9[%get3A_513, %get3A_514] {strides = array<i32>} : memref<1x80xi32, #tpu.memory_space<vmem>>, vector<16xi32>,
      %swap3A_516 = arith.constant 0 : i32
      %swap3A_517 = arith.index_cast %swap3A_516 : i32 to index
      %swap3A_518 = arith.constant 16 : index
      %swap3A_519 = tpu.vector_load %arg12[%swap3A_517, %swap3A_518] {strides = array<i32>} : memref<1x80xi32, #tpu.memory_space<vmem>>, vector<16xi32>,
      tpu.vector_store %arg12[%swap3A_517, %swap3A_518], %get3A_515 {strides = array<i32>} : memref<1x80xi32, #tpu.memory_space<vmem>>, vector<16xi32>,
      %get3A_520 = arith.constant 0 : i32
      %get3A_521 = arith.index_cast %get3A_520 : i32 to index
      %get3A_522 = arith.constant 32 : index
      %get3A_523 = tpu.vector_load %arg9[%get3A_521, %get3A_522] {strides = array<i32>} : memref<1x80xi32, #tpu.memory_space<vmem>>, vector<16xi32>,
      %swap3A_524 = arith.constant 0 : i32
      %swap3A_525 = arith.index_cast %swap3A_524 : i32 to index
      %swap3A_526 = arith.constant 32 : index
      %swap3A_527 = tpu.vector_load %arg12[%swap3A_525, %swap3A_526] {strides = array<i32>} : memref<1x80xi32, #tpu.memory_space<vmem>>, vector<16xi32>,
      tpu.vector_store %arg12[%swap3A_525, %swap3A_526], %get3A_523 {strides = array<i32>} : memref<1x80xi32, #tpu.memory_space<vmem>>, vector<16xi32>,
      %get3A_528 = arith.constant 0 : i32
      %get3A_529 = arith.index_cast %get3A_528 : i32 to index
      %get3A_530 = arith.constant 48 : index
      %get3A_531 = tpu.vector_load %arg9[%get3A_529, %get3A_530] {strides = array<i32>} : memref<1x80xi32, #tpu.memory_space<vmem>>, vector<16xi32>,
      %swap3A_532 = arith.constant 0 : i32
      %swap3A_533 = arith.index_cast %swap3A_532 : i32 to index
      %swap3A_534 = arith.constant 48 : index
      %swap3A_535 = tpu.vector_load %arg12[%swap3A_533, %swap3A_534] {strides = array<i32>} : memref<1x80xi32, #tpu.memory_space<vmem>>, vector<16xi32>,
      tpu.vector_store %arg12[%swap3A_533, %swap3A_534], %get3A_531 {strides = array<i32>} : memref<1x80xi32, #tpu.memory_space<vmem>>, vector<16xi32>,
      %get3A_536 = arith.constant 0 : i32
      %get3A_537 = arith.index_cast %get3A_536 : i32 to index
      %get3A_538 = arith.constant 64 : index
      %get3A_539 = tpu.vector_load %arg9[%get3A_537, %get3A_538] {strides = array<i32>} : memref<1x80xi32, #tpu.memory_space<vmem>>, vector<16xi32>,
      %swap3A_540 = arith.constant 0 : i32
      %swap3A_541 = arith.index_cast %swap3A_540 : i32 to index
      %swap3A_542 = arith.constant 64 : index
      %swap3A_543 = tpu.vector_load %arg12[%swap3A_541, %swap3A_542] {strides = array<i32>} : memref<1x80xi32, #tpu.memory_space<vmem>>, vector<16xi32>,
      tpu.vector_store %arg12[%swap3A_541, %swap3A_542], %get3A_539 {strides = array<i32>} : memref<1x80xi32, #tpu.memory_space<vmem>>, vector<16xi32>,
      %dma_start3A_544 = arith.constant 0 : i32
      %dma_start3A_545 = arith.constant 0 : i32
      %dma_start3A_546 = tpu.memref_slice %arg12[%dma_start3A_544, %dma_start3A_545] : memref<1x80xi32, #tpu.memory_space<vmem>> -> memref<1x80xi32, #tpu.memory_space<vmem>>
      %dma_start3A_547 = tpu.memref_squeeze %dma_start3A_546 : memref<1x80xi32, #tpu.memory_space<vmem>> -> memref<80xi32, #tpu.memory_space<vmem>>
      %dma_start3A_548 = arith.constant 0 : i32
      %dma_start3A_549 = arith.constant 0 : i32
      %dma_start3A_550 = tpu.memref_slice %arg21[%dma_start3A_548, %dma_start3A_549] : memref<10240x128xf32, #tpu.memory_space<vmem_shared>> -> memref<10240x128xf32, #tpu.memory_space<vmem_shared>>
      tpu.enqueue_indirect_dma source(%arg18 : memref<80x128xf32, #tpu.memory_space<vmem>>) target(%dma_start3A_550 : memref<10240x128xf32, #tpu.memory_space<vmem_shared>>) offsets(%dma_start3A_547 : memref<80xi32, #tpu.memory_space<vmem>>) semaphore(%arg28 : memref<!tpu.dma_semaphore, #tpu.memory_space<semaphore_mem>>) {add = true}
      %add3A_551 = arith.constant 2 : i32
      %add3A_552 = arith.addi %add3A_476, %add3A_551 : i32
      %le3A_553 = arith.constant 124 : i32
      %le3A_554 = arith.cmpi sle, %add3A_552, %le3A_553 : i32
      %convert_element_type3A_555 = arith.extui %le3A_554 : i1 to i32
      %cond3A_556 = arith.constant 0 : i32
      %cond3A_557 = arith.cmpi ne, %convert_element_type3A_555, %cond3A_556 : i32
      scf.if %cond3A_557 {
        %add3A_641 = arith.constant 2 : i32
        %add3A_642 = arith.addi %add3A_476, %add3A_641 : i32
        %dma_start3A_643 = arith.constant 0 : i32
        %dma_start3A_644 = arith.constant 0 : i32
        %dma_start3A_645 = arith.constant 0 : i32
        %dma_start3A_646 = tpu.memref_slice %arg3[%dma_start3A_643, %add3A, %add3A_642, %dma_start3A_644, %dma_start3A_645] : memref<2x32x125x1x80xi32, #tpu.memory_space<hbm>> -> memref<1x1x1x1x80xi32, #tpu.memory_space<hbm>>
        %dma_start3A_647 = tpu.memref_squeeze %dma_start3A_646 : memref<1x1x1x1x80xi32, #tpu.memory_space<hbm>> -> memref<1x80xi32, #tpu.memory_space<hbm>>
        %dma_start3A_648 = arith.constant 0 : i32
        %dma_start3A_649 = arith.constant 0 : i32
        %dma_start3A_650 = tpu.memref_slice %arg3[%dma_start3A_643, %add3A, %add3A_642, %dma_start3A_648, %dma_start3A_649] : memref<2x32x125x1x80xi32, #tpu.memory_space<hbm>> -> memref<1x1x1x1x80xi32, #tpu.memory_space<hbm>>
        %dma_start3A_651 = tpu.memref_squeeze %dma_start3A_650 : memref<1x1x1x1x80xi32, #tpu.memory_space<hbm>> -> memref<1x80xi32, #tpu.memory_space<hbm>>
        tpu.enqueue_dma source(%dma_start3A_651 : memref<1x80xi32, #tpu.memory_space<hbm>>) target(%arg8 : memref<1x80xi32, #tpu.memory_space<vmem>>) target_semaphore(%arg24 : memref<!tpu.dma_semaphore, #tpu.memory_space<semaphore_mem>>)
        %dma_start3A_652 = arith.constant 1 : i32
        %dma_start3A_653 = arith.constant 0 : i32
        %dma_start3A_654 = arith.constant 0 : i32
        %dma_start3A_655 = tpu.memref_slice %arg3[%dma_start3A_652, %add3A, %add3A_642, %dma_start3A_653, %dma_start3A_654] : memref<2x32x125x1x80xi32, #tpu.memory_space<hbm>> -> memref<1x1x1x1x80xi32, #tpu.memory_space<hbm>>
        %dma_start3A_656 = tpu.memref_squeeze %dma_start3A_655 : memref<1x1x1x1x80xi32, #tpu.memory_space<hbm>> -> memref<1x80xi32, #tpu.memory_space<hbm>>
        %dma_start3A_657 = arith.constant 0 : i32
        %dma_start3A_658 = arith.constant 0 : i32
        %dma_start3A_659 = tpu.memref_slice %arg3[%dma_start3A_652, %add3A, %add3A_642, %dma_start3A_657, %dma_start3A_658] : memref<2x32x125x1x80xi32, #tpu.memory_space<hbm>> -> memref<1x1x1x1x80xi32, #tpu.memory_space<hbm>>
        %dma_start3A_660 = tpu.memref_squeeze %dma_start3A_659 : memref<1x1x1x1x80xi32, #tpu.memory_space<hbm>> -> memref<1x80xi32, #tpu.memory_space<hbm>>
        tpu.enqueue_dma source(%dma_start3A_660 : memref<1x80xi32, #tpu.memory_space<hbm>>) target(%arg11 : memref<1x80xi32, #tpu.memory_space<vmem>>) target_semaphore(%arg24 : memref<!tpu.dma_semaphore, #tpu.memory_space<semaphore_mem>>)
        %dma_start3A_661 = arith.constant 0 : i32
        %dma_start3A_662 = tpu.memref_slice %arg4[%add3A, %add3A_642, %dma_start3A_661] : memref<32x125x80xf32, #tpu.memory_space<hbm>> -> memref<1x1x80xf32, #tpu.memory_space<hbm>>
        %dma_start3A_663 = tpu.memref_squeeze %dma_start3A_662 : memref<1x1x80xf32, #tpu.memory_space<hbm>> -> memref<80xf32, #tpu.memory_space<hbm>>
        %dma_start3A_664 = arith.constant 0 : i32
        %dma_start3A_665 = tpu.memref_slice %arg4[%add3A, %add3A_642, %dma_start3A_664] : memref<32x125x80xf32, #tpu.memory_space<hbm>> -> memref<1x1x80xf32, #tpu.memory_space<hbm>>
        %dma_start3A_666 = tpu.memref_squeeze %dma_start3A_665 : memref<1x1x80xf32, #tpu.memory_space<hbm>> -> memref<80xf32, #tpu.memory_space<hbm>>
        tpu.enqueue_dma source(%dma_start3A_666 : memref<80xf32, #tpu.memory_space<hbm>>) target(%arg17 : memref<80xf32, #tpu.memory_space<vmem>>) target_semaphore(%arg24 : memref<!tpu.dma_semaphore, #tpu.memory_space<semaphore_mem>>)
      } else {
      }
      %add3A_558 = arith.constant 2 : i32
      %add3A_559 = arith.addi %add3A_394, %add3A_558 : i32
      %add3A_560 = arith.constant 1 : i32
      %add3A_561 = arith.addi %add3A_559, %add3A_560 : i32
      %le3A_562 = arith.constant 124 : i32
      %le3A_563 = arith.cmpi sle, %add3A_561, %le3A_562 : i32
      %convert_element_type3A_564 = arith.extui %le3A_563 : i1 to i32
      %cond3A_565 = arith.constant 0 : i32
      %cond3A_566 = arith.cmpi ne, %convert_element_type3A_564, %cond3A_565 : i32
      scf.if %cond3A_566 {
        %add3A_641 = arith.constant 1 : i32
        %add3A_642 = arith.addi %add3A_559, %add3A_641 : i32
        %dma_wait3A_643 = arith.constant 0 : i32
        %dma_wait3A_644 = arith.constant 0 : i32
        %dma_wait3A_645 = arith.constant 0 : i32
        %dma_wait3A_646 = tpu.memref_slice %arg3[%dma_wait3A_643, %add3A, %add3A_642, %dma_wait3A_644, %dma_wait3A_645] : memref<2x32x125x1x80xi32, #tpu.memory_space<hbm>> -> memref<1x1x1x1x80xi32, #tpu.memory_space<hbm>>
        %dma_wait3A_647 = tpu.memref_squeeze %dma_wait3A_646 : memref<1x1x1x1x80xi32, #tpu.memory_space<hbm>> -> memref<1x80xi32, #tpu.memory_space<hbm>>
        %dma_wait3A_648 = arith.constant 0 : i32
        %dma_wait3A_649 = arith.constant 0 : i32
        %dma_wait3A_650 = tpu.memref_slice %arg3[%dma_wait3A_643, %add3A, %add3A_642, %dma_wait3A_648, %dma_wait3A_649] : memref<2x32x125x1x80xi32, #tpu.memory_space<hbm>> -> memref<1x1x1x1x80xi32, #tpu.memory_space<hbm>>
        %dma_wait3A_651 = tpu.memref_squeeze %dma_wait3A_650 : memref<1x1x1x1x80xi32, #tpu.memory_space<hbm>> -> memref<1x80xi32, #tpu.memory_space<hbm>>
        tpu.wait_dma2 semaphore(%arg24 : memref<!tpu.dma_semaphore, #tpu.memory_space<semaphore_mem>>) src(%dma_wait3A_651 : memref<1x80xi32, #tpu.memory_space<hbm>>) dst(%arg8 : memref<1x80xi32, #tpu.memory_space<vmem>>)
        %dma_wait3A_652 = arith.constant 1 : i32
        %dma_wait3A_653 = arith.constant 0 : i32
        %dma_wait3A_654 = arith.constant 0 : i32
        %dma_wait3A_655 = tpu.memref_slice %arg3[%dma_wait3A_652, %add3A, %add3A_642, %dma_wait3A_653, %dma_wait3A_654] : memref<2x32x125x1x80xi32, #tpu.memory_space<hbm>> -> memref<1x1x1x1x80xi32, #tpu.memory_space<hbm>>
        %dma_wait3A_656 = tpu.memref_squeeze %dma_wait3A_655 : memref<1x1x1x1x80xi32, #tpu.memory_space<hbm>> -> memref<1x80xi32, #tpu.memory_space<hbm>>
        %dma_wait3A_657 = arith.constant 0 : i32
        %dma_wait3A_658 = arith.constant 0 : i32
        %dma_wait3A_659 = tpu.memref_slice %arg3[%dma_wait3A_652, %add3A, %add3A_642, %dma_wait3A_657, %dma_wait3A_658] : memref<2x32x125x1x80xi32, #tpu.memory_space<hbm>> -> memref<1x1x1x1x80xi32, #tpu.memory_space<hbm>>
        %dma_wait3A_660 = tpu.memref_squeeze %dma_wait3A_659 : memref<1x1x1x1x80xi32, #tpu.memory_space<hbm>> -> memref<1x80xi32, #tpu.memory_space<hbm>>
        tpu.wait_dma2 semaphore(%arg24 : memref<!tpu.dma_semaphore, #tpu.memory_space<semaphore_mem>>) src(%dma_wait3A_660 : memref<1x80xi32, #tpu.memory_space<hbm>>) dst(%arg11 : memref<1x80xi32, #tpu.memory_space<vmem>>)
        %dma_wait3A_661 = arith.constant 0 : i32
        %dma_wait3A_662 = tpu.memref_slice %arg4[%add3A, %add3A_642, %dma_wait3A_661] : memref<32x125x80xf32, #tpu.memory_space<hbm>> -> memref<1x1x80xf32, #tpu.memory_space<hbm>>
        %dma_wait3A_663 = tpu.memref_squeeze %dma_wait3A_662 : memref<1x1x80xf32, #tpu.memory_space<hbm>> -> memref<80xf32, #tpu.memory_space<hbm>>
        %dma_wait3A_664 = arith.constant 0 : i32
        %dma_wait3A_665 = tpu.memref_slice %arg4[%add3A, %add3A_642, %dma_wait3A_664] : memref<32x125x80xf32, #tpu.memory_space<hbm>> -> memref<1x1x80xf32, #tpu.memory_space<hbm>>
        %dma_wait3A_666 = tpu.memref_squeeze %dma_wait3A_665 : memref<1x1x80xf32, #tpu.memory_space<hbm>> -> memref<80xf32, #tpu.memory_space<hbm>>
        tpu.wait_dma2 semaphore(%arg24 : memref<!tpu.dma_semaphore, #tpu.memory_space<semaphore_mem>>) src(%dma_wait3A_666 : memref<80xf32, #tpu.memory_space<hbm>>) dst(%arg17 : memref<80xf32, #tpu.memory_space<vmem>>)
        %dma_start3A_667 = arith.constant 0 : i32
        %dma_start3A_668 = arith.constant 0 : i32
        %dma_start3A_669 = tpu.memref_slice %arg8[%dma_start3A_667, %dma_start3A_668] : memref<1x80xi32, #tpu.memory_space<vmem>> -> memref<1x80xi32, #tpu.memory_space<vmem>>
        %dma_start3A_670 = tpu.memref_squeeze %dma_start3A_669 : memref<1x80xi32, #tpu.memory_space<vmem>> -> memref<80xi32, #tpu.memory_space<vmem>>
        %dma_start3A_671 = arith.constant 0 : i32
        %dma_start3A_672 = arith.constant 0 : i32
        %dma_start3A_673 = tpu.memref_slice %arg2[%dma_start3A_671, %dma_start3A_672] : memref<10000x128xf32, #tpu.memory_space<hbm>> -> memref<10000x128xf32, #tpu.memory_space<hbm>>
        tpu.enqueue_indirect_dma source(%dma_start3A_673 : memref<10000x128xf32, #tpu.memory_space<hbm>>) target(%arg20 : memref<80x128xf32, #tpu.memory_space<vmem>>) offsets(%dma_start3A_670 : memref<80xi32, #tpu.memory_space<vmem>>) semaphore(%arg27 : memref<!tpu.dma_semaphore, #tpu.memory_space<semaphore_mem>>)
      } else {
      }
      %dma_wait3A_567 = arith.constant 0 : i32
      %dma_wait3A_568 = arith.constant 0 : i32
      %dma_wait3A_569 = tpu.memref_slice %arg7[%dma_wait3A_567, %dma_wait3A_568] : memref<1x80xi32, #tpu.memory_space<vmem>> -> memref<1x80xi32, #tpu.memory_space<vmem>>
      %dma_wait3A_570 = tpu.memref_squeeze %dma_wait3A_569 : memref<1x80xi32, #tpu.memory_space<vmem>> -> memref<80xi32, #tpu.memory_space<vmem>>
      %dma_wait3A_571 = arith.constant 0 : i32
      %dma_wait3A_572 = arith.constant 0 : i32
      %dma_wait3A_573 = tpu.memref_slice %arg2[%dma_wait3A_571, %dma_wait3A_572] : memref<10000x128xf32, #tpu.memory_space<hbm>> -> memref<10000x128xf32, #tpu.memory_space<hbm>>
      tpu.wait_indirect_dma semaphore(%arg26 : memref<!tpu.dma_semaphore, #tpu.memory_space<semaphore_mem>>) src(%dma_wait3A_573 : memref<10000x128xf32, #tpu.memory_space<hbm>>) dst(%arg19 : memref<80x128xf32, #tpu.memory_space<vmem>>)
      %scan3A_574 = arith.constant 0 : i32
      %scan3A_575 = arith.constant 0 : i32
      %scan3A_576 = arith.constant 20 : i32
      %scan3A_577 = arith.addi %scan3A_575, %scan3A_576 : i32
      %scan3A_578 = arith.constant 1 : i32
      scf.for %scan3A_641 = %scan3A_575 to %scan3A_577 step %scan3A_578  : i32 {
        %mul3A_642 = arith.constant 4 : i32
        %mul3A_643 = arith.muli %scan3A_641, %mul3A_642 : i32
        %add3A_644 = arith.constant 0 : i32
        %add3A_645 = arith.addi %mul3A_643, %add3A_644 : i32
        %broadcast_in_dim3A_646 = vector.broadcast %add3A_645 : i32 to vector<16xi32>
        %gather3A = tpu.vector_load_idx %arg16[%broadcast_in_dim3A_646] : memref<80xf32, #tpu.memory_space<vmem>>[vector<16xi32>], vector<16xf32>,
        %get3A_647 = arith.index_cast %add3A_645 : i32 to index
        %get3A_648 = arith.constant 0 : index
        %get3A_649 = tpu.vector_load %arg19[%get3A_647, %get3A_648] {strides = array<i32>} : memref<80x128xf32, #tpu.memory_space<vmem>>, vector<16xf32>,
        %mul3A_650 = arith.mulf %get3A_649, %gather3A : vector<16xf32>
        %swap3A_651 = arith.index_cast %add3A_645 : i32 to index
        %swap3A_652 = arith.constant 0 : index
        %swap3A_653 = tpu.vector_load %arg19[%swap3A_651, %swap3A_652] {strides = array<i32>} : memref<80x128xf32, #tpu.memory_space<vmem>>, vector<16xf32>,
        tpu.vector_store %arg19[%swap3A_651, %swap3A_652], %mul3A_650 {strides = array<i32>} : memref<80x128xf32, #tpu.memory_space<vmem>>, vector<16xf32>,
        %get3A_654 = arith.index_cast %add3A_645 : i32 to index
        %get3A_655 = arith.constant 16 : index
        %get3A_656 = tpu.vector_load %arg19[%get3A_654, %get3A_655] {strides = array<i32>} : memref<80x128xf32, #tpu.memory_space<vmem>>, vector<16xf32>,
        %mul3A_657 = arith.mulf %get3A_656, %gather3A : vector<16xf32>
        %swap3A_658 = arith.index_cast %add3A_645 : i32 to index
        %swap3A_659 = arith.constant 16 : index
        %swap3A_660 = tpu.vector_load %arg19[%swap3A_658, %swap3A_659] {strides = array<i32>} : memref<80x128xf32, #tpu.memory_space<vmem>>, vector<16xf32>,
        tpu.vector_store %arg19[%swap3A_658, %swap3A_659], %mul3A_657 {strides = array<i32>} : memref<80x128xf32, #tpu.memory_space<vmem>>, vector<16xf32>,
        %get3A_661 = arith.index_cast %add3A_645 : i32 to index
        %get3A_662 = arith.constant 32 : index
        %get3A_663 = tpu.vector_load %arg19[%get3A_661, %get3A_662] {strides = array<i32>} : memref<80x128xf32, #tpu.memory_space<vmem>>, vector<16xf32>,
        %mul3A_664 = arith.mulf %get3A_663, %gather3A : vector<16xf32>
        %swap3A_665 = arith.index_cast %add3A_645 : i32 to index
        %swap3A_666 = arith.constant 32 : index
        %swap3A_667 = tpu.vector_load %arg19[%swap3A_665, %swap3A_666] {strides = array<i32>} : memref<80x128xf32, #tpu.memory_space<vmem>>, vector<16xf32>,
        tpu.vector_store %arg19[%swap3A_665, %swap3A_666], %mul3A_664 {strides = array<i32>} : memref<80x128xf32, #tpu.memory_space<vmem>>, vector<16xf32>,
        %get3A_668 = arith.index_cast %add3A_645 : i32 to index
        %get3A_669 = arith.constant 48 : index
        %get3A_670 = tpu.vector_load %arg19[%get3A_668, %get3A_669] {strides = array<i32>} : memref<80x128xf32, #tpu.memory_space<vmem>>, vector<16xf32>,
        %mul3A_671 = arith.mulf %get3A_670, %gather3A : vector<16xf32>
        %swap3A_672 = arith.index_cast %add3A_645 : i32 to index
        %swap3A_673 = arith.constant 48 : index
        %swap3A_674 = tpu.vector_load %arg19[%swap3A_672, %swap3A_673] {strides = array<i32>} : memref<80x128xf32, #tpu.memory_space<vmem>>, vector<16xf32>,
        tpu.vector_store %arg19[%swap3A_672, %swap3A_673], %mul3A_671 {strides = array<i32>} : memref<80x128xf32, #tpu.memory_space<vmem>>, vector<16xf32>,
        %get3A_675 = arith.index_cast %add3A_645 : i32 to index
        %get3A_676 = arith.constant 64 : index
        %get3A_677 = tpu.vector_load %arg19[%get3A_675, %get3A_676] {strides = array<i32>} : memref<80x128xf32, #tpu.memory_space<vmem>>, vector<16xf32>,
        %mul3A_678 = arith.mulf %get3A_677, %gather3A : vector<16xf32>
        %swap3A_679 = arith.index_cast %add3A_645 : i32 to index
        %swap3A_680 = arith.constant 64 : index
        %swap3A_681 = tpu.vector_load %arg19[%swap3A_679, %swap3A_680] {strides = array<i32>} : memref<80x128xf32, #tpu.memory_space<vmem>>, vector<16xf32>,
        tpu.vector_store %arg19[%swap3A_679, %swap3A_680], %mul3A_678 {strides = array<i32>} : memref<80x128xf32, #tpu.memory_space<vmem>>, vector<16xf32>,
        %get3A_682 = arith.index_cast %add3A_645 : i32 to index
        %get3A_683 = arith.constant 80 : index
        %get3A_684 = tpu.vector_load %arg19[%get3A_682, %get3A_683] {strides = array<i32>} : memref<80x128xf32, #tpu.memory_space<vmem>>, vector<16xf32>,
        %mul3A_685 = arith.mulf %get3A_684, %gather3A : vector<16xf32>
        %swap3A_686 = arith.index_cast %add3A_645 : i32 to index
        %swap3A_687 = arith.constant 80 : index
        %swap3A_688 = tpu.vector_load %arg19[%swap3A_686, %swap3A_687] {strides = array<i32>} : memref<80x128xf32, #tpu.memory_space<vmem>>, vector<16xf32>,
        tpu.vector_store %arg19[%swap3A_686, %swap3A_687], %mul3A_685 {strides = array<i32>} : memref<80x128xf32, #tpu.memory_space<vmem>>, vector<16xf32>,
        %get3A_689 = arith.index_cast %add3A_645 : i32 to index
        %get3A_690 = arith.constant 96 : index
        %get3A_691 = tpu.vector_load %arg19[%get3A_689, %get3A_690] {strides = array<i32>} : memref<80x128xf32, #tpu.memory_space<vmem>>, vector<16xf32>,
        %mul3A_692 = arith.mulf %get3A_691, %gather3A : vector<16xf32>
        %swap3A_693 = arith.index_cast %add3A_645 : i32 to index
        %swap3A_694 = arith.constant 96 : index
        %swap3A_695 = tpu.vector_load %arg19[%swap3A_693, %swap3A_694] {strides = array<i32>} : memref<80x128xf32, #tpu.memory_space<vmem>>, vector<16xf32>,
        tpu.vector_store %arg19[%swap3A_693, %swap3A_694], %mul3A_692 {strides = array<i32>} : memref<80x128xf32, #tpu.memory_space<vmem>>, vector<16xf32>,
        %get3A_696 = arith.index_cast %add3A_645 : i32 to index
        %get3A_697 = arith.constant 112 : index
        %get3A_698 = tpu.vector_load %arg19[%get3A_696, %get3A_697] {strides = array<i32>} : memref<80x128xf32, #tpu.memory_space<vmem>>, vector<16xf32>,
        %mul3A_699 = arith.mulf %get3A_698, %gather3A : vector<16xf32>
        %swap3A_700 = arith.index_cast %add3A_645 : i32 to index
        %swap3A_701 = arith.constant 112 : index
        %swap3A_702 = tpu.vector_load %arg19[%swap3A_700, %swap3A_701] {strides = array<i32>} : memref<80x128xf32, #tpu.memory_space<vmem>>, vector<16xf32>,
        tpu.vector_store %arg19[%swap3A_700, %swap3A_701], %mul3A_699 {strides = array<i32>} : memref<80x128xf32, #tpu.memory_space<vmem>>, vector<16xf32>,
        %add3A_703 = arith.constant 1 : i32
        %add3A_704 = arith.addi %mul3A_643, %add3A_703 : i32
        %broadcast_in_dim3A_705 = vector.broadcast %add3A_704 : i32 to vector<16xi32>
        %gather3A_706 = tpu.vector_load_idx %arg16[%broadcast_in_dim3A_705] : memref<80xf32, #tpu.memory_space<vmem>>[vector<16xi32>], vector<16xf32>,
        %get3A_707 = arith.index_cast %add3A_704 : i32 to index
        %get3A_708 = arith.constant 0 : index
        %get3A_709 = tpu.vector_load %arg19[%get3A_707, %get3A_708] {strides = array<i32>} : memref<80x128xf32, #tpu.memory_space<vmem>>, vector<16xf32>,
        %mul3A_710 = arith.mulf %get3A_709, %gather3A_706 : vector<16xf32>
        %swap3A_711 = arith.index_cast %add3A_704 : i32 to index
        %swap3A_712 = arith.constant 0 : index
        %swap3A_713 = tpu.vector_load %arg19[%swap3A_711, %swap3A_712] {strides = array<i32>} : memref<80x128xf32, #tpu.memory_space<vmem>>, vector<16xf32>,
        tpu.vector_store %arg19[%swap3A_711, %swap3A_712], %mul3A_710 {strides = array<i32>} : memref<80x128xf32, #tpu.memory_space<vmem>>, vector<16xf32>,
        %get3A_714 = arith.index_cast %add3A_704 : i32 to index
        %get3A_715 = arith.constant 16 : index
        %get3A_716 = tpu.vector_load %arg19[%get3A_714, %get3A_715] {strides = array<i32>} : memref<80x128xf32, #tpu.memory_space<vmem>>, vector<16xf32>,
        %mul3A_717 = arith.mulf %get3A_716, %gather3A_706 : vector<16xf32>
        %swap3A_718 = arith.index_cast %add3A_704 : i32 to index
        %swap3A_719 = arith.constant 16 : index
        %swap3A_720 = tpu.vector_load %arg19[%swap3A_718, %swap3A_719] {strides = array<i32>} : memref<80x128xf32, #tpu.memory_space<vmem>>, vector<16xf32>,
        tpu.vector_store %arg19[%swap3A_718, %swap3A_719], %mul3A_717 {strides = array<i32>} : memref<80x128xf32, #tpu.memory_space<vmem>>, vector<16xf32>,
        %get3A_721 = arith.index_cast %add3A_704 : i32 to index
        %get3A_722 = arith.constant 32 : index
        %get3A_723 = tpu.vector_load %arg19[%get3A_721, %get3A_722] {strides = array<i32>} : memref<80x128xf32, #tpu.memory_space<vmem>>, vector<16xf32>,
        %mul3A_724 = arith.mulf %get3A_723, %gather3A_706 : vector<16xf32>
        %swap3A_725 = arith.index_cast %add3A_704 : i32 to index
        %swap3A_726 = arith.constant 32 : index
        %swap3A_727 = tpu.vector_load %arg19[%swap3A_725, %swap3A_726] {strides = array<i32>} : memref<80x128xf32, #tpu.memory_space<vmem>>, vector<16xf32>,
        tpu.vector_store %arg19[%swap3A_725, %swap3A_726], %mul3A_724 {strides = array<i32>} : memref<80x128xf32, #tpu.memory_space<vmem>>, vector<16xf32>,
        %get3A_728 = arith.index_cast %add3A_704 : i32 to index
        %get3A_729 = arith.constant 48 : index
        %get3A_730 = tpu.vector_load %arg19[%get3A_728, %get3A_729] {strides = array<i32>} : memref<80x128xf32, #tpu.memory_space<vmem>>, vector<16xf32>,
        %mul3A_731 = arith.mulf %get3A_730, %gather3A_706 : vector<16xf32>
        %swap3A_732 = arith.index_cast %add3A_704 : i32 to index
        %swap3A_733 = arith.constant 48 : index
        %swap3A_734 = tpu.vector_load %arg19[%swap3A_732, %swap3A_733] {strides = array<i32>} : memref<80x128xf32, #tpu.memory_space<vmem>>, vector<16xf32>,
        tpu.vector_store %arg19[%swap3A_732, %swap3A_733], %mul3A_731 {strides = array<i32>} : memref<80x128xf32, #tpu.memory_space<vmem>>, vector<16xf32>,
        %get3A_735 = arith.index_cast %add3A_704 : i32 to index
        %get3A_736 = arith.constant 64 : index
        %get3A_737 = tpu.vector_load %arg19[%get3A_735, %get3A_736] {strides = array<i32>} : memref<80x128xf32, #tpu.memory_space<vmem>>, vector<16xf32>,
        %mul3A_738 = arith.mulf %get3A_737, %gather3A_706 : vector<16xf32>
        %swap3A_739 = arith.index_cast %add3A_704 : i32 to index
        %swap3A_740 = arith.constant 64 : index
        %swap3A_741 = tpu.vector_load %arg19[%swap3A_739, %swap3A_740] {strides = array<i32>} : memref<80x128xf32, #tpu.memory_space<vmem>>, vector<16xf32>,
        tpu.vector_store %arg19[%swap3A_739, %swap3A_740], %mul3A_738 {strides = array<i32>} : memref<80x128xf32, #tpu.memory_space<vmem>>, vector<16xf32>,
        %get3A_742 = arith.index_cast %add3A_704 : i32 to index
        %get3A_743 = arith.constant 80 : index
        %get3A_744 = tpu.vector_load %arg19[%get3A_742, %get3A_743] {strides = array<i32>} : memref<80x128xf32, #tpu.memory_space<vmem>>, vector<16xf32>,
        %mul3A_745 = arith.mulf %get3A_744, %gather3A_706 : vector<16xf32>
        %swap3A_746 = arith.index_cast %add3A_704 : i32 to index
        %swap3A_747 = arith.constant 80 : index
        %swap3A_748 = tpu.vector_load %arg19[%swap3A_746, %swap3A_747] {strides = array<i32>} : memref<80x128xf32, #tpu.memory_space<vmem>>, vector<16xf32>,
        tpu.vector_store %arg19[%swap3A_746, %swap3A_747], %mul3A_745 {strides = array<i32>} : memref<80x128xf32, #tpu.memory_space<vmem>>, vector<16xf32>,
        %get3A_749 = arith.index_cast %add3A_704 : i32 to index
        %get3A_750 = arith.constant 96 : index
        %get3A_751 = tpu.vector_load %arg19[%get3A_749, %get3A_750] {strides = array<i32>} : memref<80x128xf32, #tpu.memory_space<vmem>>, vector<16xf32>,
        %mul3A_752 = arith.mulf %get3A_751, %gather3A_706 : vector<16xf32>
        %swap3A_753 = arith.index_cast %add3A_704 : i32 to index
        %swap3A_754 = arith.constant 96 : index
        %swap3A_755 = tpu.vector_load %arg19[%swap3A_753, %swap3A_754] {strides = array<i32>} : memref<80x128xf32, #tpu.memory_space<vmem>>, vector<16xf32>,
        tpu.vector_store %arg19[%swap3A_753, %swap3A_754], %mul3A_752 {strides = array<i32>} : memref<80x128xf32, #tpu.memory_space<vmem>>, vector<16xf32>,
        %get3A_756 = arith.index_cast %add3A_704 : i32 to index
        %get3A_757 = arith.constant 112 : index
        %get3A_758 = tpu.vector_load %arg19[%get3A_756, %get3A_757] {strides = array<i32>} : memref<80x128xf32, #tpu.memory_space<vmem>>, vector<16xf32>,
        %mul3A_759 = arith.mulf %get3A_758, %gather3A_706 : vector<16xf32>
        %swap3A_760 = arith.index_cast %add3A_704 : i32 to index
        %swap3A_761 = arith.constant 112 : index
        %swap3A_762 = tpu.vector_load %arg19[%swap3A_760, %swap3A_761] {strides = array<i32>} : memref<80x128xf32, #tpu.memory_space<vmem>>, vector<16xf32>,
        tpu.vector_store %arg19[%swap3A_760, %swap3A_761], %mul3A_759 {strides = array<i32>} : memref<80x128xf32, #tpu.memory_space<vmem>>, vector<16xf32>,
        %add3A_763 = arith.constant 2 : i32
        %add3A_764 = arith.addi %mul3A_643, %add3A_763 : i32
        %broadcast_in_dim3A_765 = vector.broadcast %add3A_764 : i32 to vector<16xi32>
        %gather3A_766 = tpu.vector_load_idx %arg16[%broadcast_in_dim3A_765] : memref<80xf32, #tpu.memory_space<vmem>>[vector<16xi32>], vector<16xf32>,
        %get3A_767 = arith.index_cast %add3A_764 : i32 to index
        %get3A_768 = arith.constant 0 : index
        %get3A_769 = tpu.vector_load %arg19[%get3A_767, %get3A_768] {strides = array<i32>} : memref<80x128xf32, #tpu.memory_space<vmem>>, vector<16xf32>,
        %mul3A_770 = arith.mulf %get3A_769, %gather3A_766 : vector<16xf32>
        %swap3A_771 = arith.index_cast %add3A_764 : i32 to index
        %swap3A_772 = arith.constant 0 : index
        %swap3A_773 = tpu.vector_load %arg19[%swap3A_771, %swap3A_772] {strides = array<i32>} : memref<80x128xf32, #tpu.memory_space<vmem>>, vector<16xf32>,
        tpu.vector_store %arg19[%swap3A_771, %swap3A_772], %mul3A_770 {strides = array<i32>} : memref<80x128xf32, #tpu.memory_space<vmem>>, vector<16xf32>,
        %get3A_774 = arith.index_cast %add3A_764 : i32 to index
        %get3A_775 = arith.constant 16 : index
        %get3A_776 = tpu.vector_load %arg19[%get3A_774, %get3A_775] {strides = array<i32>} : memref<80x128xf32, #tpu.memory_space<vmem>>, vector<16xf32>,
        %mul3A_777 = arith.mulf %get3A_776, %gather3A_766 : vector<16xf32>
        %swap3A_778 = arith.index_cast %add3A_764 : i32 to index
        %swap3A_779 = arith.constant 16 : index
        %swap3A_780 = tpu.vector_load %arg19[%swap3A_778, %swap3A_779] {strides = array<i32>} : memref<80x128xf32, #tpu.memory_space<vmem>>, vector<16xf32>,
        tpu.vector_store %arg19[%swap3A_778, %swap3A_779], %mul3A_777 {strides = array<i32>} : memref<80x128xf32, #tpu.memory_space<vmem>>, vector<16xf32>,
        %get3A_781 = arith.index_cast %add3A_764 : i32 to index
        %get3A_782 = arith.constant 32 : index
        %get3A_783 = tpu.vector_load %arg19[%get3A_781, %get3A_782] {strides = array<i32>} : memref<80x128xf32, #tpu.memory_space<vmem>>, vector<16xf32>,
        %mul3A_784 = arith.mulf %get3A_783, %gather3A_766 : vector<16xf32>
        %swap3A_785 = arith.index_cast %add3A_764 : i32 to index
        %swap3A_786 = arith.constant 32 : index
        %swap3A_787 = tpu.vector_load %arg19[%swap3A_785, %swap3A_786] {strides = array<i32>} : memref<80x128xf32, #tpu.memory_space<vmem>>, vector<16xf32>,
        tpu.vector_store %arg19[%swap3A_785, %swap3A_786], %mul3A_784 {strides = array<i32>} : memref<80x128xf32, #tpu.memory_space<vmem>>, vector<16xf32>,
        %get3A_788 = arith.index_cast %add3A_764 : i32 to index
        %get3A_789 = arith.constant 48 : index
        %get3A_790 = tpu.vector_load %arg19[%get3A_788, %get3A_789] {strides = array<i32>} : memref<80x128xf32, #tpu.memory_space<vmem>>, vector<16xf32>,
        %mul3A_791 = arith.mulf %get3A_790, %gather3A_766 : vector<16xf32>
        %swap3A_792 = arith.index_cast %add3A_764 : i32 to index
        %swap3A_793 = arith.constant 48 : index
        %swap3A_794 = tpu.vector_load %arg19[%swap3A_792, %swap3A_793] {strides = array<i32>} : memref<80x128xf32, #tpu.memory_space<vmem>>, vector<16xf32>,
        tpu.vector_store %arg19[%swap3A_792, %swap3A_793], %mul3A_791 {strides = array<i32>} : memref<80x128xf32, #tpu.memory_space<vmem>>, vector<16xf32>,
        %get3A_795 = arith.index_cast %add3A_764 : i32 to index
        %get3A_796 = arith.constant 64 : index
        %get3A_797 = tpu.vector_load %arg19[%get3A_795, %get3A_796] {strides = array<i32>} : memref<80x128xf32, #tpu.memory_space<vmem>>, vector<16xf32>,
        %mul3A_798 = arith.mulf %get3A_797, %gather3A_766 : vector<16xf32>
        %swap3A_799 = arith.index_cast %add3A_764 : i32 to index
        %swap3A_800 = arith.constant 64 : index
        %swap3A_801 = tpu.vector_load %arg19[%swap3A_799, %swap3A_800] {strides = array<i32>} : memref<80x128xf32, #tpu.memory_space<vmem>>, vector<16xf32>,
        tpu.vector_store %arg19[%swap3A_799, %swap3A_800], %mul3A_798 {strides = array<i32>} : memref<80x128xf32, #tpu.memory_space<vmem>>, vector<16xf32>,
        %get3A_802 = arith.index_cast %add3A_764 : i32 to index
        %get3A_803 = arith.constant 80 : index
        %get3A_804 = tpu.vector_load %arg19[%get3A_802, %get3A_803] {strides = array<i32>} : memref<80x128xf32, #tpu.memory_space<vmem>>, vector<16xf32>,
        %mul3A_805 = arith.mulf %get3A_804, %gather3A_766 : vector<16xf32>
        %swap3A_806 = arith.index_cast %add3A_764 : i32 to index
        %swap3A_807 = arith.constant 80 : index
        %swap3A_808 = tpu.vector_load %arg19[%swap3A_806, %swap3A_807] {strides = array<i32>} : memref<80x128xf32, #tpu.memory_space<vmem>>, vector<16xf32>,
        tpu.vector_store %arg19[%swap3A_806, %swap3A_807], %mul3A_805 {strides = array<i32>} : memref<80x128xf32, #tpu.memory_space<vmem>>, vector<16xf32>,
        %get3A_809 = arith.index_cast %add3A_764 : i32 to index
        %get3A_810 = arith.constant 96 : index
        %get3A_811 = tpu.vector_load %arg19[%get3A_809, %get3A_810] {strides = array<i32>} : memref<80x128xf32, #tpu.memory_space<vmem>>, vector<16xf32>,
        %mul3A_812 = arith.mulf %get3A_811, %gather3A_766 : vector<16xf32>
        %swap3A_813 = arith.index_cast %add3A_764 : i32 to index
        %swap3A_814 = arith.constant 96 : index
        %swap3A_815 = tpu.vector_load %arg19[%swap3A_813, %swap3A_814] {strides = array<i32>} : memref<80x128xf32, #tpu.memory_space<vmem>>, vector<16xf32>,
        tpu.vector_store %arg19[%swap3A_813, %swap3A_814], %mul3A_812 {strides = array<i32>} : memref<80x128xf32, #tpu.memory_space<vmem>>, vector<16xf32>,
        %get3A_816 = arith.index_cast %add3A_764 : i32 to index
        %get3A_817 = arith.constant 112 : index
        %get3A_818 = tpu.vector_load %arg19[%get3A_816, %get3A_817] {strides = array<i32>} : memref<80x128xf32, #tpu.memory_space<vmem>>, vector<16xf32>,
        %mul3A_819 = arith.mulf %get3A_818, %gather3A_766 : vector<16xf32>
        %swap3A_820 = arith.index_cast %add3A_764 : i32 to index
        %swap3A_821 = arith.constant 112 : index
        %swap3A_822 = tpu.vector_load %arg19[%swap3A_820, %swap3A_821] {strides = array<i32>} : memref<80x128xf32, #tpu.memory_space<vmem>>, vector<16xf32>,
        tpu.vector_store %arg19[%swap3A_820, %swap3A_821], %mul3A_819 {strides = array<i32>} : memref<80x128xf32, #tpu.memory_space<vmem>>, vector<16xf32>,
        %add3A_823 = arith.constant 3 : i32
        %add3A_824 = arith.addi %mul3A_643, %add3A_823 : i32
        %broadcast_in_dim3A_825 = vector.broadcast %add3A_824 : i32 to vector<16xi32>
        %gather3A_826 = tpu.vector_load_idx %arg16[%broadcast_in_dim3A_825] : memref<80xf32, #tpu.memory_space<vmem>>[vector<16xi32>], vector<16xf32>,
        %get3A_827 = arith.index_cast %add3A_824 : i32 to index
        %get3A_828 = arith.constant 0 : index
        %get3A_829 = tpu.vector_load %arg19[%get3A_827, %get3A_828] {strides = array<i32>} : memref<80x128xf32, #tpu.memory_space<vmem>>, vector<16xf32>,
        %mul3A_830 = arith.mulf %get3A_829, %gather3A_826 : vector<16xf32>
        %swap3A_831 = arith.index_cast %add3A_824 : i32 to index
        %swap3A_832 = arith.constant 0 : index
        %swap3A_833 = tpu.vector_load %arg19[%swap3A_831, %swap3A_832] {strides = array<i32>} : memref<80x128xf32, #tpu.memory_space<vmem>>, vector<16xf32>,
        tpu.vector_store %arg19[%swap3A_831, %swap3A_832], %mul3A_830 {strides = array<i32>} : memref<80x128xf32, #tpu.memory_space<vmem>>, vector<16xf32>,
        %get3A_834 = arith.index_cast %add3A_824 : i32 to index
        %get3A_835 = arith.constant 16 : index
        %get3A_836 = tpu.vector_load %arg19[%get3A_834, %get3A_835] {strides = array<i32>} : memref<80x128xf32, #tpu.memory_space<vmem>>, vector<16xf32>,
        %mul3A_837 = arith.mulf %get3A_836, %gather3A_826 : vector<16xf32>
        %swap3A_838 = arith.index_cast %add3A_824 : i32 to index
        %swap3A_839 = arith.constant 16 : index
        %swap3A_840 = tpu.vector_load %arg19[%swap3A_838, %swap3A_839] {strides = array<i32>} : memref<80x128xf32, #tpu.memory_space<vmem>>, vector<16xf32>,
        tpu.vector_store %arg19[%swap3A_838, %swap3A_839], %mul3A_837 {strides = array<i32>} : memref<80x128xf32, #tpu.memory_space<vmem>>, vector<16xf32>,
        %get3A_841 = arith.index_cast %add3A_824 : i32 to index
        %get3A_842 = arith.constant 32 : index
        %get3A_843 = tpu.vector_load %arg19[%get3A_841, %get3A_842] {strides = array<i32>} : memref<80x128xf32, #tpu.memory_space<vmem>>, vector<16xf32>,
        %mul3A_844 = arith.mulf %get3A_843, %gather3A_826 : vector<16xf32>
        %swap3A_845 = arith.index_cast %add3A_824 : i32 to index
        %swap3A_846 = arith.constant 32 : index
        %swap3A_847 = tpu.vector_load %arg19[%swap3A_845, %swap3A_846] {strides = array<i32>} : memref<80x128xf32, #tpu.memory_space<vmem>>, vector<16xf32>,
        tpu.vector_store %arg19[%swap3A_845, %swap3A_846], %mul3A_844 {strides = array<i32>} : memref<80x128xf32, #tpu.memory_space<vmem>>, vector<16xf32>,
        %get3A_848 = arith.index_cast %add3A_824 : i32 to index
        %get3A_849 = arith.constant 48 : index
        %get3A_850 = tpu.vector_load %arg19[%get3A_848, %get3A_849] {strides = array<i32>} : memref<80x128xf32, #tpu.memory_space<vmem>>, vector<16xf32>,
        %mul3A_851 = arith.mulf %get3A_850, %gather3A_826 : vector<16xf32>
        %swap3A_852 = arith.index_cast %add3A_824 : i32 to index
        %swap3A_853 = arith.constant 48 : index
        %swap3A_854 = tpu.vector_load %arg19[%swap3A_852, %swap3A_853] {strides = array<i32>} : memref<80x128xf32, #tpu.memory_space<vmem>>, vector<16xf32>,
        tpu.vector_store %arg19[%swap3A_852, %swap3A_853], %mul3A_851 {strides = array<i32>} : memref<80x128xf32, #tpu.memory_space<vmem>>, vector<16xf32>,
        %get3A_855 = arith.index_cast %add3A_824 : i32 to index
        %get3A_856 = arith.constant 64 : index
        %get3A_857 = tpu.vector_load %arg19[%get3A_855, %get3A_856] {strides = array<i32>} : memref<80x128xf32, #tpu.memory_space<vmem>>, vector<16xf32>,
        %mul3A_858 = arith.mulf %get3A_857, %gather3A_826 : vector<16xf32>
        %swap3A_859 = arith.index_cast %add3A_824 : i32 to index
        %swap3A_860 = arith.constant 64 : index
        %swap3A_861 = tpu.vector_load %arg19[%swap3A_859, %swap3A_860] {strides = array<i32>} : memref<80x128xf32, #tpu.memory_space<vmem>>, vector<16xf32>,
        tpu.vector_store %arg19[%swap3A_859, %swap3A_860], %mul3A_858 {strides = array<i32>} : memref<80x128xf32, #tpu.memory_space<vmem>>, vector<16xf32>,
        %get3A_862 = arith.index_cast %add3A_824 : i32 to index
        %get3A_863 = arith.constant 80 : index
        %get3A_864 = tpu.vector_load %arg19[%get3A_862, %get3A_863] {strides = array<i32>} : memref<80x128xf32, #tpu.memory_space<vmem>>, vector<16xf32>,
        %mul3A_865 = arith.mulf %get3A_864, %gather3A_826 : vector<16xf32>
        %swap3A_866 = arith.index_cast %add3A_824 : i32 to index
        %swap3A_867 = arith.constant 80 : index
        %swap3A_868 = tpu.vector_load %arg19[%swap3A_866, %swap3A_867] {strides = array<i32>} : memref<80x128xf32, #tpu.memory_space<vmem>>, vector<16xf32>,
        tpu.vector_store %arg19[%swap3A_866, %swap3A_867], %mul3A_865 {strides = array<i32>} : memref<80x128xf32, #tpu.memory_space<vmem>>, vector<16xf32>,
        %get3A_869 = arith.index_cast %add3A_824 : i32 to index
        %get3A_870 = arith.constant 96 : index
        %get3A_871 = tpu.vector_load %arg19[%get3A_869, %get3A_870] {strides = array<i32>} : memref<80x128xf32, #tpu.memory_space<vmem>>, vector<16xf32>,
        %mul3A_872 = arith.mulf %get3A_871, %gather3A_826 : vector<16xf32>
        %swap3A_873 = arith.index_cast %add3A_824 : i32 to index
        %swap3A_874 = arith.constant 96 : index
        %swap3A_875 = tpu.vector_load %arg19[%swap3A_873, %swap3A_874] {strides = array<i32>} : memref<80x128xf32, #tpu.memory_space<vmem>>, vector<16xf32>,
        tpu.vector_store %arg19[%swap3A_873, %swap3A_874], %mul3A_872 {strides = array<i32>} : memref<80x128xf32, #tpu.memory_space<vmem>>, vector<16xf32>,
        %get3A_876 = arith.index_cast %add3A_824 : i32 to index
        %get3A_877 = arith.constant 112 : index
        %get3A_878 = tpu.vector_load %arg19[%get3A_876, %get3A_877] {strides = array<i32>} : memref<80x128xf32, #tpu.memory_space<vmem>>, vector<16xf32>,
        %mul3A_879 = arith.mulf %get3A_878, %gather3A_826 : vector<16xf32>
        %swap3A_880 = arith.index_cast %add3A_824 : i32 to index
        %swap3A_881 = arith.constant 112 : index
        %swap3A_882 = tpu.vector_load %arg19[%swap3A_880, %swap3A_881] {strides = array<i32>} : memref<80x128xf32, #tpu.memory_space<vmem>>, vector<16xf32>,
        tpu.vector_store %arg19[%swap3A_880, %swap3A_881], %mul3A_879 {strides = array<i32>} : memref<80x128xf32, #tpu.memory_space<vmem>>, vector<16xf32>,
      }
      %scan3A_579 = arith.constant 20 : i32
      %dma_wait3A_580 = arith.constant 0 : i32
      %dma_wait3A_581 = arith.constant 0 : i32
      %dma_wait3A_582 = tpu.memref_slice %arg12[%dma_wait3A_580, %dma_wait3A_581] : memref<1x80xi32, #tpu.memory_space<vmem>> -> memref<1x80xi32, #tpu.memory_space<vmem>>
      %dma_wait3A_583 = tpu.memref_squeeze %dma_wait3A_582 : memref<1x80xi32, #tpu.memory_space<vmem>> -> memref<80xi32, #tpu.memory_space<vmem>>
      %dma_wait3A_584 = arith.constant 0 : i32
      %dma_wait3A_585 = arith.constant 0 : i32
      %dma_wait3A_586 = tpu.memref_slice %arg21[%dma_wait3A_584, %dma_wait3A_585] : memref<10240x128xf32, #tpu.memory_space<vmem_shared>> -> memref<10240x128xf32, #tpu.memory_space<vmem_shared>>
      tpu.wait_indirect_dma semaphore(%arg28 : memref<!tpu.dma_semaphore, #tpu.memory_space<semaphore_mem>>) src(%arg18 : memref<80x128xf32, #tpu.memory_space<vmem>>) dst(%dma_wait3A_586 : memref<10240x128xf32, #tpu.memory_space<vmem_shared>>)
      %get3A_587 = arith.constant 0 : i32
      %get3A_588 = arith.index_cast %get3A_587 : i32 to index
      %get3A_589 = arith.constant 0 : index
      %get3A_590 = tpu.vector_load %arg10[%get3A_588, %get3A_589] {strides = array<i32>} : memref<1x80xi32, #tpu.memory_space<vmem>>, vector<16xi32>,
      %swap3A_591 = arith.constant 0 : i32
      %swap3A_592 = arith.index_cast %swap3A_591 : i32 to index
      %swap3A_593 = arith.constant 0 : index
      %swap3A_594 = tpu.vector_load %arg13[%swap3A_592, %swap3A_593] {strides = array<i32>} : memref<1x80xi32, #tpu.memory_space<vmem>>, vector<16xi32>,
      tpu.vector_store %arg13[%swap3A_592, %swap3A_593], %get3A_590 {strides = array<i32>} : memref<1x80xi32, #tpu.memory_space<vmem>>, vector<16xi32>,
      %get3A_595 = arith.constant 0 : i32
      %get3A_596 = arith.index_cast %get3A_595 : i32 to index
      %get3A_597 = arith.constant 16 : index
      %get3A_598 = tpu.vector_load %arg10[%get3A_596, %get3A_597] {strides = array<i32>} : memref<1x80xi32, #tpu.memory_space<vmem>>, vector<16xi32>,
      %swap3A_599 = arith.constant 0 : i32
      %swap3A_600 = arith.index_cast %swap3A_599 : i32 to index
      %swap3A_601 = arith.constant 16 : index
      %swap3A_602 = tpu.vector_load %arg13[%swap3A_600, %swap3A_601] {strides = array<i32>} : memref<1x80xi32, #tpu.memory_space<vmem>>, vector<16xi32>,
      tpu.vector_store %arg13[%swap3A_600, %swap3A_601], %get3A_598 {strides = array<i32>} : memref<1x80xi32, #tpu.memory_space<vmem>>, vector<16xi32>,
      %get3A_603 = arith.constant 0 : i32
      %get3A_604 = arith.index_cast %get3A_603 : i32 to index
      %get3A_605 = arith.constant 32 : index
      %get3A_606 = tpu.vector_load %arg10[%get3A_604, %get3A_605] {strides = array<i32>} : memref<1x80xi32, #tpu.memory_space<vmem>>, vector<16xi32>,
      %swap3A_607 = arith.constant 0 : i32
      %swap3A_608 = arith.index_cast %swap3A_607 : i32 to index
      %swap3A_609 = arith.constant 32 : index
      %swap3A_610 = tpu.vector_load %arg13[%swap3A_608, %swap3A_609] {strides = array<i32>} : memref<1x80xi32, #tpu.memory_space<vmem>>, vector<16xi32>,
      tpu.vector_store %arg13[%swap3A_608, %swap3A_609], %get3A_606 {strides = array<i32>} : memref<1x80xi32, #tpu.memory_space<vmem>>, vector<16xi32>,
      %get3A_611 = arith.constant 0 : i32
      %get3A_612 = arith.index_cast %get3A_611 : i32 to index
      %get3A_613 = arith.constant 48 : index
      %get3A_614 = tpu.vector_load %arg10[%get3A_612, %get3A_613] {strides = array<i32>} : memref<1x80xi32, #tpu.memory_space<vmem>>, vector<16xi32>,
      %swap3A_615 = arith.constant 0 : i32
      %swap3A_616 = arith.index_cast %swap3A_615 : i32 to index
      %swap3A_617 = arith.constant 48 : index
      %swap3A_618 = tpu.vector_load %arg13[%swap3A_616, %swap3A_617] {strides = array<i32>} : memref<1x80xi32, #tpu.memory_space<vmem>>, vector<16xi32>,
      tpu.vector_store %arg13[%swap3A_616, %swap3A_617], %get3A_614 {strides = array<i32>} : memref<1x80xi32, #tpu.memory_space<vmem>>, vector<16xi32>,
      %get3A_619 = arith.constant 0 : i32
      %get3A_620 = arith.index_cast %get3A_619 : i32 to index
      %get3A_621 = arith.constant 64 : index
      %get3A_622 = tpu.vector_load %arg10[%get3A_620, %get3A_621] {strides = array<i32>} : memref<1x80xi32, #tpu.memory_space<vmem>>, vector<16xi32>,
      %swap3A_623 = arith.constant 0 : i32
      %swap3A_624 = arith.index_cast %swap3A_623 : i32 to index
      %swap3A_625 = arith.constant 64 : index
      %swap3A_626 = tpu.vector_load %arg13[%swap3A_624, %swap3A_625] {strides = array<i32>} : memref<1x80xi32, #tpu.memory_space<vmem>>, vector<16xi32>,
      tpu.vector_store %arg13[%swap3A_624, %swap3A_625], %get3A_622 {strides = array<i32>} : memref<1x80xi32, #tpu.memory_space<vmem>>, vector<16xi32>,
      %dma_start3A_627 = arith.constant 0 : i32
      %dma_start3A_628 = arith.constant 0 : i32
      %dma_start3A_629 = tpu.memref_slice %arg13[%dma_start3A_627, %dma_start3A_628] : memref<1x80xi32, #tpu.memory_space<vmem>> -> memref<1x80xi32, #tpu.memory_space<vmem>>
      %dma_start3A_630 = tpu.memref_squeeze %dma_start3A_629 : memref<1x80xi32, #tpu.memory_space<vmem>> -> memref<80xi32, #tpu.memory_space<vmem>>
      %dma_start3A_631 = arith.constant 0 : i32
      %dma_start3A_632 = arith.constant 0 : i32
      %dma_start3A_633 = tpu.memref_slice %arg21[%dma_start3A_631, %dma_start3A_632] : memref<10240x128xf32, #tpu.memory_space<vmem_shared>> -> memref<10240x128xf32, #tpu.memory_space<vmem_shared>>
      tpu.enqueue_indirect_dma source(%arg19 : memref<80x128xf32, #tpu.memory_space<vmem>>) target(%dma_start3A_633 : memref<10240x128xf32, #tpu.memory_space<vmem_shared>>) offsets(%dma_start3A_630 : memref<80xi32, #tpu.memory_space<vmem>>) semaphore(%arg29 : memref<!tpu.dma_semaphore, #tpu.memory_space<semaphore_mem>>) {add = true}
      %add3A_634 = arith.constant 2 : i32
      %add3A_635 = arith.addi %add3A_559, %add3A_634 : i32
      %le3A_636 = arith.constant 124 : i32
      %le3A_637 = arith.cmpi sle, %add3A_635, %le3A_636 : i32
      %convert_element_type3A_638 = arith.extui %le3A_637 : i1 to i32
      %cond3A_639 = arith.constant 0 : i32
      %cond3A_640 = arith.cmpi ne, %convert_element_type3A_638, %cond3A_639 : i32
      scf.if %cond3A_640 {
        %add3A_641 = arith.constant 2 : i32
        %add3A_642 = arith.addi %add3A_559, %add3A_641 : i32
        %dma_start3A_643 = arith.constant 0 : i32
        %dma_start3A_644 = arith.constant 0 : i32
        %dma_start3A_645 = arith.constant 0 : i32
        %dma_start3A_646 = tpu.memref_slice %arg3[%dma_start3A_643, %add3A, %add3A_642, %dma_start3A_644, %dma_start3A_645] : memref<2x32x125x1x80xi32, #tpu.memory_space<hbm>> -> memref<1x1x1x1x80xi32, #tpu.memory_space<hbm>>
        %dma_start3A_647 = tpu.memref_squeeze %dma_start3A_646 : memref<1x1x1x1x80xi32, #tpu.memory_space<hbm>> -> memref<1x80xi32, #tpu.memory_space<hbm>>
        %dma_start3A_648 = arith.constant 0 : i32
        %dma_start3A_649 = arith.constant 0 : i32
        %dma_start3A_650 = tpu.memref_slice %arg3[%dma_start3A_643, %add3A, %add3A_642, %dma_start3A_648, %dma_start3A_649] : memref<2x32x125x1x80xi32, #tpu.memory_space<hbm>> -> memref<1x1x1x1x80xi32, #tpu.memory_space<hbm>>
        %dma_start3A_651 = tpu.memref_squeeze %dma_start3A_650 : memref<1x1x1x1x80xi32, #tpu.memory_space<hbm>> -> memref<1x80xi32, #tpu.memory_space<hbm>>
        tpu.enqueue_dma source(%dma_start3A_651 : memref<1x80xi32, #tpu.memory_space<hbm>>) target(%arg6 : memref<1x80xi32, #tpu.memory_space<vmem>>) target_semaphore(%arg22 : memref<!tpu.dma_semaphore, #tpu.memory_space<semaphore_mem>>)
        %dma_start3A_652 = arith.constant 1 : i32
        %dma_start3A_653 = arith.constant 0 : i32
        %dma_start3A_654 = arith.constant 0 : i32
        %dma_start3A_655 = tpu.memref_slice %arg3[%dma_start3A_652, %add3A, %add3A_642, %dma_start3A_653, %dma_start3A_654] : memref<2x32x125x1x80xi32, #tpu.memory_space<hbm>> -> memref<1x1x1x1x80xi32, #tpu.memory_space<hbm>>
        %dma_start3A_656 = tpu.memref_squeeze %dma_start3A_655 : memref<1x1x1x1x80xi32, #tpu.memory_space<hbm>> -> memref<1x80xi32, #tpu.memory_space<hbm>>
        %dma_start3A_657 = arith.constant 0 : i32
        %dma_start3A_658 = arith.constant 0 : i32
        %dma_start3A_659 = tpu.memref_slice %arg3[%dma_start3A_652, %add3A, %add3A_642, %dma_start3A_657, %dma_start3A_658] : memref<2x32x125x1x80xi32, #tpu.memory_space<hbm>> -> memref<1x1x1x1x80xi32, #tpu.memory_space<hbm>>
        %dma_start3A_660 = tpu.memref_squeeze %dma_start3A_659 : memref<1x1x1x1x80xi32, #tpu.memory_space<hbm>> -> memref<1x80xi32, #tpu.memory_space<hbm>>
        tpu.enqueue_dma source(%dma_start3A_660 : memref<1x80xi32, #tpu.memory_space<hbm>>) target(%arg9 : memref<1x80xi32, #tpu.memory_space<vmem>>) target_semaphore(%arg22 : memref<!tpu.dma_semaphore, #tpu.memory_space<semaphore_mem>>)
        %dma_start3A_661 = arith.constant 0 : i32
        %dma_start3A_662 = tpu.memref_slice %arg4[%add3A, %add3A_642, %dma_start3A_661] : memref<32x125x80xf32, #tpu.memory_space<hbm>> -> memref<1x1x80xf32, #tpu.memory_space<hbm>>
        %dma_start3A_663 = tpu.memref_squeeze %dma_start3A_662 : memref<1x1x80xf32, #tpu.memory_space<hbm>> -> memref<80xf32, #tpu.memory_space<hbm>>
        %dma_start3A_664 = arith.constant 0 : i32
        %dma_start3A_665 = tpu.memref_slice %arg4[%add3A, %add3A_642, %dma_start3A_664] : memref<32x125x80xf32, #tpu.memory_space<hbm>> -> memref<1x1x80xf32, #tpu.memory_space<hbm>>
        %dma_start3A_666 = tpu.memref_squeeze %dma_start3A_665 : memref<1x1x80xf32, #tpu.memory_space<hbm>> -> memref<80xf32, #tpu.memory_space<hbm>>
        tpu.enqueue_dma source(%dma_start3A_666 : memref<80xf32, #tpu.memory_space<hbm>>) target(%arg15 : memref<80xf32, #tpu.memory_space<vmem>>) target_semaphore(%arg22 : memref<!tpu.dma_semaphore, #tpu.memory_space<semaphore_mem>>)
      } else {
      }
    }
    %scan3A_377 = arith.constant 41 : i32
    %dma_wait3A_378 = arith.constant 0 : i32
    %dma_wait3A_379 = arith.constant 0 : i32
    %dma_wait3A_380 = tpu.memref_slice %arg13[%dma_wait3A_378, %dma_wait3A_379] : memref<1x80xi32, #tpu.memory_space<vmem>> -> memref<1x80xi32, #tpu.memory_space<vmem>>
    %dma_wait3A_381 = tpu.memref_squeeze %dma_wait3A_380 : memref<1x80xi32, #tpu.memory_space<vmem>> -> memref<80xi32, #tpu.memory_space<vmem>>
    %dma_wait3A_382 = arith.constant 0 : i32
    %dma_wait3A_383 = arith.constant 0 : i32
    %dma_wait3A_384 = tpu.memref_slice %arg21[%dma_wait3A_382, %dma_wait3A_383] : memref<10240x128xf32, #tpu.memory_space<vmem_shared>> -> memref<10240x128xf32, #tpu.memory_space<vmem_shared>>
    tpu.wait_indirect_dma semaphore(%arg29 : memref<!tpu.dma_semaphore, #tpu.memory_space<semaphore_mem>>) src(%arg19 : memref<80x128xf32, #tpu.memory_space<vmem>>) dst(%dma_wait3A_384 : memref<10240x128xf32, #tpu.memory_space<vmem_shared>>)
    %barrier3A_385 = arith.constant 0 : index
    tpu.barrier barrier_id(%barrier3A_385)
    %mul3A_386 = arith.constant 640 : i32
    %mul3A_387 = arith.muli %arg1, %mul3A_386 : i32
    %mul3A_388 = arith.constant 640 : i32
    %mul3A_389 = arith.muli %arg1, %mul3A_388 : i32
    "tpu.region"() ({
      %run_scoped3A = tpu.sem_alloc : memref<!tpu.dma_semaphore, #tpu.memory_space<semaphore_mem>>
      %dma_start3A_390 = arith.constant 0 : i32
      %dma_start3A_391 = tpu.memref_slice %arg5[%arg0, %mul3A_389, %dma_start3A_390] : memref<2x10240x128xf32, #tpu.memory_space<hbm>> -> memref<1x640x128xf32, #tpu.memory_space<hbm>>
      %dma_start3A_392 = tpu.memref_squeeze %dma_start3A_391 : memref<1x640x128xf32, #tpu.memory_space<hbm>> -> memref<640x128xf32, #tpu.memory_space<hbm>>
      %dma_start3A_393 = arith.constant 0 : i32
      %dma_start3A_394 = tpu.memref_slice %arg21[%mul3A_387, %dma_start3A_393] : memref<10240x128xf32, #tpu.memory_space<vmem_shared>> -> memref<640x128xf32, #tpu.memory_space<vmem_shared>>
      tpu.enqueue_dma source(%dma_start3A_394 : memref<640x128xf32, #tpu.memory_space<vmem_shared>>) target(%dma_start3A_392 : memref<640x128xf32, #tpu.memory_space<hbm>>) target_semaphore(%run_scoped3A : memref<!tpu.dma_semaphore, #tpu.memory_space<semaphore_mem>>)
      %dma_wait3A_395 = arith.constant 0 : i32
      %dma_wait3A_396 = tpu.memref_slice %arg5[%arg0, %mul3A_389, %dma_wait3A_395] : memref<2x10240x128xf32, #tpu.memory_space<hbm>> -> memref<1x640x128xf32, #tpu.memory_space<hbm>>
      %dma_wait3A_397 = tpu.memref_squeeze %dma_wait3A_396 : memref<1x640x128xf32, #tpu.memory_space<hbm>> -> memref<640x128xf32, #tpu.memory_space<hbm>>
      %dma_wait3A_398 = arith.constant 0 : i32
      %dma_wait3A_399 = tpu.memref_slice %arg21[%mul3A_387, %dma_wait3A_398] : memref<10240x128xf32, #tpu.memory_space<vmem_shared>> -> memref<640x128xf32, #tpu.memory_space<vmem_shared>>
      tpu.wait_dma2 semaphore(%run_scoped3A : memref<!tpu.dma_semaphore, #tpu.memory_space<semaphore_mem>>) src(%dma_wait3A_399 : memref<640x128xf32, #tpu.memory_space<vmem_shared>>) dst(%dma_wait3A_397 : memref<640x128xf32, #tpu.memory_space<hbm>>)
      tpu.yield
    }) : () -> ()
    return
  }
}

module attributes {stable_mosaic.version = 14 : i64} {
  func.func @_tc_transform(%arg0: memref<10000x128xf32, #tpu.memory_space<vmem>>, %arg1: memref<128x128xf32, #tpu.memory_space<vmem>>, %arg2: memref<1x128xf32, #tpu.memory_space<vmem>>, %arg3: memref<1x128xf32, #tpu.memory_space<vmem>>, %arg4: memref<10000x128xf32, #tpu.memory_space<vmem>>, %arg5: memref<10000x1xf32, #tpu.memory_space<vmem>>, %arg6: memref<10000x1xf32, #tpu.memory_space<vmem>>) attributes {dimension_semantics = [], scalar_prefetch = 0 : i64, scratch_operands = 0 : i64, tpu.core_type = #tpu.core_type<tc>} {
    %get3A = arith.constant 0 : index
    %get3A_0 = arith.constant 0 : index
    %get3A_1 = vector.load %arg0[%get3A, %get3A_0] : memref<10000x128xf32, #tpu.memory_space<vmem>>, vector<10000x128xf32>
    %get3A_2 = arith.constant 0 : index
    %get3A_3 = arith.constant 0 : index
    %get3A_4 = vector.load %arg1[%get3A_2, %get3A_3] : memref<128x128xf32, #tpu.memory_space<vmem>>, vector<128x128xf32>
    %dot_general3A = arith.constant dense<0.000000e+00> : vector<10000x128xf32>
    %dot_general3A_5 = tpu.matmul %get3A_1, %get3A_4, %dot_general3A {dimension_numbers = #tpu.dot_dimension_numbers<[1], [0], [0], [1], [0, 0, 1, 1], [], []>, transpose_lhs_hint = false} : vector<10000x128xf32>, vector<128x128xf32>, vector<10000x128xf32> -> vector<10000x128xf32>
    %swap3A = arith.constant 0 : index
    %swap3A_6 = arith.constant 0 : index
    %swap3A_7 = vector.load %arg4[%swap3A, %swap3A_6] : memref<10000x128xf32, #tpu.memory_space<vmem>>, vector<10000x128xf32>
    tpu.vector_store %arg4[%swap3A, %swap3A_6], %dot_general3A_5 {strides = array<i32>} : memref<10000x128xf32, #tpu.memory_space<vmem>>, vector<10000x128xf32>,
    %get3A_8 = arith.constant 0 : index
    %get3A_9 = arith.constant 0 : index
    %get3A_10 = vector.load %arg2[%get3A_8, %get3A_9] : memref<1x128xf32, #tpu.memory_space<vmem>>, vector<1x128xf32>
    %mul3A = vector.broadcast %get3A_10 : vector<1x128xf32> to vector<10000x128xf32>
    %mul3A_11 = arith.mulf %dot_general3A_5, %mul3A : vector<10000x128xf32>
    %reduce_sum3A = arith.constant dense<0.000000e+00> : vector<10000xf32>
    %reduce_sum3A_12 = vector.multi_reduction <add>, %mul3A_11, %reduce_sum3A [1] : vector<10000x128xf32> to vector<10000xf32>
    %broadcast_in_dim3A = vector.shape_cast %reduce_sum3A_12 : vector<10000xf32> to vector<10000x1xf32>
    %swap3A_13 = arith.constant 0 : index
    %swap3A_14 = arith.constant 0 : index
    %swap3A_15 = vector.load %arg5[%swap3A_13, %swap3A_14] : memref<10000x1xf32, #tpu.memory_space<vmem>>, vector<10000x1xf32>
    tpu.vector_store %arg5[%swap3A_13, %swap3A_14], %broadcast_in_dim3A {strides = array<i32>} : memref<10000x1xf32, #tpu.memory_space<vmem>>, vector<10000x1xf32>,
    %get3A_16 = arith.constant 0 : index
    %get3A_17 = arith.constant 0 : index
    %get3A_18 = vector.load %arg3[%get3A_16, %get3A_17] : memref<1x128xf32, #tpu.memory_space<vmem>>, vector<1x128xf32>
    %mul3A_19 = vector.broadcast %get3A_18 : vector<1x128xf32> to vector<10000x128xf32>
    %mul3A_20 = arith.mulf %dot_general3A_5, %mul3A_19 : vector<10000x128xf32>
    %reduce_sum3A_21 = arith.constant dense<0.000000e+00> : vector<10000xf32>
    %reduce_sum3A_22 = vector.multi_reduction <add>, %mul3A_20, %reduce_sum3A_21 [1] : vector<10000x128xf32> to vector<10000xf32>
    %broadcast_in_dim3A_23 = vector.shape_cast %reduce_sum3A_22 : vector<10000xf32> to vector<10000x1xf32>
    %swap3A_24 = arith.constant 0 : index
    %swap3A_25 = arith.constant 0 : index
    %swap3A_26 = vector.load %arg6[%swap3A_24, %swap3A_25] : memref<10000x1xf32, #tpu.memory_space<vmem>>, vector<10000x1xf32>
    tpu.vector_store %arg6[%swap3A_24, %swap3A_25], %broadcast_in_dim3A_23 {strides = array<i32>} : memref<10000x1xf32, #tpu.memory_space<vmem>>, vector<10000x1xf32>,
    return
  }
}

module attributes {stable_mosaic.version = 14 : i64} {
  func.func @_tc_combine(%arg0: memref<2x10240x128xf32, #tpu.memory_space<vmem>>, %arg1: memref<2x10240x1xf32, #tpu.memory_space<vmem>>, %arg2: memref<10000x128xf32, #tpu.memory_space<vmem>>, %arg3: memref<1x128xf32, #tpu.memory_space<vmem>>, %arg4: memref<10000x128xf32, #tpu.memory_space<vmem>>) attributes {dimension_semantics = [], scalar_prefetch = 0 : i64, scratch_operands = 0 : i64, tpu.core_type = #tpu.core_type<tc>} {
    %get3A = arith.constant 0 : index
    %get3A_0 = arith.constant 0 : index
    %get3A_1 = arith.constant 0 : index
    %get3A_2 = vector.load %arg0[%get3A, %get3A_0, %get3A_1] : memref<2x10240x128xf32, #tpu.memory_space<vmem>>, vector<1x10000x128xf32>
    %get3A_3 = vector.shape_cast %get3A_2 : vector<1x10000x128xf32> to vector<10000x128xf32>
    %get3A_4 = arith.constant 1 : index
    %get3A_5 = arith.constant 0 : index
    %get3A_6 = arith.constant 0 : index
    %get3A_7 = vector.load %arg0[%get3A_4, %get3A_5, %get3A_6] : memref<2x10240x128xf32, #tpu.memory_space<vmem>>, vector<1x10000x128xf32>
    %get3A_8 = vector.shape_cast %get3A_7 : vector<1x10000x128xf32> to vector<10000x128xf32>
    %add3A = arith.addf %get3A_3, %get3A_8 : vector<10000x128xf32>
    %get3A_9 = arith.constant 0 : index
    %get3A_10 = arith.constant 0 : index
    %get3A_11 = arith.constant 0 : index
    %get3A_12 = vector.load %arg1[%get3A_9, %get3A_10, %get3A_11] : memref<2x10240x1xf32, #tpu.memory_space<vmem>>, vector<1x10000x1xf32>
    %get3A_13 = vector.shape_cast %get3A_12 : vector<1x10000x1xf32> to vector<10000x1xf32>
    %get3A_14 = arith.constant 1 : index
    %get3A_15 = arith.constant 0 : index
    %get3A_16 = arith.constant 0 : index
    %get3A_17 = vector.load %arg1[%get3A_14, %get3A_15, %get3A_16] : memref<2x10240x1xf32, #tpu.memory_space<vmem>>, vector<1x10000x1xf32>
    %get3A_18 = vector.shape_cast %get3A_17 : vector<1x10000x1xf32> to vector<10000x1xf32>
    %add3A_19 = arith.addf %get3A_13, %get3A_18 : vector<10000x1xf32>
    %add3A_20 = arith.constant 1.000000e-16 : f32
    %add3A_21 = vector.broadcast %add3A_20 : f32 to vector<10000x1xf32>
    %add3A_22 = arith.addf %add3A_19, %add3A_21 : vector<10000x1xf32>
    %div3A = arith.constant 1.000000e+00 : f32
    %div3A_23 = vector.broadcast %div3A : f32 to vector<10000x1xf32>
    %div3A_24 = arith.divf %div3A_23, %add3A_22 : vector<10000x1xf32>
    %mul3A = vector.broadcast %div3A_24 : vector<10000x1xf32> to vector<10000x128xf32>
    %mul3A_25 = arith.mulf %add3A, %mul3A : vector<10000x128xf32>
    %get3A_26 = arith.constant 0 : index
    %get3A_27 = arith.constant 0 : index
    %get3A_28 = vector.load %arg3[%get3A_26, %get3A_27] : memref<1x128xf32, #tpu.memory_space<vmem>>, vector<1x128xf32>
    %add3A_29 = vector.broadcast %get3A_28 : vector<1x128xf32> to vector<10000x128xf32>
    %add3A_30 = arith.addf %mul3A_25, %add3A_29 : vector<10000x128xf32>
    %max3A = arith.constant 0.000000e+00 : f32
    %max3A_31 = vector.broadcast %max3A : f32 to vector<10000x128xf32>
    %max3A_32 = arith.maximumf %add3A_30, %max3A_31 : vector<10000x128xf32>
    %get3A_33 = arith.constant 0 : index
    %get3A_34 = arith.constant 0 : index
    %get3A_35 = vector.load %arg2[%get3A_33, %get3A_34] : memref<10000x128xf32, #tpu.memory_space<vmem>>, vector<10000x128xf32>
    %add3A_36 = arith.addf %max3A_32, %get3A_35 : vector<10000x128xf32>
    %swap3A = arith.constant 0 : index
    %swap3A_37 = arith.constant 0 : index
    %swap3A_38 = vector.load %arg4[%swap3A, %swap3A_37] : memref<10000x128xf32, #tpu.memory_space<vmem>>, vector<10000x128xf32>
    tpu.vector_store %arg4[%swap3A, %swap3A_37], %add3A_36 {strides = array<i32>} : memref<10000x128xf32, #tpu.memory_space<vmem>>, vector<10000x128xf32>,
    return
  }
}

</mosaic_0001>

<sc_bundles>
// kernel: kernel.6.cloned.1.call-start
scs
__scs_entry_jumppad:
0x0: {  	(pc) =	sbr.rel $0x88, $3  }
0x1: {  	(tag) =	ssettag $0x0;
	lr =	simm.s32 $0x1  }
0x2: {  	[smem:$0x3F9B] =	sst lr;
	_ =	strace $0xD0000000  }
0x3: {  	_ = 	snop  }
0x4: {  	_ = 	snop  }
0x5: {  	_ = 	snop  }
0x6: {  	_ = 	snop  }
0x7: {  	_ = 	snop  }
__scs_overlays_trampoline_lowered:
0x8: {  	[smem:$0x3FAA] =	sst s0  }
0x9: {  	[smem:$0x3FAB] =	sst s1  }
0xa: {  	[smem:$0x3FAC] =	sst s2  }
0xb: {  	[smem:$0x3FAD] =	sst s3  }
0xc: {  	[smem:$0x3FAE] =	sst s4  }
0xd: {  	[smem:$0x3FAF] =	sst s5  }
0xe: {  	[smem:$0x3FB0] =	sst s6  }
0xf: {  	[smem:$0x3FB1] =	sst s7  }
0x10: {  	[smem:$0x3FB2] =	sst s8  }
0x11: {  	[smem:$0x3FB3] =	sst s9;
	s0 =	simm.s32 @!p0 $0x0  }
0x12: {  	s1 =	sld [smem:$0x3F99];
	s0 =	simm.s32 @p0 $0x1  }
0x13: {  	[smem:$0x3FB4] =	sst s0;
	s0 =	simm.s32 @!p1 $0x0  }
0x14: {  	s2 =	sld [smem:$0x3F98];
	s0 =	simm.s32 @p1 $0x1  }
0x15: {  	[smem:$0x3FB5] =	sst s0;
	s0 =	simm.s32 @!p2 $0x0  }
0x16: {  	s3 =	sld [smem:$0x3FDB];
	s0 =	simm.s32 @p2 $0x1  }
0x17: {  	s4 =	simm.s32 $0x1BF5;
	[smem:$0x3FB7] =	sst s0  }
0x18: {  	s0 =	sld [smem:$0x3F9A];
	_ =	swait.ge [sflag:s4], $0x0  }
0x19: {  	s7 =	sld [smem:$0x3F9B]  }
0x1a: {  	s8 =	sadd.s32 $0xFFFFE003, lr  }
0x1b: {  	s9 =	sadd.s32 $0xFFFFFEF7, lr;
	s5 =	simm.s32 $0xFFFFFFFF;
	p2 =	slt.u32 s8, $0xFFFFF086  }
0x1c: {  	p1 =	slt.u32 s9, $0xF7A;
	s5 =	simm.s32 @!p2 $0x0  }
0x1d: {  	s5 =	simm.s32 @p1 $0x1;
	p0 =	seq.s32 s7, s2  }
0x1e: {  	s7 =	smul.u32 @!p0 $0xF7A, s2;
	p2 =	seq.s32 @!p0 s5, $0x0  }
0x1f: {  	s9 =	smul.u32 $0xF7A, s1;
	s8 =	simm.s32 @!p0 $0x1BF5;
	p2 =	por !p2, p0  }
0x20: {  	[sflag:s8] =	ssyncset.s32 @!p0 $0xFFFFF086;
	s6 =	sadd.s32 @!p0 s3, s7;
	s7 =	simm.s32 @!p0 $0x108  }
0x21: {  	s3 =	sadd.s32 s3, s9;
	s6 =	sadd.s32 @!p0 $0x88, s6;
	s7 =	simm.s32 @p2 $0x1082  }
0x22: {  	[simem:s7], [sflag:s8] =	dma.local @!p0 [hbm:s6], $0xF7A  }
0x23: {  	s9 =	sor.u32 $0xD0000000, s2;
	s6 =	simm.s32 $0x108;
	_ =	swait.ge @!p0 [sflag:s8], $0x0  }
0x24: {  	s3 =	sadd.s32 $0x88, s3;
	s6 =	simm.s32 @!p1 $0x1082;
	[sflag:s4] =	ssyncset.s32 $0xFFFFF086  }
0x25: {  	[simem:s6], [sflag:s4] =	dma.local [hbm:s3], $0xF7A  }
0x26: {  	[smem:$0x3F9B] =	sst s1;
	(tag) =	ssettag s2;
	_ =	strace s9  }
0x27: {  	s1 =	sld [smem:$0x3FAB]  }
0x28: {  	s2 =	sld [smem:$0x3FAC]  }
0x29: {  	s4 =	sld [smem:$0x3FAE]  }
0x2a: {  	p0 =	seq.s32 s5, $0x0;
	s5 =	sld [smem:$0x3FAF]  }
0x2b: {  	s6 =	sld [smem:$0x3FB0]  }
0x2c: {  	s7 =	sld [smem:$0x3FB1]  }
0x2d: {  	s3 =	simm.s32 $0x108;
	s8 =	sld [smem:$0x3FB2]  }
0x2e: {  	s3 =	simm.s32 @!p0 $0x1082;
	s9 =	sld [smem:$0x3FB3]  }
0x2f: {  	lr =	sadd.s32 s0, s3;
	s0 =	sld [smem:$0x3FAA]  }
0x30: {  	s3 =	sld [smem:$0x3FAD]  }
0x31: {  	[smem:$0x3FB6] =	sst s10  }
0x32: {  	s10 =	sld [smem:$0x3FB4];
	_ =	sdelay $0x3  }
0x33: {  	p0 =	seq.s32 s10, $0x1;
	s10 =	sld [smem:$0x3FB6];
	_ =	sdelay $0x3  }
0x34: {  	[smem:$0x3FB6] =	sst s10  }
0x35: {  	s10 =	sld [smem:$0x3FB5];
	_ =	sdelay $0x3  }
0x36: {  	p1 =	seq.s32 s10, $0x1;
	s10 =	sld [smem:$0x3FB6];
	_ =	sdelay $0x3  }
0x37: {  	[smem:$0x3FB6] =	sst s10  }
0x38: {  	s10 =	sld [smem:$0x3FB7]  }
0x39: {  	_ = 	snop;
	(pc) =	sbr.ind lr, $3  }
0x3a: {  	_ = 	snop  }
0x3b: {  	_ = 	snop  }
0x3c: {  	p2 =	seq.s32 s10, $0x1;
	s10 =	sld [smem:$0x3FB6]  }
0x3d: {  	_ =	shalt  }
0x3e: {  	_ =	shalt  }
0x3f: {  	_ =	shalt  }
0x40: {  	_ =	shalt  }
0x41: {  	_ =	shalt  }
0x42: {  	_ =	shalt  }
0x43: {  	_ =	shalt  }
0x44: {  	_ =	shalt  }
0x45: {  	_ =	shalt  }
0x46: {  	_ =	shalt  }
0x47: {  	_ =	shalt  }
0x48: {  	_ =	shalt  }
0x49: {  	_ =	shalt  }
0x4a: {  	_ =	shalt  }
0x4b: {  	_ =	shalt  }
0x4c: {  	_ =	shalt  }
0x4d: {  	_ =	shalt  }
0x4e: {  	_ =	shalt  }
0x4f: {  	_ =	shalt  }
0x50: {  	_ =	shalt  }
0x51: {  	_ =	shalt  }
0x52: {  	_ =	shalt  }
0x53: {  	_ =	shalt  }
0x54: {  	_ =	shalt  }
0x55: {  	_ =	shalt  }
0x56: {  	_ =	shalt  }
0x57: {  	_ =	shalt  }
0x58: {  	_ =	shalt  }
0x59: {  	_ =	shalt  }
0x5a: {  	_ =	shalt  }
0x5b: {  	_ =	shalt  }
0x5c: {  	_ =	shalt  }
0x5d: {  	_ =	shalt  }
0x5e: {  	_ =	shalt  }
0x5f: {  	_ =	shalt  }
0x60: {  	_ =	shalt  }
0x61: {  	_ =	shalt  }
0x62: {  	_ =	shalt  }
0x63: {  	_ =	shalt  }
0x64: {  	_ =	shalt  }
0x65: {  	_ =	shalt  }
0x66: {  	_ =	shalt  }
0x67: {  	_ =	shalt  }
0x68: {  	_ =	shalt  }
0x69: {  	_ =	shalt  }
0x6a: {  	_ =	shalt  }
0x6b: {  	_ =	shalt  }
0x6c: {  	_ =	shalt  }
0x6d: {  	_ =	shalt  }
0x6e: {  	_ =	shalt  }
0x6f: {  	_ =	shalt  }
0x70: {  	_ =	shalt  }
0x71: {  	_ =	shalt  }
0x72: {  	_ =	shalt  }
0x73: {  	_ =	shalt  }
0x74: {  	_ =	shalt  }
0x75: {  	_ =	shalt  }
0x76: {  	_ =	shalt  }
0x77: {  	_ =	shalt  }
0x78: {  	_ =	shalt  }
0x79: {  	_ =	shalt  }
0x7a: {  	_ =	shalt  }
0x7b: {  	_ =	shalt  }
0x7c: {  	_ =	shalt  }
0x7d: {  	_ =	shalt  }
0x7e: {  	_ =	shalt  }
0x7f: {  	_ =	shalt  }
0x80: {  	_ =	shalt  }
0x81: {  	_ =	shalt  }
0x82: {  	_ =	shalt  }
0x83: {  	_ =	shalt  }
0x84: {  	_ =	shalt  }
0x85: {  	_ =	shalt  }
0x86: {  	_ =	shalt  }
0x87: {  	_ =	shalt  }
.Lfunc_end0:
.L_simem_size_0:
called_computation_lowered:
.L_overlay_start_0:
0x88: {  	s2 =	sld [smem:$0x3FD9]  }
0x89: {  	s3 =	sld [smem:$0x3FFE];
	_ =	sdelay $0x1  }
0x8a: {  	s1 =	srdreg.scid  }
0x8b: {  	s0 =	sand.u32 $0x1, s1  }
0x8c: {  	s16 =	sshll.u32 s0, $0xA;
	s2 =	sadd.s32 s3, s2  }
0x8d: {  	s2 =	sadd.s32 s2, s16  }
0x8e: {  	[smem:$0x3FC2] =	sst s2  }
0x8f: {  	_ = 	snop  }
0x90: {  	(tm) =	ssettm $0x1  }
0x91: {  	s17 =	sld [smem:$0x3FFB];
	_ =	sdelay $0x3  }
0x92: {  	_ =	strace s17  }
0x93: {  	s2 =	sld [smem:$0x3FFC];
	_ =	sdelay $0x3  }
0x94: {  	_ =	strace s2  }
0x95: {  	s2 =	sld [smem:$0x3FFD];
	_ =	sdelay $0x3  }
0x96: {  	_ =	strace s2  }
0x97: {  	_ =	strace $0x8FFFFFFF  }
0x98: {  	s18 =	sld [smem:$0x3FDB];
	_ =	sdelay $0x1  }
0x99: {  	s19 =	simm.s32 $_scs_section_size  }
0x9a: {  	s4 =	simm.s32 $_size__tile_overlayer_lowered;
	s5 =	simm.s32 $_tile_overlayer_lowered  }
0x9b: {  	s22 =	simm.s32 $0x1BFF;
	s21 =	sshll.u32 s5, $0x1;
	s2 =	sadd.s32 s19, s18  }
0x9c: {  	s6 =	simm.s32 $0x0;
	s20 =	sshll.u32 s4, $0x1;
	s4 =	sadd.s32 s21, s2  }
0x9d: {  	[timem:s6], [sflag:s22] =	dma.local [hbm:s4], s20  }
0x9e: {  	_ =	swait.ge [sflag:s22], s20  }
0x9f: {  	s3 =	ssub.s32 $0x0, s20;
	[sflag:s22] =	ssyncset.done $0x0  }
0xa0: {  	[sflag:s22] =	ssyncadd.s32 s3;
	_ =	sdelay $0x1  }
0xa1: {  	s23 =	simm.s32 $0x1B8B  }
0xa2: {  	_ =	swait.ge [sflag:s23], $0x1  }
0xa3: {  	[sflag:s23] =	ssyncset.done $0x0  }
0xa4: {  	s25 =	simm.s32 $0x1B8E;
	s24 =	sld [smem:$0x3FFE];
	[sflag:s23] =	ssyncadd.s32 $0xFFFFFFFF  }
0xa5: {  	s26 =	simm.s32 $execute0_lowered;
	[smem:$0x3FD2] =	sst s25  }
0xa6: {  	s4 =	sshll.u32 s26, $0x1;
	_ =	strace $0x80000046;
	[dreg:$0x1] =	wrdreg $0xFFFFFFFF  }
0xa7: {  	s28 =	simm.s32 $_size_execute0_lowered;
	s2 =	sadd.s32 s2, s4;
	[dreg:$0x0] =	wrdreg $0x0  }
0xa8: {  	s4 =	sshll.u32 s28, $0x1;
	[dreg:$0x2] =	wrdreg s2  }
0xa9: {  	[dreg:$0x3] =	wrdreg s4  }
0xaa: {  	[dreg:$0x4] =	wrdreg $0xC0  }
0xab: {  	_ =	task [dreg:s6], $0x5FFFF  }
0xac: {  	[dreg:$0x1] =	wrdreg $0xFFFFFFFF  }
0xad: {  	[dreg:$0x0] =	wrdreg $0x60  }
0xae: {  	[dreg:$0x2] =	wrdreg s24  }
0xaf: {  	[dreg:$0x3] =	wrdreg $0x106800  }
0xb0: {  	[dreg:$0x4] =	wrdreg $0x9  }
0xb1: {  	_ =	task.clear_ibuf [dreg:s6], $0x5FFFF;
	_ =	strace $0x90000046  }
0xb2: {  	s29 =	simm.s32 $0x9;
	_ =	strace $0x80000048  }
0xb3: {  	_ =	swait.ge [sflag:s29], $0x1  }
0xb4: {  	[sflag:s29] =	ssyncadd.s32 $0xFFFFFFFF  }
0xb5: {  	_ =	strace $0x90000048  }
0xb6: {  	_ =	sfence  }
0xb7: {  	s30 =	sld [smem:$0x0];
	_ =	sdelay $0x2  }
0xb8: {  	s31 =	sshll.u32 s1, $0xD;
	s1 =	sshrl.u32 s1, $0x2  }
0xb9: {  	s3 =	sand.u32 $0x4000, s31;
	s1 =	sadd.s32 s1, s30  }
0xba: {  	s0 =	sor.u32 s3, s0;
	s1 =	sshll.u32 s1, $0x11  }
0xbb: {  	s0 =	sor.u32 s1, s0  }
0xbc: {  	s0 =	sadd.s32 $0x8F2B, s0  }
0xbd: {  	[sflag:s0] =	ssyncadd.remote.s32 $0x1  }
0xbe: {  	_ =	sfence.sel $0xFFFF  }
0xbf: {  	[dreg:$0x0] =	wrdreg $0xFFFFFFFF;
	(pc) =	sbr.abs _section_cstart, $3  }
0xc0: {  	[dreg:$0x1] =	wrdreg $0xFFFFFFFF  }
0xc1: {  	_ =	task.clear_ibuf [dreg:s6], $0x2FFFF;
	_ =	strace $0x9FFFFFFF  }
0xc2: {  	(tm) =	ssettm $0x7FFFFFFF  }
0xc3: {  	_ =	shalt  }
tec
execute0_lowered:
.L_overlay_start_1:
0x0: {  	(tag) =	ssettag $0x1  }
0x1: {  	s5 =	rddreg [dreg:$0x0]  }
0x2: {  	s1 =	rddreg [dreg:$0x1]  }
0x3: {  	s2 =	srdreg.scid;
	s0 =	rddreg [dreg:$0x2]  }
0x4: {  	s16 =	stileid.u32;
	v0 =	vimm.s32 $0xFEDCBA98;
	v4 =	vimm.s32 $0x76543210;
	s13 =	simm.s32 $0x400;
	s14 =	simm.s32 $0x4F00  }
0x5: {  	v6 =	vimm.s32 $0x32107654;
	s15 =	simm.s32 $0x7680;
	s17 =	simm.s32 $0xDE80;
	s18 =	simm.s32 $0x50  }
0x6: {  	v7 =	vimm.s32 $0xDCFE98BA;
	v8 =	vimm.s32 $0x54761032;
	s19 =	simm.s32 $0xDE00;
	s20 =	simm.s32 $0x0;
	s6 =	sand.u32 $0x1, s2  }
0x7: {  	v1 =	vlaneseq.u32;
	v9 =	vimm.s32 $0xEFCDAB89;
	v10 =	vimm.s32 $0x67452301;
	s2 =	simm.s32 $0x0;
	s8 =	sadd.s32 $0x2A00, s5;
	s9 =	sshll.u32 s16, $0x7  }
0x8: {  	v3 =	vunpack.c.l.s4.s8 v0;
	v0 =	vimm.f32 $0.0e+00;
	v2 =	vor.u32 $0x10, v1;
	p0 =	sne.s32 s16, $0x0;
	s3 =	sshll.u32 s6, $0x4;
	[smem:$0x7FF] =	sst s2  }
0x9: {  	v7 =	vunpack.c.l.s4.s8 v7;
	v8 =	vunpack.c.l.s4.s8 v8;
	v9 =	vunpack.c.l.s4.s8 v9;
	s10 =	smul.u32 $0x500, s6;
	s9 =	sand.u32 $0x380, s9;
	s7 =	sor.u32 s16, s3  }
0xa: {  	v10 =	vunpack.c.l.s4.s8 v10;
	s31 =	ssub.s32 $0x2, s6;
	_ =	strace $0x80000047;
	v5 =	vunpack.c.0.s8.s32 v3;
	v3 =	vimm.s32 $0xBA98FEDC;
	s3 =	sshrl.u32 s7, $0x3  }
0xb: {  	v6 =	vunpack.c.l.s4.s8 v6;
	s6 =	sshrl.u32 s31, $0x1;
	v7 =	vunpack.c.0.s8.s32 v7;
	s16 =	simm.s32 $0x9E00;
	v3 =	vunpack.c.l.s4.s8 v3;
	s4 =	smul.u32 $0x13C00, s3  }
0xc: {  	v8 =	vunpack.c.0.s8.s32 v8;
	v9 =	vunpack.c.0.s8.s32 v9;
	v10 =	vunpack.c.0.s8.s32 v10;
	s7 =	sshll.u32 s7, $0xB;
	s10 =	sadd.s32 s10, s5;
	s12 =	ssub.s32 s31, s6  }
0xd: {  	v4 =	vunpack.c.l.s4.s8 v4;
	v6 =	vunpack.c.0.s8.s32 v6;
	s3 =	sadd.s32 $0x1E00, s5;
	s7 =	sadd.s32 s7, s5;
	v3 =	vunpack.c.0.s8.s32 v3;
	s9 =	sor.u32 s9, s4  }
0xe: {  	v12 =	vand.u32 $0xF, v5;
	v8 =	vcombine.low v8, v7;
	v9 =	vcombine.low v10, v9;
	s7 =	sadd.s32 $0x17000, s7;
	s11 =	sadd.s32 $0x4F000, s9;
	s9 =	sshrl.u32 s9, $0x3  }
0xf: {  	v5 =	vor.u32 $0x40, v1;
	s4 =	sadd.s32 $0x2400, s5;
	v11 =	vcombine.low v6, v3;
	v6 =	vunpack.c.0.s8.s32 v4;
	s11 =	sshrl.u32 s11, $0x3;
	s5 =	sadd.s32 s8, s9  }
0x10: {  	v8 =	vand.u32 $0xF, v8;
	v9 =	vand.u32 $0xF, v9;
	v3 =	vor.u32 $0x20, v1;
	s9 =	smax.u32 s12, $0x1;
	s12 =	simm.s32 $0x80;
	s6 =	sadd.s32 s8, s11  }
0x11: {  	v4 =	vor.u32 $0x30, v1;
	s8 =	sadd.s32 $0x16600, s10;
	s10 =	simm.s32 $0x1;
	s11 =	simm.s32 $0x2780;
	v6 =	vcombine.low v12, v6;
	v7 =	vand.u32 $0xF, v11  }
.LBB2_1:
0x12: {  	[tilespmem:s2], [sflag:$0x1] =	stream.linear.gather [hbm4b:s3+s2], $0x2780, $0x38;
	[tilespmem:$0x10900] =	vst v63  }
0x13: {  	_ =	swait.ge [sflag:s10], $0x2780  }
0x14: {  	[sflag:s10] =	ssyncset.done $0x0  }
0x15: {  	[sflag:s10] =	ssyncadd.s32 $0xFFFFD880  }
0x16: {  	[tilespmem:s11], [sflag:$0x1] =	stream.linear.gather [hbm4b:s4+s2], $0x2780, $0x38;
	[tilespmem:$0x10900] =	vst v63  }
0x17: {  	_ =	swait.ge [sflag:s10], $0x2780  }
0x18: {  	[sflag:s10] =	ssyncset.done $0x0  }
0x19: {  	[sflag:s10] =	ssyncadd.s32 $0xFFFFD880  }
0x1a: {  	[tilespmem:s14], [sflag:$0x1] =	stream.strided.gather [hbm4b:s5+s12], $0x2780, s13, s12, $0x38;
	[tilespmem:$0x10900] =	vst v63  }
0x1b: {  	_ =	swait.ge [sflag:s10], $0x2780  }
0x1c: {  	[sflag:s10] =	ssyncset.done $0x0  }
0x1d: {  	[sflag:s10] =	ssyncadd.s32 $0xFFFFD880  }
0x1e: {  	[tilespmem:s15], [sflag:$0x1] =	stream.strided.gather [hbm4b:s6+s12], $0x2780, s13, s12, $0x38;
	[tilespmem:$0x10900] =	vst v63  }
0x1f: {  	s21 =	sand.u32 $0xFE00, s2;
	s22 =	sand.u32 $0x70, s2;
	_ =	swait.ge [sflag:s10], $0x2780  }
0x20: {  	s23 =	sshrl.u32 s21, $0x2;
	s21 =	simm.s32 $0x40;
	[sflag:s10] =	ssyncset.done $0x0  }
0x21: {  	s23 =	sor.u32 s22, s23;
	s22 =	simm.s32 $0x0;
	[sflag:s10] =	ssyncadd.s32 $0xFFFFD880  }
.LBB2_2:
0x22: {  	p1 =	sne.s32 s21, $0x9FC0  }
0x23: {  	[tilespmem:s23+$0xDE80] =	vst v0;
	s22 =	sadd.s32 $0x10, s22;
	s23 =	smov.u32 s21;
	s21 =	sadd.s32 $0x40, s21  }
.Ltmp0:
0x24: {  	(pc) =	sbr.rel @p1 .LBB2_2-.Ltmp0, $4  }
0x25: {  	_ = 	snop  }
0x26: {  	s23 =	sand.u32 $0xFE00, s23  }
0x27: {  	s24 =	sand.u32 $0x70, s22;
	s23 =	sshrl.u32 s23, $0x2  }
0x28: {  	s23 =	sor.u32 s24, s23  }
0x29: {  	[tilespmem:s23+$0xDE80] =	vst v0  }
0x2a: {  	[tilespmem:$0xDE00] =	vst v1  }
0x2b: {  	[tilespmem:$0xDE10] =	vst v2  }
0x2c: {  	[tilespmem:$0xDE20] =	vst v3  }
0x2d: {  	[tilespmem:$0xDE30] =	vst v4  }
0x2e: {  	s21 =	simm.s32 @!p0 $0xDE80;
	[tilespmem:$0xDE40] =	vst v5  }
0x2f: {  	[spmem:s1] =	stream.linear.scatter @!p0 [tilespmem:s21], [sflag:$0x1], $0x2800, $0x38;
	[tilespmem:$0x10900] =	vst v63  }
0x30: {  	s21 =	simm.s32 @!p0 $0x1  }
0x31: {  	_ =	swait.ge @!p0 [sflag:s21], $0x2800  }
0x32: {  	[sflag:s21] =	ssyncset.done @!p0 $0x0  }
0x33: {  	s22 =	simm.s32 $0x0;
	[sflag:s21] =	ssyncadd.s32 @!p0 $0xFFFFD800  }
0x34: {  	v11 =	vld [tilespmem:s22+$0x2780]  }
0x35: {  	v10 =	vimm.f32 $-3.000000010e+38;
	v12 =	vimm.f32 $-3.000000010e+38;
	s21 =	simm.s32 $0x40;
	v13 =	vld [tilespmem:s22+$0x0]  }
.LBB2_4:
0x36: {  	p1 =	sne.s32 s21, $0x9C00  }
.Ltmp1:
0x37: {  	_ = 	snop;
	(pc) =	sbr.rel @p1 .LBB2_4-.Ltmp1, $4  }
0x38: {  	_ = 	snop  }
0x39: {  	s22 =	sshra.s32 s21, $0x2;
	s21 =	sadd.s32 $0x40, s21;
	v10 =	vmax.f32 v10, v11  }
0x3a: {  	v11 =	vld [tilespmem:s22+$0x2780];
	v12 =	vmax.f32 v12, v13  }
0x3b: {  	v13 =	vld [tilespmem:s22+$0x0]  }
0x3c: {  	_ =	sdelay $0x3  }
0x3d: {  	v12 =	vmax.f32 v12, v13  }
0x3e: {  	[tilespmem:$0x9E00] =	vst v12  }
0x3f: {  	v57 =	vld.idx.msk [tilespmem:v6+s16+$0x0], $0xffff;
	_ =	sdelay $0x4  }
0x40: {  	v12 =	vmax.f32 v12, v57  }
0x41: {  	[tilespmem:$0x9E00] =	vst v12  }
0x42: {  	v58 =	vld.idx.msk [tilespmem:v7+s16+$0x0], $0xffff;
	_ =	sdelay $0x4  }
0x43: {  	v12 =	vmax.f32 v12, v58  }
0x44: {  	[tilespmem:$0x9E00] =	vst v12  }
0x45: {  	v59 =	vld.idx.msk [tilespmem:v8+s16+$0x0], $0xffff;
	_ =	sdelay $0x4  }
0x46: {  	v12 =	vmax.f32 v12, v59  }
0x47: {  	v10 =	vmax.f32 v10, v11;
	[tilespmem:$0x9E00] =	vst v12  }
0x48: {  	v11 =	vld.idx.msk [tilespmem:v9+s16+$0x0], $0xffff;
	[tilespmem:$0x9E00] =	vst v10  }
0x49: {  	v60 =	vld.idx.msk [tilespmem:v6+s16+$0x0], $0xffff;
	_ =	sdelay $0x4  }
0x4a: {  	v10 =	vmax.f32 v10, v60  }
0x4b: {  	[tilespmem:$0x9E00] =	vst v10  }
0x4c: {  	v61 =	vld.idx.msk [tilespmem:v7+s16+$0x0], $0xffff;
	_ =	sdelay $0x4  }
0x4d: {  	v10 =	vmax.f32 v10, v61  }
0x4e: {  	[tilespmem:$0x9E00] =	vst v10  }
0x4f: {  	v62 =	vld.idx.msk [tilespmem:v8+s16+$0x0], $0xffff;
	_ =	sdelay $0x4  }
0x50: {  	v10 =	vmax.f32 v10, v62  }
0x51: {  	[tilespmem:$0x9E00] =	vst v10  }
0x52: {  	v63 =	vld.idx.msk [tilespmem:v9+s16+$0x0], $0xffff;
	_ =	sdelay $0x4  }
0x53: {  	v11 =	vmax.f32 v12, v11;
	v10 =	vmax.f32 v10, v63  }
0x54: {  	v10 =	vadd.f32 v10, v11;
	_ =	sdelay $0x1  }
0x55: {  	v11 =	vmul.f32 $2.000000030e-01, v10  }
0x56: {  	vm0 =	vge.f32 v10, $0.0e+00  }
0x57: {  	s21 =	simm.s32 $0x0;
	s22 =	simm.s32 $0x9E20;
	[bflag:$0x0] =	sbarrier.arrive $0xFFFF;
	v10 =	vsel vm0, v10, v11  }
.LBB2_6:
0x58: {  	s23 =	sshra.s32 s21, $0x2  }
0x59: {  	v11 =	vld [tilespmem:s23+$0x4F00]  }
0x5a: {  	v12 =	vld [tilespmem:s23+$0x7680];
	_ =	sdelay $0x6  }
0x5b: {  	v11 =	vld.idx.msk [tilespmem:v11+s2+$0x0], $0xffff  }
0x5c: {  	v13 =	vld.idx.msk [tilespmem:v12+s11+$0x0], $0xffff;
	_ =	sdelay $0x4  }
0x5d: {  	v11 =	vadd.f32 v13, v11;
	_ =	sdelay $0x1  }
0x5e: {  	v13 =	vmul.f32 $2.000000030e-01, v11  }
0x5f: {  	vm0 =	vge.f32 v11, $0.0e+00  }
0x60: {  	v11 =	vsel vm0, v11, v13  }
0x61: {  	v11 =	vsub.f32 v11, v10;
	_ =	sdelay $0x1  }
0x62: {  	v11 =	vmul.f32 $1.442695020e+00, v11;
	_ =	sdelay $0x1  }
0x63: {  	(erf) = vpow2.f32 v11;
	_ =	sdelay $0x8  }
0x64: {  	v11 =	vpop (erf)  }
0x65: {  	[tilespmem:s22+$0xFFFFFFE0] =	vst v11  }
0x66: {  	[tilespmem:v12+s17+$0x0] =	vst.idx.add.f32.msk $0xffff, v11  }
0x67: {  	v11 =	vld [tilespmem:s23+$0x4F10]  }
0x68: {  	v12 =	vld [tilespmem:s23+$0x7690];
	_ =	sdelay $0x6  }
0x69: {  	v11 =	vld.idx.msk [tilespmem:v11+s2+$0x0], $0xffff  }
0x6a: {  	v60 =	vld.idx.msk [tilespmem:v12+s11+$0x0], $0xffff;
	_ =	sdelay $0x4  }
0x6b: {  	v11 =	vadd.f32 v60, v11;
	_ =	sdelay $0x1  }
0x6c: {  	v13 =	vmul.f32 $2.000000030e-01, v11  }
0x6d: {  	vm12 =	vge.f32 v11, $0.0e+00  }
0x6e: {  	v11 =	vsel vm12, v11, v13  }
0x6f: {  	v11 =	vsub.f32 v11, v10;
	_ =	sdelay $0x1  }
0x70: {  	v11 =	vmul.f32 $1.442695020e+00, v11;
	_ =	sdelay $0x1  }
0x71: {  	(erf) = vpow2.f32 v11;
	_ =	sdelay $0x8  }
0x72: {  	v11 =	vpop (erf)  }
0x73: {  	[tilespmem:s22+$0xFFFFFFF0] =	vst v11  }
0x74: {  	[tilespmem:v12+s17+$0x0] =	vst.idx.add.f32.msk $0xffff, v11  }
0x75: {  	v11 =	vld [tilespmem:s23+$0x4F20]  }
0x76: {  	v12 =	vld [tilespmem:s23+$0x76A0];
	_ =	sdelay $0x6  }
0x77: {  	v11 =	vld.idx.msk [tilespmem:v11+s2+$0x0], $0xffff  }
0x78: {  	v61 =	vld.idx.msk [tilespmem:v12+s11+$0x0], $0xffff;
	_ =	sdelay $0x4  }
0x79: {  	v11 =	vadd.f32 v61, v11;
	_ =	sdelay $0x1  }
0x7a: {  	v13 =	vmul.f32 $2.000000030e-01, v11  }
0x7b: {  	vm13 =	vge.f32 v11, $0.0e+00  }
0x7c: {  	v11 =	vsel vm13, v11, v13  }
0x7d: {  	v11 =	vsub.f32 v11, v10;
	_ =	sdelay $0x1  }
0x7e: {  	v11 =	vmul.f32 $1.442695020e+00, v11;
	_ =	sdelay $0x1  }
0x7f: {  	(erf) = vpow2.f32 v11;
	_ =	sdelay $0x8  }
0x80: {  	v11 =	vpop (erf)  }
0x81: {  	[tilespmem:s22+$0x0] =	vst v11  }
0x82: {  	[tilespmem:v12+s17+$0x0] =	vst.idx.add.f32.msk $0xffff, v11  }
0x83: {  	v11 =	vld [tilespmem:s23+$0x4F30]  }
0x84: {  	v12 =	vld [tilespmem:s23+$0x76B0];
	_ =	sdelay $0x6  }
0x85: {  	v11 =	vld.idx.msk [tilespmem:v11+s2+$0x0], $0xffff  }
0x86: {  	v62 =	vld.idx.msk [tilespmem:v12+s11+$0x0], $0xffff;
	_ =	sdelay $0x4  }
0x87: {  	v11 =	vadd.f32 v62, v11;
	_ =	sdelay $0x1  }
0x88: {  	v13 =	vmul.f32 $2.000000030e-01, v11  }
0x89: {  	vm14 =	vge.f32 v11, $0.0e+00  }
0x8a: {  	v11 =	vsel vm14, v11, v13  }
0x8b: {  	v11 =	vsub.f32 v11, v10;
	_ =	sdelay $0x1  }
0x8c: {  	v11 =	vmul.f32 $1.442695020e+00, v11;
	_ =	sdelay $0x1  }
0x8d: {  	(erf) = vpow2.f32 v11;
	_ =	sdelay $0x8  }
0x8e: {  	v11 =	vpop (erf)  }
0x8f: {  	[tilespmem:s22+$0x10] =	vst v11  }
0x90: {  	[tilespmem:v12+s17+$0x0] =	vst.idx.add.f32.msk $0xffff, v11  }
0x91: {  	v11 =	vld [tilespmem:s23+$0x4F40]  }
0x92: {  	v12 =	vld [tilespmem:s23+$0x76C0];
	_ =	sdelay $0x6  }
0x93: {  	v11 =	vld.idx.msk [tilespmem:v11+s2+$0x0], $0xffff  }
0x94: {  	v63 =	vld.idx.msk [tilespmem:v12+s11+$0x0], $0xffff;
	_ =	sdelay $0x4  }
0x95: {  	v11 =	vadd.f32 v63, v11;
	_ =	sdelay $0x1  }
0x96: {  	v13 =	vmul.f32 $2.000000030e-01, v11  }
0x97: {  	vm15 =	vge.f32 v11, $0.0e+00  }
0x98: {  	v11 =	vsel vm15, v11, v13  }
0x99: {  	v11 =	vsub.f32 v11, v10;
	_ =	sdelay $0x1  }
0x9a: {  	v11 =	vmul.f32 $1.442695020e+00, v11;
	_ =	sdelay $0x1  }
0x9b: {  	(erf) = vpow2.f32 v11;
	_ =	sdelay $0x5  }
0x9c: {  	p1 =	sne.s32 s21, $0x9B00  }
.Ltmp2:
0x9d: {  	_ = 	snop;
	(pc) =	sbr.rel @p1 .LBB2_6-.Ltmp2, $4  }
0x9e: {  	_ = 	snop  }
0x9f: {  	v11 =	vpop (erf)  }
0xa0: {  	[tilespmem:s22+$0x20] =	vst v11  }
0xa1: {  	s21 =	sadd.s32 $0x140, s21;
	s22 =	sadd.s32 $0x80, s22;
	[tilespmem:v12+s17+$0x0] =	vst.idx.add.f32.msk $0xffff, v11  }
0xa2: {  	[hbm4b:s7+s2] =	stream.linear.scatter [tilespmem:s16], [sflag:$0x1], $0x3E80, $0x38;
	[tilespmem:$0x10900] =	vst v63  }
0xa3: {  	_ =	swait.ge [sflag:s10], $0x3E80  }
0xa4: {  	[sflag:s10] =	ssyncset.done $0x0  }
0xa5: {  	[sflag:s10] =	ssyncadd.s32 $0xFFFFC180  }
0xa6: {  	[spmem:s1] =	stream.indirect.scatter.add.f32 [tilespmem:s17], [sflag:$0x1], $0x80, s19, s18, $0xb8;
	[tilespmem:$0x10900] =	vst v63  }
0xa7: {  	_ =	swait.ge [sflag:s10], $0x2800  }
0xa8: {  	[sflag:s10] =	ssyncset.done $0x0  }
0xa9: {  	s21 =	sshrl.u32 @!p0 s1, $0x3;
	s20 =	sadd.s32 $0x1, s20;
	[sflag:s10] =	ssyncadd.s32 $0xFFFFD800  }
0xaa: {  	s22 =	simm.s32 @!p0 $0x1C01;
	p1 =	sne.s32 s20, s9;
	[bflag:$0x0] =	sbarrier.arrive $0xFFFF  }
0xab: {  	[hbm:s8], [sflag:s22] =	dma.local @!p0 [spmem:s21], $0x500  }
.Ltmp3:
0xac: {  	_ = 	snop;
	(pc) =	sbr.rel @p1 .LBB2_1-.Ltmp3, $4  }
0xad: {  	s21 =	simm.s32 @!p0 $0x1  }
0xae: {  	_ =	swait.ge @!p0 [sflag:s21], $0x500  }
0xaf: {  	[sflag:s21] =	ssyncset.done @!p0 $0x0  }
0xb0: {  	[sflag:s21] =	ssyncadd.s32 @!p0 $0xFFFFFB00  }
0xb1: {  	_ =	sfence.sel $0x180000  }
0xb2: {  	[bflag:$0x0] =	sbarrier.arrive $0xFFFF  }
0xb3: {  	_ =	strace $0x90000047  }
0xb4: {  	s0 =	sadd.s32 @!p0 $0x100000, s0;
	[bflag:$0x2] =	sbarrier.arrive $0xFFFF  }
0xb5: {  	[sflag:s0] =	ssyncadd.tile.s32 @!p0 $0x1;
	_ =	shalt  }
.Lfunc_end2:
_tile_overlayer_lowered:
.L_overlay_start_2:
0xb6: {  	(tag) =	ssettag $0x2  }
0xb7: {  	s0 =	rddreg [dreg:$0x0];
	s2 =	stileid.u32  }
0xb8: {  	s1 =	rddreg [dreg:$0x1];
	p0 =	sne.s32 s2, $0x0  }
0xb9: {  	s3 =	rddreg [dreg:$0x2];
	[bflag:$0x3] =	sbarrier.arrive $0xFFFF;
	s2 =	simm.s32 @!p0 $0x1C01  }
0xba: {  	[timem:s3], [sflag:s2] =	dma.local @!p0 [hbm:s0], s1  }
0xbb: {  	s0 =	simm.s32 @!p0 $0x1  }
0xbc: {  	_ =	swait.ge @!p0 [sflag:s0], s1  }
0xbd: {  	s1 =	ssub.s32 @!p0 $0x0, s1;
	[sflag:s0] =	ssyncset.done @!p0 $0x0  }
0xbe: {  	[sflag:s0] =	ssyncadd.s32 @!p0 s1  }
0xbf: {  	[bflag:$0x3] =	sbarrier.arrive $0xFFFF  }
0xc0: {  	_ =	shalt  }

// kernel: kernel.9.cloned.1.call-start
scs
__scs_entry_jumppad:
0x0: {  	(pc) =	sbr.rel $0x88, $3  }
0x1: {  	(tag) =	ssettag $0x0;
	lr =	simm.s32 $0x1  }
0x2: {  	[smem:$0x3F9B] =	sst lr;
	_ =	strace $0xD0000000  }
0x3: {  	_ = 	snop  }
0x4: {  	_ = 	snop  }
0x5: {  	_ = 	snop  }
0x6: {  	_ = 	snop  }
0x7: {  	_ = 	snop  }
__scs_overlays_trampoline_lowered:
0x8: {  	[smem:$0x3FAA] =	sst s0  }
0x9: {  	[smem:$0x3FAB] =	sst s1  }
0xa: {  	[smem:$0x3FAC] =	sst s2  }
0xb: {  	[smem:$0x3FAD] =	sst s3  }
0xc: {  	[smem:$0x3FAE] =	sst s4  }
0xd: {  	[smem:$0x3FAF] =	sst s5  }
0xe: {  	[smem:$0x3FB0] =	sst s6  }
0xf: {  	[smem:$0x3FB1] =	sst s7  }
0x10: {  	[smem:$0x3FB2] =	sst s8  }
0x11: {  	[smem:$0x3FB3] =	sst s9;
	s0 =	simm.s32 @!p0 $0x0  }
0x12: {  	s1 =	sld [smem:$0x3F99];
	s0 =	simm.s32 @p0 $0x1  }
0x13: {  	[smem:$0x3FB4] =	sst s0;
	s0 =	simm.s32 @!p1 $0x0  }
0x14: {  	s2 =	sld [smem:$0x3F98];
	s0 =	simm.s32 @p1 $0x1  }
0x15: {  	[smem:$0x3FB5] =	sst s0;
	s0 =	simm.s32 @!p2 $0x0  }
0x16: {  	s3 =	sld [smem:$0x3FDB];
	s0 =	simm.s32 @p2 $0x1  }
0x17: {  	s4 =	simm.s32 $0x1BF5;
	[smem:$0x3FB7] =	sst s0  }
0x18: {  	s0 =	sld [smem:$0x3F9A];
	_ =	swait.ge [sflag:s4], $0x0  }
0x19: {  	s7 =	sld [smem:$0x3F9B]  }
0x1a: {  	s8 =	sadd.s32 $0xFFFFE003, lr  }
0x1b: {  	s9 =	sadd.s32 $0xFFFFFEF7, lr;
	s5 =	simm.s32 $0xFFFFFFFF;
	p2 =	slt.u32 s8, $0xFFFFF086  }
0x1c: {  	p1 =	slt.u32 s9, $0xF7A;
	s5 =	simm.s32 @!p2 $0x0  }
0x1d: {  	s5 =	simm.s32 @p1 $0x1;
	p0 =	seq.s32 s7, s2  }
0x1e: {  	s7 =	smul.u32 @!p0 $0xF7A, s2;
	p2 =	seq.s32 @!p0 s5, $0x0  }
0x1f: {  	s9 =	smul.u32 $0xF7A, s1;
	s8 =	simm.s32 @!p0 $0x1BF5;
	p2 =	por !p2, p0  }
0x20: {  	[sflag:s8] =	ssyncset.s32 @!p0 $0xFFFFF086;
	s6 =	sadd.s32 @!p0 s3, s7;
	s7 =	simm.s32 @!p0 $0x108  }
0x21: {  	s3 =	sadd.s32 s3, s9;
	s6 =	sadd.s32 @!p0 $0x88, s6;
	s7 =	simm.s32 @p2 $0x1082  }
0x22: {  	[simem:s7], [sflag:s8] =	dma.local @!p0 [hbm:s6], $0xF7A  }
0x23: {  	s9 =	sor.u32 $0xD0000000, s2;
	s6 =	simm.s32 $0x108;
	_ =	swait.ge @!p0 [sflag:s8], $0x0  }
0x24: {  	s3 =	sadd.s32 $0x88, s3;
	s6 =	simm.s32 @!p1 $0x1082;
	[sflag:s4] =	ssyncset.s32 $0xFFFFF086  }
0x25: {  	[simem:s6], [sflag:s4] =	dma.local [hbm:s3], $0xF7A  }
0x26: {  	[smem:$0x3F9B] =	sst s1;
	(tag) =	ssettag s2;
	_ =	strace s9  }
0x27: {  	s1 =	sld [smem:$0x3FAB]  }
0x28: {  	s2 =	sld [smem:$0x3FAC]  }
0x29: {  	s4 =	sld [smem:$0x3FAE]  }
0x2a: {  	p0 =	seq.s32 s5, $0x0;
	s5 =	sld [smem:$0x3FAF]  }
0x2b: {  	s6 =	sld [smem:$0x3FB0]  }
0x2c: {  	s7 =	sld [smem:$0x3FB1]  }
0x2d: {  	s3 =	simm.s32 $0x108;
	s8 =	sld [smem:$0x3FB2]  }
0x2e: {  	s3 =	simm.s32 @!p0 $0x1082;
	s9 =	sld [smem:$0x3FB3]  }
0x2f: {  	lr =	sadd.s32 s0, s3;
	s0 =	sld [smem:$0x3FAA]  }
0x30: {  	s3 =	sld [smem:$0x3FAD]  }
0x31: {  	[smem:$0x3FB6] =	sst s10  }
0x32: {  	s10 =	sld [smem:$0x3FB4];
	_ =	sdelay $0x3  }
0x33: {  	p0 =	seq.s32 s10, $0x1;
	s10 =	sld [smem:$0x3FB6];
	_ =	sdelay $0x3  }
0x34: {  	[smem:$0x3FB6] =	sst s10  }
0x35: {  	s10 =	sld [smem:$0x3FB5];
	_ =	sdelay $0x3  }
0x36: {  	p1 =	seq.s32 s10, $0x1;
	s10 =	sld [smem:$0x3FB6];
	_ =	sdelay $0x3  }
0x37: {  	[smem:$0x3FB6] =	sst s10  }
0x38: {  	s10 =	sld [smem:$0x3FB7]  }
0x39: {  	_ = 	snop;
	(pc) =	sbr.ind lr, $3  }
0x3a: {  	_ = 	snop  }
0x3b: {  	_ = 	snop  }
0x3c: {  	p2 =	seq.s32 s10, $0x1;
	s10 =	sld [smem:$0x3FB6]  }
0x3d: {  	_ =	shalt  }
0x3e: {  	_ =	shalt  }
0x3f: {  	_ =	shalt  }
0x40: {  	_ =	shalt  }
0x41: {  	_ =	shalt  }
0x42: {  	_ =	shalt  }
0x43: {  	_ =	shalt  }
0x44: {  	_ =	shalt  }
0x45: {  	_ =	shalt  }
0x46: {  	_ =	shalt  }
0x47: {  	_ =	shalt  }
0x48: {  	_ =	shalt  }
0x49: {  	_ =	shalt  }
0x4a: {  	_ =	shalt  }
0x4b: {  	_ =	shalt  }
0x4c: {  	_ =	shalt  }
0x4d: {  	_ =	shalt  }
0x4e: {  	_ =	shalt  }
0x4f: {  	_ =	shalt  }
0x50: {  	_ =	shalt  }
0x51: {  	_ =	shalt  }
0x52: {  	_ =	shalt  }
0x53: {  	_ =	shalt  }
0x54: {  	_ =	shalt  }
0x55: {  	_ =	shalt  }
0x56: {  	_ =	shalt  }
0x57: {  	_ =	shalt  }
0x58: {  	_ =	shalt  }
0x59: {  	_ =	shalt  }
0x5a: {  	_ =	shalt  }
0x5b: {  	_ =	shalt  }
0x5c: {  	_ =	shalt  }
0x5d: {  	_ =	shalt  }
0x5e: {  	_ =	shalt  }
0x5f: {  	_ =	shalt  }
0x60: {  	_ =	shalt  }
0x61: {  	_ =	shalt  }
0x62: {  	_ =	shalt  }
0x63: {  	_ =	shalt  }
0x64: {  	_ =	shalt  }
0x65: {  	_ =	shalt  }
0x66: {  	_ =	shalt  }
0x67: {  	_ =	shalt  }
0x68: {  	_ =	shalt  }
0x69: {  	_ =	shalt  }
0x6a: {  	_ =	shalt  }
0x6b: {  	_ =	shalt  }
0x6c: {  	_ =	shalt  }
0x6d: {  	_ =	shalt  }
0x6e: {  	_ =	shalt  }
0x6f: {  	_ =	shalt  }
0x70: {  	_ =	shalt  }
0x71: {  	_ =	shalt  }
0x72: {  	_ =	shalt  }
0x73: {  	_ =	shalt  }
0x74: {  	_ =	shalt  }
0x75: {  	_ =	shalt  }
0x76: {  	_ =	shalt  }
0x77: {  	_ =	shalt  }
0x78: {  	_ =	shalt  }
0x79: {  	_ =	shalt  }
0x7a: {  	_ =	shalt  }
0x7b: {  	_ =	shalt  }
0x7c: {  	_ =	shalt  }
0x7d: {  	_ =	shalt  }
0x7e: {  	_ =	shalt  }
0x7f: {  	_ =	shalt  }
0x80: {  	_ =	shalt  }
0x81: {  	_ =	shalt  }
0x82: {  	_ =	shalt  }
0x83: {  	_ =	shalt  }
0x84: {  	_ =	shalt  }
0x85: {  	_ =	shalt  }
0x86: {  	_ =	shalt  }
0x87: {  	_ =	shalt  }
.Lfunc_end0:
.L_simem_size_0:
called_computation.1_lowered:
.L_overlay_start_0:
0x88: {  	s2 =	sld [smem:$0x3FD9]  }
0x89: {  	s3 =	sld [smem:$0x3FFE];
	_ =	sdelay $0x1  }
0x8a: {  	s1 =	srdreg.scid  }
0x8b: {  	s0 =	sand.u32 $0x1, s1  }
0x8c: {  	s17 =	sshll.u32 s0, $0xA;
	s2 =	sadd.s32 s3, s2  }
0x8d: {  	s2 =	sadd.s32 s2, s17  }
0x8e: {  	[smem:$0x3FC2] =	sst s2  }
0x8f: {  	_ = 	snop  }
0x90: {  	s2 =	sld [smem:$0x3FD0];
	(tm) =	ssettm $0x1  }
0x91: {  	s18 =	sld [smem:$0x3FFB];
	_ =	sdelay $0x3  }
0x92: {  	_ =	strace s18  }
0x93: {  	s3 =	sld [smem:$0x3FFC];
	_ =	sdelay $0x3  }
0x94: {  	_ =	strace s3  }
0x95: {  	s3 =	sld [smem:$0x3FFD];
	_ =	sdelay $0x3  }
0x96: {  	_ =	strace s3  }
0x97: {  	_ =	strace $0x8FFFFFFF  }
0x98: {  	s19 =	sld [smem:$0x3FDB];
	_ =	sdelay $0x1  }
0x99: {  	s4 =	simm.s32 $_scs_section_size  }
0x9a: {  	s5 =	simm.s32 $_size__tile_overlayer_lowered;
	s6 =	simm.s32 $_tile_overlayer_lowered  }
0x9b: {  	s22 =	simm.s32 $0x1BFF;
	s21 =	sshll.u32 s6, $0x1;
	s3 =	sadd.s32 s4, s19  }
0x9c: {  	s7 =	simm.s32 $0x0;
	s20 =	sshll.u32 s5, $0x1;
	s5 =	sadd.s32 s21, s3  }
0x9d: {  	[timem:s7], [sflag:s22] =	dma.local [hbm:s5], s20  }
0x9e: {  	_ =	swait.ge [sflag:s22], s20  }
0x9f: {  	s4 =	ssub.s32 $0x0, s20;
	[sflag:s22] =	ssyncset.done $0x0  }
0xa0: {  	[sflag:s22] =	ssyncadd.s32 s4;
	_ =	sdelay $0x1  }
0xa1: {  	s23 =	simm.s32 $0x1B8B  }
0xa2: {  	_ =	swait.ge [sflag:s23], $0x1  }
0xa3: {  	[sflag:s23] =	ssyncset.done $0x0  }
0xa4: {  	s25 =	simm.s32 $0x1B8E;
	s24 =	sld [smem:$0x3FFE];
	[sflag:s23] =	ssyncadd.s32 $0xFFFFFFFF  }
0xa5: {  	s26 =	simm.s32 $execute0_lowered;
	[smem:$0x3FD2] =	sst s25  }
0xa6: {  	s5 =	sshll.u32 s26, $0x1;
	_ =	strace $0x80000049;
	[dreg:$0x1] =	wrdreg $0xFFFFFFFF  }
0xa7: {  	s28 =	simm.s32 $_size_execute0_lowered;
	s3 =	sadd.s32 s3, s5;
	[dreg:$0x0] =	wrdreg $0x0  }
0xa8: {  	s5 =	sshll.u32 s28, $0x1;
	[dreg:$0x2] =	wrdreg s3  }
0xa9: {  	[dreg:$0x3] =	wrdreg s5  }
0xaa: {  	[dreg:$0x4] =	wrdreg $0xC0  }
0xab: {  	_ =	task [dreg:s7], $0x5FFFF  }
0xac: {  	[dreg:$0x1] =	wrdreg $0xFFFFFFFF  }
0xad: {  	[dreg:$0x0] =	wrdreg $0x60  }
0xae: {  	[dreg:$0x2] =	wrdreg s2  }
0xaf: {  	[dreg:$0x3] =	wrdreg s24  }
0xb0: {  	[dreg:$0x4] =	wrdreg $0x7E000  }
0xb1: {  	[dreg:$0x5] =	wrdreg $0x9  }
0xb2: {  	_ =	task.clear_ibuf [dreg:s7], $0x6FFFF;
	_ =	strace $0x90000049  }
0xb3: {  	s29 =	simm.s32 $0x9;
	_ =	strace $0x8000004B  }
0xb4: {  	_ =	swait.ge [sflag:s29], $0x1  }
0xb5: {  	[sflag:s29] =	ssyncadd.s32 $0xFFFFFFFF  }
0xb6: {  	_ =	strace $0x9000004B  }
0xb7: {  	_ =	sfence  }
0xb8: {  	s30 =	sld [smem:$0x0];
	_ =	sdelay $0x2  }
0xb9: {  	s31 =	sshll.u32 s1, $0xD;
	s1 =	sshrl.u32 s1, $0x2  }
0xba: {  	s3 =	sand.u32 $0x4000, s31;
	s1 =	sadd.s32 s1, s30  }
0xbb: {  	s0 =	sor.u32 s3, s0;
	s1 =	sshll.u32 s1, $0x11  }
0xbc: {  	s0 =	sor.u32 s1, s0  }
0xbd: {  	s0 =	sadd.s32 $0x8F2B, s0  }
0xbe: {  	[sflag:s0] =	ssyncadd.remote.s32 $0x1  }
0xbf: {  	_ =	sfence.sel $0xFFFF  }
0xc0: {  	[dreg:$0x0] =	wrdreg $0xFFFFFFFF;
	(pc) =	sbr.abs _section_cstart, $3  }
0xc1: {  	[dreg:$0x1] =	wrdreg $0xFFFFFFFF  }
0xc2: {  	_ =	task.clear_ibuf [dreg:s7], $0x2FFFF;
	_ =	strace $0x9FFFFFFF  }
0xc3: {  	(tm) =	ssettm $0x7FFFFFFF  }
tec
execute0_lowered:
.L_overlay_start_1:
0x0: {  	(tag) =	ssettag $0x1  }
0x1: {  	s1 =	rddreg [dreg:$0x0]  }
0x2: {  	s0 =	srdreg.scid;
	s2 =	rddreg [dreg:$0x1]  }
0x3: {  	s10 =	stileid.u32;
	s3 =	rddreg [dreg:$0x2]  }
0x4: {  	s4 =	simm.s32 $0x0;
	s31 =	simm.s32 $0x100;
	s28 =	simm.s32 $0x380  }
0x5: {  	s29 =	simm.s32 $0x6;
	s30 =	simm.s32 $0x8;
	s8 =	smul.u32 $0x50000, s10  }
0x6: {  	s0 =	sand.u32 $0x1, s0;
	s6 =	smul.u32 $0x14000, s10;
	[smem:$0x7FF] =	sst s4  }
0x7: {  	s5 =	smul.u32 $0x140000, s0;
	_ =	strace $0x8000004A;
	s8 =	sshrl.u32 s8, $0x2  }
0x8: {  	s22 =	ssub.s32 $0x2, s0;
	s0 =	sshll.u32 s0, $0x4;
	s16 =	sadd.s32 s8, s3  }
0x9: {  	s9 =	sshrl.u32 s22, $0x1;
	s8 =	sadd.s32 $0x2800, s16;
	[dreg:$0x4] =	wrdreg s16  }
0xa: {  	s0 =	sor.u32 s10, s0;
	s23 =	sadd.s32 $0x5000, s16;
	[dreg:$0x5] =	wrdreg s8  }
0xb: {  	s5 =	sadd.s32 s6, s5;
	s24 =	sadd.s32 $0x7800, s16;
	[dreg:$0x6] =	wrdreg s23  }
0xc: {  	s6 =	sadd.s32 $0x17000, s2;
	s25 =	sadd.s32 $0xA000, s16;
	[dreg:$0x7] =	wrdreg s24  }
0xd: {  	s14 =	sshll.u32 s0, $0xB;
	s26 =	sadd.s32 $0xC800, s16;
	[dreg:$0x8] =	wrdreg s25  }
0xe: {  	s18 =	sshll.u32 s0, $0xE;
	s10 =	sadd.s32 $0xF000, s16;
	[dreg:$0x9] =	wrdreg s26  }
0xf: {  	s7 =	sshrl.u32 s5, $0x3;
	s12 =	sadd.s32 $0x11800, s16;
	[dreg:$0xa] =	wrdreg s10  }
0x10: {  	s5 =	sadd.s32 $0x27000, s2;
	s15 =	sadd.s32 s6, s14;
	[dreg:$0xb] =	wrdreg s12  }
0x11: {  	s2 =	sadd.s32 s7, s2;
	s20 =	sadd.s32 $0x10, s15;
	[dreg:$0xe] =	wrdreg s15  }
0x12: {  	s7 =	ssub.s32 s22, s9;
	s24 =	sadd.s32 $0x20, s15;
	[dreg:$0x11] =	wrdreg s20  }
0x13: {  	s9 =	smul.u32 $0x3E80, s0;
	s0 =	sadd.s32 $0x30, s15;
	[dreg:$0x16] =	wrdreg s24  }
0x14: {  	s14 =	simm.s32 $0x580;
	s2 =	sadd.s32 $0x46400, s2;
	[dreg:$0x19] =	wrdreg s0  }
0x15: {  	s22 =	smax.u32 s7, $0x1;
	s11 =	sshrl.u32 s9, $0x3;
	[dreg:$0x13] =	wrdreg s2  }
0x16: {  	s10 =	simm.s32 $0x480;
	[dreg:$0x14] =	wrdreg s22;
	s13 =	sadd.s32 s5, s11  }
0x17: {  	s15 =	simm.s32 $0x1;
	s11 =	sadd.s32 $0xFA00, s13;
	[dreg:$0xc] =	wrdreg s13  }
0x18: {  	s20 =	simm.s32 $0x2;
	s17 =	sadd.s32 $0x10, s13;
	[dreg:$0xd] =	wrdreg s11  }
0x19: {  	s24 =	simm.s32 $0x5600;
	s19 =	sadd.s32 $0xFA10, s13;
	[dreg:$0xf] =	wrdreg s17  }
0x1a: {  	s7 =	simm.s32 $0x0;
	s21 =	sadd.s32 $0x20, s13;
	[dreg:$0x10] =	wrdreg s19  }
0x1b: {  	s2 =	simm.s32 $0x600;
	s23 =	sadd.s32 $0xFA20, s13;
	[dreg:$0x12] =	wrdreg s21  }
.Ltmp0:
0x1c: {  	s25 =	sadd.s32 $0x30, s13;
	[dreg:$0x15] =	wrdreg s23;
	(pc) =	sbr.rel .LBB2_1-.Ltmp0, $4  }
0x1d: {  	s22 =	simm.s32 $0x4;
	s26 =	sadd.s32 $0xFA30, s13;
	[dreg:$0x17] =	wrdreg s25  }
0x1e: {  	s13 =	simm.s32 $0x500;
	[dreg:$0x18] =	wrdreg s26;
	s23 =	simm.s32 $0xA  }
0x1f: {  	s11 =	simm.s32 $0x80;
	s17 =	simm.s32 $0x50;
	s21 =	simm.s32 $0x2E00  }
0x20: {  	v0 =	vimm.f32 $0.0e+00;
	s25 =	simm.s32 $0x7;
	s26 =	simm.s32 $0x5;
	s19 =	simm.s32 $0x9  }
.LBB2_16:
0x21: {  	_ =	swait.ge [sflag:s30], $0x2800  }
0x22: {  	[sflag:s30] =	ssyncset.done $0x0  }
0x23: {  	[sflag:s30] =	ssyncadd.s32 $0xFFFFD800  }
0x24: {  	s0 =	stileid.u32;
	[bflag:$0x0] =	sbarrier.arrive $0xFFFF  }
0x25: {  	s23 =	simm.s32 $0xA;
	s0 =	sshll.u32 s0, $0x6;
	s16 =	rddreg [dreg:$0x4]  }
0x26: {  	s0 =	sor.u32 $0x1C0A, s0;
	s8 =	rddreg [dreg:$0x13];
	s7 =	sshrl.u32 s16, $0x3  }
0x27: {  	[hbm:s8], [sflag:s0] =	dma.local [spmem:s7], $0x2800  }
0x28: {  	_ =	swait.ge [sflag:s23], $0x2800  }
0x29: {  	s8 =	rddreg [dreg:$0x1a]  }
0x2a: {  	s12 =	rddreg [dreg:$0x14];
	s7 =	sadd.s32 $0x1, s8  }
0x2b: {  	p0 =	sne.s32 s7, s12  }
.Ltmp1:
0x2c: {  	_ = 	snop;
	(pc) =	sbr.rel @!p0 .LBB2_17-.Ltmp1, $3  }
0x2d: {  	_ =	sdelay $0x1  }
0x2e: {  	[sflag:s23] =	ssyncset.done $0x0  }
0x2f: {  	s31 =	simm.s32 $0x100;
	[sflag:s23] =	ssyncadd.s32 $0xFFFFD800  }
.LBB2_1:
0x30: {  	s0 =	sand.u32 $0xFE00, s4  }
0x31: {  	[dreg:$0x1a] =	wrdreg s7;
	s12 =	sand.u32 $0x70, s4;
	s8 =	sshrl.u32 s0, $0x2  }
0x32: {  	s7 =	simm.s32 $0x0;
	s0 =	simm.s32 $0x40;
	s8 =	sor.u32 s12, s8  }
.LBB2_2:
0x33: {  	p0 =	sne.s32 s0, $0x9FC0  }
0x34: {  	[tilespmem:s8+$0x600] =	vst v0;
	s7 =	sadd.s32 $0x10, s7;
	s8 =	smov.u32 s0;
	s0 =	sadd.s32 $0x40, s0  }
.Ltmp2:
0x35: {  	(pc) =	sbr.rel @p0 .LBB2_2-.Ltmp2, $4  }
0x36: {  	_ = 	snop  }
0x37: {  	s8 =	sand.u32 $0xFE00, s8  }
0x38: {  	s12 =	sand.u32 $0x70, s7;
	s8 =	sshrl.u32 s8, $0x2  }
0x39: {  	s8 =	sor.u32 s12, s8  }
0x3a: {  	[tilespmem:s8+$0x600] =	vst v0  }
0x3b: {  	[spmem:s16] =	stream.linear.scatter [tilespmem:s2], [sflag:$0xA], $0x2800, $0x38;
	[tilespmem:$0x1BE00] =	vst v63  }
0x3c: {  	_ =	swait.ge [sflag:s23], $0x2800  }
0x3d: {  	[sflag:s23] =	ssyncset.done $0x0  }
0x3e: {  	s0 =	rddreg [dreg:$0x5];
	[sflag:s23] =	ssyncadd.s32 $0xFFFFD800  }
0x3f: {  	[spmem:s0] =	stream.linear.scatter [tilespmem:s2], [sflag:$0xA], $0x2800, $0x38;
	[tilespmem:$0x1BE00] =	vst v63  }
0x40: {  	_ =	swait.ge [sflag:s23], $0x2800  }
0x41: {  	[sflag:s23] =	ssyncset.done $0x0  }
0x42: {  	s8 =	rddreg [dreg:$0x6];
	[sflag:s23] =	ssyncadd.s32 $0xFFFFD800  }
0x43: {  	[spmem:s8] =	stream.linear.scatter [tilespmem:s2], [sflag:$0xA], $0x2800, $0x38;
	[tilespmem:$0x1BE00] =	vst v63  }
0x44: {  	_ =	swait.ge [sflag:s23], $0x2800  }
0x45: {  	[sflag:s23] =	ssyncset.done $0x0  }
0x46: {  	s12 =	rddreg [dreg:$0x7];
	[sflag:s23] =	ssyncadd.s32 $0xFFFFD800  }
0x47: {  	[spmem:s12] =	stream.linear.scatter [tilespmem:s2], [sflag:$0xA], $0x2800, $0x38;
	[tilespmem:$0x1BE00] =	vst v63  }
0x48: {  	_ =	swait.ge [sflag:s23], $0x2800  }
0x49: {  	[sflag:s23] =	ssyncset.done $0x0  }
0x4a: {  	s16 =	rddreg [dreg:$0x8];
	[sflag:s23] =	ssyncadd.s32 $0xFFFFD800  }
0x4b: {  	[spmem:s16] =	stream.linear.scatter [tilespmem:s2], [sflag:$0xA], $0x2800, $0x38;
	[tilespmem:$0x1BE00] =	vst v63  }
0x4c: {  	_ =	swait.ge [sflag:s23], $0x2800  }
0x4d: {  	[sflag:s23] =	ssyncset.done $0x0  }
0x4e: {  	s7 =	rddreg [dreg:$0x9];
	[sflag:s23] =	ssyncadd.s32 $0xFFFFD800  }
0x4f: {  	[spmem:s7] =	stream.linear.scatter [tilespmem:s2], [sflag:$0xA], $0x2800, $0x38;
	[tilespmem:$0x1BE00] =	vst v63  }
0x50: {  	_ =	swait.ge [sflag:s23], $0x2800  }
0x51: {  	[sflag:s23] =	ssyncset.done $0x0  }
0x52: {  	s8 =	rddreg [dreg:$0xa];
	[sflag:s23] =	ssyncadd.s32 $0xFFFFD800  }
0x53: {  	[spmem:s8] =	stream.linear.scatter [tilespmem:s2], [sflag:$0xA], $0x2800, $0x38;
	[tilespmem:$0x1BE00] =	vst v63  }
0x54: {  	_ =	swait.ge [sflag:s23], $0x2800  }
0x55: {  	[sflag:s23] =	ssyncset.done $0x0  }
0x56: {  	s12 =	rddreg [dreg:$0xb];
	[sflag:s23] =	ssyncadd.s32 $0xFFFFD800  }
0x57: {  	[spmem:s12] =	stream.linear.scatter [tilespmem:s2], [sflag:$0xA], $0x2800, $0x38;
	[tilespmem:$0x1BE00] =	vst v63  }
0x58: {  	_ =	swait.ge [sflag:s23], $0x2800  }
0x59: {  	[sflag:s23] =	ssyncset.done $0x0  }
0x5a: {  	[sflag:s23] =	ssyncadd.s32 $0xFFFFD800  }
0x5b: {  	[bflag:$0x0] =	sbarrier.arrive $0xFFFF  }
0x5c: {  	s16 =	rddreg [dreg:$0xc]  }
0x5d: {  	[tilespmem:s4], [sflag:$0x1] =	stream.linear.gather [hbm4b:s16+s4], $0x80, $0x38;
	[tilespmem:$0x1BE00] =	vst v63  }
0x5e: {  	s7 =	simm.s32 $0x180;
	s23 =	rddreg [dreg:$0xd]  }
0x5f: {  	[tilespmem:s7], [sflag:$0x1] =	stream.linear.gather [hbm4b:s23+s4], $0x80, $0x38;
	[tilespmem:$0x1BE00] =	vst v63  }
0x60: {  	s8 =	rddreg [dreg:$0xe]  }
0x61: {  	[tilespmem:s10], [sflag:$0x1] =	stream.linear.gather [hbm4b:s8+s4], $0x80, $0x38;
	[tilespmem:$0x1BE00] =	vst v63  }
0x62: {  	s12 =	rddreg [dreg:$0xf]  }
0x63: {  	[tilespmem:s11], [sflag:$0x2] =	stream.linear.gather [hbm4b:s12+s4], $0x80, $0x38;
	[tilespmem:$0x1BE00] =	vst v63  }
0x64: {  	s16 =	rddreg [dreg:$0x10];
	s23 =	simm.s32 $0x200  }
0x65: {  	[tilespmem:s23], [sflag:$0x2] =	stream.linear.gather [hbm4b:s16+s4], $0x80, $0x38;
	[tilespmem:$0x1BE00] =	vst v63  }
0x66: {  	s8 =	rddreg [dreg:$0x11]  }
0x67: {  	[tilespmem:s13], [sflag:$0x2] =	stream.linear.gather [hbm4b:s8+s4], $0x80, $0x38;
	[tilespmem:$0x1BE00] =	vst v63  }
0x68: {  	s12 =	rddreg [dreg:$0x12]  }
0x69: {  	[tilespmem:s31], [sflag:$0x3] =	stream.linear.gather [hbm4b:s12+s4], $0x80, $0x38;
	[tilespmem:$0x1BE00] =	vst v63  }
0x6a: {  	s16 =	rddreg [dreg:$0x15];
	s23 =	simm.s32 $0x280  }
0x6b: {  	[tilespmem:s23], [sflag:$0x3] =	stream.linear.gather [hbm4b:s16+s4], $0x80, $0x38;
	[tilespmem:$0x1BE00] =	vst v63  }
0x6c: {  	s8 =	rddreg [dreg:$0x16]  }
0x6d: {  	[tilespmem:s14], [sflag:$0x3] =	stream.linear.gather [hbm4b:s8+s4], $0x80, $0x38;
	[tilespmem:$0x1BE00] =	vst v63  }
0x6e: {  	_ =	swait.ge [sflag:s15], $0x80  }
0x6f: {  	[sflag:s15] =	ssyncset.done $0x0  }
0x70: {  	[sflag:s15] =	ssyncadd.s32 $0xFFFFFF80  }
0x71: {  	_ =	swait.ge [sflag:s15], $0x80  }
0x72: {  	[sflag:s15] =	ssyncset.done $0x0  }
0x73: {  	[sflag:s15] =	ssyncadd.s32 $0xFFFFFF80  }
0x74: {  	_ =	swait.ge [sflag:s15], $0x80  }
0x75: {  	[sflag:s15] =	ssyncset.done $0x0  }
0x76: {  	[sflag:s15] =	ssyncadd.s32 $0xFFFFFF80  }
0x77: {  	[tilespmem:s2], [sflag:$0x4] =	stream.indirect.gather [hbm4b:s1+s17], $0x80, s4, s17, $0xb8;
	[tilespmem:$0x1BE00] =	vst v63  }
0x78: {  	_ =	swait.ge [sflag:s20], $0x80  }
0x79: {  	[sflag:s20] =	ssyncset.done $0x0  }
0x7a: {  	[sflag:s20] =	ssyncadd.s32 $0xFFFFFF80  }
0x7b: {  	_ =	swait.ge [sflag:s20], $0x80  }
0x7c: {  	[sflag:s20] =	ssyncset.done $0x0  }
0x7d: {  	s12 =	simm.s32 $0x0;
	[sflag:s20] =	ssyncadd.s32 $0xFFFFFF80  }
0x7e: {  	v1 =	vmov s12;
	_ =	swait.ge [sflag:s20], $0x80  }
0x7f: {  	v1 =	vand.u32 $0xFFFFFFFC, v1;
	[sflag:s20] =	ssyncset.done $0x0  }
0x80: {  	v1 =	vbroadcast v1, $0x0;
	[sflag:s20] =	ssyncadd.s32 $0xFFFFFF80  }
0x81: {  	[tilespmem:s21], [sflag:$0x5] =	stream.indirect.gather [hbm4b:s1+s17], $0x80, s11, s17, $0xb8;
	[tilespmem:$0x1BE00] =	vst v63  }
0x82: {  	_ =	swait.ge [sflag:s22], $0x2800  }
0x83: {  	[sflag:s22] =	ssyncset.done $0x0  }
0x84: {  	s7 =	simm.s32 $0x700;
	[sflag:s22] =	ssyncadd.s32 $0xFFFFD800  }
0x85: {  	v3 =	vld [tilespmem:s7+$0xFFFFFF70]  }
0x86: {  	v1 =	vld.idx.msk [tilespmem:v1+s10+$0x0], $0xffff  }
0x87: {  	v4 =	vld [tilespmem:s7+$0xFFFFFF00]  }
0x88: {  	v5 =	vld [tilespmem:s7+$0xFFFFFF20]  }
0x89: {  	v6 =	vld [tilespmem:s7+$0xFFFFFF30]  }
0x8a: {  	v2 =	vld [tilespmem:s7+$0xFFFFFF50]  }
0x8b: {  	v8 =	vld [tilespmem:s7+$0xFFFFFF10];
	v3 =	vmul.f32 v3, v1  }
0x8c: {  	s16 =	simm.s32 $0x1;
	v7 =	vld [tilespmem:s7+$0xFFFFFF60];
	v4 =	vmul.f32 v4, v1  }
0x8d: {  	v9 =	vld [tilespmem:s7+$0xFFFFFF40];
	v5 =	vmul.f32 v5, v1;
	[tilespmem:s7+$0xFFFFFF70] =	vst v3;
	v3 =	vmov s16  }
0x8e: {  	v6 =	vmul.f32 v6, v1;
	[tilespmem:s7+$0xFFFFFF00] =	vst v4;
	v3 =	vand.u32 $0xFFFFFFFD, v3  }
0x8f: {  	v2 =	vmul.f32 v2, v1;
	[tilespmem:s7+$0xFFFFFF20] =	vst v5;
	v3 =	vbroadcast v3, $0x0  }
0x90: {  	v4 =	vmul.f32 v8, v1;
	[tilespmem:s7+$0xFFFFFF30] =	vst v6  }
0x91: {  	v5 =	vmul.f32 v7, v1;
	[tilespmem:s7+$0xFFFFFF50] =	vst v2  }
0x92: {  	v1 =	vmul.f32 v9, v1;
	[tilespmem:s7+$0xFFFFFF10] =	vst v4  }
0x93: {  	[tilespmem:s7+$0xFFFFFF60] =	vst v5  }
0x94: {  	[tilespmem:s7+$0xFFFFFF40] =	vst v1;
	v1 =	vld [tilespmem:s7+$0xFFFFFF80]  }
0x95: {  	v3 =	vld.idx.msk [tilespmem:v3+s10+$0x0], $0xffff  }
0x96: {  	v2 =	vld [tilespmem:s7+$0xFFFFFFA0]  }
0x97: {  	v4 =	vld [tilespmem:s7+$0xFFFFFF90]  }
0x98: {  	v5 =	vld [tilespmem:s7+$0xFFFFFFD0]  }
0x99: {  	v6 =	vld [tilespmem:s7+$0xFFFFFFE0]  }
0x9a: {  	v7 =	vld [tilespmem:s7+$0xFFFFFFF0];
	v1 =	vmul.f32 v1, v3  }
0x9b: {  	s23 =	simm.s32 $0x2;
	v8 =	vld [tilespmem:s7+$0xFFFFFFB0];
	v2 =	vmul.f32 v2, v3  }
0x9c: {  	v63 =	vld [tilespmem:s7+$0xFFFFFFC0];
	v4 =	vmul.f32 v4, v3;
	[tilespmem:s7+$0xFFFFFF80] =	vst v1;
	v1 =	vmov s23  }
0x9d: {  	v5 =	vmul.f32 v5, v3;
	[tilespmem:s7+$0xFFFFFFA0] =	vst v2;
	v1 =	vand.u32 $0xFFFFFFFE, v1  }
0x9e: {  	v2 =	vmul.f32 v6, v3;
	[tilespmem:s7+$0xFFFFFF90] =	vst v4;
	v4 =	vbroadcast v1, $0x0  }
0x9f: {  	v6 =	vmul.f32 v7, v3;
	[tilespmem:s7+$0xFFFFFFD0] =	vst v5;
	v7 =	vld [tilespmem:s7+$0x30]  }
0xa0: {  	v5 =	vmul.f32 v8, v3;
	v1 =	vld [tilespmem:s7+$0x40];
	[tilespmem:s7+$0xFFFFFFE0] =	vst v2  }
0xa1: {  	v3 =	vmul.f32 v63, v3;
	v2 =	vld [tilespmem:s7+$0x70];
	[tilespmem:s7+$0xFFFFFFF0] =	vst v6  }
0xa2: {  	[tilespmem:s7+$0xFFFFFFB0] =	vst v5;
	v5 =	vld [tilespmem:s7+$0x20]  }
0xa3: {  	[tilespmem:s7+$0xFFFFFFC0] =	vst v3;
	v6 =	vld [tilespmem:s7+$0x0]  }
0xa4: {  	v3 =	vld.idx.msk [tilespmem:v4+s10+$0x0], $0xffff  }
0xa5: {  	s0 =	simm.s32 $0x3;
	s8 =	simm.s32 $0x700;
	s16 =	simm.s32 $0x7;
	v4 =	vld [tilespmem:s7+$0x10]  }
.LBB2_4:
0xa6: {  	p0 =	sne.s32 s16, $0x4F  }
0xa7: {  	v8 =	vld [tilespmem:s7+$0x50];
	s8 =	sadd.s32 $0x200, s8;
	s12 =	smov.u32 s16;
	s16 =	sadd.s32 $0x4, s16  }
0xa8: {  	v9 =	vld [tilespmem:s7+$0x60];
	_ =	sdelay $0x1  }
0xa9: {  	v6 =	vmul.f32 v6, v3;
	v4 =	vmul.f32 v4, v3  }
0xaa: {  	v5 =	vmul.f32 v5, v3;
	v7 =	vmul.f32 v7, v3  }
0xab: {  	v1 =	vmul.f32 v1, v3;
	v2 =	vmul.f32 v2, v3;
	[tilespmem:s7+$0x0] =	vst v6  }
0xac: {  	[tilespmem:s7+$0x20] =	vst v5;
	v5 =	vmul.f32 v8, v3;
	v3 =	vmul.f32 v9, v3  }
0xad: {  	[tilespmem:s7+$0x30] =	vst v7;
	v6 =	vld [tilespmem:s7+$0x80]  }
0xae: {  	[tilespmem:s7+$0x60] =	vst v3;
	v3 =	vmov s0;
	v7 =	vld [tilespmem:s7+$0xD0];
	s0 =	smov.u32 s12  }
0xaf: {  	[tilespmem:s7+$0x50] =	vst v5;
	v5 =	vld [tilespmem:s7+$0xE0]  }
0xb0: {  	[tilespmem:s7+$0x40] =	vst v1;
	v8 =	vld [tilespmem:s7+$0xB0]  }
0xb1: {  	v1 =	vld [tilespmem:s8+$0x40];
	[tilespmem:s7+$0x70] =	vst v2  }
0xb2: {  	v2 =	vld [tilespmem:s8+$0x70];
	[tilespmem:s7+$0x10] =	vst v4  }
0xb3: {  	v3 =	vld.idx.msk [tilespmem:v3+s10+$0x0], $0xffff  }
0xb4: {  	v4 =	vld [tilespmem:s7+$0x90]  }
0xb5: {  	v9 =	vld [tilespmem:s7+$0xA0]  }
0xb6: {  	v10 =	vld [tilespmem:s7+$0xC0]  }
0xb7: {  	v11 =	vld [tilespmem:s7+$0xF0];
	_ =	sdelay $0x1  }
0xb8: {  	v6 =	vmul.f32 v6, v3;
	v4 =	vmul.f32 v4, v3  }
0xb9: {  	s12 =	sadd.s32 $0xFFFFFFFD, s0;
	v8 =	vmul.f32 v8, v3;
	v9 =	vmul.f32 v9, v3  }
0xba: {  	v12 =	vmov s12;
	v7 =	vmul.f32 v7, v3;
	[tilespmem:s7+$0x80] =	vst v6;
	v6 =	vmul.f32 v10, v3  }
0xbb: {  	v10 =	vand.u32 $0xFFFFFFFC, v12;
	[tilespmem:s7+$0x90] =	vst v4;
	v4 =	vmul.f32 v5, v3;
	v3 =	vmul.f32 v11, v3  }
0xbc: {  	v5 =	vbroadcast v10, $0x0;
	[tilespmem:s7+$0xA0] =	vst v9  }
0xbd: {  	[tilespmem:s7+$0xD0] =	vst v7  }
0xbe: {  	v7 =	vld [tilespmem:s8+$0xFFFFFF50];
	[tilespmem:s7+$0xB0] =	vst v8  }
0xbf: {  	v8 =	vld [tilespmem:s8+$0xFFFFFF30];
	[tilespmem:s7+$0xC0] =	vst v6  }
0xc0: {  	v6 =	vld [tilespmem:s8+$0xFFFFFF60];
	[tilespmem:s7+$0xE0] =	vst v4  }
0xc1: {  	v4 =	vld [tilespmem:s8+$0xFFFFFF70];
	[tilespmem:s7+$0xF0] =	vst v3;
	s7 =	smov.u32 s8  }
0xc2: {  	v3 =	vld.idx.msk [tilespmem:v5+s10+$0x0], $0xffff  }
0xc3: {  	v5 =	vld [tilespmem:s8+$0xFFFFFF00]  }
0xc4: {  	v9 =	vld [tilespmem:s8+$0xFFFFFF20]  }
0xc5: {  	v10 =	vld [tilespmem:s8+$0xFFFFFF10]  }
0xc6: {  	v11 =	vld [tilespmem:s8+$0xFFFFFF40];
	_ =	sdelay $0x1  }
0xc7: {  	v4 =	vmul.f32 v4, v3;
	v5 =	vmul.f32 v5, v3  }
0xc8: {  	s12 =	sadd.s32 $0xFFFFFFFE, s0;
	v6 =	vmul.f32 v6, v3;
	v9 =	vmul.f32 v9, v3  }
0xc9: {  	v8 =	vmul.f32 v8, v3;
	v10 =	vmul.f32 v10, v3;
	[tilespmem:s8+$0xFFFFFF70] =	vst v4;
	v4 =	vmov s12  }
0xca: {  	[tilespmem:s8+$0xFFFFFF00] =	vst v5;
	v5 =	vmul.f32 v11, v3;
	v3 =	vmul.f32 v7, v3;
	v4 =	vand.u32 $0xFFFFFFFD, v4  }
0xcb: {  	[tilespmem:s8+$0xFFFFFF20] =	vst v9;
	v4 =	vbroadcast v4, $0x0  }
0xcc: {  	[tilespmem:s8+$0xFFFFFF30] =	vst v8  }
0xcd: {  	[tilespmem:s8+$0xFFFFFF50] =	vst v3;
	v3 =	vld [tilespmem:s8+$0xFFFFFFF0]  }
0xce: {  	[tilespmem:s8+$0xFFFFFF10] =	vst v10;
	v7 =	vld [tilespmem:s8+$0xFFFFFFD0]  }
0xcf: {  	[tilespmem:s8+$0xFFFFFF60] =	vst v6;
	v6 =	vld [tilespmem:s8+$0xFFFFFFB0]  }
0xd0: {  	[tilespmem:s8+$0xFFFFFF40] =	vst v5;
	v5 =	vld [tilespmem:s8+$0xFFFFFF90]  }
0xd1: {  	v4 =	vld.idx.msk [tilespmem:v4+s10+$0x0], $0xffff  }
0xd2: {  	v8 =	vld [tilespmem:s8+$0xFFFFFF80]  }
0xd3: {  	v9 =	vld [tilespmem:s8+$0xFFFFFFA0]  }
0xd4: {  	v10 =	vld [tilespmem:s8+$0xFFFFFFC0]  }
0xd5: {  	v11 =	vld [tilespmem:s8+$0xFFFFFFE0];
	_ =	sdelay $0x1  }
0xd6: {  	v5 =	vmul.f32 v5, v4;
	v8 =	vmul.f32 v8, v4  }
0xd7: {  	s12 =	sadd.s32 $0xFFFFFFFF, s0;
	v6 =	vmul.f32 v6, v4;
	v9 =	vmul.f32 v9, v4  }
0xd8: {  	v7 =	vmul.f32 v7, v4;
	[tilespmem:s8+$0xFFFFFF80] =	vst v8;
	v8 =	vmul.f32 v10, v4;
	v10 =	vmov s12  }
0xd9: {  	v3 =	vmul.f32 v3, v4;
	[tilespmem:s8+$0xFFFFFFA0] =	vst v9;
	v9 =	vmul.f32 v11, v4;
	v4 =	vand.u32 $0xFFFFFFFE, v10  }
0xda: {  	[tilespmem:s8+$0xFFFFFF90] =	vst v5;
	v4 =	vbroadcast v4, $0x0  }
0xdb: {  	[tilespmem:s8+$0xFFFFFFD0] =	vst v7  }
0xdc: {  	[tilespmem:s8+$0xFFFFFFE0] =	vst v9  }
0xdd: {  	[tilespmem:s8+$0xFFFFFFB0] =	vst v6  }
.Ltmp3:
0xde: {  	[tilespmem:s8+$0xFFFFFFF0] =	vst v3;
	v5 =	vld [tilespmem:s8+$0x20];
	(pc) =	sbr.rel @p0 .LBB2_4-.Ltmp3, $4  }
0xdf: {  	[tilespmem:s8+$0xFFFFFFC0] =	vst v8;
	v6 =	vld [tilespmem:s8+$0x0]  }
0xe0: {  	v3 =	vld.idx.msk [tilespmem:v4+s10+$0x0], $0xffff  }
0xe1: {  	v4 =	vld [tilespmem:s8+$0x10]  }
0xe2: {  	v7 =	vld [tilespmem:s8+$0x30]  }
0xe3: {  	v8 =	vld [tilespmem:s7+$0x60];
	_ =	sdelay $0x1  }
0xe4: {  	v6 =	vmul.f32 v6, v3  }
0xe5: {  	v9 =	vld [tilespmem:s7+$0x50];
	v5 =	vmul.f32 v5, v3  }
0xe6: {  	v1 =	vmul.f32 v1, v3;
	[tilespmem:s7+$0x0] =	vst v6  }
0xe7: {  	[tilespmem:s7+$0x20] =	vst v5;
	v5 =	vmul.f32 v8, v3  }
0xe8: {  	v2 =	vmul.f32 v2, v3;
	[tilespmem:s7+$0x40] =	vst v1  }
0xe9: {  	v7 =	vmul.f32 v7, v3;
	[tilespmem:s7+$0x60] =	vst v5;
	v5 =	vmov s0  }
0xea: {  	[tilespmem:s7+$0x70] =	vst v2;
	v6 =	vmul.f32 v9, v3  }
0xeb: {  	v3 =	vmul.f32 v4, v3;
	[tilespmem:s7+$0x30] =	vst v7  }
0xec: {  	[tilespmem:s7+$0x50] =	vst v6  }
0xed: {  	v7 =	vld [tilespmem:s7+$0x80];
	[tilespmem:s7+$0x10] =	vst v3  }
0xee: {  	v1 =	vld.idx.msk [tilespmem:v5+s10+$0x0], $0xffff  }
0xef: {  	v2 =	vld [tilespmem:s7+$0x90]  }
0xf0: {  	v3 =	vld [tilespmem:s7+$0xA0]  }
0xf1: {  	v4 =	vld [tilespmem:s7+$0xD0]  }
0xf2: {  	v5 =	vld [tilespmem:s7+$0xB0]  }
0xf3: {  	v6 =	vld [tilespmem:s7+$0xC0];
	v7 =	vmul.f32 v7, v1  }
0xf4: {  	v8 =	vld [tilespmem:s7+$0xE0];
	v2 =	vmul.f32 v2, v1  }
0xf5: {  	v61 =	vld [tilespmem:s7+$0xF0];
	v3 =	vmul.f32 v3, v1;
	[tilespmem:s7+$0x80] =	vst v7  }
0xf6: {  	v4 =	vmul.f32 v4, v1;
	[tilespmem:s7+$0x90] =	vst v2  }
0xf7: {  	v2 =	vmul.f32 v5, v1;
	[tilespmem:s7+$0xA0] =	vst v3  }
0xf8: {  	v3 =	vmul.f32 v6, v1;
	[tilespmem:s7+$0xD0] =	vst v4  }
0xf9: {  	v4 =	vmul.f32 v8, v1;
	[tilespmem:s7+$0xB0] =	vst v2  }
0xfa: {  	v1 =	vmul.f32 v61, v1;
	[tilespmem:s7+$0xC0] =	vst v3  }
0xfb: {  	[tilespmem:s7+$0xE0] =	vst v4  }
0xfc: {  	[tilespmem:s7+$0xF0] =	vst v1  }
0xfd: {  	v1 =	vld [tilespmem:$0x180]  }
0xfe: {  	v2 =	vld [tilespmem:$0x190]  }
0xff: {  	v3 =	vld [tilespmem:$0x1A0]  }
0x100: {  	v4 =	vld [tilespmem:$0x1B0]  }
0x101: {  	v5 =	vld [tilespmem:$0x1C0]  }
0x102: {  	[tilespmem:$0x300] =	vst v1  }
0x103: {  	[tilespmem:$0x310] =	vst v2  }
0x104: {  	[tilespmem:$0x320] =	vst v3  }
0x105: {  	[tilespmem:$0x330] =	vst v4  }
0x106: {  	s16 =	simm.s32 $0x300;
	s7 =	simm.s32 $0x3;
	[tilespmem:$0x340] =	vst v5  }
0x107: {  	[spmem:s3] =	stream.indirect.scatter.add.f32 [tilespmem:s2], [sflag:$0x7], $0x80, s16, s17, $0xb8;
	[tilespmem:$0x1BE00] =	vst v63  }
0x108: {  	_ =	swait.ge [sflag:s7], $0x80  }
0x109: {  	[sflag:s7] =	ssyncset.done $0x0  }
0x10a: {  	[sflag:s7] =	ssyncadd.s32 $0xFFFFFF80  }
0x10b: {  	_ =	swait.ge [sflag:s7], $0x80  }
0x10c: {  	[sflag:s7] =	ssyncset.done $0x0  }
0x10d: {  	[sflag:s7] =	ssyncadd.s32 $0xFFFFFF80  }
0x10e: {  	_ =	swait.ge [sflag:s7], $0x80  }
0x10f: {  	[sflag:s7] =	ssyncset.done $0x0  }
0x110: {  	[sflag:s7] =	ssyncadd.s32 $0xFFFFFF80  }
0x111: {  	[tilespmem:s24], [sflag:$0x6] =	stream.indirect.gather [hbm4b:s1+s17], $0x80, s31, s17, $0xb8;
	[tilespmem:$0x1BE00] =	vst v63  }
0x112: {  	_ =	swait.ge [sflag:s25], $0x2800  }
0x113: {  	[sflag:s25] =	ssyncset.done $0x0  }
0x114: {  	s31 =	simm.s32 $0x0;
	s23 =	rddreg [dreg:$0x17];
	[sflag:s25] =	ssyncadd.s32 $0xFFFFD800  }
0x115: {  	[tilespmem:s4], [sflag:$0x1] =	stream.linear.gather [hbm4b:s23+s4], $0x80, $0x38;
	[tilespmem:$0x1BE00] =	vst v63  }
0x116: {  	s12 =	simm.s32 $0x180;
	v1 =	vmov s31;
	s8 =	rddreg [dreg:$0x18]  }
0x117: {  	v1 =	vand.u32 $0xFFFFFFFC, v1;
	[tilespmem:s12], [sflag:$0x1] =	stream.linear.gather [hbm4b:s8+s4], $0x80, $0x38;
	[tilespmem:$0x1BE00] =	vst v63  }
0x118: {  	s16 =	rddreg [dreg:$0x19];
	v1 =	vbroadcast v1, $0x0  }
0x119: {  	[tilespmem:s10], [sflag:$0x1] =	stream.linear.gather [hbm4b:s16+s4], $0x80, $0x38;
	[tilespmem:$0x1BE00] =	vst v63  }
0x11a: {  	_ =	swait.ge [sflag:s26], $0x2800  }
0x11b: {  	[sflag:s26] =	ssyncset.done $0x0  }
0x11c: {  	s0 =	simm.s32 $0x2F00;
	[sflag:s26] =	ssyncadd.s32 $0xFFFFD800  }
0x11d: {  	v3 =	vld [tilespmem:s0+$0xFFFFFF70]  }
0x11e: {  	v1 =	vld.idx.msk [tilespmem:v1+s13+$0x0], $0xffff  }
0x11f: {  	v4 =	vld [tilespmem:s0+$0xFFFFFF00]  }
0x120: {  	v5 =	vld [tilespmem:s0+$0xFFFFFF20]  }
0x121: {  	v6 =	vld [tilespmem:s0+$0xFFFFFF30]  }
0x122: {  	v2 =	vld [tilespmem:s0+$0xFFFFFF50]  }
0x123: {  	v8 =	vld [tilespmem:s0+$0xFFFFFF10];
	v3 =	vmul.f32 v3, v1  }
0x124: {  	s23 =	simm.s32 $0x1;
	v7 =	vld [tilespmem:s0+$0xFFFFFF60];
	v4 =	vmul.f32 v4, v1  }
0x125: {  	v62 =	vld [tilespmem:s0+$0xFFFFFF40];
	v5 =	vmul.f32 v5, v1;
	[tilespmem:s0+$0xFFFFFF70] =	vst v3;
	v3 =	vmov s23  }
0x126: {  	v6 =	vmul.f32 v6, v1;
	[tilespmem:s0+$0xFFFFFF00] =	vst v4;
	v3 =	vand.u32 $0xFFFFFFFD, v3  }
0x127: {  	v2 =	vmul.f32 v2, v1;
	[tilespmem:s0+$0xFFFFFF20] =	vst v5;
	v3 =	vbroadcast v3, $0x0  }
0x128: {  	v4 =	vmul.f32 v8, v1;
	[tilespmem:s0+$0xFFFFFF30] =	vst v6  }
0x129: {  	v5 =	vmul.f32 v7, v1;
	[tilespmem:s0+$0xFFFFFF50] =	vst v2  }
0x12a: {  	v1 =	vmul.f32 v62, v1;
	[tilespmem:s0+$0xFFFFFF10] =	vst v4  }
0x12b: {  	[tilespmem:s0+$0xFFFFFF60] =	vst v5  }
0x12c: {  	[tilespmem:s0+$0xFFFFFF40] =	vst v1;
	v1 =	vld [tilespmem:s0+$0xFFFFFF80]  }
0x12d: {  	v3 =	vld.idx.msk [tilespmem:v3+s13+$0x0], $0xffff  }
0x12e: {  	v2 =	vld [tilespmem:s0+$0xFFFFFFA0]  }
0x12f: {  	v4 =	vld [tilespmem:s0+$0xFFFFFF90]  }
0x130: {  	v5 =	vld [tilespmem:s0+$0xFFFFFFD0]  }
0x131: {  	v6 =	vld [tilespmem:s0+$0xFFFFFFE0]  }
0x132: {  	v7 =	vld [tilespmem:s0+$0xFFFFFFF0];
	v1 =	vmul.f32 v1, v3  }
0x133: {  	s31 =	simm.s32 $0x2;
	v8 =	vld [tilespmem:s0+$0xFFFFFFB0];
	v2 =	vmul.f32 v2, v3  }
0x134: {  	v63 =	vld [tilespmem:s0+$0xFFFFFFC0];
	v4 =	vmul.f32 v4, v3;
	[tilespmem:s0+$0xFFFFFF80] =	vst v1;
	v1 =	vmov s31  }
0x135: {  	v5 =	vmul.f32 v5, v3;
	[tilespmem:s0+$0xFFFFFFA0] =	vst v2;
	v1 =	vand.u32 $0xFFFFFFFE, v1  }
0x136: {  	v2 =	vmul.f32 v6, v3;
	[tilespmem:s0+$0xFFFFFF90] =	vst v4;
	v4 =	vbroadcast v1, $0x0  }
0x137: {  	v6 =	vmul.f32 v7, v3;
	[tilespmem:s0+$0xFFFFFFD0] =	vst v5;
	v7 =	vld [tilespmem:s0+$0x30]  }
0x138: {  	v5 =	vmul.f32 v8, v3;
	v1 =	vld [tilespmem:s0+$0x40];
	[tilespmem:s0+$0xFFFFFFE0] =	vst v2  }
0x139: {  	v3 =	vmul.f32 v63, v3;
	v2 =	vld [tilespmem:s0+$0x70];
	[tilespmem:s0+$0xFFFFFFF0] =	vst v6  }
0x13a: {  	[tilespmem:s0+$0xFFFFFFB0] =	vst v5;
	v5 =	vld [tilespmem:s0+$0x20]  }
0x13b: {  	[tilespmem:s0+$0xFFFFFFC0] =	vst v3;
	v6 =	vld [tilespmem:s0+$0x0]  }
0x13c: {  	v3 =	vld.idx.msk [tilespmem:v4+s13+$0x0], $0xffff  }
0x13d: {  	s8 =	simm.s32 $0x2F00;
	s16 =	simm.s32 $0x7;
	v4 =	vld [tilespmem:s0+$0x10]  }
.LBB2_6:
0x13e: {  	p0 =	sne.s32 s16, $0x4F  }
0x13f: {  	v8 =	vld [tilespmem:s0+$0x50];
	s8 =	sadd.s32 $0x200, s8;
	s12 =	smov.u32 s16;
	s16 =	sadd.s32 $0x4, s16  }
0x140: {  	v9 =	vld [tilespmem:s0+$0x60];
	_ =	sdelay $0x1  }
0x141: {  	v6 =	vmul.f32 v6, v3;
	v4 =	vmul.f32 v4, v3  }
0x142: {  	v5 =	vmul.f32 v5, v3;
	v7 =	vmul.f32 v7, v3  }
0x143: {  	v1 =	vmul.f32 v1, v3;
	v2 =	vmul.f32 v2, v3;
	[tilespmem:s0+$0x0] =	vst v6  }
0x144: {  	[tilespmem:s0+$0x20] =	vst v5;
	v5 =	vmul.f32 v8, v3;
	v3 =	vmul.f32 v9, v3  }
0x145: {  	[tilespmem:s0+$0x30] =	vst v7;
	v6 =	vld [tilespmem:s0+$0x80]  }
0x146: {  	[tilespmem:s0+$0x60] =	vst v3;
	v3 =	vmov s7;
	v7 =	vld [tilespmem:s0+$0xD0];
	s7 =	smov.u32 s12  }
0x147: {  	[tilespmem:s0+$0x50] =	vst v5;
	v5 =	vld [tilespmem:s0+$0xE0]  }
0x148: {  	[tilespmem:s0+$0x40] =	vst v1;
	v8 =	vld [tilespmem:s0+$0xB0]  }
0x149: {  	v1 =	vld [tilespmem:s8+$0x40];
	[tilespmem:s0+$0x70] =	vst v2  }
0x14a: {  	v2 =	vld [tilespmem:s8+$0x70];
	[tilespmem:s0+$0x10] =	vst v4  }
0x14b: {  	v3 =	vld.idx.msk [tilespmem:v3+s13+$0x0], $0xffff  }
0x14c: {  	v4 =	vld [tilespmem:s0+$0x90]  }
0x14d: {  	v9 =	vld [tilespmem:s0+$0xA0]  }
0x14e: {  	v10 =	vld [tilespmem:s0+$0xC0]  }
0x14f: {  	v11 =	vld [tilespmem:s0+$0xF0];
	_ =	sdelay $0x1  }
0x150: {  	v6 =	vmul.f32 v6, v3;
	v4 =	vmul.f32 v4, v3  }
0x151: {  	s12 =	sadd.s32 $0xFFFFFFFD, s7;
	v8 =	vmul.f32 v8, v3;
	v9 =	vmul.f32 v9, v3  }
0x152: {  	v12 =	vmov s12;
	v7 =	vmul.f32 v7, v3;
	[tilespmem:s0+$0x80] =	vst v6;
	v6 =	vmul.f32 v10, v3  }
0x153: {  	v10 =	vand.u32 $0xFFFFFFFC, v12;
	[tilespmem:s0+$0x90] =	vst v4;
	v4 =	vmul.f32 v5, v3;
	v3 =	vmul.f32 v11, v3  }
0x154: {  	v5 =	vbroadcast v10, $0x0;
	[tilespmem:s0+$0xA0] =	vst v9  }
0x155: {  	[tilespmem:s0+$0xD0] =	vst v7  }
0x156: {  	v7 =	vld [tilespmem:s8+$0xFFFFFF50];
	[tilespmem:s0+$0xB0] =	vst v8  }
0x157: {  	v8 =	vld [tilespmem:s8+$0xFFFFFF30];
	[tilespmem:s0+$0xC0] =	vst v6  }
0x158: {  	v6 =	vld [tilespmem:s8+$0xFFFFFF60];
	[tilespmem:s0+$0xE0] =	vst v4  }
0x159: {  	v4 =	vld [tilespmem:s8+$0xFFFFFF70];
	[tilespmem:s0+$0xF0] =	vst v3;
	s0 =	smov.u32 s8  }
0x15a: {  	v3 =	vld.idx.msk [tilespmem:v5+s13+$0x0], $0xffff  }
0x15b: {  	v5 =	vld [tilespmem:s8+$0xFFFFFF00]  }
0x15c: {  	v9 =	vld [tilespmem:s8+$0xFFFFFF20]  }
0x15d: {  	v10 =	vld [tilespmem:s8+$0xFFFFFF10]  }
0x15e: {  	v11 =	vld [tilespmem:s8+$0xFFFFFF40];
	_ =	sdelay $0x1  }
0x15f: {  	v4 =	vmul.f32 v4, v3;
	v5 =	vmul.f32 v5, v3  }
0x160: {  	s12 =	sadd.s32 $0xFFFFFFFE, s7;
	v6 =	vmul.f32 v6, v3;
	v9 =	vmul.f32 v9, v3  }
0x161: {  	v8 =	vmul.f32 v8, v3;
	v10 =	vmul.f32 v10, v3;
	[tilespmem:s8+$0xFFFFFF70] =	vst v4;
	v4 =	vmov s12  }
0x162: {  	[tilespmem:s8+$0xFFFFFF00] =	vst v5;
	v5 =	vmul.f32 v11, v3;
	v3 =	vmul.f32 v7, v3;
	v4 =	vand.u32 $0xFFFFFFFD, v4  }
0x163: {  	[tilespmem:s8+$0xFFFFFF20] =	vst v9;
	v4 =	vbroadcast v4, $0x0  }
0x164: {  	[tilespmem:s8+$0xFFFFFF30] =	vst v8  }
0x165: {  	[tilespmem:s8+$0xFFFFFF50] =	vst v3;
	v3 =	vld [tilespmem:s8+$0xFFFFFFF0]  }
0x166: {  	[tilespmem:s8+$0xFFFFFF10] =	vst v10;
	v7 =	vld [tilespmem:s8+$0xFFFFFFD0]  }
0x167: {  	[tilespmem:s8+$0xFFFFFF60] =	vst v6;
	v6 =	vld [tilespmem:s8+$0xFFFFFFB0]  }
0x168: {  	[tilespmem:s8+$0xFFFFFF40] =	vst v5;
	v5 =	vld [tilespmem:s8+$0xFFFFFF90]  }
0x169: {  	v4 =	vld.idx.msk [tilespmem:v4+s13+$0x0], $0xffff  }
0x16a: {  	v8 =	vld [tilespmem:s8+$0xFFFFFF80]  }
0x16b: {  	v9 =	vld [tilespmem:s8+$0xFFFFFFA0]  }
0x16c: {  	v10 =	vld [tilespmem:s8+$0xFFFFFFC0]  }
0x16d: {  	v11 =	vld [tilespmem:s8+$0xFFFFFFE0];
	_ =	sdelay $0x1  }
0x16e: {  	v5 =	vmul.f32 v5, v4;
	v8 =	vmul.f32 v8, v4  }
0x16f: {  	s12 =	sadd.s32 $0xFFFFFFFF, s7;
	v6 =	vmul.f32 v6, v4;
	v9 =	vmul.f32 v9, v4  }
0x170: {  	v7 =	vmul.f32 v7, v4;
	[tilespmem:s8+$0xFFFFFF80] =	vst v8;
	v8 =	vmul.f32 v10, v4;
	v10 =	vmov s12  }
0x171: {  	v3 =	vmul.f32 v3, v4;
	[tilespmem:s8+$0xFFFFFFA0] =	vst v9;
	v9 =	vmul.f32 v11, v4;
	v4 =	vand.u32 $0xFFFFFFFE, v10  }
0x172: {  	[tilespmem:s8+$0xFFFFFF90] =	vst v5;
	v4 =	vbroadcast v4, $0x0  }
0x173: {  	[tilespmem:s8+$0xFFFFFFD0] =	vst v7  }
0x174: {  	[tilespmem:s8+$0xFFFFFFE0] =	vst v9  }
0x175: {  	[tilespmem:s8+$0xFFFFFFB0] =	vst v6  }
.Ltmp4:
0x176: {  	[tilespmem:s8+$0xFFFFFFF0] =	vst v3;
	v5 =	vld [tilespmem:s8+$0x20];
	(pc) =	sbr.rel @p0 .LBB2_6-.Ltmp4, $4  }
0x177: {  	[tilespmem:s8+$0xFFFFFFC0] =	vst v8;
	v6 =	vld [tilespmem:s8+$0x0]  }
0x178: {  	v3 =	vld.idx.msk [tilespmem:v4+s13+$0x0], $0xffff  }
0x179: {  	v4 =	vld [tilespmem:s8+$0x10]  }
0x17a: {  	v7 =	vld [tilespmem:s8+$0x30]  }
0x17b: {  	_ =	sdelay $0x1  }
0x17c: {  	v8 =	vld [tilespmem:s0+$0x60];
	v6 =	vmul.f32 v6, v3  }
0x17d: {  	v9 =	vld [tilespmem:s0+$0x50];
	v5 =	vmul.f32 v5, v3  }
0x17e: {  	v1 =	vmul.f32 v1, v3;
	[tilespmem:s0+$0x0] =	vst v6  }
0x17f: {  	v2 =	vmul.f32 v2, v3;
	[tilespmem:s0+$0x20] =	vst v5  }
0x180: {  	v7 =	vmul.f32 v7, v3;
	[tilespmem:s0+$0x40] =	vst v1  }
0x181: {  	v56 =	vmov s7;
	[tilespmem:s0+$0x70] =	vst v2;
	v53 =	vmul.f32 v8, v3  }
0x182: {  	v54 =	vmul.f32 v9, v3;
	[tilespmem:s0+$0x30] =	vst v7  }
0x183: {  	v3 =	vmul.f32 v4, v3;
	[tilespmem:s0+$0x60] =	vst v53  }
0x184: {  	[tilespmem:s0+$0x50] =	vst v54  }
0x185: {  	v55 =	vld [tilespmem:s0+$0x80];
	[tilespmem:s0+$0x10] =	vst v3  }
0x186: {  	v1 =	vld.idx.msk [tilespmem:v56+s13+$0x0], $0xffff  }
0x187: {  	v2 =	vld [tilespmem:s0+$0x90]  }
0x188: {  	v3 =	vld [tilespmem:s0+$0xA0]  }
0x189: {  	v57 =	vld [tilespmem:s0+$0xD0]  }
0x18a: {  	v60 =	vld [tilespmem:s0+$0xE0]  }
0x18b: {  	v58 =	vld [tilespmem:s0+$0xB0];
	v7 =	vmul.f32 v55, v1  }
0x18c: {  	v59 =	vld [tilespmem:s0+$0xC0];
	v2 =	vmul.f32 v2, v1  }
0x18d: {  	v61 =	vld [tilespmem:s0+$0xF0];
	v3 =	vmul.f32 v3, v1;
	[tilespmem:s0+$0x80] =	vst v7  }
0x18e: {  	v4 =	vmul.f32 v57, v1;
	[tilespmem:s0+$0x90] =	vst v2  }
0x18f: {  	v62 =	vmul.f32 v60, v1;
	[tilespmem:s0+$0xA0] =	vst v3  }
0x190: {  	v2 =	vmul.f32 v58, v1;
	[tilespmem:s0+$0xD0] =	vst v4  }
0x191: {  	v3 =	vmul.f32 v59, v1;
	[tilespmem:s0+$0xE0] =	vst v62  }
0x192: {  	v1 =	vmul.f32 v61, v1;
	[tilespmem:s0+$0xB0] =	vst v2  }
0x193: {  	[tilespmem:s0+$0xC0] =	vst v3  }
0x194: {  	[tilespmem:s0+$0xF0] =	vst v1  }
0x195: {  	v1 =	vld [tilespmem:$0x200]  }
0x196: {  	v2 =	vld [tilespmem:$0x210]  }
0x197: {  	v3 =	vld [tilespmem:$0x220]  }
0x198: {  	v4 =	vld [tilespmem:$0x230]  }
0x199: {  	v63 =	vld [tilespmem:$0x240]  }
0x19a: {  	[tilespmem:$0x380] =	vst v1  }
0x19b: {  	[tilespmem:$0x390] =	vst v2  }
0x19c: {  	[tilespmem:$0x3A0] =	vst v3  }
0x19d: {  	[tilespmem:$0x3B0] =	vst v4  }
0x19e: {  	s7 =	simm.s32 $0x0;
	[tilespmem:$0x3C0] =	vst v63  }
0x19f: {  	[spmem:s3] =	stream.indirect.scatter.add.f32 [tilespmem:s21], [sflag:$0x8], $0x80, s28, s17, $0xb8;
	[tilespmem:$0x1BE00] =	vst v63  }
.LBB2_8:
0x1a0: {  	_ =	swait.ge [sflag:s15], $0x80  }
0x1a1: {  	[sflag:s15] =	ssyncset.done $0x0  }
0x1a2: {  	[sflag:s15] =	ssyncadd.s32 $0xFFFFFF80  }
0x1a3: {  	_ =	swait.ge [sflag:s15], $0x80  }
0x1a4: {  	[sflag:s15] =	ssyncset.done $0x0  }
0x1a5: {  	s0 =	simm.s32 $0x0;
	[sflag:s15] =	ssyncadd.s32 $0xFFFFFF80  }
0x1a6: {  	v1 =	vmov s0;
	_ =	swait.ge [sflag:s15], $0x80  }
0x1a7: {  	v1 =	vand.u32 $0xFFFFFFFC, v1;
	[sflag:s15] =	ssyncset.done $0x0  }
0x1a8: {  	v1 =	vbroadcast v1, $0x0;
	[sflag:s15] =	ssyncadd.s32 $0xFFFFFF80  }
0x1a9: {  	[tilespmem:s2], [sflag:$0x4] =	stream.indirect.gather [hbm4b:s1+s17], $0x80, s4, s17, $0xb8;
	[tilespmem:$0x1BE00] =	vst v63  }
0x1aa: {  	_ =	swait.ge [sflag:s29], $0x2800  }
0x1ab: {  	[sflag:s29] =	ssyncset.done $0x0  }
0x1ac: {  	s16 =	simm.s32 $0x5700;
	[sflag:s29] =	ssyncadd.s32 $0xFFFFD800  }
0x1ad: {  	v3 =	vld [tilespmem:s16+$0xFFFFFF70]  }
0x1ae: {  	v1 =	vld.idx.msk [tilespmem:v1+s14+$0x0], $0xffff  }
0x1af: {  	v4 =	vld [tilespmem:s16+$0xFFFFFF00]  }
0x1b0: {  	v5 =	vld [tilespmem:s16+$0xFFFFFF20]  }
0x1b1: {  	v6 =	vld [tilespmem:s16+$0xFFFFFF30]  }
0x1b2: {  	v2 =	vld [tilespmem:s16+$0xFFFFFF50]  }
0x1b3: {  	v8 =	vld [tilespmem:s16+$0xFFFFFF10];
	v3 =	vmul.f32 v3, v1  }
0x1b4: {  	s12 =	simm.s32 $0x1;
	v7 =	vld [tilespmem:s16+$0xFFFFFF60];
	v4 =	vmul.f32 v4, v1  }
0x1b5: {  	v9 =	vld [tilespmem:s16+$0xFFFFFF40];
	v5 =	vmul.f32 v5, v1;
	[tilespmem:s16+$0xFFFFFF70] =	vst v3;
	v3 =	vmov s12  }
0x1b6: {  	v6 =	vmul.f32 v6, v1;
	[tilespmem:s16+$0xFFFFFF00] =	vst v4;
	v3 =	vand.u32 $0xFFFFFFFD, v3  }
0x1b7: {  	v2 =	vmul.f32 v2, v1;
	[tilespmem:s16+$0xFFFFFF20] =	vst v5;
	v3 =	vbroadcast v3, $0x0  }
0x1b8: {  	v4 =	vmul.f32 v8, v1;
	[tilespmem:s16+$0xFFFFFF30] =	vst v6  }
0x1b9: {  	v5 =	vmul.f32 v7, v1;
	[tilespmem:s16+$0xFFFFFF50] =	vst v2  }
0x1ba: {  	v1 =	vmul.f32 v9, v1;
	[tilespmem:s16+$0xFFFFFF10] =	vst v4  }
0x1bb: {  	[tilespmem:s16+$0xFFFFFF60] =	vst v5  }
0x1bc: {  	[tilespmem:s16+$0xFFFFFF40] =	vst v1;
	v1 =	vld [tilespmem:s16+$0xFFFFFF80]  }
0x1bd: {  	v3 =	vld.idx.msk [tilespmem:v3+s14+$0x0], $0xffff  }
0x1be: {  	v2 =	vld [tilespmem:s16+$0xFFFFFFA0]  }
0x1bf: {  	v4 =	vld [tilespmem:s16+$0xFFFFFF90]  }
0x1c0: {  	v5 =	vld [tilespmem:s16+$0xFFFFFFD0]  }
0x1c1: {  	v6 =	vld [tilespmem:s16+$0xFFFFFFE0]  }
0x1c2: {  	v7 =	vld [tilespmem:s16+$0xFFFFFFF0];
	v1 =	vmul.f32 v1, v3  }
0x1c3: {  	s23 =	simm.s32 $0x2;
	v8 =	vld [tilespmem:s16+$0xFFFFFFB0];
	v2 =	vmul.f32 v2, v3  }
0x1c4: {  	v63 =	vld [tilespmem:s16+$0xFFFFFFC0];
	v4 =	vmul.f32 v4, v3;
	[tilespmem:s16+$0xFFFFFF80] =	vst v1;
	v1 =	vmov s23  }
0x1c5: {  	v5 =	vmul.f32 v5, v3;
	[tilespmem:s16+$0xFFFFFFA0] =	vst v2;
	v1 =	vand.u32 $0xFFFFFFFE, v1  }
0x1c6: {  	v2 =	vmul.f32 v6, v3;
	[tilespmem:s16+$0xFFFFFF90] =	vst v4;
	v4 =	vbroadcast v1, $0x0  }
0x1c7: {  	v6 =	vmul.f32 v7, v3;
	[tilespmem:s16+$0xFFFFFFD0] =	vst v5;
	v7 =	vld [tilespmem:s16+$0x30]  }
0x1c8: {  	v5 =	vmul.f32 v8, v3;
	v1 =	vld [tilespmem:s16+$0x40];
	[tilespmem:s16+$0xFFFFFFE0] =	vst v2  }
0x1c9: {  	v3 =	vmul.f32 v63, v3;
	v2 =	vld [tilespmem:s16+$0x70];
	[tilespmem:s16+$0xFFFFFFF0] =	vst v6  }
0x1ca: {  	[tilespmem:s16+$0xFFFFFFB0] =	vst v5;
	v5 =	vld [tilespmem:s16+$0x20]  }
0x1cb: {  	[tilespmem:s16+$0xFFFFFFC0] =	vst v3;
	v6 =	vld [tilespmem:s16+$0x0]  }
0x1cc: {  	v3 =	vld.idx.msk [tilespmem:v4+s14+$0x0], $0xffff  }
0x1cd: {  	s31 =	simm.s32 $0x7;
	s8 =	simm.s32 $0x5700;
	s0 =	simm.s32 $0x3;
	v4 =	vld [tilespmem:s16+$0x10]  }
.LBB2_9:
0x1ce: {  	p0 =	sne.s32 s31, $0x4F  }
0x1cf: {  	v8 =	vld [tilespmem:s16+$0x50];
	s8 =	sadd.s32 $0x200, s8;
	s12 =	smov.u32 s31;
	s31 =	sadd.s32 $0x4, s31  }
0x1d0: {  	v9 =	vld [tilespmem:s16+$0x60];
	_ =	sdelay $0x1  }
0x1d1: {  	v6 =	vmul.f32 v6, v3;
	v4 =	vmul.f32 v4, v3  }
0x1d2: {  	v5 =	vmul.f32 v5, v3;
	v7 =	vmul.f32 v7, v3  }
0x1d3: {  	v1 =	vmul.f32 v1, v3;
	v2 =	vmul.f32 v2, v3;
	[tilespmem:s16+$0x0] =	vst v6  }
0x1d4: {  	[tilespmem:s16+$0x20] =	vst v5;
	v5 =	vmul.f32 v8, v3;
	v3 =	vmul.f32 v9, v3  }
0x1d5: {  	[tilespmem:s16+$0x30] =	vst v7;
	v6 =	vld [tilespmem:s16+$0x80]  }
0x1d6: {  	[tilespmem:s16+$0x60] =	vst v3;
	v3 =	vmov s0;
	v7 =	vld [tilespmem:s16+$0xD0];
	s0 =	smov.u32 s12  }
0x1d7: {  	[tilespmem:s16+$0x50] =	vst v5;
	v5 =	vld [tilespmem:s16+$0xE0]  }
0x1d8: {  	[tilespmem:s16+$0x40] =	vst v1;
	v8 =	vld [tilespmem:s16+$0xB0]  }
0x1d9: {  	v1 =	vld [tilespmem:s8+$0x40];
	[tilespmem:s16+$0x70] =	vst v2  }
0x1da: {  	v2 =	vld [tilespmem:s8+$0x70];
	[tilespmem:s16+$0x10] =	vst v4  }
0x1db: {  	v3 =	vld.idx.msk [tilespmem:v3+s14+$0x0], $0xffff  }
0x1dc: {  	v4 =	vld [tilespmem:s16+$0x90]  }
0x1dd: {  	v9 =	vld [tilespmem:s16+$0xA0]  }
0x1de: {  	v10 =	vld [tilespmem:s16+$0xC0]  }
0x1df: {  	v11 =	vld [tilespmem:s16+$0xF0];
	_ =	sdelay $0x1  }
0x1e0: {  	v6 =	vmul.f32 v6, v3;
	v4 =	vmul.f32 v4, v3  }
0x1e1: {  	s12 =	sadd.s32 $0xFFFFFFFD, s0;
	v8 =	vmul.f32 v8, v3;
	v9 =	vmul.f32 v9, v3  }
0x1e2: {  	v12 =	vmov s12;
	v7 =	vmul.f32 v7, v3;
	[tilespmem:s16+$0x80] =	vst v6;
	v6 =	vmul.f32 v10, v3  }
0x1e3: {  	v10 =	vand.u32 $0xFFFFFFFC, v12;
	[tilespmem:s16+$0x90] =	vst v4;
	v4 =	vmul.f32 v5, v3;
	v3 =	vmul.f32 v11, v3  }
0x1e4: {  	v5 =	vbroadcast v10, $0x0;
	[tilespmem:s16+$0xA0] =	vst v9  }
0x1e5: {  	[tilespmem:s16+$0xD0] =	vst v7  }
0x1e6: {  	v7 =	vld [tilespmem:s8+$0xFFFFFF50];
	[tilespmem:s16+$0xB0] =	vst v8  }
0x1e7: {  	v8 =	vld [tilespmem:s8+$0xFFFFFF30];
	[tilespmem:s16+$0xC0] =	vst v6  }
0x1e8: {  	v6 =	vld [tilespmem:s8+$0xFFFFFF60];
	[tilespmem:s16+$0xE0] =	vst v4  }
0x1e9: {  	v4 =	vld [tilespmem:s8+$0xFFFFFF70];
	[tilespmem:s16+$0xF0] =	vst v3;
	s16 =	smov.u32 s8  }
0x1ea: {  	v3 =	vld.idx.msk [tilespmem:v5+s14+$0x0], $0xffff  }
0x1eb: {  	v5 =	vld [tilespmem:s8+$0xFFFFFF00]  }
0x1ec: {  	v9 =	vld [tilespmem:s8+$0xFFFFFF20]  }
0x1ed: {  	v10 =	vld [tilespmem:s8+$0xFFFFFF10]  }
0x1ee: {  	v11 =	vld [tilespmem:s8+$0xFFFFFF40];
	_ =	sdelay $0x1  }
0x1ef: {  	v4 =	vmul.f32 v4, v3;
	v5 =	vmul.f32 v5, v3  }
0x1f0: {  	s12 =	sadd.s32 $0xFFFFFFFE, s0;
	v6 =	vmul.f32 v6, v3;
	v9 =	vmul.f32 v9, v3  }
0x1f1: {  	v8 =	vmul.f32 v8, v3;
	v10 =	vmul.f32 v10, v3;
	[tilespmem:s8+$0xFFFFFF70] =	vst v4;
	v4 =	vmov s12  }
0x1f2: {  	[tilespmem:s8+$0xFFFFFF00] =	vst v5;
	v5 =	vmul.f32 v11, v3;
	v3 =	vmul.f32 v7, v3;
	v4 =	vand.u32 $0xFFFFFFFD, v4  }
0x1f3: {  	[tilespmem:s8+$0xFFFFFF20] =	vst v9;
	v4 =	vbroadcast v4, $0x0  }
0x1f4: {  	[tilespmem:s8+$0xFFFFFF30] =	vst v8  }
0x1f5: {  	[tilespmem:s8+$0xFFFFFF50] =	vst v3;
	v3 =	vld [tilespmem:s8+$0xFFFFFFF0]  }
0x1f6: {  	[tilespmem:s8+$0xFFFFFF10] =	vst v10;
	v7 =	vld [tilespmem:s8+$0xFFFFFFD0]  }
0x1f7: {  	[tilespmem:s8+$0xFFFFFF60] =	vst v6;
	v6 =	vld [tilespmem:s8+$0xFFFFFFB0]  }
0x1f8: {  	[tilespmem:s8+$0xFFFFFF40] =	vst v5;
	v5 =	vld [tilespmem:s8+$0xFFFFFF90]  }
0x1f9: {  	v4 =	vld.idx.msk [tilespmem:v4+s14+$0x0], $0xffff  }
0x1fa: {  	v8 =	vld [tilespmem:s8+$0xFFFFFF80]  }
0x1fb: {  	v9 =	vld [tilespmem:s8+$0xFFFFFFA0]  }
0x1fc: {  	v10 =	vld [tilespmem:s8+$0xFFFFFFC0]  }
0x1fd: {  	v11 =	vld [tilespmem:s8+$0xFFFFFFE0];
	_ =	sdelay $0x1  }
0x1fe: {  	v5 =	vmul.f32 v5, v4;
	v8 =	vmul.f32 v8, v4  }
0x1ff: {  	s12 =	sadd.s32 $0xFFFFFFFF, s0;
	v6 =	vmul.f32 v6, v4;
	v9 =	vmul.f32 v9, v4  }
0x200: {  	v7 =	vmul.f32 v7, v4;
	[tilespmem:s8+$0xFFFFFF80] =	vst v8;
	v8 =	vmul.f32 v10, v4;
	v10 =	vmov s12  }
0x201: {  	v3 =	vmul.f32 v3, v4;
	[tilespmem:s8+$0xFFFFFFA0] =	vst v9;
	v9 =	vmul.f32 v11, v4;
	v4 =	vand.u32 $0xFFFFFFFE, v10  }
0x202: {  	[tilespmem:s8+$0xFFFFFF90] =	vst v5;
	v4 =	vbroadcast v4, $0x0  }
0x203: {  	[tilespmem:s8+$0xFFFFFFD0] =	vst v7  }
0x204: {  	[tilespmem:s8+$0xFFFFFFE0] =	vst v9  }
0x205: {  	[tilespmem:s8+$0xFFFFFFB0] =	vst v6  }
.Ltmp5:
0x206: {  	[tilespmem:s8+$0xFFFFFFF0] =	vst v3;
	v5 =	vld [tilespmem:s8+$0x20];
	(pc) =	sbr.rel @p0 .LBB2_9-.Ltmp5, $4  }
0x207: {  	[tilespmem:s8+$0xFFFFFFC0] =	vst v8;
	v6 =	vld [tilespmem:s8+$0x0]  }
0x208: {  	v3 =	vld.idx.msk [tilespmem:v4+s14+$0x0], $0xffff  }
0x209: {  	v4 =	vld [tilespmem:s8+$0x10]  }
0x20a: {  	v7 =	vld [tilespmem:s8+$0x30]  }
0x20b: {  	v8 =	vld [tilespmem:s16+$0x60];
	_ =	sdelay $0x1  }
0x20c: {  	v6 =	vmul.f32 v6, v3  }
0x20d: {  	v9 =	vld [tilespmem:s16+$0x50];
	v5 =	vmul.f32 v5, v3  }
0x20e: {  	v1 =	vmul.f32 v1, v3;
	[tilespmem:s16+$0x0] =	vst v6  }
0x20f: {  	[tilespmem:s16+$0x20] =	vst v5;
	v5 =	vmul.f32 v8, v3  }
0x210: {  	v2 =	vmul.f32 v2, v3;
	[tilespmem:s16+$0x40] =	vst v1  }
0x211: {  	v7 =	vmul.f32 v7, v3;
	[tilespmem:s16+$0x60] =	vst v5;
	v5 =	vmov s0  }
0x212: {  	[tilespmem:s16+$0x70] =	vst v2;
	v6 =	vmul.f32 v9, v3  }
0x213: {  	v3 =	vmul.f32 v4, v3;
	[tilespmem:s16+$0x30] =	vst v7  }
0x214: {  	[tilespmem:s16+$0x50] =	vst v6  }
0x215: {  	v7 =	vld [tilespmem:s16+$0x80];
	[tilespmem:s16+$0x10] =	vst v3  }
0x216: {  	v1 =	vld.idx.msk [tilespmem:v5+s14+$0x0], $0xffff  }
0x217: {  	v2 =	vld [tilespmem:s16+$0x90]  }
0x218: {  	v3 =	vld [tilespmem:s16+$0xA0]  }
0x219: {  	v4 =	vld [tilespmem:s16+$0xD0]  }
0x21a: {  	v5 =	vld [tilespmem:s16+$0xB0]  }
0x21b: {  	v6 =	vld [tilespmem:s16+$0xC0];
	v7 =	vmul.f32 v7, v1  }
0x21c: {  	v8 =	vld [tilespmem:s16+$0xE0];
	v2 =	vmul.f32 v2, v1  }
0x21d: {  	v61 =	vld [tilespmem:s16+$0xF0];
	v3 =	vmul.f32 v3, v1;
	[tilespmem:s16+$0x80] =	vst v7  }
0x21e: {  	v4 =	vmul.f32 v4, v1;
	[tilespmem:s16+$0x90] =	vst v2  }
0x21f: {  	v2 =	vmul.f32 v5, v1;
	[tilespmem:s16+$0xA0] =	vst v3  }
0x220: {  	v3 =	vmul.f32 v6, v1;
	[tilespmem:s16+$0xD0] =	vst v4  }
0x221: {  	v4 =	vmul.f32 v8, v1;
	[tilespmem:s16+$0xB0] =	vst v2  }
0x222: {  	v1 =	vmul.f32 v61, v1;
	[tilespmem:s16+$0xC0] =	vst v3  }
0x223: {  	[tilespmem:s16+$0xE0] =	vst v4  }
0x224: {  	[tilespmem:s16+$0xF0] =	vst v1  }
0x225: {  	_ =	swait.ge [sflag:s30], $0x2800  }
0x226: {  	[sflag:s30] =	ssyncset.done $0x0  }
0x227: {  	[sflag:s30] =	ssyncadd.s32 $0xFFFFD800  }
0x228: {  	v1 =	vld [tilespmem:$0x280]  }
0x229: {  	v2 =	vld [tilespmem:$0x290]  }
0x22a: {  	v3 =	vld [tilespmem:$0x2A0]  }
0x22b: {  	v4 =	vld [tilespmem:$0x2B0]  }
0x22c: {  	v5 =	vld [tilespmem:$0x2C0]  }
0x22d: {  	s16 =	smul.u32 $0x180, s7;
	[tilespmem:$0x400] =	vst v1  }
0x22e: {  	[tilespmem:$0x410] =	vst v2  }
0x22f: {  	s0 =	sadd.s32 $0x200, s16;
	[tilespmem:$0x420] =	vst v3  }
0x230: {  	s8 =	sadd.s32 s9, s0;
	[tilespmem:$0x430] =	vst v4  }
0x231: {  	s12 =	simm.s32 $0x400;
	s8 =	sshrl.u32 s8, $0x3;
	[tilespmem:$0x440] =	vst v5  }
0x232: {  	[spmem:s3] =	stream.indirect.scatter.add.f32 [tilespmem:s24], [sflag:$0x9], $0x80, s12, s17, $0xb8;
	[tilespmem:$0x1BE00] =	vst v63  }
0x233: {  	s8 =	sadd.s32 s5, s8  }
0x234: {  	[tilespmem:s11], [sflag:$0x2] =	stream.linear.gather [hbm4b:s8+s4], $0x80, $0x38;
	[tilespmem:$0x1BE00] =	vst v63  }
0x235: {  	s23 =	sand.u32 $0xFC00, s0;
	s12 =	simm.s32 $0x200;
	s8 =	sadd.s32 $0xFA00, s8  }
0x236: {  	[tilespmem:s12], [sflag:$0x2] =	stream.linear.gather [hbm4b:s8+s4], $0x80, $0x38;
	[tilespmem:$0x1BE00] =	vst v63  }
0x237: {  	s0 =	sand.u32 $0x380, s0;
	s8 =	sadd.s32 s18, s23  }
0x238: {  	s0 =	sor.u32 s0, s8  }
0x239: {  	s0 =	sshrl.u32 s0, $0x3  }
0x23a: {  	s0 =	sadd.s32 s6, s0  }
0x23b: {  	[tilespmem:s13], [sflag:$0x2] =	stream.linear.gather [hbm4b:s0+s4], $0x80, $0x38;
	[tilespmem:$0x1BE00] =	vst v63  }
0x23c: {  	_ =	swait.ge [sflag:s20], $0x80  }
0x23d: {  	[sflag:s20] =	ssyncset.done $0x0  }
0x23e: {  	[sflag:s20] =	ssyncadd.s32 $0xFFFFFF80  }
0x23f: {  	_ =	swait.ge [sflag:s20], $0x80  }
0x240: {  	[sflag:s20] =	ssyncset.done $0x0  }
0x241: {  	s8 =	simm.s32 $0x0;
	[sflag:s20] =	ssyncadd.s32 $0xFFFFFF80  }
0x242: {  	v1 =	vmov s8;
	_ =	swait.ge [sflag:s20], $0x80  }
0x243: {  	v1 =	vand.u32 $0xFFFFFFFC, v1;
	[sflag:s20] =	ssyncset.done $0x0  }
0x244: {  	v1 =	vbroadcast v1, $0x0;
	[sflag:s20] =	ssyncadd.s32 $0xFFFFFF80  }
0x245: {  	[tilespmem:s21], [sflag:$0x5] =	stream.indirect.gather [hbm4b:s1+s17], $0x80, s11, s17, $0xb8;
	[tilespmem:$0x1BE00] =	vst v63  }
0x246: {  	_ =	swait.ge [sflag:s22], $0x2800  }
0x247: {  	[sflag:s22] =	ssyncset.done $0x0  }
0x248: {  	s0 =	simm.s32 $0x700;
	[sflag:s22] =	ssyncadd.s32 $0xFFFFD800  }
0x249: {  	v3 =	vld [tilespmem:s0+$0xFFFFFF70]  }
0x24a: {  	v1 =	vld.idx.msk [tilespmem:v1+s10+$0x0], $0xffff  }
0x24b: {  	v4 =	vld [tilespmem:s0+$0xFFFFFF00]  }
0x24c: {  	v5 =	vld [tilespmem:s0+$0xFFFFFF20]  }
0x24d: {  	v6 =	vld [tilespmem:s0+$0xFFFFFF30]  }
0x24e: {  	v2 =	vld [tilespmem:s0+$0xFFFFFF50]  }
0x24f: {  	v8 =	vld [tilespmem:s0+$0xFFFFFF10];
	v3 =	vmul.f32 v3, v1  }
0x250: {  	s12 =	simm.s32 $0x1;
	v7 =	vld [tilespmem:s0+$0xFFFFFF60];
	v4 =	vmul.f32 v4, v1  }
0x251: {  	v62 =	vld [tilespmem:s0+$0xFFFFFF40];
	v5 =	vmul.f32 v5, v1;
	[tilespmem:s0+$0xFFFFFF70] =	vst v3;
	v3 =	vmov s12  }
0x252: {  	v6 =	vmul.f32 v6, v1;
	[tilespmem:s0+$0xFFFFFF00] =	vst v4;
	v3 =	vand.u32 $0xFFFFFFFD, v3  }
0x253: {  	v2 =	vmul.f32 v2, v1;
	[tilespmem:s0+$0xFFFFFF20] =	vst v5;
	v3 =	vbroadcast v3, $0x0  }
0x254: {  	v4 =	vmul.f32 v8, v1;
	[tilespmem:s0+$0xFFFFFF30] =	vst v6  }
0x255: {  	v5 =	vmul.f32 v7, v1;
	[tilespmem:s0+$0xFFFFFF50] =	vst v2  }
0x256: {  	v1 =	vmul.f32 v62, v1;
	[tilespmem:s0+$0xFFFFFF10] =	vst v4  }
0x257: {  	[tilespmem:s0+$0xFFFFFF60] =	vst v5  }
0x258: {  	[tilespmem:s0+$0xFFFFFF40] =	vst v1;
	v1 =	vld [tilespmem:s0+$0xFFFFFF80]  }
0x259: {  	v3 =	vld.idx.msk [tilespmem:v3+s10+$0x0], $0xffff  }
0x25a: {  	v2 =	vld [tilespmem:s0+$0xFFFFFFA0]  }
0x25b: {  	v4 =	vld [tilespmem:s0+$0xFFFFFF90]  }
0x25c: {  	v5 =	vld [tilespmem:s0+$0xFFFFFFD0]  }
0x25d: {  	v6 =	vld [tilespmem:s0+$0xFFFFFFE0]  }
0x25e: {  	v7 =	vld [tilespmem:s0+$0xFFFFFFF0];
	v1 =	vmul.f32 v1, v3  }
0x25f: {  	s23 =	simm.s32 $0x2;
	v8 =	vld [tilespmem:s0+$0xFFFFFFB0];
	v2 =	vmul.f32 v2, v3  }
0x260: {  	v63 =	vld [tilespmem:s0+$0xFFFFFFC0];
	v4 =	vmul.f32 v4, v3;
	[tilespmem:s0+$0xFFFFFF80] =	vst v1;
	v1 =	vmov s23  }
0x261: {  	v5 =	vmul.f32 v5, v3;
	[tilespmem:s0+$0xFFFFFFA0] =	vst v2;
	v1 =	vand.u32 $0xFFFFFFFE, v1  }
0x262: {  	v2 =	vmul.f32 v6, v3;
	[tilespmem:s0+$0xFFFFFF90] =	vst v4;
	v4 =	vbroadcast v1, $0x0  }
0x263: {  	v6 =	vmul.f32 v7, v3;
	[tilespmem:s0+$0xFFFFFFD0] =	vst v5;
	v7 =	vld [tilespmem:s0+$0x30]  }
0x264: {  	v5 =	vmul.f32 v8, v3;
	v1 =	vld [tilespmem:s0+$0x40];
	[tilespmem:s0+$0xFFFFFFE0] =	vst v2  }
0x265: {  	v3 =	vmul.f32 v63, v3;
	v2 =	vld [tilespmem:s0+$0x70];
	[tilespmem:s0+$0xFFFFFFF0] =	vst v6  }
0x266: {  	[tilespmem:s0+$0xFFFFFFB0] =	vst v5;
	v5 =	vld [tilespmem:s0+$0x20]  }
0x267: {  	[tilespmem:s0+$0xFFFFFFC0] =	vst v3;
	v6 =	vld [tilespmem:s0+$0x0]  }
0x268: {  	v3 =	vld.idx.msk [tilespmem:v4+s10+$0x0], $0xffff  }
0x269: {  	s31 =	simm.s32 $0x3;
	s8 =	simm.s32 $0x7;
	s12 =	simm.s32 $0x700;
	v4 =	vld [tilespmem:s0+$0x10]  }
.LBB2_11:
0x26a: {  	p0 =	sne.s32 s8, $0x4F  }
0x26b: {  	v8 =	vld [tilespmem:s0+$0x50];
	s12 =	sadd.s32 $0x200, s12;
	s23 =	smov.u32 s8;
	s8 =	sadd.s32 $0x4, s8  }
0x26c: {  	v9 =	vld [tilespmem:s0+$0x60];
	_ =	sdelay $0x1  }
0x26d: {  	v6 =	vmul.f32 v6, v3;
	v4 =	vmul.f32 v4, v3  }
0x26e: {  	v5 =	vmul.f32 v5, v3;
	v7 =	vmul.f32 v7, v3  }
0x26f: {  	v1 =	vmul.f32 v1, v3;
	v2 =	vmul.f32 v2, v3;
	[tilespmem:s0+$0x0] =	vst v6  }
0x270: {  	[tilespmem:s0+$0x20] =	vst v5;
	v5 =	vmul.f32 v8, v3;
	v3 =	vmul.f32 v9, v3  }
0x271: {  	[tilespmem:s0+$0x30] =	vst v7;
	v6 =	vld [tilespmem:s0+$0x80]  }
0x272: {  	[tilespmem:s0+$0x60] =	vst v3;
	v3 =	vmov s31;
	v7 =	vld [tilespmem:s0+$0xD0];
	s31 =	smov.u32 s23  }
0x273: {  	[tilespmem:s0+$0x50] =	vst v5;
	v5 =	vld [tilespmem:s0+$0xE0]  }
0x274: {  	[tilespmem:s0+$0x40] =	vst v1;
	v8 =	vld [tilespmem:s0+$0xB0]  }
0x275: {  	v1 =	vld [tilespmem:s12+$0x40];
	[tilespmem:s0+$0x70] =	vst v2  }
0x276: {  	v2 =	vld [tilespmem:s12+$0x70];
	[tilespmem:s0+$0x10] =	vst v4  }
0x277: {  	v3 =	vld.idx.msk [tilespmem:v3+s10+$0x0], $0xffff  }
0x278: {  	v4 =	vld [tilespmem:s0+$0x90]  }
0x279: {  	v9 =	vld [tilespmem:s0+$0xA0]  }
0x27a: {  	v10 =	vld [tilespmem:s0+$0xC0]  }
0x27b: {  	v11 =	vld [tilespmem:s0+$0xF0];
	_ =	sdelay $0x1  }
0x27c: {  	v6 =	vmul.f32 v6, v3;
	v4 =	vmul.f32 v4, v3  }
0x27d: {  	s23 =	sadd.s32 $0xFFFFFFFD, s31;
	v8 =	vmul.f32 v8, v3;
	v9 =	vmul.f32 v9, v3  }
0x27e: {  	v12 =	vmov s23;
	v7 =	vmul.f32 v7, v3;
	[tilespmem:s0+$0x80] =	vst v6;
	v6 =	vmul.f32 v10, v3  }
0x27f: {  	v10 =	vand.u32 $0xFFFFFFFC, v12;
	[tilespmem:s0+$0x90] =	vst v4;
	v4 =	vmul.f32 v5, v3;
	v3 =	vmul.f32 v11, v3  }
0x280: {  	v5 =	vbroadcast v10, $0x0;
	[tilespmem:s0+$0xA0] =	vst v9  }
0x281: {  	[tilespmem:s0+$0xD0] =	vst v7  }
0x282: {  	v7 =	vld [tilespmem:s12+$0xFFFFFF50];
	[tilespmem:s0+$0xB0] =	vst v8  }
0x283: {  	v8 =	vld [tilespmem:s12+$0xFFFFFF30];
	[tilespmem:s0+$0xC0] =	vst v6  }
0x284: {  	v6 =	vld [tilespmem:s12+$0xFFFFFF60];
	[tilespmem:s0+$0xE0] =	vst v4  }
0x285: {  	v4 =	vld [tilespmem:s12+$0xFFFFFF70];
	[tilespmem:s0+$0xF0] =	vst v3;
	s0 =	smov.u32 s12  }
0x286: {  	v3 =	vld.idx.msk [tilespmem:v5+s10+$0x0], $0xffff  }
0x287: {  	v5 =	vld [tilespmem:s12+$0xFFFFFF00]  }
0x288: {  	v9 =	vld [tilespmem:s12+$0xFFFFFF20]  }
0x289: {  	v10 =	vld [tilespmem:s12+$0xFFFFFF10]  }
0x28a: {  	v11 =	vld [tilespmem:s12+$0xFFFFFF40];
	_ =	sdelay $0x1  }
0x28b: {  	v4 =	vmul.f32 v4, v3;
	v5 =	vmul.f32 v5, v3  }
0x28c: {  	s23 =	sadd.s32 $0xFFFFFFFE, s31;
	v6 =	vmul.f32 v6, v3;
	v9 =	vmul.f32 v9, v3  }
0x28d: {  	v8 =	vmul.f32 v8, v3;
	v10 =	vmul.f32 v10, v3;
	[tilespmem:s12+$0xFFFFFF70] =	vst v4;
	v4 =	vmov s23  }
0x28e: {  	[tilespmem:s12+$0xFFFFFF00] =	vst v5;
	v5 =	vmul.f32 v11, v3;
	v3 =	vmul.f32 v7, v3;
	v4 =	vand.u32 $0xFFFFFFFD, v4  }
0x28f: {  	[tilespmem:s12+$0xFFFFFF20] =	vst v9;
	v4 =	vbroadcast v4, $0x0  }
0x290: {  	[tilespmem:s12+$0xFFFFFF30] =	vst v8  }
0x291: {  	[tilespmem:s12+$0xFFFFFF50] =	vst v3;
	v3 =	vld [tilespmem:s12+$0xFFFFFFF0]  }
0x292: {  	[tilespmem:s12+$0xFFFFFF10] =	vst v10;
	v7 =	vld [tilespmem:s12+$0xFFFFFFD0]  }
0x293: {  	[tilespmem:s12+$0xFFFFFF60] =	vst v6;
	v6 =	vld [tilespmem:s12+$0xFFFFFFB0]  }
0x294: {  	[tilespmem:s12+$0xFFFFFF40] =	vst v5;
	v5 =	vld [tilespmem:s12+$0xFFFFFF90]  }
0x295: {  	v4 =	vld.idx.msk [tilespmem:v4+s10+$0x0], $0xffff  }
0x296: {  	v8 =	vld [tilespmem:s12+$0xFFFFFF80]  }
0x297: {  	v9 =	vld [tilespmem:s12+$0xFFFFFFA0]  }
0x298: {  	v10 =	vld [tilespmem:s12+$0xFFFFFFC0]  }
0x299: {  	v11 =	vld [tilespmem:s12+$0xFFFFFFE0];
	_ =	sdelay $0x1  }
0x29a: {  	v5 =	vmul.f32 v5, v4;
	v8 =	vmul.f32 v8, v4  }
0x29b: {  	s23 =	sadd.s32 $0xFFFFFFFF, s31;
	v6 =	vmul.f32 v6, v4;
	v9 =	vmul.f32 v9, v4  }
0x29c: {  	v7 =	vmul.f32 v7, v4;
	[tilespmem:s12+$0xFFFFFF80] =	vst v8;
	v8 =	vmul.f32 v10, v4;
	v10 =	vmov s23  }
0x29d: {  	v3 =	vmul.f32 v3, v4;
	[tilespmem:s12+$0xFFFFFFA0] =	vst v9;
	v9 =	vmul.f32 v11, v4;
	v4 =	vand.u32 $0xFFFFFFFE, v10  }
0x29e: {  	[tilespmem:s12+$0xFFFFFF90] =	vst v5;
	v4 =	vbroadcast v4, $0x0  }
0x29f: {  	[tilespmem:s12+$0xFFFFFFD0] =	vst v7  }
0x2a0: {  	[tilespmem:s12+$0xFFFFFFE0] =	vst v9  }
0x2a1: {  	[tilespmem:s12+$0xFFFFFFB0] =	vst v6  }
.Ltmp6:
0x2a2: {  	[tilespmem:s12+$0xFFFFFFF0] =	vst v3;
	v5 =	vld [tilespmem:s12+$0x20];
	(pc) =	sbr.rel @p0 .LBB2_11-.Ltmp6, $4  }
0x2a3: {  	[tilespmem:s12+$0xFFFFFFC0] =	vst v8;
	v6 =	vld [tilespmem:s12+$0x0]  }
0x2a4: {  	v3 =	vld.idx.msk [tilespmem:v4+s10+$0x0], $0xffff  }
0x2a5: {  	v4 =	vld [tilespmem:s12+$0x10]  }
0x2a6: {  	v7 =	vld [tilespmem:s12+$0x30]  }
0x2a7: {  	v8 =	vld [tilespmem:s0+$0x60];
	_ =	sdelay $0x1  }
0x2a8: {  	v6 =	vmul.f32 v6, v3  }
0x2a9: {  	v9 =	vld [tilespmem:s0+$0x50];
	v5 =	vmul.f32 v5, v3  }
0x2aa: {  	v1 =	vmul.f32 v1, v3;
	[tilespmem:s0+$0x0] =	vst v6  }
0x2ab: {  	[tilespmem:s0+$0x20] =	vst v5;
	v5 =	vmul.f32 v8, v3  }
0x2ac: {  	v2 =	vmul.f32 v2, v3;
	[tilespmem:s0+$0x40] =	vst v1  }
0x2ad: {  	v7 =	vmul.f32 v7, v3;
	[tilespmem:s0+$0x60] =	vst v5;
	v5 =	vmov s31  }
0x2ae: {  	[tilespmem:s0+$0x70] =	vst v2;
	v6 =	vmul.f32 v9, v3  }
0x2af: {  	v3 =	vmul.f32 v4, v3;
	[tilespmem:s0+$0x30] =	vst v7  }
0x2b0: {  	[tilespmem:s0+$0x50] =	vst v6  }
0x2b1: {  	v7 =	vld [tilespmem:s0+$0x80];
	[tilespmem:s0+$0x10] =	vst v3  }
0x2b2: {  	v1 =	vld.idx.msk [tilespmem:v5+s10+$0x0], $0xffff  }
0x2b3: {  	v2 =	vld [tilespmem:s0+$0x90]  }
0x2b4: {  	v3 =	vld [tilespmem:s0+$0xA0]  }
0x2b5: {  	v4 =	vld [tilespmem:s0+$0xD0]  }
0x2b6: {  	v5 =	vld [tilespmem:s0+$0xB0]  }
0x2b7: {  	v6 =	vld [tilespmem:s0+$0xC0];
	v7 =	vmul.f32 v7, v1  }
0x2b8: {  	v8 =	vld [tilespmem:s0+$0xE0];
	v2 =	vmul.f32 v2, v1  }
0x2b9: {  	v61 =	vld [tilespmem:s0+$0xF0];
	v3 =	vmul.f32 v3, v1;
	[tilespmem:s0+$0x80] =	vst v7  }
0x2ba: {  	v4 =	vmul.f32 v4, v1;
	[tilespmem:s0+$0x90] =	vst v2  }
0x2bb: {  	v2 =	vmul.f32 v5, v1;
	[tilespmem:s0+$0xA0] =	vst v3  }
0x2bc: {  	v3 =	vmul.f32 v6, v1;
	[tilespmem:s0+$0xD0] =	vst v4  }
0x2bd: {  	v4 =	vmul.f32 v8, v1;
	[tilespmem:s0+$0xB0] =	vst v2  }
0x2be: {  	v1 =	vmul.f32 v61, v1;
	[tilespmem:s0+$0xC0] =	vst v3  }
0x2bf: {  	[tilespmem:s0+$0xE0] =	vst v4  }
0x2c0: {  	[tilespmem:s0+$0xF0] =	vst v1  }
0x2c1: {  	_ =	swait.ge [sflag:s19], $0x2800  }
0x2c2: {  	[sflag:s19] =	ssyncset.done $0x0  }
0x2c3: {  	[sflag:s19] =	ssyncadd.s32 $0xFFFFD800  }
0x2c4: {  	v1 =	vld [tilespmem:$0x180]  }
0x2c5: {  	v2 =	vld [tilespmem:$0x190]  }
0x2c6: {  	v3 =	vld [tilespmem:$0x1A0]  }
0x2c7: {  	v4 =	vld [tilespmem:$0x1B0]  }
0x2c8: {  	v5 =	vld [tilespmem:$0x1C0]  }
0x2c9: {  	[tilespmem:$0x300] =	vst v1  }
0x2ca: {  	[tilespmem:$0x310] =	vst v2  }
0x2cb: {  	[tilespmem:$0x320] =	vst v3  }
0x2cc: {  	p0 =	seq.s32 s7, $0x28;
	[tilespmem:$0x330] =	vst v4  }
0x2cd: {  	s8 =	simm.s32 $0x300;
	s0 =	sadd.s32 @!p0 $0x280, s16;
	[tilespmem:$0x340] =	vst v5  }
0x2ce: {  	[spmem:s3] =	stream.indirect.scatter.add.f32 [tilespmem:s2], [sflag:$0x7], $0x80, s8, s17, $0xb8;
	[tilespmem:$0x1BE00] =	vst v63  }
0x2cf: {  	s8 =	sadd.s32 @!p0 s9, s0  }
0x2d0: {  	s8 =	sshrl.u32 @!p0 s8, $0x3  }
0x2d1: {  	s12 =	simm.s32 @!p0 $0x0;
	s23 =	simm.s32 @!p0 $0x100;
	s8 =	sadd.s32 @!p0 s5, s8  }
0x2d2: {  	[tilespmem:s23], [sflag:$0x3] =	stream.linear.gather @!p0 [hbm4b:s8+s12], $0x80, $0x38;
	[tilespmem:$0x1BE00] =	vst v63  }
0x2d3: {  	s31 =	simm.s32 @!p0 $0x280;
	s8 =	sadd.s32 @!p0 $0xFA00, s8  }
0x2d4: {  	[tilespmem:s31], [sflag:$0x3] =	stream.linear.gather @!p0 [hbm4b:s8+s12], $0x80, $0x38;
	[tilespmem:$0x1BE00] =	vst v63  }
0x2d5: {  	s8 =	sand.u32 @!p0 $0xFC00, s0  }
0x2d6: {  	s0 =	sand.u32 @!p0 $0x380, s0;
	s8 =	sadd.s32 @!p0 s18, s8  }
0x2d7: {  	s0 =	sor.u32 @!p0 s0, s8  }
0x2d8: {  	s0 =	sshrl.u32 @!p0 s0, $0x3  }
0x2d9: {  	s8 =	simm.s32 @!p0 $0x580;
	s0 =	sadd.s32 @!p0 s6, s0  }
0x2da: {  	[tilespmem:s8], [sflag:$0x3] =	stream.linear.gather @!p0 [hbm4b:s0+s12], $0x80, $0x38;
	[tilespmem:$0x1BE00] =	vst v63  }
0x2db: {  	s0 =	simm.s32 @!p0 $0x3  }
0x2dc: {  	_ =	swait.ge @!p0 [sflag:s0], $0x80  }
0x2dd: {  	[sflag:s0] =	ssyncset.done @!p0 $0x0  }
0x2de: {  	[sflag:s0] =	ssyncadd.s32 @!p0 $0xFFFFFF80  }
0x2df: {  	_ =	swait.ge @!p0 [sflag:s0], $0x80  }
0x2e0: {  	[sflag:s0] =	ssyncset.done @!p0 $0x0  }
0x2e1: {  	s12 =	simm.s32 $0x0;
	[sflag:s0] =	ssyncadd.s32 @!p0 $0xFFFFFF80  }
0x2e2: {  	v1 =	vmov s12;
	_ =	swait.ge @!p0 [sflag:s0], $0x80  }
0x2e3: {  	v1 =	vand.u32 $0xFFFFFFFC, v1;
	[sflag:s0] =	ssyncset.done @!p0 $0x0  }
0x2e4: {  	s8 =	simm.s32 @!p0 $0x5600;
	v1 =	vbroadcast v1, $0x0;
	[sflag:s0] =	ssyncadd.s32 @!p0 $0xFFFFFF80;
	s0 =	simm.s32 @!p0 $0x50  }
0x2e5: {  	[tilespmem:s8], [sflag:$0x6] =	stream.indirect.gather @!p0 [hbm4b:s1+s0], $0x80, s23, s0, $0xb8;
	[tilespmem:$0x1BE00] =	vst v63  }
0x2e6: {  	_ =	swait.ge [sflag:s26], $0x2800  }
0x2e7: {  	[sflag:s26] =	ssyncset.done $0x0  }
0x2e8: {  	s0 =	simm.s32 $0x2F00;
	[sflag:s26] =	ssyncadd.s32 $0xFFFFD800  }
0x2e9: {  	v3 =	vld [tilespmem:s0+$0xFFFFFF70]  }
0x2ea: {  	v1 =	vld.idx.msk [tilespmem:v1+s13+$0x0], $0xffff  }
0x2eb: {  	v4 =	vld [tilespmem:s0+$0xFFFFFF00]  }
0x2ec: {  	v5 =	vld [tilespmem:s0+$0xFFFFFF20]  }
0x2ed: {  	v6 =	vld [tilespmem:s0+$0xFFFFFF30]  }
0x2ee: {  	v2 =	vld [tilespmem:s0+$0xFFFFFF50]  }
0x2ef: {  	v8 =	vld [tilespmem:s0+$0xFFFFFF10];
	v3 =	vmul.f32 v3, v1  }
0x2f0: {  	s12 =	simm.s32 $0x1;
	v7 =	vld [tilespmem:s0+$0xFFFFFF60];
	v4 =	vmul.f32 v4, v1  }
0x2f1: {  	v62 =	vld [tilespmem:s0+$0xFFFFFF40];
	v5 =	vmul.f32 v5, v1;
	[tilespmem:s0+$0xFFFFFF70] =	vst v3;
	v3 =	vmov s12  }
0x2f2: {  	v6 =	vmul.f32 v6, v1;
	[tilespmem:s0+$0xFFFFFF00] =	vst v4;
	v3 =	vand.u32 $0xFFFFFFFD, v3  }
0x2f3: {  	v2 =	vmul.f32 v2, v1;
	[tilespmem:s0+$0xFFFFFF20] =	vst v5;
	v3 =	vbroadcast v3, $0x0  }
0x2f4: {  	v4 =	vmul.f32 v8, v1;
	[tilespmem:s0+$0xFFFFFF30] =	vst v6  }
0x2f5: {  	v5 =	vmul.f32 v7, v1;
	[tilespmem:s0+$0xFFFFFF50] =	vst v2  }
0x2f6: {  	v1 =	vmul.f32 v62, v1;
	[tilespmem:s0+$0xFFFFFF10] =	vst v4  }
0x2f7: {  	[tilespmem:s0+$0xFFFFFF60] =	vst v5  }
0x2f8: {  	[tilespmem:s0+$0xFFFFFF40] =	vst v1;
	v1 =	vld [tilespmem:s0+$0xFFFFFF80]  }
0x2f9: {  	v3 =	vld.idx.msk [tilespmem:v3+s13+$0x0], $0xffff  }
0x2fa: {  	v2 =	vld [tilespmem:s0+$0xFFFFFFA0]  }
0x2fb: {  	v4 =	vld [tilespmem:s0+$0xFFFFFF90]  }
0x2fc: {  	v5 =	vld [tilespmem:s0+$0xFFFFFFD0]  }
0x2fd: {  	v6 =	vld [tilespmem:s0+$0xFFFFFFE0]  }
0x2fe: {  	v7 =	vld [tilespmem:s0+$0xFFFFFFF0];
	v1 =	vmul.f32 v1, v3  }
0x2ff: {  	s23 =	simm.s32 $0x2;
	v8 =	vld [tilespmem:s0+$0xFFFFFFB0];
	v2 =	vmul.f32 v2, v3  }
0x300: {  	v63 =	vld [tilespmem:s0+$0xFFFFFFC0];
	v4 =	vmul.f32 v4, v3;
	[tilespmem:s0+$0xFFFFFF80] =	vst v1;
	v1 =	vmov s23  }
0x301: {  	v5 =	vmul.f32 v5, v3;
	[tilespmem:s0+$0xFFFFFFA0] =	vst v2;
	v1 =	vand.u32 $0xFFFFFFFE, v1  }
0x302: {  	v2 =	vmul.f32 v6, v3;
	[tilespmem:s0+$0xFFFFFF90] =	vst v4;
	v4 =	vbroadcast v1, $0x0  }
0x303: {  	v6 =	vmul.f32 v7, v3;
	[tilespmem:s0+$0xFFFFFFD0] =	vst v5;
	v7 =	vld [tilespmem:s0+$0x30]  }
0x304: {  	v5 =	vmul.f32 v8, v3;
	v1 =	vld [tilespmem:s0+$0x40];
	[tilespmem:s0+$0xFFFFFFE0] =	vst v2  }
0x305: {  	v3 =	vmul.f32 v63, v3;
	v2 =	vld [tilespmem:s0+$0x70];
	[tilespmem:s0+$0xFFFFFFF0] =	vst v6  }
0x306: {  	[tilespmem:s0+$0xFFFFFFB0] =	vst v5;
	v5 =	vld [tilespmem:s0+$0x20]  }
0x307: {  	[tilespmem:s0+$0xFFFFFFC0] =	vst v3;
	v6 =	vld [tilespmem:s0+$0x0]  }
0x308: {  	v3 =	vld.idx.msk [tilespmem:v4+s13+$0x0], $0xffff  }
0x309: {  	s31 =	simm.s32 $0x3;
	s8 =	simm.s32 $0x7;
	s12 =	simm.s32 $0x2F00;
	v4 =	vld [tilespmem:s0+$0x10]  }
.LBB2_13:
0x30a: {  	p1 =	sne.s32 s8, $0x4F  }
0x30b: {  	v8 =	vld [tilespmem:s0+$0x50];
	s12 =	sadd.s32 $0x200, s12;
	s23 =	smov.u32 s8;
	s8 =	sadd.s32 $0x4, s8  }
0x30c: {  	v9 =	vld [tilespmem:s0+$0x60];
	_ =	sdelay $0x1  }
0x30d: {  	v6 =	vmul.f32 v6, v3;
	v4 =	vmul.f32 v4, v3  }
0x30e: {  	v5 =	vmul.f32 v5, v3;
	v7 =	vmul.f32 v7, v3  }
0x30f: {  	v1 =	vmul.f32 v1, v3;
	v2 =	vmul.f32 v2, v3;
	[tilespmem:s0+$0x0] =	vst v6  }
0x310: {  	[tilespmem:s0+$0x20] =	vst v5;
	v5 =	vmul.f32 v8, v3;
	v3 =	vmul.f32 v9, v3  }
0x311: {  	[tilespmem:s0+$0x30] =	vst v7;
	v6 =	vld [tilespmem:s0+$0x80]  }
0x312: {  	[tilespmem:s0+$0x60] =	vst v3;
	v3 =	vmov s31;
	v7 =	vld [tilespmem:s0+$0xD0];
	s31 =	smov.u32 s23  }
0x313: {  	[tilespmem:s0+$0x50] =	vst v5;
	v5 =	vld [tilespmem:s0+$0xE0]  }
0x314: {  	[tilespmem:s0+$0x40] =	vst v1;
	v8 =	vld [tilespmem:s0+$0xB0]  }
0x315: {  	v1 =	vld [tilespmem:s12+$0x40];
	[tilespmem:s0+$0x70] =	vst v2  }
0x316: {  	v2 =	vld [tilespmem:s12+$0x70];
	[tilespmem:s0+$0x10] =	vst v4  }
0x317: {  	v3 =	vld.idx.msk [tilespmem:v3+s13+$0x0], $0xffff  }
0x318: {  	v4 =	vld [tilespmem:s0+$0x90]  }
0x319: {  	v9 =	vld [tilespmem:s0+$0xA0]  }
0x31a: {  	v10 =	vld [tilespmem:s0+$0xC0]  }
0x31b: {  	v11 =	vld [tilespmem:s0+$0xF0];
	_ =	sdelay $0x1  }
0x31c: {  	v6 =	vmul.f32 v6, v3;
	v4 =	vmul.f32 v4, v3  }
0x31d: {  	s23 =	sadd.s32 $0xFFFFFFFD, s31;
	v8 =	vmul.f32 v8, v3;
	v9 =	vmul.f32 v9, v3  }
0x31e: {  	v12 =	vmov s23;
	v7 =	vmul.f32 v7, v3;
	[tilespmem:s0+$0x80] =	vst v6;
	v6 =	vmul.f32 v10, v3  }
0x31f: {  	v10 =	vand.u32 $0xFFFFFFFC, v12;
	[tilespmem:s0+$0x90] =	vst v4;
	v4 =	vmul.f32 v5, v3;
	v3 =	vmul.f32 v11, v3  }
0x320: {  	v5 =	vbroadcast v10, $0x0;
	[tilespmem:s0+$0xA0] =	vst v9  }
0x321: {  	[tilespmem:s0+$0xD0] =	vst v7  }
0x322: {  	v7 =	vld [tilespmem:s12+$0xFFFFFF50];
	[tilespmem:s0+$0xB0] =	vst v8  }
0x323: {  	v8 =	vld [tilespmem:s12+$0xFFFFFF30];
	[tilespmem:s0+$0xC0] =	vst v6  }
0x324: {  	v6 =	vld [tilespmem:s12+$0xFFFFFF60];
	[tilespmem:s0+$0xE0] =	vst v4  }
0x325: {  	v4 =	vld [tilespmem:s12+$0xFFFFFF70];
	[tilespmem:s0+$0xF0] =	vst v3;
	s0 =	smov.u32 s12  }
0x326: {  	v3 =	vld.idx.msk [tilespmem:v5+s13+$0x0], $0xffff  }
0x327: {  	v5 =	vld [tilespmem:s12+$0xFFFFFF00]  }
0x328: {  	v9 =	vld [tilespmem:s12+$0xFFFFFF20]  }
0x329: {  	v10 =	vld [tilespmem:s12+$0xFFFFFF10]  }
0x32a: {  	v11 =	vld [tilespmem:s12+$0xFFFFFF40];
	_ =	sdelay $0x1  }
0x32b: {  	v4 =	vmul.f32 v4, v3;
	v5 =	vmul.f32 v5, v3  }
0x32c: {  	s23 =	sadd.s32 $0xFFFFFFFE, s31;
	v6 =	vmul.f32 v6, v3;
	v9 =	vmul.f32 v9, v3  }
0x32d: {  	v8 =	vmul.f32 v8, v3;
	v10 =	vmul.f32 v10, v3;
	[tilespmem:s12+$0xFFFFFF70] =	vst v4;
	v4 =	vmov s23  }
0x32e: {  	[tilespmem:s12+$0xFFFFFF00] =	vst v5;
	v5 =	vmul.f32 v11, v3;
	v3 =	vmul.f32 v7, v3;
	v4 =	vand.u32 $0xFFFFFFFD, v4  }
0x32f: {  	[tilespmem:s12+$0xFFFFFF20] =	vst v9;
	v4 =	vbroadcast v4, $0x0  }
0x330: {  	[tilespmem:s12+$0xFFFFFF30] =	vst v8  }
0x331: {  	[tilespmem:s12+$0xFFFFFF50] =	vst v3;
	v3 =	vld [tilespmem:s12+$0xFFFFFFF0]  }
0x332: {  	[tilespmem:s12+$0xFFFFFF10] =	vst v10;
	v7 =	vld [tilespmem:s12+$0xFFFFFFD0]  }
0x333: {  	[tilespmem:s12+$0xFFFFFF60] =	vst v6;
	v6 =	vld [tilespmem:s12+$0xFFFFFFB0]  }
0x334: {  	[tilespmem:s12+$0xFFFFFF40] =	vst v5;
	v5 =	vld [tilespmem:s12+$0xFFFFFF90]  }
0x335: {  	v4 =	vld.idx.msk [tilespmem:v4+s13+$0x0], $0xffff  }
0x336: {  	v8 =	vld [tilespmem:s12+$0xFFFFFF80]  }
0x337: {  	v9 =	vld [tilespmem:s12+$0xFFFFFFA0]  }
0x338: {  	v10 =	vld [tilespmem:s12+$0xFFFFFFC0]  }
0x339: {  	v11 =	vld [tilespmem:s12+$0xFFFFFFE0];
	_ =	sdelay $0x1  }
0x33a: {  	v5 =	vmul.f32 v5, v4;
	v8 =	vmul.f32 v8, v4  }
0x33b: {  	s23 =	sadd.s32 $0xFFFFFFFF, s31;
	v6 =	vmul.f32 v6, v4;
	v9 =	vmul.f32 v9, v4  }
0x33c: {  	v7 =	vmul.f32 v7, v4;
	[tilespmem:s12+$0xFFFFFF80] =	vst v8;
	v8 =	vmul.f32 v10, v4;
	v10 =	vmov s23  }
0x33d: {  	v3 =	vmul.f32 v3, v4;
	[tilespmem:s12+$0xFFFFFFA0] =	vst v9;
	v9 =	vmul.f32 v11, v4;
	v4 =	vand.u32 $0xFFFFFFFE, v10  }
0x33e: {  	[tilespmem:s12+$0xFFFFFF90] =	vst v5;
	v4 =	vbroadcast v4, $0x0  }
0x33f: {  	[tilespmem:s12+$0xFFFFFFD0] =	vst v7  }
0x340: {  	[tilespmem:s12+$0xFFFFFFE0] =	vst v9  }
0x341: {  	[tilespmem:s12+$0xFFFFFFB0] =	vst v6  }
.Ltmp7:
0x342: {  	[tilespmem:s12+$0xFFFFFFF0] =	vst v3;
	v5 =	vld [tilespmem:s12+$0x20];
	(pc) =	sbr.rel @p1 .LBB2_13-.Ltmp7, $4  }
0x343: {  	[tilespmem:s12+$0xFFFFFFC0] =	vst v8;
	v6 =	vld [tilespmem:s12+$0x0]  }
0x344: {  	v3 =	vld.idx.msk [tilespmem:v4+s13+$0x0], $0xffff  }
0x345: {  	v4 =	vld [tilespmem:s12+$0x10]  }
0x346: {  	v7 =	vld [tilespmem:s12+$0x30]  }
0x347: {  	_ =	sdelay $0x1  }
0x348: {  	v8 =	vld [tilespmem:s0+$0x60];
	v6 =	vmul.f32 v6, v3  }
0x349: {  	v9 =	vld [tilespmem:s0+$0x50];
	v5 =	vmul.f32 v5, v3  }
0x34a: {  	v1 =	vmul.f32 v1, v3;
	[tilespmem:s0+$0x0] =	vst v6  }
0x34b: {  	v2 =	vmul.f32 v2, v3;
	[tilespmem:s0+$0x20] =	vst v5  }
0x34c: {  	v7 =	vmul.f32 v7, v3;
	[tilespmem:s0+$0x40] =	vst v1  }
0x34d: {  	v55 =	vmov s31;
	[tilespmem:s0+$0x70] =	vst v2;
	v52 =	vmul.f32 v8, v3  }
0x34e: {  	v53 =	vmul.f32 v9, v3;
	[tilespmem:s0+$0x30] =	vst v7  }
0x34f: {  	v3 =	vmul.f32 v4, v3;
	[tilespmem:s0+$0x60] =	vst v52  }
0x350: {  	[tilespmem:s0+$0x50] =	vst v53  }
0x351: {  	v54 =	vld [tilespmem:s0+$0x80];
	[tilespmem:s0+$0x10] =	vst v3  }
0x352: {  	v1 =	vld.idx.msk [tilespmem:v55+s13+$0x0], $0xffff  }
0x353: {  	v2 =	vld [tilespmem:s0+$0x90]  }
0x354: {  	v3 =	vld [tilespmem:s0+$0xA0]  }
0x355: {  	v56 =	vld [tilespmem:s0+$0xD0]  }
0x356: {  	v59 =	vld [tilespmem:s0+$0xE0]  }
0x357: {  	v57 =	vld [tilespmem:s0+$0xB0];
	v7 =	vmul.f32 v54, v1  }
0x358: {  	v58 =	vld [tilespmem:s0+$0xC0];
	v2 =	vmul.f32 v2, v1  }
0x359: {  	v60 =	vld [tilespmem:s0+$0xF0];
	v3 =	vmul.f32 v3, v1;
	[tilespmem:s0+$0x80] =	vst v7  }
0x35a: {  	v4 =	vmul.f32 v56, v1;
	[tilespmem:s0+$0x90] =	vst v2  }
0x35b: {  	v61 =	vmul.f32 v59, v1;
	[tilespmem:s0+$0xA0] =	vst v3  }
0x35c: {  	v2 =	vmul.f32 v57, v1;
	[tilespmem:s0+$0xD0] =	vst v4  }
0x35d: {  	v3 =	vmul.f32 v58, v1;
	[tilespmem:s0+$0xE0] =	vst v61  }
0x35e: {  	v1 =	vmul.f32 v60, v1;
	[tilespmem:s0+$0xB0] =	vst v2  }
0x35f: {  	[tilespmem:s0+$0xC0] =	vst v3  }
0x360: {  	[tilespmem:s0+$0xF0] =	vst v1  }
0x361: {  	_ =	swait.ge [sflag:s25], $0x2800  }
0x362: {  	[sflag:s25] =	ssyncset.done $0x0  }
0x363: {  	[sflag:s25] =	ssyncadd.s32 $0xFFFFD800  }
0x364: {  	v1 =	vld [tilespmem:$0x200]  }
0x365: {  	v2 =	vld [tilespmem:$0x210]  }
0x366: {  	v3 =	vld [tilespmem:$0x220]  }
0x367: {  	v62 =	vld [tilespmem:$0x230]  }
0x368: {  	v63 =	vld [tilespmem:$0x240]  }
0x369: {  	[tilespmem:$0x380] =	vst v1  }
.Ltmp8:
0x36a: {  	[tilespmem:$0x390] =	vst v2;
	(pc) =	sbr.rel @p0 .LBB2_16-.Ltmp8, $4  }
0x36b: {  	[tilespmem:$0x3A0] =	vst v3  }
0x36c: {  	[tilespmem:$0x3B0] =	vst v62  }
0x36d: {  	[tilespmem:$0x3C0] =	vst v63  }
0x36e: {  	[spmem:s3] =	stream.indirect.scatter.add.f32 [tilespmem:s21], [sflag:$0x8], $0x80, s28, s17, $0xb8;
	[tilespmem:$0x1BE00] =	vst v63  }
0x36f: {  	s0 =	sadd.s32 $0x300, s16  }
0x370: {  	s8 =	sadd.s32 s9, s0  }
0x371: {  	s8 =	sshrl.u32 s8, $0x3  }
0x372: {  	s8 =	sadd.s32 s5, s8  }
0x373: {  	[tilespmem:s4], [sflag:$0x1] =	stream.linear.gather [hbm4b:s8+s4], $0x80, $0x38;
	[tilespmem:$0x1BE00] =	vst v63  }
0x374: {  	s12 =	simm.s32 $0x180;
	s31 =	sand.u32 $0xFC00, s0;
	s8 =	sadd.s32 $0xFA00, s8  }
0x375: {  	[tilespmem:s12], [sflag:$0x1] =	stream.linear.gather [hbm4b:s8+s4], $0x80, $0x38;
	[tilespmem:$0x1BE00] =	vst v63  }
.Ltmp9:
0x376: {  	s0 =	sand.u32 $0x380, s0;
	s8 =	sadd.s32 s18, s31;
	(pc) =	sbr.rel .LBB2_8-.Ltmp9, $4  }
0x377: {  	s0 =	sor.u32 s0, s8  }
0x378: {  	s0 =	sshrl.u32 s0, $0x3  }
0x379: {  	s7 =	sadd.s32 $0x1, s7;
	s0 =	sadd.s32 s6, s0  }
0x37a: {  	[tilespmem:s10], [sflag:$0x1] =	stream.linear.gather [hbm4b:s0+s4], $0x80, $0x38;
	[tilespmem:$0x1BE00] =	vst v63  }
.LBB2_17:
0x37b: {  	_ =	sfence.sel $0x180000  }
0x37c: {  	[bflag:$0x0] =	sbarrier.arrive $0xFFFF  }
0x37d: {  	_ =	strace $0x9000004A  }
0x37e: {  	s0 =	stileid.u32;
	[bflag:$0x2] =	sbarrier.arrive $0xFFFF  }
0x37f: {  	p0 =	sne.s32 s0, $0x0;
	s0 =	rddreg [dreg:$0x3]  }
0x380: {  	s0 =	sadd.s32 @!p0 $0x100000, s0  }
0x381: {  	[sflag:s0] =	ssyncadd.tile.s32 @!p0 $0x1;
	_ =	shalt  }
.Lfunc_end2:
_tile_overlayer_lowered:
.L_overlay_start_2:
0x382: {  	(tag) =	ssettag $0x2  }
0x383: {  	s0 =	rddreg [dreg:$0x0];
	s2 =	stileid.u32  }
0x384: {  	s1 =	rddreg [dreg:$0x1];
	p0 =	sne.s32 s2, $0x0  }
0x385: {  	s3 =	rddreg [dreg:$0x2];
	[bflag:$0x3] =	sbarrier.arrive $0xFFFF;
	s2 =	simm.s32 @!p0 $0x1C0A  }
0x386: {  	[timem:s3], [sflag:s2] =	dma.local @!p0 [hbm:s0], s1  }
0x387: {  	s0 =	simm.s32 @!p0 $0xA  }
0x388: {  	_ =	swait.ge @!p0 [sflag:s0], s1  }
0x389: {  	s1 =	ssub.s32 @!p0 $0x0, s1;
	[sflag:s0] =	ssyncset.done @!p0 $0x0  }
0x38a: {  	[sflag:s0] =	ssyncadd.s32 @!p0 s1  }
0x38b: {  	[bflag:$0x3] =	sbarrier.arrive $0xFFFF  }
0x38c: {  	_ =	shalt  }

</sc_bundles>
